<compile_context>
chip_gen: v7x
topology: tpu7x:2x2x1
jax: 0.10.2.dev20260603
libtpu: 0.0.44.dev20260713+nightly
codegen_flags: <defaults>
</compile_context>

<pallas_src>
import jax
import jax.numpy as jnp
from jax import lax
from jax.experimental import pallas as pl
from jax.experimental.pallas import tpu as pltpu
from jax.experimental.pallas import tpu_sc as plsc

N_NODES = 10000
N_EDGES = 320000
D_IN = 128
D_H = 64

NC = 2
NS = 16
NW = NC * NS
NP = 10240
CH = 64
BLK = 10
NBLK = 16
NPAIR = NBLK // 2
DEPTH = 4
E_W_PAD = NBLK * BLK * CH
SLAB = NP // NS


def _seg_body(p_hbm, src_hbm, dst_hbm, zeros_hbm, s_out,
              shared_acc, src_a, dst_a, src_b, dst_b,
              rows_0, rows_1, rows_2, rows_3,
              sem_g0, sem_g1, sem_g2, sem_g3,
              sem_s0, sem_s1, sem_s2, sem_s3, sem_i):
    cid = lax.axis_index("c")
    sid = lax.axis_index("s")
    w = cid * NS + sid
    slab = pl.multiple_of(sid * SLAB, 8)
    rows = (rows_0, rows_1, rows_2, rows_3)
    sem_g = (sem_g0, sem_g1, sem_g2, sem_g3)
    sem_s = (sem_s0, sem_s1, sem_s2, sem_s3)

    pltpu.sync_copy(zeros_hbm, shared_acc.at[pl.ds(slab, SLAB)])
    plsc.subcore_barrier()

    def _pair(i, _):
        pltpu.sync_copy(src_hbm.at[w, 2 * i], src_a)
        pltpu.sync_copy(dst_hbm.at[w, 2 * i], dst_a)
        n = 2 * BLK
        g = [None] * n
        s = [None] * n
        g[0] = pltpu.async_copy(p_hbm.at[src_a.at[0]], rows[0], sem_g[0])
        hb1 = pltpu.async_copy(src_hbm.at[w, 2 * i + 1], src_b, sem_i)
        hb2 = pltpu.async_copy(dst_hbm.at[w, 2 * i + 1], dst_b, sem_i)
        for j in range(1, DEPTH - 1):
            g[j] = pltpu.async_copy(p_hbm.at[src_a.at[j]], rows[j],
                                    sem_g[j])
        for b in range(n):
            j = b + DEPTH - 1
            if j < n:
                if j >= DEPTH:
                    s[j - DEPTH].wait()
                if j == BLK:
                    hb1.wait()
                    hb2.wait()
                nsrc = src_a.at[j] if j < BLK else src_b.at[j - BLK]
                g[j] = pltpu.async_copy(p_hbm.at[nsrc], rows[j % DEPTH],
                                        sem_g[j % DEPTH])
            g[b].wait()
            ndst = dst_a.at[b] if b < BLK else dst_b.at[b - BLK]
            s[b] = pltpu.async_copy(rows[b % DEPTH], shared_acc.at[ndst],
                                    sem_s[b % DEPTH], add=True)
        for j in range(n - DEPTH, n):
            s[j].wait()
        return 0

    lax.fori_loop(0, NPAIR, _pair, 0)

    plsc.subcore_barrier()
    pltpu.sync_copy(shared_acc.at[pl.ds(slab, SLAB)],
                    s_out.at[cid, pl.ds(slab, SLAB)])


_seg_sum = pl.kernel(
    _seg_body,
    out_type=jax.ShapeDtypeStruct((NC, NP, 128), jnp.float32),
    mesh=plsc.VectorSubcoreMesh(core_axis_name="c", subcore_axis_name="s"),
    scratch_types=[
        pltpu.VMEM_SHARED((NP, 128), jnp.float32),
        pltpu.VMEM((BLK, CH), jnp.int32),
        pltpu.VMEM((BLK, CH), jnp.int32),
        pltpu.VMEM((BLK, CH), jnp.int32),
        pltpu.VMEM((BLK, CH), jnp.int32),
        pltpu.VMEM((CH, 128), jnp.float32),
        pltpu.VMEM((CH, 128), jnp.float32),
        pltpu.VMEM((CH, 128), jnp.float32),
        pltpu.VMEM((CH, 128), jnp.float32),
        pltpu.SemaphoreType.DMA,
        pltpu.SemaphoreType.DMA,
        pltpu.SemaphoreType.DMA,
        pltpu.SemaphoreType.DMA,
        pltpu.SemaphoreType.DMA,
        pltpu.SemaphoreType.DMA,
        pltpu.SemaphoreType.DMA,
        pltpu.SemaphoreType.DMA,
        pltpu.SemaphoreType.DMA,
    ],
    name="seg_sum",
)


ROW_BLK = 1000


def _proj1_body(x_ref, wl_ref, wr_ref, p_ref, r_ref):
    xb = x_ref[...]
    pw = jnp.dot(xb, wl_ref[...], preferred_element_type=jnp.float32)
    p_ref[...] = jnp.concatenate(
        [pw, jnp.ones((ROW_BLK, 128 - D_H), jnp.float32)], axis=1)
    r_ref[...] = jnp.dot(xb, wr_ref[...], preferred_element_type=jnp.float32)


def _combine1_proj2_body(s_ref, r_ref, b_ref, wl_ref, wr_ref,
                         p2_ref, r2_ref):
    cnt = s_ref[0, :, D_H:D_H + 1] + s_ref[1, :, D_H:D_H + 1]
    inv = 1.0 / jnp.maximum(cnt, 1.0)
    summed = s_ref[0, :, :D_H] + s_ref[1, :, :D_H]
    h = summed * inv + b_ref[...] + r_ref[...]
    h = jnp.maximum(h, 0.0)
    hw = jnp.dot(h, wl_ref[...], preferred_element_type=jnp.float32)
    p2_ref[...] = jnp.concatenate(
        [hw, jnp.ones((ROW_BLK, 128 - D_H), jnp.float32)], axis=1)
    r2_ref[...] = jnp.dot(h, wr_ref[...], preferred_element_type=jnp.float32)


def _combine2_body(s_ref, s1_ref, r_ref, b_ref, o_ref):
    cnt = s1_ref[0, :, D_H:D_H + 1] + s1_ref[1, :, D_H:D_H + 1]
    inv = 1.0 / jnp.maximum(cnt, 1.0)
    summed = s_ref[0, :, :D_H] + s_ref[1, :, :D_H]
    o_ref[...] = summed * inv + b_ref[...] + r_ref[...]


def _proj1(x, W_l, W_r):
    grid = N_NODES // ROW_BLK
    return pl.pallas_call(
        _proj1_body,
        grid=(grid,),
        in_specs=[
            pl.BlockSpec((ROW_BLK, D_IN), lambda i: (i, 0)),
            pl.BlockSpec((D_IN, D_H), lambda i: (0, 0)),
            pl.BlockSpec((D_IN, D_H), lambda i: (0, 0)),
        ],
        out_specs=[
            pl.BlockSpec((ROW_BLK, 128), lambda i: (i, 0)),
            pl.BlockSpec((ROW_BLK, D_H), lambda i: (i, 0)),
        ],
        out_shape=[
            jax.ShapeDtypeStruct((N_NODES, 128), jnp.float32),
            jax.ShapeDtypeStruct((N_NODES, D_H), jnp.float32),
        ],
    )(x, W_l, W_r)


def _combine1_proj2(s1, r1, b1, W_l, W_r):
    grid = N_NODES // ROW_BLK
    return pl.pallas_call(
        _combine1_proj2_body,
        grid=(grid,),
        in_specs=[
            pl.BlockSpec((NC, ROW_BLK, 128), lambda i: (0, i, 0)),
            pl.BlockSpec((ROW_BLK, D_H), lambda i: (i, 0)),
            pl.BlockSpec((1, D_H), lambda i: (0, 0)),
            pl.BlockSpec((D_H, D_H), lambda i: (0, 0)),
            pl.BlockSpec((D_H, D_H), lambda i: (0, 0)),
        ],
        out_specs=[
            pl.BlockSpec((ROW_BLK, 128), lambda i: (i, 0)),
            pl.BlockSpec((ROW_BLK, D_H), lambda i: (i, 0)),
        ],
        out_shape=[
            jax.ShapeDtypeStruct((N_NODES, 128), jnp.float32),
            jax.ShapeDtypeStruct((N_NODES, D_H), jnp.float32),
        ],
    )(s1, r1, b1, W_l, W_r)


def _combine2(s2, s1, r2, b2):
    grid = N_NODES // ROW_BLK
    return pl.pallas_call(
        _combine2_body,
        grid=(grid,),
        in_specs=[
            pl.BlockSpec((NC, ROW_BLK, 128), lambda i: (0, i, 0)),
            pl.BlockSpec((NC, ROW_BLK, 128), lambda i: (0, i, 0)),
            pl.BlockSpec((ROW_BLK, D_H), lambda i: (i, 0)),
            pl.BlockSpec((1, D_H), lambda i: (0, 0)),
        ],
        out_specs=pl.BlockSpec((ROW_BLK, D_H), lambda i: (i, 0)),
        out_shape=jax.ShapeDtypeStruct((N_NODES, D_H), jnp.float32),
    )(s2, s1, r2, b2)


def kernel(x, edge_index, W1_l, b1, W1_r, W2_l, b2, W2_r):
    ei = edge_index.astype(jnp.int32)
    e_w = N_EDGES // NW
    pad_w = E_W_PAD - e_w
    src = jnp.concatenate(
        [ei[0].reshape(NW, e_w), jnp.zeros((NW, pad_w), jnp.int32)], axis=1
    ).reshape(NW, NBLK, BLK, CH)
    dst = jnp.concatenate(
        [ei[1].reshape(NW, e_w),
         jnp.full((NW, pad_w), N_NODES, jnp.int32)], axis=1
    ).reshape(NW, NBLK, BLK, CH)
    zeros = jnp.zeros((SLAB, 128), jnp.float32)
    b1_2d = b1.reshape(1, D_H)
    b2_2d = b2.reshape(1, D_H)

    p1, r1 = _proj1(x, W1_l, W1_r)
    s1 = _seg_sum(p1, src, dst, zeros)
    p2, r2 = _combine1_proj2(s1, r1, b1_2d, W2_l, W2_r)
    s2 = _seg_sum(p2, src, dst, zeros)
    out = _combine2(s2, s1, r2, b2_2d)
    return out

# --- scband reference (transcript-rebuilt; emitter-appended) ---
"""Pipeline reference for scband-gnn-27917287424274 (READ-ONLY COPY).

The authoritative reference and input builder live on the scoring server;
editing this copy changes nothing except your own understanding.
"""

import jax, jax.numpy as jnp
import numpy as np

N_NODES = 10000
N_EDGES = 320000
D_IN = 128
HIDDEN = 64


def setup_inputs(seed: int = 0) -> dict:
    key = jax.random.key(seed)
    k = jax.random.split(key, 8)
    x = jax.random.normal(k[0], (N_NODES, D_IN), dtype=jnp.float32)
    edge_index = jax.random.randint(k[1], (2, N_EDGES), 0, N_NODES, dtype=jnp.int64 if jax.config.jax_enable_x64 else jnp.int32)
    # SAGEConv layer 1: lin_l (on aggregated neighbors, with bias), lin_r (on root, no bias)
    W1_l = jax.random.normal(k[2], (D_IN, HIDDEN), dtype=jnp.float32) * (1.0 / np.sqrt(D_IN))
    b1 = jnp.zeros((HIDDEN,), dtype=jnp.float32)
    W1_r = jax.random.normal(k[3], (D_IN, HIDDEN), dtype=jnp.float32) * (1.0 / np.sqrt(D_IN))
    # SAGEConv layer 2
    W2_l = jax.random.normal(k[4], (HIDDEN, HIDDEN), dtype=jnp.float32) * (1.0 / np.sqrt(HIDDEN))
    b2 = jnp.zeros((HIDDEN,), dtype=jnp.float32)
    W2_r = jax.random.normal(k[5], (HIDDEN, HIDDEN), dtype=jnp.float32) * (1.0 / np.sqrt(HIDDEN))
    return {"x": x, "edge_index": edge_index, "W1_l": W1_l, "b1": b1, "W1_r": W1_r,
            "W2_l": W2_l, "b2": b2, "W2_r": W2_r}


def _sage_conv(x, edge_index, W_l, b, W_r):
    # PyG SAGEConv (aggr='mean', root_weight=True, normalize=False, project=False):
    # out = lin_l(mean_{j in N(i)} x_j) + lin_r(x_i)
    src = edge_index[0]
    dst = edge_index[1]
    msg = jnp.take(x, src, axis=0)
    summed = jax.ops.segment_sum(msg, dst, num_segments=x.shape[0])
    cnt = jax.ops.segment_sum(jnp.ones((edge_index.shape[1],), dtype=x.dtype), dst, num_segments=x.shape[0])
    mean = summed / jnp.clip(cnt, 1.0, None)[:, None]
    return mean @ W_l + b + x @ W_r


def reference(x, edge_index, W1_l, b1, W1_r, W2_l, b2, W2_r):
    h = _sage_conv(x, edge_index, W1_l, b1, W1_r)
    h = jax.nn.relu(h)
    out = _sage_conv(h, edge_index, W2_l, b2, W2_r)
    return out

if __name__ == "__main__":
    import jax
    _d = setup_inputs()
    print(jax.jit(kernel)(*tuple(_d.values())))

</pallas_src>

<mosaic_0001>
#map = affine_map<(d0, d1) -> (0, 0)>
#map1 = affine_map<(d0, d1) -> (0, 0, 0, 0)>
#map2 = affine_map<(d0, d1) -> (0, 0, 0)>
module attributes {stable_mosaic.version = 14 : i64} {
  func.func @seg_sum(%arg0: i32, %arg1: i32, %arg2: memref<10000x128xf32, #tpu.memory_space<hbm>>, %arg3: memref<32x16x10x64xi32, #tpu.memory_space<hbm>>, %arg4: memref<32x16x10x64xi32, #tpu.memory_space<hbm>>, %arg5: memref<640x128xf32, #tpu.memory_space<hbm>>, %arg6: memref<2x10240x128xf32, #tpu.memory_space<hbm>>, %arg7: memref<10240x128xf32, #tpu.memory_space<vmem_shared>>, %arg8: memref<10x64xi32, #tpu.memory_space<vmem>>, %arg9: memref<10x64xi32, #tpu.memory_space<vmem>>, %arg10: memref<10x64xi32, #tpu.memory_space<vmem>>, %arg11: memref<10x64xi32, #tpu.memory_space<vmem>>, %arg12: memref<64x128xf32, #tpu.memory_space<vmem>>, %arg13: memref<64x128xf32, #tpu.memory_space<vmem>>, %arg14: memref<64x128xf32, #tpu.memory_space<vmem>>, %arg15: memref<64x128xf32, #tpu.memory_space<vmem>>, %arg16: memref<!tpu.dma_semaphore, #tpu.memory_space<semaphore_mem>>, %arg17: memref<!tpu.dma_semaphore, #tpu.memory_space<semaphore_mem>>, %arg18: memref<!tpu.dma_semaphore, #tpu.memory_space<semaphore_mem>>, %arg19: memref<!tpu.dma_semaphore, #tpu.memory_space<semaphore_mem>>, %arg20: memref<!tpu.dma_semaphore, #tpu.memory_space<semaphore_mem>>, %arg21: memref<!tpu.dma_semaphore, #tpu.memory_space<semaphore_mem>>, %arg22: memref<!tpu.dma_semaphore, #tpu.memory_space<semaphore_mem>>, %arg23: memref<!tpu.dma_semaphore, #tpu.memory_space<semaphore_mem>>, %arg24: memref<!tpu.dma_semaphore, #tpu.memory_space<semaphore_mem>>) attributes {dimension_semantics = [#tpu.dimension_semantics<core_parallel>, #tpu.dimension_semantics<subcore_parallel>], iteration_bounds = array<i64: 2, 16>, scalar_prefetch = 0 : i64, scratch_operands = 18 : i64, tpu.core_type = #tpu.core_type<sc_vector_subcore>, window_params = [{transform_indices = #map}, {transform_indices = #map1}, {transform_indices = #map1}, {transform_indices = #map}, {transform_indices = #map2}]} {
    %mul3A = arith.constant 16 : i32
    %mul3A_0 = arith.muli %arg0, %mul3A : i32
    %add3A = arith.addi %mul3A_0, %arg1 : i32
    %mul3A_1 = arith.constant 640 : i32
    %mul3A_2 = arith.muli %arg1, %mul3A_1 : i32
    %multiple_of3A = tpu.assume_multiple %mul3A_2, 8 : i32
    "tpu.region"() ({
      %run_scoped3A = tpu.sem_alloc : memref<!tpu.dma_semaphore, #tpu.memory_space<semaphore_mem>>
      %dma_start3A = arith.constant 0 : i32
      %dma_start3A_10 = tpu.memref_slice %arg7[%multiple_of3A, %dma_start3A] : memref<10240x128xf32, #tpu.memory_space<vmem_shared>> -> memref<640x128xf32, #tpu.memory_space<vmem_shared>>
      tpu.enqueue_dma source(%arg5 : memref<640x128xf32, #tpu.memory_space<hbm>>) target(%dma_start3A_10 : memref<640x128xf32, #tpu.memory_space<vmem_shared>>) target_semaphore(%run_scoped3A : memref<!tpu.dma_semaphore, #tpu.memory_space<semaphore_mem>>)
      %dma_wait3A = arith.constant 0 : i32
      %dma_wait3A_11 = tpu.memref_slice %arg7[%multiple_of3A, %dma_wait3A] : memref<10240x128xf32, #tpu.memory_space<vmem_shared>> -> memref<640x128xf32, #tpu.memory_space<vmem_shared>>
      tpu.wait_dma2 semaphore(%run_scoped3A : memref<!tpu.dma_semaphore, #tpu.memory_space<semaphore_mem>>) src(%arg5 : memref<640x128xf32, #tpu.memory_space<hbm>>) dst(%dma_wait3A_11 : memref<640x128xf32, #tpu.memory_space<vmem_shared>>)
      tpu.yield
    }) : () -> ()
    %barrier3A = arith.constant 0 : index
    tpu.barrier barrier_id(%barrier3A)
    %scan3A = arith.constant 0 : i32
    %scan3A_3 = arith.constant 0 : i32
    %scan3A_4 = arith.constant 8 : i32
    %scan3A_5 = arith.addi %scan3A_3, %scan3A_4 : i32
    %scan3A_6 = arith.constant 1 : i32
    %scan3A_7 = scf.for %scan3A_10 = %scan3A_3 to %scan3A_5 step %scan3A_6 iter_args(%scan3A_11 = %scan3A) -> (i32)  : i32 {
      %mul3A_12 = arith.constant 2 : i32
      %mul3A_13 = arith.muli %mul3A_12, %scan3A_10 : i32
      "tpu.region"() ({
        %run_scoped3A = tpu.sem_alloc : memref<!tpu.dma_semaphore, #tpu.memory_space<semaphore_mem>>
        %dma_start3A_615 = arith.constant 0 : i32
        %dma_start3A_616 = arith.constant 0 : i32
        %dma_start3A_617 = tpu.memref_slice %arg3[%add3A, %mul3A_13, %dma_start3A_615, %dma_start3A_616] : memref<32x16x10x64xi32, #tpu.memory_space<hbm>> -> memref<1x1x10x64xi32, #tpu.memory_space<hbm>>
        %dma_start3A_618 = tpu.memref_squeeze %dma_start3A_617 : memref<1x1x10x64xi32, #tpu.memory_space<hbm>> -> memref<10x64xi32, #tpu.memory_space<hbm>>
        %dma_start3A_619 = arith.constant 0 : i32
        %dma_start3A_620 = arith.constant 0 : i32
        %dma_start3A_621 = tpu.memref_slice %arg3[%add3A, %mul3A_13, %dma_start3A_619, %dma_start3A_620] : memref<32x16x10x64xi32, #tpu.memory_space<hbm>> -> memref<1x1x10x64xi32, #tpu.memory_space<hbm>>
        %dma_start3A_622 = tpu.memref_squeeze %dma_start3A_621 : memref<1x1x10x64xi32, #tpu.memory_space<hbm>> -> memref<10x64xi32, #tpu.memory_space<hbm>>
        tpu.enqueue_dma source(%dma_start3A_622 : memref<10x64xi32, #tpu.memory_space<hbm>>) target(%arg8 : memref<10x64xi32, #tpu.memory_space<vmem>>) target_semaphore(%run_scoped3A : memref<!tpu.dma_semaphore, #tpu.memory_space<semaphore_mem>>)
        %dma_wait3A_623 = arith.constant 0 : i32
        %dma_wait3A_624 = arith.constant 0 : i32
        %dma_wait3A_625 = tpu.memref_slice %arg3[%add3A, %mul3A_13, %dma_wait3A_623, %dma_wait3A_624] : memref<32x16x10x64xi32, #tpu.memory_space<hbm>> -> memref<1x1x10x64xi32, #tpu.memory_space<hbm>>
        %dma_wait3A_626 = tpu.memref_squeeze %dma_wait3A_625 : memref<1x1x10x64xi32, #tpu.memory_space<hbm>> -> memref<10x64xi32, #tpu.memory_space<hbm>>
        %dma_wait3A_627 = arith.constant 0 : i32
        %dma_wait3A_628 = arith.constant 0 : i32
        %dma_wait3A_629 = tpu.memref_slice %arg3[%add3A, %mul3A_13, %dma_wait3A_627, %dma_wait3A_628] : memref<32x16x10x64xi32, #tpu.memory_space<hbm>> -> memref<1x1x10x64xi32, #tpu.memory_space<hbm>>
        %dma_wait3A_630 = tpu.memref_squeeze %dma_wait3A_629 : memref<1x1x10x64xi32, #tpu.memory_space<hbm>> -> memref<10x64xi32, #tpu.memory_space<hbm>>
        tpu.wait_dma2 semaphore(%run_scoped3A : memref<!tpu.dma_semaphore, #tpu.memory_space<semaphore_mem>>) src(%dma_wait3A_630 : memref<10x64xi32, #tpu.memory_space<hbm>>) dst(%arg8 : memref<10x64xi32, #tpu.memory_space<vmem>>)
        tpu.yield
      }) : () -> ()
      %mul3A_14 = arith.constant 2 : i32
      %mul3A_15 = arith.muli %mul3A_14, %scan3A_10 : i32
      "tpu.region"() ({
        %run_scoped3A = tpu.sem_alloc : memref<!tpu.dma_semaphore, #tpu.memory_space<semaphore_mem>>
        %dma_start3A_615 = arith.constant 0 : i32
        %dma_start3A_616 = arith.constant 0 : i32
        %dma_start3A_617 = tpu.memref_slice %arg4[%add3A, %mul3A_15, %dma_start3A_615, %dma_start3A_616] : memref<32x16x10x64xi32, #tpu.memory_space<hbm>> -> memref<1x1x10x64xi32, #tpu.memory_space<hbm>>
        %dma_start3A_618 = tpu.memref_squeeze %dma_start3A_617 : memref<1x1x10x64xi32, #tpu.memory_space<hbm>> -> memref<10x64xi32, #tpu.memory_space<hbm>>
        %dma_start3A_619 = arith.constant 0 : i32
        %dma_start3A_620 = arith.constant 0 : i32
        %dma_start3A_621 = tpu.memref_slice %arg4[%add3A, %mul3A_15, %dma_start3A_619, %dma_start3A_620] : memref<32x16x10x64xi32, #tpu.memory_space<hbm>> -> memref<1x1x10x64xi32, #tpu.memory_space<hbm>>
        %dma_start3A_622 = tpu.memref_squeeze %dma_start3A_621 : memref<1x1x10x64xi32, #tpu.memory_space<hbm>> -> memref<10x64xi32, #tpu.memory_space<hbm>>
        tpu.enqueue_dma source(%dma_start3A_622 : memref<10x64xi32, #tpu.memory_space<hbm>>) target(%arg9 : memref<10x64xi32, #tpu.memory_space<vmem>>) target_semaphore(%run_scoped3A : memref<!tpu.dma_semaphore, #tpu.memory_space<semaphore_mem>>)
        %dma_wait3A_623 = arith.constant 0 : i32
        %dma_wait3A_624 = arith.constant 0 : i32
        %dma_wait3A_625 = tpu.memref_slice %arg4[%add3A, %mul3A_15, %dma_wait3A_623, %dma_wait3A_624] : memref<32x16x10x64xi32, #tpu.memory_space<hbm>> -> memref<1x1x10x64xi32, #tpu.memory_space<hbm>>
        %dma_wait3A_626 = tpu.memref_squeeze %dma_wait3A_625 : memref<1x1x10x64xi32, #tpu.memory_space<hbm>> -> memref<10x64xi32, #tpu.memory_space<hbm>>
        %dma_wait3A_627 = arith.constant 0 : i32
        %dma_wait3A_628 = arith.constant 0 : i32
        %dma_wait3A_629 = tpu.memref_slice %arg4[%add3A, %mul3A_15, %dma_wait3A_627, %dma_wait3A_628] : memref<32x16x10x64xi32, #tpu.memory_space<hbm>> -> memref<1x1x10x64xi32, #tpu.memory_space<hbm>>
        %dma_wait3A_630 = tpu.memref_squeeze %dma_wait3A_629 : memref<1x1x10x64xi32, #tpu.memory_space<hbm>> -> memref<10x64xi32, #tpu.memory_space<hbm>>
        tpu.wait_dma2 semaphore(%run_scoped3A : memref<!tpu.dma_semaphore, #tpu.memory_space<semaphore_mem>>) src(%dma_wait3A_630 : memref<10x64xi32, #tpu.memory_space<hbm>>) dst(%arg9 : memref<10x64xi32, #tpu.memory_space<vmem>>)
        tpu.yield
      }) : () -> ()
      %dma_start3A = arith.constant 0 : i32
      %dma_start3A_16 = arith.constant 0 : i32
      %dma_start3A_17 = tpu.memref_slice %arg8[%dma_start3A, %dma_start3A_16] : memref<10x64xi32, #tpu.memory_space<vmem>> -> memref<1x64xi32, #tpu.memory_space<vmem>>
      %dma_start3A_18 = tpu.memref_squeeze %dma_start3A_17 : memref<1x64xi32, #tpu.memory_space<vmem>> -> memref<64xi32, #tpu.memory_space<vmem>>
      %dma_start3A_19 = arith.constant 0 : i32
      %dma_start3A_20 = arith.constant 0 : i32
      %dma_start3A_21 = tpu.memref_slice %arg2[%dma_start3A_19, %dma_start3A_20] : memref<10000x128xf32, #tpu.memory_space<hbm>> -> memref<10000x128xf32, #tpu.memory_space<hbm>>
      tpu.enqueue_indirect_dma source(%dma_start3A_21 : memref<10000x128xf32, #tpu.memory_space<hbm>>) target(%arg12 : memref<64x128xf32, #tpu.memory_space<vmem>>) offsets(%dma_start3A_18 : memref<64xi32, #tpu.memory_space<vmem>>) semaphore(%arg16 : memref<!tpu.dma_semaphore, #tpu.memory_space<semaphore_mem>>)
      %mul3A_22 = arith.constant 2 : i32
      %mul3A_23 = arith.muli %mul3A_22, %scan3A_10 : i32
      %add3A_24 = arith.constant 1 : i32
      %add3A_25 = arith.addi %mul3A_23, %add3A_24 : i32
      %dma_start3A_26 = arith.constant 0 : i32
      %dma_start3A_27 = arith.constant 0 : i32
      %dma_start3A_28 = tpu.memref_slice %arg3[%add3A, %add3A_25, %dma_start3A_26, %dma_start3A_27] : memref<32x16x10x64xi32, #tpu.memory_space<hbm>> -> memref<1x1x10x64xi32, #tpu.memory_space<hbm>>
      %dma_start3A_29 = tpu.memref_squeeze %dma_start3A_28 : memref<1x1x10x64xi32, #tpu.memory_space<hbm>> -> memref<10x64xi32, #tpu.memory_space<hbm>>
      %dma_start3A_30 = arith.constant 0 : i32
      %dma_start3A_31 = arith.constant 0 : i32
      %dma_start3A_32 = tpu.memref_slice %arg3[%add3A, %add3A_25, %dma_start3A_30, %dma_start3A_31] : memref<32x16x10x64xi32, #tpu.memory_space<hbm>> -> memref<1x1x10x64xi32, #tpu.memory_space<hbm>>
      %dma_start3A_33 = tpu.memref_squeeze %dma_start3A_32 : memref<1x1x10x64xi32, #tpu.memory_space<hbm>> -> memref<10x64xi32, #tpu.memory_space<hbm>>
      tpu.enqueue_dma source(%dma_start3A_33 : memref<10x64xi32, #tpu.memory_space<hbm>>) target(%arg10 : memref<10x64xi32, #tpu.memory_space<vmem>>) target_semaphore(%arg24 : memref<!tpu.dma_semaphore, #tpu.memory_space<semaphore_mem>>)
      %mul3A_34 = arith.constant 2 : i32
      %mul3A_35 = arith.muli %mul3A_34, %scan3A_10 : i32
      %add3A_36 = arith.constant 1 : i32
      %add3A_37 = arith.addi %mul3A_35, %add3A_36 : i32
      %dma_start3A_38 = arith.constant 0 : i32
      %dma_start3A_39 = arith.constant 0 : i32
      %dma_start3A_40 = tpu.memref_slice %arg4[%add3A, %add3A_37, %dma_start3A_38, %dma_start3A_39] : memref<32x16x10x64xi32, #tpu.memory_space<hbm>> -> memref<1x1x10x64xi32, #tpu.memory_space<hbm>>
      %dma_start3A_41 = tpu.memref_squeeze %dma_start3A_40 : memref<1x1x10x64xi32, #tpu.memory_space<hbm>> -> memref<10x64xi32, #tpu.memory_space<hbm>>
      %dma_start3A_42 = arith.constant 0 : i32
      %dma_start3A_43 = arith.constant 0 : i32
      %dma_start3A_44 = tpu.memref_slice %arg4[%add3A, %add3A_37, %dma_start3A_42, %dma_start3A_43] : memref<32x16x10x64xi32, #tpu.memory_space<hbm>> -> memref<1x1x10x64xi32, #tpu.memory_space<hbm>>
      %dma_start3A_45 = tpu.memref_squeeze %dma_start3A_44 : memref<1x1x10x64xi32, #tpu.memory_space<hbm>> -> memref<10x64xi32, #tpu.memory_space<hbm>>
      tpu.enqueue_dma source(%dma_start3A_45 : memref<10x64xi32, #tpu.memory_space<hbm>>) target(%arg11 : memref<10x64xi32, #tpu.memory_space<vmem>>) target_semaphore(%arg24 : memref<!tpu.dma_semaphore, #tpu.memory_space<semaphore_mem>>)
      %dma_start3A_46 = arith.constant 1 : i32
      %dma_start3A_47 = arith.constant 0 : i32
      %dma_start3A_48 = tpu.memref_slice %arg8[%dma_start3A_46, %dma_start3A_47] : memref<10x64xi32, #tpu.memory_space<vmem>> -> memref<1x64xi32, #tpu.memory_space<vmem>>
      %dma_start3A_49 = tpu.memref_squeeze %dma_start3A_48 : memref<1x64xi32, #tpu.memory_space<vmem>> -> memref<64xi32, #tpu.memory_space<vmem>>
      %dma_start3A_50 = arith.constant 0 : i32
      %dma_start3A_51 = arith.constant 0 : i32
      %dma_start3A_52 = tpu.memref_slice %arg2[%dma_start3A_50, %dma_start3A_51] : memref<10000x128xf32, #tpu.memory_space<hbm>> -> memref<10000x128xf32, #tpu.memory_space<hbm>>
      tpu.enqueue_indirect_dma source(%dma_start3A_52 : memref<10000x128xf32, #tpu.memory_space<hbm>>) target(%arg13 : memref<64x128xf32, #tpu.memory_space<vmem>>) offsets(%dma_start3A_49 : memref<64xi32, #tpu.memory_space<vmem>>) semaphore(%arg17 : memref<!tpu.dma_semaphore, #tpu.memory_space<semaphore_mem>>)
      %dma_start3A_53 = arith.constant 2 : i32
      %dma_start3A_54 = arith.constant 0 : i32
      %dma_start3A_55 = tpu.memref_slice %arg8[%dma_start3A_53, %dma_start3A_54] : memref<10x64xi32, #tpu.memory_space<vmem>> -> memref<1x64xi32, #tpu.memory_space<vmem>>
      %dma_start3A_56 = tpu.memref_squeeze %dma_start3A_55 : memref<1x64xi32, #tpu.memory_space<vmem>> -> memref<64xi32, #tpu.memory_space<vmem>>
      %dma_start3A_57 = arith.constant 0 : i32
      %dma_start3A_58 = arith.constant 0 : i32
      %dma_start3A_59 = tpu.memref_slice %arg2[%dma_start3A_57, %dma_start3A_58] : memref<10000x128xf32, #tpu.memory_space<hbm>> -> memref<10000x128xf32, #tpu.memory_space<hbm>>
      tpu.enqueue_indirect_dma source(%dma_start3A_59 : memref<10000x128xf32, #tpu.memory_space<hbm>>) target(%arg14 : memref<64x128xf32, #tpu.memory_space<vmem>>) offsets(%dma_start3A_56 : memref<64xi32, #tpu.memory_space<vmem>>) semaphore(%arg18 : memref<!tpu.dma_semaphore, #tpu.memory_space<semaphore_mem>>)
      %dma_start3A_60 = arith.constant 3 : i32
      %dma_start3A_61 = arith.constant 0 : i32
      %dma_start3A_62 = tpu.memref_slice %arg8[%dma_start3A_60, %dma_start3A_61] : memref<10x64xi32, #tpu.memory_space<vmem>> -> memref<1x64xi32, #tpu.memory_space<vmem>>
      %dma_start3A_63 = tpu.memref_squeeze %dma_start3A_62 : memref<1x64xi32, #tpu.memory_space<vmem>> -> memref<64xi32, #tpu.memory_space<vmem>>
      %dma_start3A_64 = arith.constant 0 : i32
      %dma_start3A_65 = arith.constant 0 : i32
      %dma_start3A_66 = tpu.memref_slice %arg2[%dma_start3A_64, %dma_start3A_65] : memref<10000x128xf32, #tpu.memory_space<hbm>> -> memref<10000x128xf32, #tpu.memory_space<hbm>>
      tpu.enqueue_indirect_dma source(%dma_start3A_66 : memref<10000x128xf32, #tpu.memory_space<hbm>>) target(%arg15 : memref<64x128xf32, #tpu.memory_space<vmem>>) offsets(%dma_start3A_63 : memref<64xi32, #tpu.memory_space<vmem>>) semaphore(%arg19 : memref<!tpu.dma_semaphore, #tpu.memory_space<semaphore_mem>>)
      %dma_wait3A = arith.constant 0 : i32
      %dma_wait3A_67 = arith.constant 0 : i32
      %dma_wait3A_68 = tpu.memref_slice %arg8[%dma_wait3A, %dma_wait3A_67] : memref<10x64xi32, #tpu.memory_space<vmem>> -> memref<1x64xi32, #tpu.memory_space<vmem>>
      %dma_wait3A_69 = tpu.memref_squeeze %dma_wait3A_68 : memref<1x64xi32, #tpu.memory_space<vmem>> -> memref<64xi32, #tpu.memory_space<vmem>>
      %dma_wait3A_70 = arith.constant 0 : i32
      %dma_wait3A_71 = arith.constant 0 : i32
      %dma_wait3A_72 = tpu.memref_slice %arg2[%dma_wait3A_70, %dma_wait3A_71] : memref<10000x128xf32, #tpu.memory_space<hbm>> -> memref<10000x128xf32, #tpu.memory_space<hbm>>
      tpu.wait_indirect_dma semaphore(%arg16 : memref<!tpu.dma_semaphore, #tpu.memory_space<semaphore_mem>>) src(%dma_wait3A_72 : memref<10000x128xf32, #tpu.memory_space<hbm>>) dst(%arg12 : memref<64x128xf32, #tpu.memory_space<vmem>>)
      %dma_start3A_73 = arith.constant 0 : i32
      %dma_start3A_74 = arith.constant 0 : i32
      %dma_start3A_75 = tpu.memref_slice %arg9[%dma_start3A_73, %dma_start3A_74] : memref<10x64xi32, #tpu.memory_space<vmem>> -> memref<1x64xi32, #tpu.memory_space<vmem>>
      %dma_start3A_76 = tpu.memref_squeeze %dma_start3A_75 : memref<1x64xi32, #tpu.memory_space<vmem>> -> memref<64xi32, #tpu.memory_space<vmem>>
      %dma_start3A_77 = arith.constant 0 : i32
      %dma_start3A_78 = arith.constant 0 : i32
      %dma_start3A_79 = tpu.memref_slice %arg7[%dma_start3A_77, %dma_start3A_78] : memref<10240x128xf32, #tpu.memory_space<vmem_shared>> -> memref<10240x128xf32, #tpu.memory_space<vmem_shared>>
      tpu.enqueue_indirect_dma source(%arg12 : memref<64x128xf32, #tpu.memory_space<vmem>>) target(%dma_start3A_79 : memref<10240x128xf32, #tpu.memory_space<vmem_shared>>) offsets(%dma_start3A_76 : memref<64xi32, #tpu.memory_space<vmem>>) semaphore(%arg20 : memref<!tpu.dma_semaphore, #tpu.memory_space<semaphore_mem>>) {add = true}
      %dma_wait3A_80 = arith.constant 0 : i32
      %dma_wait3A_81 = arith.constant 0 : i32
      %dma_wait3A_82 = tpu.memref_slice %arg9[%dma_wait3A_80, %dma_wait3A_81] : memref<10x64xi32, #tpu.memory_space<vmem>> -> memref<1x64xi32, #tpu.memory_space<vmem>>
      %dma_wait3A_83 = tpu.memref_squeeze %dma_wait3A_82 : memref<1x64xi32, #tpu.memory_space<vmem>> -> memref<64xi32, #tpu.memory_space<vmem>>
      %dma_wait3A_84 = arith.constant 0 : i32
      %dma_wait3A_85 = arith.constant 0 : i32
      %dma_wait3A_86 = tpu.memref_slice %arg7[%dma_wait3A_84, %dma_wait3A_85] : memref<10240x128xf32, #tpu.memory_space<vmem_shared>> -> memref<10240x128xf32, #tpu.memory_space<vmem_shared>>
      tpu.wait_indirect_dma semaphore(%arg20 : memref<!tpu.dma_semaphore, #tpu.memory_space<semaphore_mem>>) src(%arg12 : memref<64x128xf32, #tpu.memory_space<vmem>>) dst(%dma_wait3A_86 : memref<10240x128xf32, #tpu.memory_space<vmem_shared>>)
      %dma_start3A_87 = arith.constant 4 : i32
      %dma_start3A_88 = arith.constant 0 : i32
      %dma_start3A_89 = tpu.memref_slice %arg8[%dma_start3A_87, %dma_start3A_88] : memref<10x64xi32, #tpu.memory_space<vmem>> -> memref<1x64xi32, #tpu.memory_space<vmem>>
      %dma_start3A_90 = tpu.memref_squeeze %dma_start3A_89 : memref<1x64xi32, #tpu.memory_space<vmem>> -> memref<64xi32, #tpu.memory_space<vmem>>
      %dma_start3A_91 = arith.constant 0 : i32
      %dma_start3A_92 = arith.constant 0 : i32
      %dma_start3A_93 = tpu.memref_slice %arg2[%dma_start3A_91, %dma_start3A_92] : memref<10000x128xf32, #tpu.memory_space<hbm>> -> memref<10000x128xf32, #tpu.memory_space<hbm>>
      tpu.enqueue_indirect_dma source(%dma_start3A_93 : memref<10000x128xf32, #tpu.memory_space<hbm>>) target(%arg12 : memref<64x128xf32, #tpu.memory_space<vmem>>) offsets(%dma_start3A_90 : memref<64xi32, #tpu.memory_space<vmem>>) semaphore(%arg16 : memref<!tpu.dma_semaphore, #tpu.memory_space<semaphore_mem>>)
      %dma_wait3A_94 = arith.constant 1 : i32
      %dma_wait3A_95 = arith.constant 0 : i32
      %dma_wait3A_96 = tpu.memref_slice %arg8[%dma_wait3A_94, %dma_wait3A_95] : memref<10x64xi32, #tpu.memory_space<vmem>> -> memref<1x64xi32, #tpu.memory_space<vmem>>
      %dma_wait3A_97 = tpu.memref_squeeze %dma_wait3A_96 : memref<1x64xi32, #tpu.memory_space<vmem>> -> memref<64xi32, #tpu.memory_space<vmem>>
      %dma_wait3A_98 = arith.constant 0 : i32
      %dma_wait3A_99 = arith.constant 0 : i32
      %dma_wait3A_100 = tpu.memref_slice %arg2[%dma_wait3A_98, %dma_wait3A_99] : memref<10000x128xf32, #tpu.memory_space<hbm>> -> memref<10000x128xf32, #tpu.memory_space<hbm>>
      tpu.wait_indirect_dma semaphore(%arg17 : memref<!tpu.dma_semaphore, #tpu.memory_space<semaphore_mem>>) src(%dma_wait3A_100 : memref<10000x128xf32, #tpu.memory_space<hbm>>) dst(%arg13 : memref<64x128xf32, #tpu.memory_space<vmem>>)
      %dma_start3A_101 = arith.constant 1 : i32
      %dma_start3A_102 = arith.constant 0 : i32
      %dma_start3A_103 = tpu.memref_slice %arg9[%dma_start3A_101, %dma_start3A_102] : memref<10x64xi32, #tpu.memory_space<vmem>> -> memref<1x64xi32, #tpu.memory_space<vmem>>
      %dma_start3A_104 = tpu.memref_squeeze %dma_start3A_103 : memref<1x64xi32, #tpu.memory_space<vmem>> -> memref<64xi32, #tpu.memory_space<vmem>>
      %dma_start3A_105 = arith.constant 0 : i32
      %dma_start3A_106 = arith.constant 0 : i32
      %dma_start3A_107 = tpu.memref_slice %arg7[%dma_start3A_105, %dma_start3A_106] : memref<10240x128xf32, #tpu.memory_space<vmem_shared>> -> memref<10240x128xf32, #tpu.memory_space<vmem_shared>>
      tpu.enqueue_indirect_dma source(%arg13 : memref<64x128xf32, #tpu.memory_space<vmem>>) target(%dma_start3A_107 : memref<10240x128xf32, #tpu.memory_space<vmem_shared>>) offsets(%dma_start3A_104 : memref<64xi32, #tpu.memory_space<vmem>>) semaphore(%arg21 : memref<!tpu.dma_semaphore, #tpu.memory_space<semaphore_mem>>) {add = true}
      %dma_wait3A_108 = arith.constant 1 : i32
      %dma_wait3A_109 = arith.constant 0 : i32
      %dma_wait3A_110 = tpu.memref_slice %arg9[%dma_wait3A_108, %dma_wait3A_109] : memref<10x64xi32, #tpu.memory_space<vmem>> -> memref<1x64xi32, #tpu.memory_space<vmem>>
      %dma_wait3A_111 = tpu.memref_squeeze %dma_wait3A_110 : memref<1x64xi32, #tpu.memory_space<vmem>> -> memref<64xi32, #tpu.memory_space<vmem>>
      %dma_wait3A_112 = arith.constant 0 : i32
      %dma_wait3A_113 = arith.constant 0 : i32
      %dma_wait3A_114 = tpu.memref_slice %arg7[%dma_wait3A_112, %dma_wait3A_113] : memref<10240x128xf32, #tpu.memory_space<vmem_shared>> -> memref<10240x128xf32, #tpu.memory_space<vmem_shared>>
      tpu.wait_indirect_dma semaphore(%arg21 : memref<!tpu.dma_semaphore, #tpu.memory_space<semaphore_mem>>) src(%arg13 : memref<64x128xf32, #tpu.memory_space<vmem>>) dst(%dma_wait3A_114 : memref<10240x128xf32, #tpu.memory_space<vmem_shared>>)
      %dma_start3A_115 = arith.constant 5 : i32
      %dma_start3A_116 = arith.constant 0 : i32
      %dma_start3A_117 = tpu.memref_slice %arg8[%dma_start3A_115, %dma_start3A_116] : memref<10x64xi32, #tpu.memory_space<vmem>> -> memref<1x64xi32, #tpu.memory_space<vmem>>
      %dma_start3A_118 = tpu.memref_squeeze %dma_start3A_117 : memref<1x64xi32, #tpu.memory_space<vmem>> -> memref<64xi32, #tpu.memory_space<vmem>>
      %dma_start3A_119 = arith.constant 0 : i32
      %dma_start3A_120 = arith.constant 0 : i32
      %dma_start3A_121 = tpu.memref_slice %arg2[%dma_start3A_119, %dma_start3A_120] : memref<10000x128xf32, #tpu.memory_space<hbm>> -> memref<10000x128xf32, #tpu.memory_space<hbm>>
      tpu.enqueue_indirect_dma source(%dma_start3A_121 : memref<10000x128xf32, #tpu.memory_space<hbm>>) target(%arg13 : memref<64x128xf32, #tpu.memory_space<vmem>>) offsets(%dma_start3A_118 : memref<64xi32, #tpu.memory_space<vmem>>) semaphore(%arg17 : memref<!tpu.dma_semaphore, #tpu.memory_space<semaphore_mem>>)
      %dma_wait3A_122 = arith.constant 2 : i32
      %dma_wait3A_123 = arith.constant 0 : i32
      %dma_wait3A_124 = tpu.memref_slice %arg8[%dma_wait3A_122, %dma_wait3A_123] : memref<10x64xi32, #tpu.memory_space<vmem>> -> memref<1x64xi32, #tpu.memory_space<vmem>>
      %dma_wait3A_125 = tpu.memref_squeeze %dma_wait3A_124 : memref<1x64xi32, #tpu.memory_space<vmem>> -> memref<64xi32, #tpu.memory_space<vmem>>
      %dma_wait3A_126 = arith.constant 0 : i32
      %dma_wait3A_127 = arith.constant 0 : i32
      %dma_wait3A_128 = tpu.memref_slice %arg2[%dma_wait3A_126, %dma_wait3A_127] : memref<10000x128xf32, #tpu.memory_space<hbm>> -> memref<10000x128xf32, #tpu.memory_space<hbm>>
      tpu.wait_indirect_dma semaphore(%arg18 : memref<!tpu.dma_semaphore, #tpu.memory_space<semaphore_mem>>) src(%dma_wait3A_128 : memref<10000x128xf32, #tpu.memory_space<hbm>>) dst(%arg14 : memref<64x128xf32, #tpu.memory_space<vmem>>)
      %dma_start3A_129 = arith.constant 2 : i32
      %dma_start3A_130 = arith.constant 0 : i32
      %dma_start3A_131 = tpu.memref_slice %arg9[%dma_start3A_129, %dma_start3A_130] : memref<10x64xi32, #tpu.memory_space<vmem>> -> memref<1x64xi32, #tpu.memory_space<vmem>>
      %dma_start3A_132 = tpu.memref_squeeze %dma_start3A_131 : memref<1x64xi32, #tpu.memory_space<vmem>> -> memref<64xi32, #tpu.memory_space<vmem>>
      %dma_start3A_133 = arith.constant 0 : i32
      %dma_start3A_134 = arith.constant 0 : i32
      %dma_start3A_135 = tpu.memref_slice %arg7[%dma_start3A_133, %dma_start3A_134] : memref<10240x128xf32, #tpu.memory_space<vmem_shared>> -> memref<10240x128xf32, #tpu.memory_space<vmem_shared>>
      tpu.enqueue_indirect_dma source(%arg14 : memref<64x128xf32, #tpu.memory_space<vmem>>) target(%dma_start3A_135 : memref<10240x128xf32, #tpu.memory_space<vmem_shared>>) offsets(%dma_start3A_132 : memref<64xi32, #tpu.memory_space<vmem>>) semaphore(%arg22 : memref<!tpu.dma_semaphore, #tpu.memory_space<semaphore_mem>>) {add = true}
      %dma_wait3A_136 = arith.constant 2 : i32
      %dma_wait3A_137 = arith.constant 0 : i32
      %dma_wait3A_138 = tpu.memref_slice %arg9[%dma_wait3A_136, %dma_wait3A_137] : memref<10x64xi32, #tpu.memory_space<vmem>> -> memref<1x64xi32, #tpu.memory_space<vmem>>
      %dma_wait3A_139 = tpu.memref_squeeze %dma_wait3A_138 : memref<1x64xi32, #tpu.memory_space<vmem>> -> memref<64xi32, #tpu.memory_space<vmem>>
      %dma_wait3A_140 = arith.constant 0 : i32
      %dma_wait3A_141 = arith.constant 0 : i32
      %dma_wait3A_142 = tpu.memref_slice %arg7[%dma_wait3A_140, %dma_wait3A_141] : memref<10240x128xf32, #tpu.memory_space<vmem_shared>> -> memref<10240x128xf32, #tpu.memory_space<vmem_shared>>
      tpu.wait_indirect_dma semaphore(%arg22 : memref<!tpu.dma_semaphore, #tpu.memory_space<semaphore_mem>>) src(%arg14 : memref<64x128xf32, #tpu.memory_space<vmem>>) dst(%dma_wait3A_142 : memref<10240x128xf32, #tpu.memory_space<vmem_shared>>)
      %dma_start3A_143 = arith.constant 6 : i32
      %dma_start3A_144 = arith.constant 0 : i32
      %dma_start3A_145 = tpu.memref_slice %arg8[%dma_start3A_143, %dma_start3A_144] : memref<10x64xi32, #tpu.memory_space<vmem>> -> memref<1x64xi32, #tpu.memory_space<vmem>>
      %dma_start3A_146 = tpu.memref_squeeze %dma_start3A_145 : memref<1x64xi32, #tpu.memory_space<vmem>> -> memref<64xi32, #tpu.memory_space<vmem>>
      %dma_start3A_147 = arith.constant 0 : i32
      %dma_start3A_148 = arith.constant 0 : i32
      %dma_start3A_149 = tpu.memref_slice %arg2[%dma_start3A_147, %dma_start3A_148] : memref<10000x128xf32, #tpu.memory_space<hbm>> -> memref<10000x128xf32, #tpu.memory_space<hbm>>
      tpu.enqueue_indirect_dma source(%dma_start3A_149 : memref<10000x128xf32, #tpu.memory_space<hbm>>) target(%arg14 : memref<64x128xf32, #tpu.memory_space<vmem>>) offsets(%dma_start3A_146 : memref<64xi32, #tpu.memory_space<vmem>>) semaphore(%arg18 : memref<!tpu.dma_semaphore, #tpu.memory_space<semaphore_mem>>)
      %dma_wait3A_150 = arith.constant 3 : i32
      %dma_wait3A_151 = arith.constant 0 : i32
      %dma_wait3A_152 = tpu.memref_slice %arg8[%dma_wait3A_150, %dma_wait3A_151] : memref<10x64xi32, #tpu.memory_space<vmem>> -> memref<1x64xi32, #tpu.memory_space<vmem>>
      %dma_wait3A_153 = tpu.memref_squeeze %dma_wait3A_152 : memref<1x64xi32, #tpu.memory_space<vmem>> -> memref<64xi32, #tpu.memory_space<vmem>>
      %dma_wait3A_154 = arith.constant 0 : i32
      %dma_wait3A_155 = arith.constant 0 : i32
      %dma_wait3A_156 = tpu.memref_slice %arg2[%dma_wait3A_154, %dma_wait3A_155] : memref<10000x128xf32, #tpu.memory_space<hbm>> -> memref<10000x128xf32, #tpu.memory_space<hbm>>
      tpu.wait_indirect_dma semaphore(%arg19 : memref<!tpu.dma_semaphore, #tpu.memory_space<semaphore_mem>>) src(%dma_wait3A_156 : memref<10000x128xf32, #tpu.memory_space<hbm>>) dst(%arg15 : memref<64x128xf32, #tpu.memory_space<vmem>>)
      %dma_start3A_157 = arith.constant 3 : i32
      %dma_start3A_158 = arith.constant 0 : i32
      %dma_start3A_159 = tpu.memref_slice %arg9[%dma_start3A_157, %dma_start3A_158] : memref<10x64xi32, #tpu.memory_space<vmem>> -> memref<1x64xi32, #tpu.memory_space<vmem>>
      %dma_start3A_160 = tpu.memref_squeeze %dma_start3A_159 : memref<1x64xi32, #tpu.memory_space<vmem>> -> memref<64xi32, #tpu.memory_space<vmem>>
      %dma_start3A_161 = arith.constant 0 : i32
      %dma_start3A_162 = arith.constant 0 : i32
      %dma_start3A_163 = tpu.memref_slice %arg7[%dma_start3A_161, %dma_start3A_162] : memref<10240x128xf32, #tpu.memory_space<vmem_shared>> -> memref<10240x128xf32, #tpu.memory_space<vmem_shared>>
      tpu.enqueue_indirect_dma source(%arg15 : memref<64x128xf32, #tpu.memory_space<vmem>>) target(%dma_start3A_163 : memref<10240x128xf32, #tpu.memory_space<vmem_shared>>) offsets(%dma_start3A_160 : memref<64xi32, #tpu.memory_space<vmem>>) semaphore(%arg23 : memref<!tpu.dma_semaphore, #tpu.memory_space<semaphore_mem>>) {add = true}
      %dma_wait3A_164 = arith.constant 3 : i32
      %dma_wait3A_165 = arith.constant 0 : i32
      %dma_wait3A_166 = tpu.memref_slice %arg9[%dma_wait3A_164, %dma_wait3A_165] : memref<10x64xi32, #tpu.memory_space<vmem>> -> memref<1x64xi32, #tpu.memory_space<vmem>>
      %dma_wait3A_167 = tpu.memref_squeeze %dma_wait3A_166 : memref<1x64xi32, #tpu.memory_space<vmem>> -> memref<64xi32, #tpu.memory_space<vmem>>
      %dma_wait3A_168 = arith.constant 0 : i32
      %dma_wait3A_169 = arith.constant 0 : i32
      %dma_wait3A_170 = tpu.memref_slice %arg7[%dma_wait3A_168, %dma_wait3A_169] : memref<10240x128xf32, #tpu.memory_space<vmem_shared>> -> memref<10240x128xf32, #tpu.memory_space<vmem_shared>>
      tpu.wait_indirect_dma semaphore(%arg23 : memref<!tpu.dma_semaphore, #tpu.memory_space<semaphore_mem>>) src(%arg15 : memref<64x128xf32, #tpu.memory_space<vmem>>) dst(%dma_wait3A_170 : memref<10240x128xf32, #tpu.memory_space<vmem_shared>>)
      %dma_start3A_171 = arith.constant 7 : i32
      %dma_start3A_172 = arith.constant 0 : i32
      %dma_start3A_173 = tpu.memref_slice %arg8[%dma_start3A_171, %dma_start3A_172] : memref<10x64xi32, #tpu.memory_space<vmem>> -> memref<1x64xi32, #tpu.memory_space<vmem>>
      %dma_start3A_174 = tpu.memref_squeeze %dma_start3A_173 : memref<1x64xi32, #tpu.memory_space<vmem>> -> memref<64xi32, #tpu.memory_space<vmem>>
      %dma_start3A_175 = arith.constant 0 : i32
      %dma_start3A_176 = arith.constant 0 : i32
      %dma_start3A_177 = tpu.memref_slice %arg2[%dma_start3A_175, %dma_start3A_176] : memref<10000x128xf32, #tpu.memory_space<hbm>> -> memref<10000x128xf32, #tpu.memory_space<hbm>>
      tpu.enqueue_indirect_dma source(%dma_start3A_177 : memref<10000x128xf32, #tpu.memory_space<hbm>>) target(%arg15 : memref<64x128xf32, #tpu.memory_space<vmem>>) offsets(%dma_start3A_174 : memref<64xi32, #tpu.memory_space<vmem>>) semaphore(%arg19 : memref<!tpu.dma_semaphore, #tpu.memory_space<semaphore_mem>>)
      %dma_wait3A_178 = arith.constant 4 : i32
      %dma_wait3A_179 = arith.constant 0 : i32
      %dma_wait3A_180 = tpu.memref_slice %arg8[%dma_wait3A_178, %dma_wait3A_179] : memref<10x64xi32, #tpu.memory_space<vmem>> -> memref<1x64xi32, #tpu.memory_space<vmem>>
      %dma_wait3A_181 = tpu.memref_squeeze %dma_wait3A_180 : memref<1x64xi32, #tpu.memory_space<vmem>> -> memref<64xi32, #tpu.memory_space<vmem>>
      %dma_wait3A_182 = arith.constant 0 : i32
      %dma_wait3A_183 = arith.constant 0 : i32
      %dma_wait3A_184 = tpu.memref_slice %arg2[%dma_wait3A_182, %dma_wait3A_183] : memref<10000x128xf32, #tpu.memory_space<hbm>> -> memref<10000x128xf32, #tpu.memory_space<hbm>>
      tpu.wait_indirect_dma semaphore(%arg16 : memref<!tpu.dma_semaphore, #tpu.memory_space<semaphore_mem>>) src(%dma_wait3A_184 : memref<10000x128xf32, #tpu.memory_space<hbm>>) dst(%arg12 : memref<64x128xf32, #tpu.memory_space<vmem>>)
      %dma_start3A_185 = arith.constant 4 : i32
      %dma_start3A_186 = arith.constant 0 : i32
      %dma_start3A_187 = tpu.memref_slice %arg9[%dma_start3A_185, %dma_start3A_186] : memref<10x64xi32, #tpu.memory_space<vmem>> -> memref<1x64xi32, #tpu.memory_space<vmem>>
      %dma_start3A_188 = tpu.memref_squeeze %dma_start3A_187 : memref<1x64xi32, #tpu.memory_space<vmem>> -> memref<64xi32, #tpu.memory_space<vmem>>
      %dma_start3A_189 = arith.constant 0 : i32
      %dma_start3A_190 = arith.constant 0 : i32
      %dma_start3A_191 = tpu.memref_slice %arg7[%dma_start3A_189, %dma_start3A_190] : memref<10240x128xf32, #tpu.memory_space<vmem_shared>> -> memref<10240x128xf32, #tpu.memory_space<vmem_shared>>
      tpu.enqueue_indirect_dma source(%arg12 : memref<64x128xf32, #tpu.memory_space<vmem>>) target(%dma_start3A_191 : memref<10240x128xf32, #tpu.memory_space<vmem_shared>>) offsets(%dma_start3A_188 : memref<64xi32, #tpu.memory_space<vmem>>) semaphore(%arg20 : memref<!tpu.dma_semaphore, #tpu.memory_space<semaphore_mem>>) {add = true}
      %dma_wait3A_192 = arith.constant 4 : i32
      %dma_wait3A_193 = arith.constant 0 : i32
      %dma_wait3A_194 = tpu.memref_slice %arg9[%dma_wait3A_192, %dma_wait3A_193] : memref<10x64xi32, #tpu.memory_space<vmem>> -> memref<1x64xi32, #tpu.memory_space<vmem>>
      %dma_wait3A_195 = tpu.memref_squeeze %dma_wait3A_194 : memref<1x64xi32, #tpu.memory_space<vmem>> -> memref<64xi32, #tpu.memory_space<vmem>>
      %dma_wait3A_196 = arith.constant 0 : i32
      %dma_wait3A_197 = arith.constant 0 : i32
      %dma_wait3A_198 = tpu.memref_slice %arg7[%dma_wait3A_196, %dma_wait3A_197] : memref<10240x128xf32, #tpu.memory_space<vmem_shared>> -> memref<10240x128xf32, #tpu.memory_space<vmem_shared>>
      tpu.wait_indirect_dma semaphore(%arg20 : memref<!tpu.dma_semaphore, #tpu.memory_space<semaphore_mem>>) src(%arg12 : memref<64x128xf32, #tpu.memory_space<vmem>>) dst(%dma_wait3A_198 : memref<10240x128xf32, #tpu.memory_space<vmem_shared>>)
      %dma_start3A_199 = arith.constant 8 : i32
      %dma_start3A_200 = arith.constant 0 : i32
      %dma_start3A_201 = tpu.memref_slice %arg8[%dma_start3A_199, %dma_start3A_200] : memref<10x64xi32, #tpu.memory_space<vmem>> -> memref<1x64xi32, #tpu.memory_space<vmem>>
      %dma_start3A_202 = tpu.memref_squeeze %dma_start3A_201 : memref<1x64xi32, #tpu.memory_space<vmem>> -> memref<64xi32, #tpu.memory_space<vmem>>
      %dma_start3A_203 = arith.constant 0 : i32
      %dma_start3A_204 = arith.constant 0 : i32
      %dma_start3A_205 = tpu.memref_slice %arg2[%dma_start3A_203, %dma_start3A_204] : memref<10000x128xf32, #tpu.memory_space<hbm>> -> memref<10000x128xf32, #tpu.memory_space<hbm>>
      tpu.enqueue_indirect_dma source(%dma_start3A_205 : memref<10000x128xf32, #tpu.memory_space<hbm>>) target(%arg12 : memref<64x128xf32, #tpu.memory_space<vmem>>) offsets(%dma_start3A_202 : memref<64xi32, #tpu.memory_space<vmem>>) semaphore(%arg16 : memref<!tpu.dma_semaphore, #tpu.memory_space<semaphore_mem>>)
      %dma_wait3A_206 = arith.constant 5 : i32
      %dma_wait3A_207 = arith.constant 0 : i32
      %dma_wait3A_208 = tpu.memref_slice %arg8[%dma_wait3A_206, %dma_wait3A_207] : memref<10x64xi32, #tpu.memory_space<vmem>> -> memref<1x64xi32, #tpu.memory_space<vmem>>
      %dma_wait3A_209 = tpu.memref_squeeze %dma_wait3A_208 : memref<1x64xi32, #tpu.memory_space<vmem>> -> memref<64xi32, #tpu.memory_space<vmem>>
      %dma_wait3A_210 = arith.constant 0 : i32
      %dma_wait3A_211 = arith.constant 0 : i32
      %dma_wait3A_212 = tpu.memref_slice %arg2[%dma_wait3A_210, %dma_wait3A_211] : memref<10000x128xf32, #tpu.memory_space<hbm>> -> memref<10000x128xf32, #tpu.memory_space<hbm>>
      tpu.wait_indirect_dma semaphore(%arg17 : memref<!tpu.dma_semaphore, #tpu.memory_space<semaphore_mem>>) src(%dma_wait3A_212 : memref<10000x128xf32, #tpu.memory_space<hbm>>) dst(%arg13 : memref<64x128xf32, #tpu.memory_space<vmem>>)
      %dma_start3A_213 = arith.constant 5 : i32
      %dma_start3A_214 = arith.constant 0 : i32
      %dma_start3A_215 = tpu.memref_slice %arg9[%dma_start3A_213, %dma_start3A_214] : memref<10x64xi32, #tpu.memory_space<vmem>> -> memref<1x64xi32, #tpu.memory_space<vmem>>
      %dma_start3A_216 = tpu.memref_squeeze %dma_start3A_215 : memref<1x64xi32, #tpu.memory_space<vmem>> -> memref<64xi32, #tpu.memory_space<vmem>>
      %dma_start3A_217 = arith.constant 0 : i32
      %dma_start3A_218 = arith.constant 0 : i32
      %dma_start3A_219 = tpu.memref_slice %arg7[%dma_start3A_217, %dma_start3A_218] : memref<10240x128xf32, #tpu.memory_space<vmem_shared>> -> memref<10240x128xf32, #tpu.memory_space<vmem_shared>>
      tpu.enqueue_indirect_dma source(%arg13 : memref<64x128xf32, #tpu.memory_space<vmem>>) target(%dma_start3A_219 : memref<10240x128xf32, #tpu.memory_space<vmem_shared>>) offsets(%dma_start3A_216 : memref<64xi32, #tpu.memory_space<vmem>>) semaphore(%arg21 : memref<!tpu.dma_semaphore, #tpu.memory_space<semaphore_mem>>) {add = true}
      %dma_wait3A_220 = arith.constant 5 : i32
      %dma_wait3A_221 = arith.constant 0 : i32
      %dma_wait3A_222 = tpu.memref_slice %arg9[%dma_wait3A_220, %dma_wait3A_221] : memref<10x64xi32, #tpu.memory_space<vmem>> -> memref<1x64xi32, #tpu.memory_space<vmem>>
      %dma_wait3A_223 = tpu.memref_squeeze %dma_wait3A_222 : memref<1x64xi32, #tpu.memory_space<vmem>> -> memref<64xi32, #tpu.memory_space<vmem>>
      %dma_wait3A_224 = arith.constant 0 : i32
      %dma_wait3A_225 = arith.constant 0 : i32
      %dma_wait3A_226 = tpu.memref_slice %arg7[%dma_wait3A_224, %dma_wait3A_225] : memref<10240x128xf32, #tpu.memory_space<vmem_shared>> -> memref<10240x128xf32, #tpu.memory_space<vmem_shared>>
      tpu.wait_indirect_dma semaphore(%arg21 : memref<!tpu.dma_semaphore, #tpu.memory_space<semaphore_mem>>) src(%arg13 : memref<64x128xf32, #tpu.memory_space<vmem>>) dst(%dma_wait3A_226 : memref<10240x128xf32, #tpu.memory_space<vmem_shared>>)
      %dma_start3A_227 = arith.constant 9 : i32
      %dma_start3A_228 = arith.constant 0 : i32
      %dma_start3A_229 = tpu.memref_slice %arg8[%dma_start3A_227, %dma_start3A_228] : memref<10x64xi32, #tpu.memory_space<vmem>> -> memref<1x64xi32, #tpu.memory_space<vmem>>
      %dma_start3A_230 = tpu.memref_squeeze %dma_start3A_229 : memref<1x64xi32, #tpu.memory_space<vmem>> -> memref<64xi32, #tpu.memory_space<vmem>>
      %dma_start3A_231 = arith.constant 0 : i32
      %dma_start3A_232 = arith.constant 0 : i32
      %dma_start3A_233 = tpu.memref_slice %arg2[%dma_start3A_231, %dma_start3A_232] : memref<10000x128xf32, #tpu.memory_space<hbm>> -> memref<10000x128xf32, #tpu.memory_space<hbm>>
      tpu.enqueue_indirect_dma source(%dma_start3A_233 : memref<10000x128xf32, #tpu.memory_space<hbm>>) target(%arg13 : memref<64x128xf32, #tpu.memory_space<vmem>>) offsets(%dma_start3A_230 : memref<64xi32, #tpu.memory_space<vmem>>) semaphore(%arg17 : memref<!tpu.dma_semaphore, #tpu.memory_space<semaphore_mem>>)
      %dma_wait3A_234 = arith.constant 6 : i32
      %dma_wait3A_235 = arith.constant 0 : i32
      %dma_wait3A_236 = tpu.memref_slice %arg8[%dma_wait3A_234, %dma_wait3A_235] : memref<10x64xi32, #tpu.memory_space<vmem>> -> memref<1x64xi32, #tpu.memory_space<vmem>>
      %dma_wait3A_237 = tpu.memref_squeeze %dma_wait3A_236 : memref<1x64xi32, #tpu.memory_space<vmem>> -> memref<64xi32, #tpu.memory_space<vmem>>
      %dma_wait3A_238 = arith.constant 0 : i32
      %dma_wait3A_239 = arith.constant 0 : i32
      %dma_wait3A_240 = tpu.memref_slice %arg2[%dma_wait3A_238, %dma_wait3A_239] : memref<10000x128xf32, #tpu.memory_space<hbm>> -> memref<10000x128xf32, #tpu.memory_space<hbm>>
      tpu.wait_indirect_dma semaphore(%arg18 : memref<!tpu.dma_semaphore, #tpu.memory_space<semaphore_mem>>) src(%dma_wait3A_240 : memref<10000x128xf32, #tpu.memory_space<hbm>>) dst(%arg14 : memref<64x128xf32, #tpu.memory_space<vmem>>)
      %dma_start3A_241 = arith.constant 6 : i32
      %dma_start3A_242 = arith.constant 0 : i32
      %dma_start3A_243 = tpu.memref_slice %arg9[%dma_start3A_241, %dma_start3A_242] : memref<10x64xi32, #tpu.memory_space<vmem>> -> memref<1x64xi32, #tpu.memory_space<vmem>>
      %dma_start3A_244 = tpu.memref_squeeze %dma_start3A_243 : memref<1x64xi32, #tpu.memory_space<vmem>> -> memref<64xi32, #tpu.memory_space<vmem>>
      %dma_start3A_245 = arith.constant 0 : i32
      %dma_start3A_246 = arith.constant 0 : i32
      %dma_start3A_247 = tpu.memref_slice %arg7[%dma_start3A_245, %dma_start3A_246] : memref<10240x128xf32, #tpu.memory_space<vmem_shared>> -> memref<10240x128xf32, #tpu.memory_space<vmem_shared>>
      tpu.enqueue_indirect_dma source(%arg14 : memref<64x128xf32, #tpu.memory_space<vmem>>) target(%dma_start3A_247 : memref<10240x128xf32, #tpu.memory_space<vmem_shared>>) offsets(%dma_start3A_244 : memref<64xi32, #tpu.memory_space<vmem>>) semaphore(%arg22 : memref<!tpu.dma_semaphore, #tpu.memory_space<semaphore_mem>>) {add = true}
      %dma_wait3A_248 = arith.constant 6 : i32
      %dma_wait3A_249 = arith.constant 0 : i32
      %dma_wait3A_250 = tpu.memref_slice %arg9[%dma_wait3A_248, %dma_wait3A_249] : memref<10x64xi32, #tpu.memory_space<vmem>> -> memref<1x64xi32, #tpu.memory_space<vmem>>
      %dma_wait3A_251 = tpu.memref_squeeze %dma_wait3A_250 : memref<1x64xi32, #tpu.memory_space<vmem>> -> memref<64xi32, #tpu.memory_space<vmem>>
      %dma_wait3A_252 = arith.constant 0 : i32
      %dma_wait3A_253 = arith.constant 0 : i32
      %dma_wait3A_254 = tpu.memref_slice %arg7[%dma_wait3A_252, %dma_wait3A_253] : memref<10240x128xf32, #tpu.memory_space<vmem_shared>> -> memref<10240x128xf32, #tpu.memory_space<vmem_shared>>
      tpu.wait_indirect_dma semaphore(%arg22 : memref<!tpu.dma_semaphore, #tpu.memory_space<semaphore_mem>>) src(%arg14 : memref<64x128xf32, #tpu.memory_space<vmem>>) dst(%dma_wait3A_254 : memref<10240x128xf32, #tpu.memory_space<vmem_shared>>)
      %dma_wait3A_255 = arith.constant 0 : i32
      %dma_wait3A_256 = arith.constant 0 : i32
      %dma_wait3A_257 = tpu.memref_slice %arg3[%add3A, %add3A_25, %dma_wait3A_255, %dma_wait3A_256] : memref<32x16x10x64xi32, #tpu.memory_space<hbm>> -> memref<1x1x10x64xi32, #tpu.memory_space<hbm>>
      %dma_wait3A_258 = tpu.memref_squeeze %dma_wait3A_257 : memref<1x1x10x64xi32, #tpu.memory_space<hbm>> -> memref<10x64xi32, #tpu.memory_space<hbm>>
      %dma_wait3A_259 = arith.constant 0 : i32
      %dma_wait3A_260 = arith.constant 0 : i32
      %dma_wait3A_261 = tpu.memref_slice %arg3[%add3A, %add3A_25, %dma_wait3A_259, %dma_wait3A_260] : memref<32x16x10x64xi32, #tpu.memory_space<hbm>> -> memref<1x1x10x64xi32, #tpu.memory_space<hbm>>
      %dma_wait3A_262 = tpu.memref_squeeze %dma_wait3A_261 : memref<1x1x10x64xi32, #tpu.memory_space<hbm>> -> memref<10x64xi32, #tpu.memory_space<hbm>>
      tpu.wait_dma2 semaphore(%arg24 : memref<!tpu.dma_semaphore, #tpu.memory_space<semaphore_mem>>) src(%dma_wait3A_262 : memref<10x64xi32, #tpu.memory_space<hbm>>) dst(%arg10 : memref<10x64xi32, #tpu.memory_space<vmem>>)
      %dma_wait3A_263 = arith.constant 0 : i32
      %dma_wait3A_264 = arith.constant 0 : i32
      %dma_wait3A_265 = tpu.memref_slice %arg4[%add3A, %add3A_37, %dma_wait3A_263, %dma_wait3A_264] : memref<32x16x10x64xi32, #tpu.memory_space<hbm>> -> memref<1x1x10x64xi32, #tpu.memory_space<hbm>>
      %dma_wait3A_266 = tpu.memref_squeeze %dma_wait3A_265 : memref<1x1x10x64xi32, #tpu.memory_space<hbm>> -> memref<10x64xi32, #tpu.memory_space<hbm>>
      %dma_wait3A_267 = arith.constant 0 : i32
      %dma_wait3A_268 = arith.constant 0 : i32
      %dma_wait3A_269 = tpu.memref_slice %arg4[%add3A, %add3A_37, %dma_wait3A_267, %dma_wait3A_268] : memref<32x16x10x64xi32, #tpu.memory_space<hbm>> -> memref<1x1x10x64xi32, #tpu.memory_space<hbm>>
      %dma_wait3A_270 = tpu.memref_squeeze %dma_wait3A_269 : memref<1x1x10x64xi32, #tpu.memory_space<hbm>> -> memref<10x64xi32, #tpu.memory_space<hbm>>
      tpu.wait_dma2 semaphore(%arg24 : memref<!tpu.dma_semaphore, #tpu.memory_space<semaphore_mem>>) src(%dma_wait3A_270 : memref<10x64xi32, #tpu.memory_space<hbm>>) dst(%arg11 : memref<10x64xi32, #tpu.memory_space<vmem>>)
      %dma_start3A_271 = arith.constant 0 : i32
      %dma_start3A_272 = arith.constant 0 : i32
      %dma_start3A_273 = tpu.memref_slice %arg10[%dma_start3A_271, %dma_start3A_272] : memref<10x64xi32, #tpu.memory_space<vmem>> -> memref<1x64xi32, #tpu.memory_space<vmem>>
      %dma_start3A_274 = tpu.memref_squeeze %dma_start3A_273 : memref<1x64xi32, #tpu.memory_space<vmem>> -> memref<64xi32, #tpu.memory_space<vmem>>
      %dma_start3A_275 = arith.constant 0 : i32
      %dma_start3A_276 = arith.constant 0 : i32
      %dma_start3A_277 = tpu.memref_slice %arg2[%dma_start3A_275, %dma_start3A_276] : memref<10000x128xf32, #tpu.memory_space<hbm>> -> memref<10000x128xf32, #tpu.memory_space<hbm>>
      tpu.enqueue_indirect_dma source(%dma_start3A_277 : memref<10000x128xf32, #tpu.memory_space<hbm>>) target(%arg14 : memref<64x128xf32, #tpu.memory_space<vmem>>) offsets(%dma_start3A_274 : memref<64xi32, #tpu.memory_space<vmem>>) semaphore(%arg18 : memref<!tpu.dma_semaphore, #tpu.memory_space<semaphore_mem>>)
      %dma_wait3A_278 = arith.constant 7 : i32
      %dma_wait3A_279 = arith.constant 0 : i32
      %dma_wait3A_280 = tpu.memref_slice %arg8[%dma_wait3A_278, %dma_wait3A_279] : memref<10x64xi32, #tpu.memory_space<vmem>> -> memref<1x64xi32, #tpu.memory_space<vmem>>
      %dma_wait3A_281 = tpu.memref_squeeze %dma_wait3A_280 : memref<1x64xi32, #tpu.memory_space<vmem>> -> memref<64xi32, #tpu.memory_space<vmem>>
      %dma_wait3A_282 = arith.constant 0 : i32
      %dma_wait3A_283 = arith.constant 0 : i32
      %dma_wait3A_284 = tpu.memref_slice %arg2[%dma_wait3A_282, %dma_wait3A_283] : memref<10000x128xf32, #tpu.memory_space<hbm>> -> memref<10000x128xf32, #tpu.memory_space<hbm>>
      tpu.wait_indirect_dma semaphore(%arg19 : memref<!tpu.dma_semaphore, #tpu.memory_space<semaphore_mem>>) src(%dma_wait3A_284 : memref<10000x128xf32, #tpu.memory_space<hbm>>) dst(%arg15 : memref<64x128xf32, #tpu.memory_space<vmem>>)
      %dma_start3A_285 = arith.constant 7 : i32
      %dma_start3A_286 = arith.constant 0 : i32
      %dma_start3A_287 = tpu.memref_slice %arg9[%dma_start3A_285, %dma_start3A_286] : memref<10x64xi32, #tpu.memory_space<vmem>> -> memref<1x64xi32, #tpu.memory_space<vmem>>
      %dma_start3A_288 = tpu.memref_squeeze %dma_start3A_287 : memref<1x64xi32, #tpu.memory_space<vmem>> -> memref<64xi32, #tpu.memory_space<vmem>>
      %dma_start3A_289 = arith.constant 0 : i32
      %dma_start3A_290 = arith.constant 0 : i32
      %dma_start3A_291 = tpu.memref_slice %arg7[%dma_start3A_289, %dma_start3A_290] : memref<10240x128xf32, #tpu.memory_space<vmem_shared>> -> memref<10240x128xf32, #tpu.memory_space<vmem_shared>>
      tpu.enqueue_indirect_dma source(%arg15 : memref<64x128xf32, #tpu.memory_space<vmem>>) target(%dma_start3A_291 : memref<10240x128xf32, #tpu.memory_space<vmem_shared>>) offsets(%dma_start3A_288 : memref<64xi32, #tpu.memory_space<vmem>>) semaphore(%arg23 : memref<!tpu.dma_semaphore, #tpu.memory_space<semaphore_mem>>) {add = true}
      %dma_wait3A_292 = arith.constant 7 : i32
      %dma_wait3A_293 = arith.constant 0 : i32
      %dma_wait3A_294 = tpu.memref_slice %arg9[%dma_wait3A_292, %dma_wait3A_293] : memref<10x64xi32, #tpu.memory_space<vmem>> -> memref<1x64xi32, #tpu.memory_space<vmem>>
      %dma_wait3A_295 = tpu.memref_squeeze %dma_wait3A_294 : memref<1x64xi32, #tpu.memory_space<vmem>> -> memref<64xi32, #tpu.memory_space<vmem>>
      %dma_wait3A_296 = arith.constant 0 : i32
      %dma_wait3A_297 = arith.constant 0 : i32
      %dma_wait3A_298 = tpu.memref_slice %arg7[%dma_wait3A_296, %dma_wait3A_297] : memref<10240x128xf32, #tpu.memory_space<vmem_shared>> -> memref<10240x128xf32, #tpu.memory_space<vmem_shared>>
      tpu.wait_indirect_dma semaphore(%arg23 : memref<!tpu.dma_semaphore, #tpu.memory_space<semaphore_mem>>) src(%arg15 : memref<64x128xf32, #tpu.memory_space<vmem>>) dst(%dma_wait3A_298 : memref<10240x128xf32, #tpu.memory_space<vmem_shared>>)
      %dma_start3A_299 = arith.constant 1 : i32
      %dma_start3A_300 = arith.constant 0 : i32
      %dma_start3A_301 = tpu.memref_slice %arg10[%dma_start3A_299, %dma_start3A_300] : memref<10x64xi32, #tpu.memory_space<vmem>> -> memref<1x64xi32, #tpu.memory_space<vmem>>
      %dma_start3A_302 = tpu.memref_squeeze %dma_start3A_301 : memref<1x64xi32, #tpu.memory_space<vmem>> -> memref<64xi32, #tpu.memory_space<vmem>>
      %dma_start3A_303 = arith.constant 0 : i32
      %dma_start3A_304 = arith.constant 0 : i32
      %dma_start3A_305 = tpu.memref_slice %arg2[%dma_start3A_303, %dma_start3A_304] : memref<10000x128xf32, #tpu.memory_space<hbm>> -> memref<10000x128xf32, #tpu.memory_space<hbm>>
      tpu.enqueue_indirect_dma source(%dma_start3A_305 : memref<10000x128xf32, #tpu.memory_space<hbm>>) target(%arg15 : memref<64x128xf32, #tpu.memory_space<vmem>>) offsets(%dma_start3A_302 : memref<64xi32, #tpu.memory_space<vmem>>) semaphore(%arg19 : memref<!tpu.dma_semaphore, #tpu.memory_space<semaphore_mem>>)
      %dma_wait3A_306 = arith.constant 8 : i32
      %dma_wait3A_307 = arith.constant 0 : i32
      %dma_wait3A_308 = tpu.memref_slice %arg8[%dma_wait3A_306, %dma_wait3A_307] : memref<10x64xi32, #tpu.memory_space<vmem>> -> memref<1x64xi32, #tpu.memory_space<vmem>>
      %dma_wait3A_309 = tpu.memref_squeeze %dma_wait3A_308 : memref<1x64xi32, #tpu.memory_space<vmem>> -> memref<64xi32, #tpu.memory_space<vmem>>
      %dma_wait3A_310 = arith.constant 0 : i32
      %dma_wait3A_311 = arith.constant 0 : i32
      %dma_wait3A_312 = tpu.memref_slice %arg2[%dma_wait3A_310, %dma_wait3A_311] : memref<10000x128xf32, #tpu.memory_space<hbm>> -> memref<10000x128xf32, #tpu.memory_space<hbm>>
      tpu.wait_indirect_dma semaphore(%arg16 : memref<!tpu.dma_semaphore, #tpu.memory_space<semaphore_mem>>) src(%dma_wait3A_312 : memref<10000x128xf32, #tpu.memory_space<hbm>>) dst(%arg12 : memref<64x128xf32, #tpu.memory_space<vmem>>)
      %dma_start3A_313 = arith.constant 8 : i32
      %dma_start3A_314 = arith.constant 0 : i32
      %dma_start3A_315 = tpu.memref_slice %arg9[%dma_start3A_313, %dma_start3A_314] : memref<10x64xi32, #tpu.memory_space<vmem>> -> memref<1x64xi32, #tpu.memory_space<vmem>>
      %dma_start3A_316 = tpu.memref_squeeze %dma_start3A_315 : memref<1x64xi32, #tpu.memory_space<vmem>> -> memref<64xi32, #tpu.memory_space<vmem>>
      %dma_start3A_317 = arith.constant 0 : i32
      %dma_start3A_318 = arith.constant 0 : i32
      %dma_start3A_319 = tpu.memref_slice %arg7[%dma_start3A_317, %dma_start3A_318] : memref<10240x128xf32, #tpu.memory_space<vmem_shared>> -> memref<10240x128xf32, #tpu.memory_space<vmem_shared>>
      tpu.enqueue_indirect_dma source(%arg12 : memref<64x128xf32, #tpu.memory_space<vmem>>) target(%dma_start3A_319 : memref<10240x128xf32, #tpu.memory_space<vmem_shared>>) offsets(%dma_start3A_316 : memref<64xi32, #tpu.memory_space<vmem>>) semaphore(%arg20 : memref<!tpu.dma_semaphore, #tpu.memory_space<semaphore_mem>>) {add = true}
      %dma_wait3A_320 = arith.constant 8 : i32
      %dma_wait3A_321 = arith.constant 0 : i32
      %dma_wait3A_322 = tpu.memref_slice %arg9[%dma_wait3A_320, %dma_wait3A_321] : memref<10x64xi32, #tpu.memory_space<vmem>> -> memref<1x64xi32, #tpu.memory_space<vmem>>
      %dma_wait3A_323 = tpu.memref_squeeze %dma_wait3A_322 : memref<1x64xi32, #tpu.memory_space<vmem>> -> memref<64xi32, #tpu.memory_space<vmem>>
      %dma_wait3A_324 = arith.constant 0 : i32
      %dma_wait3A_325 = arith.constant 0 : i32
      %dma_wait3A_326 = tpu.memref_slice %arg7[%dma_wait3A_324, %dma_wait3A_325] : memref<10240x128xf32, #tpu.memory_space<vmem_shared>> -> memref<10240x128xf32, #tpu.memory_space<vmem_shared>>
      tpu.wait_indirect_dma semaphore(%arg20 : memref<!tpu.dma_semaphore, #tpu.memory_space<semaphore_mem>>) src(%arg12 : memref<64x128xf32, #tpu.memory_space<vmem>>) dst(%dma_wait3A_326 : memref<10240x128xf32, #tpu.memory_space<vmem_shared>>)
      %dma_start3A_327 = arith.constant 2 : i32
      %dma_start3A_328 = arith.constant 0 : i32
      %dma_start3A_329 = tpu.memref_slice %arg10[%dma_start3A_327, %dma_start3A_328] : memref<10x64xi32, #tpu.memory_space<vmem>> -> memref<1x64xi32, #tpu.memory_space<vmem>>
      %dma_start3A_330 = tpu.memref_squeeze %dma_start3A_329 : memref<1x64xi32, #tpu.memory_space<vmem>> -> memref<64xi32, #tpu.memory_space<vmem>>
      %dma_start3A_331 = arith.constant 0 : i32
      %dma_start3A_332 = arith.constant 0 : i32
      %dma_start3A_333 = tpu.memref_slice %arg2[%dma_start3A_331, %dma_start3A_332] : memref<10000x128xf32, #tpu.memory_space<hbm>> -> memref<10000x128xf32, #tpu.memory_space<hbm>>
      tpu.enqueue_indirect_dma source(%dma_start3A_333 : memref<10000x128xf32, #tpu.memory_space<hbm>>) target(%arg12 : memref<64x128xf32, #tpu.memory_space<vmem>>) offsets(%dma_start3A_330 : memref<64xi32, #tpu.memory_space<vmem>>) semaphore(%arg16 : memref<!tpu.dma_semaphore, #tpu.memory_space<semaphore_mem>>)
      %dma_wait3A_334 = arith.constant 9 : i32
      %dma_wait3A_335 = arith.constant 0 : i32
      %dma_wait3A_336 = tpu.memref_slice %arg8[%dma_wait3A_334, %dma_wait3A_335] : memref<10x64xi32, #tpu.memory_space<vmem>> -> memref<1x64xi32, #tpu.memory_space<vmem>>
      %dma_wait3A_337 = tpu.memref_squeeze %dma_wait3A_336 : memref<1x64xi32, #tpu.memory_space<vmem>> -> memref<64xi32, #tpu.memory_space<vmem>>
      %dma_wait3A_338 = arith.constant 0 : i32
      %dma_wait3A_339 = arith.constant 0 : i32
      %dma_wait3A_340 = tpu.memref_slice %arg2[%dma_wait3A_338, %dma_wait3A_339] : memref<10000x128xf32, #tpu.memory_space<hbm>> -> memref<10000x128xf32, #tpu.memory_space<hbm>>
      tpu.wait_indirect_dma semaphore(%arg17 : memref<!tpu.dma_semaphore, #tpu.memory_space<semaphore_mem>>) src(%dma_wait3A_340 : memref<10000x128xf32, #tpu.memory_space<hbm>>) dst(%arg13 : memref<64x128xf32, #tpu.memory_space<vmem>>)
      %dma_start3A_341 = arith.constant 9 : i32
      %dma_start3A_342 = arith.constant 0 : i32
      %dma_start3A_343 = tpu.memref_slice %arg9[%dma_start3A_341, %dma_start3A_342] : memref<10x64xi32, #tpu.memory_space<vmem>> -> memref<1x64xi32, #tpu.memory_space<vmem>>
      %dma_start3A_344 = tpu.memref_squeeze %dma_start3A_343 : memref<1x64xi32, #tpu.memory_space<vmem>> -> memref<64xi32, #tpu.memory_space<vmem>>
      %dma_start3A_345 = arith.constant 0 : i32
      %dma_start3A_346 = arith.constant 0 : i32
      %dma_start3A_347 = tpu.memref_slice %arg7[%dma_start3A_345, %dma_start3A_346] : memref<10240x128xf32, #tpu.memory_space<vmem_shared>> -> memref<10240x128xf32, #tpu.memory_space<vmem_shared>>
      tpu.enqueue_indirect_dma source(%arg13 : memref<64x128xf32, #tpu.memory_space<vmem>>) target(%dma_start3A_347 : memref<10240x128xf32, #tpu.memory_space<vmem_shared>>) offsets(%dma_start3A_344 : memref<64xi32, #tpu.memory_space<vmem>>) semaphore(%arg21 : memref<!tpu.dma_semaphore, #tpu.memory_space<semaphore_mem>>) {add = true}
      %dma_wait3A_348 = arith.constant 9 : i32
      %dma_wait3A_349 = arith.constant 0 : i32
      %dma_wait3A_350 = tpu.memref_slice %arg9[%dma_wait3A_348, %dma_wait3A_349] : memref<10x64xi32, #tpu.memory_space<vmem>> -> memref<1x64xi32, #tpu.memory_space<vmem>>
      %dma_wait3A_351 = tpu.memref_squeeze %dma_wait3A_350 : memref<1x64xi32, #tpu.memory_space<vmem>> -> memref<64xi32, #tpu.memory_space<vmem>>
      %dma_wait3A_352 = arith.constant 0 : i32
      %dma_wait3A_353 = arith.constant 0 : i32
      %dma_wait3A_354 = tpu.memref_slice %arg7[%dma_wait3A_352, %dma_wait3A_353] : memref<10240x128xf32, #tpu.memory_space<vmem_shared>> -> memref<10240x128xf32, #tpu.memory_space<vmem_shared>>
      tpu.wait_indirect_dma semaphore(%arg21 : memref<!tpu.dma_semaphore, #tpu.memory_space<semaphore_mem>>) src(%arg13 : memref<64x128xf32, #tpu.memory_space<vmem>>) dst(%dma_wait3A_354 : memref<10240x128xf32, #tpu.memory_space<vmem_shared>>)
      %dma_start3A_355 = arith.constant 3 : i32
      %dma_start3A_356 = arith.constant 0 : i32
      %dma_start3A_357 = tpu.memref_slice %arg10[%dma_start3A_355, %dma_start3A_356] : memref<10x64xi32, #tpu.memory_space<vmem>> -> memref<1x64xi32, #tpu.memory_space<vmem>>
      %dma_start3A_358 = tpu.memref_squeeze %dma_start3A_357 : memref<1x64xi32, #tpu.memory_space<vmem>> -> memref<64xi32, #tpu.memory_space<vmem>>
      %dma_start3A_359 = arith.constant 0 : i32
      %dma_start3A_360 = arith.constant 0 : i32
      %dma_start3A_361 = tpu.memref_slice %arg2[%dma_start3A_359, %dma_start3A_360] : memref<10000x128xf32, #tpu.memory_space<hbm>> -> memref<10000x128xf32, #tpu.memory_space<hbm>>
      tpu.enqueue_indirect_dma source(%dma_start3A_361 : memref<10000x128xf32, #tpu.memory_space<hbm>>) target(%arg13 : memref<64x128xf32, #tpu.memory_space<vmem>>) offsets(%dma_start3A_358 : memref<64xi32, #tpu.memory_space<vmem>>) semaphore(%arg17 : memref<!tpu.dma_semaphore, #tpu.memory_space<semaphore_mem>>)
      %dma_wait3A_362 = arith.constant 0 : i32
      %dma_wait3A_363 = arith.constant 0 : i32
      %dma_wait3A_364 = tpu.memref_slice %arg10[%dma_wait3A_362, %dma_wait3A_363] : memref<10x64xi32, #tpu.memory_space<vmem>> -> memref<1x64xi32, #tpu.memory_space<vmem>>
      %dma_wait3A_365 = tpu.memref_squeeze %dma_wait3A_364 : memref<1x64xi32, #tpu.memory_space<vmem>> -> memref<64xi32, #tpu.memory_space<vmem>>
      %dma_wait3A_366 = arith.constant 0 : i32
      %dma_wait3A_367 = arith.constant 0 : i32
      %dma_wait3A_368 = tpu.memref_slice %arg2[%dma_wait3A_366, %dma_wait3A_367] : memref<10000x128xf32, #tpu.memory_space<hbm>> -> memref<10000x128xf32, #tpu.memory_space<hbm>>
      tpu.wait_indirect_dma semaphore(%arg18 : memref<!tpu.dma_semaphore, #tpu.memory_space<semaphore_mem>>) src(%dma_wait3A_368 : memref<10000x128xf32, #tpu.memory_space<hbm>>) dst(%arg14 : memref<64x128xf32, #tpu.memory_space<vmem>>)
      %dma_start3A_369 = arith.constant 0 : i32
      %dma_start3A_370 = arith.constant 0 : i32
      %dma_start3A_371 = tpu.memref_slice %arg11[%dma_start3A_369, %dma_start3A_370] : memref<10x64xi32, #tpu.memory_space<vmem>> -> memref<1x64xi32, #tpu.memory_space<vmem>>
      %dma_start3A_372 = tpu.memref_squeeze %dma_start3A_371 : memref<1x64xi32, #tpu.memory_space<vmem>> -> memref<64xi32, #tpu.memory_space<vmem>>
      %dma_start3A_373 = arith.constant 0 : i32
      %dma_start3A_374 = arith.constant 0 : i32
      %dma_start3A_375 = tpu.memref_slice %arg7[%dma_start3A_373, %dma_start3A_374] : memref<10240x128xf32, #tpu.memory_space<vmem_shared>> -> memref<10240x128xf32, #tpu.memory_space<vmem_shared>>
      tpu.enqueue_indirect_dma source(%arg14 : memref<64x128xf32, #tpu.memory_space<vmem>>) target(%dma_start3A_375 : memref<10240x128xf32, #tpu.memory_space<vmem_shared>>) offsets(%dma_start3A_372 : memref<64xi32, #tpu.memory_space<vmem>>) semaphore(%arg22 : memref<!tpu.dma_semaphore, #tpu.memory_space<semaphore_mem>>) {add = true}
      %dma_wait3A_376 = arith.constant 0 : i32
      %dma_wait3A_377 = arith.constant 0 : i32
      %dma_wait3A_378 = tpu.memref_slice %arg11[%dma_wait3A_376, %dma_wait3A_377] : memref<10x64xi32, #tpu.memory_space<vmem>> -> memref<1x64xi32, #tpu.memory_space<vmem>>
      %dma_wait3A_379 = tpu.memref_squeeze %dma_wait3A_378 : memref<1x64xi32, #tpu.memory_space<vmem>> -> memref<64xi32, #tpu.memory_space<vmem>>
      %dma_wait3A_380 = arith.constant 0 : i32
      %dma_wait3A_381 = arith.constant 0 : i32
      %dma_wait3A_382 = tpu.memref_slice %arg7[%dma_wait3A_380, %dma_wait3A_381] : memref<10240x128xf32, #tpu.memory_space<vmem_shared>> -> memref<10240x128xf32, #tpu.memory_space<vmem_shared>>
      tpu.wait_indirect_dma semaphore(%arg22 : memref<!tpu.dma_semaphore, #tpu.memory_space<semaphore_mem>>) src(%arg14 : memref<64x128xf32, #tpu.memory_space<vmem>>) dst(%dma_wait3A_382 : memref<10240x128xf32, #tpu.memory_space<vmem_shared>>)
      %dma_start3A_383 = arith.constant 4 : i32
      %dma_start3A_384 = arith.constant 0 : i32
      %dma_start3A_385 = tpu.memref_slice %arg10[%dma_start3A_383, %dma_start3A_384] : memref<10x64xi32, #tpu.memory_space<vmem>> -> memref<1x64xi32, #tpu.memory_space<vmem>>
      %dma_start3A_386 = tpu.memref_squeeze %dma_start3A_385 : memref<1x64xi32, #tpu.memory_space<vmem>> -> memref<64xi32, #tpu.memory_space<vmem>>
      %dma_start3A_387 = arith.constant 0 : i32
      %dma_start3A_388 = arith.constant 0 : i32
      %dma_start3A_389 = tpu.memref_slice %arg2[%dma_start3A_387, %dma_start3A_388] : memref<10000x128xf32, #tpu.memory_space<hbm>> -> memref<10000x128xf32, #tpu.memory_space<hbm>>
      tpu.enqueue_indirect_dma source(%dma_start3A_389 : memref<10000x128xf32, #tpu.memory_space<hbm>>) target(%arg14 : memref<64x128xf32, #tpu.memory_space<vmem>>) offsets(%dma_start3A_386 : memref<64xi32, #tpu.memory_space<vmem>>) semaphore(%arg18 : memref<!tpu.dma_semaphore, #tpu.memory_space<semaphore_mem>>)
      %dma_wait3A_390 = arith.constant 1 : i32
      %dma_wait3A_391 = arith.constant 0 : i32
      %dma_wait3A_392 = tpu.memref_slice %arg10[%dma_wait3A_390, %dma_wait3A_391] : memref<10x64xi32, #tpu.memory_space<vmem>> -> memref<1x64xi32, #tpu.memory_space<vmem>>
      %dma_wait3A_393 = tpu.memref_squeeze %dma_wait3A_392 : memref<1x64xi32, #tpu.memory_space<vmem>> -> memref<64xi32, #tpu.memory_space<vmem>>
      %dma_wait3A_394 = arith.constant 0 : i32
      %dma_wait3A_395 = arith.constant 0 : i32
      %dma_wait3A_396 = tpu.memref_slice %arg2[%dma_wait3A_394, %dma_wait3A_395] : memref<10000x128xf32, #tpu.memory_space<hbm>> -> memref<10000x128xf32, #tpu.memory_space<hbm>>
      tpu.wait_indirect_dma semaphore(%arg19 : memref<!tpu.dma_semaphore, #tpu.memory_space<semaphore_mem>>) src(%dma_wait3A_396 : memref<10000x128xf32, #tpu.memory_space<hbm>>) dst(%arg15 : memref<64x128xf32, #tpu.memory_space<vmem>>)
      %dma_start3A_397 = arith.constant 1 : i32
      %dma_start3A_398 = arith.constant 0 : i32
      %dma_start3A_399 = tpu.memref_slice %arg11[%dma_start3A_397, %dma_start3A_398] : memref<10x64xi32, #tpu.memory_space<vmem>> -> memref<1x64xi32, #tpu.memory_space<vmem>>
      %dma_start3A_400 = tpu.memref_squeeze %dma_start3A_399 : memref<1x64xi32, #tpu.memory_space<vmem>> -> memref<64xi32, #tpu.memory_space<vmem>>
      %dma_start3A_401 = arith.constant 0 : i32
      %dma_start3A_402 = arith.constant 0 : i32
      %dma_start3A_403 = tpu.memref_slice %arg7[%dma_start3A_401, %dma_start3A_402] : memref<10240x128xf32, #tpu.memory_space<vmem_shared>> -> memref<10240x128xf32, #tpu.memory_space<vmem_shared>>
      tpu.enqueue_indirect_dma source(%arg15 : memref<64x128xf32, #tpu.memory_space<vmem>>) target(%dma_start3A_403 : memref<10240x128xf32, #tpu.memory_space<vmem_shared>>) offsets(%dma_start3A_400 : memref<64xi32, #tpu.memory_space<vmem>>) semaphore(%arg23 : memref<!tpu.dma_semaphore, #tpu.memory_space<semaphore_mem>>) {add = true}
      %dma_wait3A_404 = arith.constant 1 : i32
      %dma_wait3A_405 = arith.constant 0 : i32
      %dma_wait3A_406 = tpu.memref_slice %arg11[%dma_wait3A_404, %dma_wait3A_405] : memref<10x64xi32, #tpu.memory_space<vmem>> -> memref<1x64xi32, #tpu.memory_space<vmem>>
      %dma_wait3A_407 = tpu.memref_squeeze %dma_wait3A_406 : memref<1x64xi32, #tpu.memory_space<vmem>> -> memref<64xi32, #tpu.memory_space<vmem>>
      %dma_wait3A_408 = arith.constant 0 : i32
      %dma_wait3A_409 = arith.constant 0 : i32
      %dma_wait3A_410 = tpu.memref_slice %arg7[%dma_wait3A_408, %dma_wait3A_409] : memref<10240x128xf32, #tpu.memory_space<vmem_shared>> -> memref<10240x128xf32, #tpu.memory_space<vmem_shared>>
      tpu.wait_indirect_dma semaphore(%arg23 : memref<!tpu.dma_semaphore, #tpu.memory_space<semaphore_mem>>) src(%arg15 : memref<64x128xf32, #tpu.memory_space<vmem>>) dst(%dma_wait3A_410 : memref<10240x128xf32, #tpu.memory_space<vmem_shared>>)
      %dma_start3A_411 = arith.constant 5 : i32
      %dma_start3A_412 = arith.constant 0 : i32
      %dma_start3A_413 = tpu.memref_slice %arg10[%dma_start3A_411, %dma_start3A_412] : memref<10x64xi32, #tpu.memory_space<vmem>> -> memref<1x64xi32, #tpu.memory_space<vmem>>
      %dma_start3A_414 = tpu.memref_squeeze %dma_start3A_413 : memref<1x64xi32, #tpu.memory_space<vmem>> -> memref<64xi32, #tpu.memory_space<vmem>>
      %dma_start3A_415 = arith.constant 0 : i32
      %dma_start3A_416 = arith.constant 0 : i32
      %dma_start3A_417 = tpu.memref_slice %arg2[%dma_start3A_415, %dma_start3A_416] : memref<10000x128xf32, #tpu.memory_space<hbm>> -> memref<10000x128xf32, #tpu.memory_space<hbm>>
      tpu.enqueue_indirect_dma source(%dma_start3A_417 : memref<10000x128xf32, #tpu.memory_space<hbm>>) target(%arg15 : memref<64x128xf32, #tpu.memory_space<vmem>>) offsets(%dma_start3A_414 : memref<64xi32, #tpu.memory_space<vmem>>) semaphore(%arg19 : memref<!tpu.dma_semaphore, #tpu.memory_space<semaphore_mem>>)
      %dma_wait3A_418 = arith.constant 2 : i32
      %dma_wait3A_419 = arith.constant 0 : i32
      %dma_wait3A_420 = tpu.memref_slice %arg10[%dma_wait3A_418, %dma_wait3A_419] : memref<10x64xi32, #tpu.memory_space<vmem>> -> memref<1x64xi32, #tpu.memory_space<vmem>>
      %dma_wait3A_421 = tpu.memref_squeeze %dma_wait3A_420 : memref<1x64xi32, #tpu.memory_space<vmem>> -> memref<64xi32, #tpu.memory_space<vmem>>
      %dma_wait3A_422 = arith.constant 0 : i32
      %dma_wait3A_423 = arith.constant 0 : i32
      %dma_wait3A_424 = tpu.memref_slice %arg2[%dma_wait3A_422, %dma_wait3A_423] : memref<10000x128xf32, #tpu.memory_space<hbm>> -> memref<10000x128xf32, #tpu.memory_space<hbm>>
      tpu.wait_indirect_dma semaphore(%arg16 : memref<!tpu.dma_semaphore, #tpu.memory_space<semaphore_mem>>) src(%dma_wait3A_424 : memref<10000x128xf32, #tpu.memory_space<hbm>>) dst(%arg12 : memref<64x128xf32, #tpu.memory_space<vmem>>)
      %dma_start3A_425 = arith.constant 2 : i32
      %dma_start3A_426 = arith.constant 0 : i32
      %dma_start3A_427 = tpu.memref_slice %arg11[%dma_start3A_425, %dma_start3A_426] : memref<10x64xi32, #tpu.memory_space<vmem>> -> memref<1x64xi32, #tpu.memory_space<vmem>>
      %dma_start3A_428 = tpu.memref_squeeze %dma_start3A_427 : memref<1x64xi32, #tpu.memory_space<vmem>> -> memref<64xi32, #tpu.memory_space<vmem>>
      %dma_start3A_429 = arith.constant 0 : i32
      %dma_start3A_430 = arith.constant 0 : i32
      %dma_start3A_431 = tpu.memref_slice %arg7[%dma_start3A_429, %dma_start3A_430] : memref<10240x128xf32, #tpu.memory_space<vmem_shared>> -> memref<10240x128xf32, #tpu.memory_space<vmem_shared>>
      tpu.enqueue_indirect_dma source(%arg12 : memref<64x128xf32, #tpu.memory_space<vmem>>) target(%dma_start3A_431 : memref<10240x128xf32, #tpu.memory_space<vmem_shared>>) offsets(%dma_start3A_428 : memref<64xi32, #tpu.memory_space<vmem>>) semaphore(%arg20 : memref<!tpu.dma_semaphore, #tpu.memory_space<semaphore_mem>>) {add = true}
      %dma_wait3A_432 = arith.constant 2 : i32
      %dma_wait3A_433 = arith.constant 0 : i32
      %dma_wait3A_434 = tpu.memref_slice %arg11[%dma_wait3A_432, %dma_wait3A_433] : memref<10x64xi32, #tpu.memory_space<vmem>> -> memref<1x64xi32, #tpu.memory_space<vmem>>
      %dma_wait3A_435 = tpu.memref_squeeze %dma_wait3A_434 : memref<1x64xi32, #tpu.memory_space<vmem>> -> memref<64xi32, #tpu.memory_space<vmem>>
      %dma_wait3A_436 = arith.constant 0 : i32
      %dma_wait3A_437 = arith.constant 0 : i32
      %dma_wait3A_438 = tpu.memref_slice %arg7[%dma_wait3A_436, %dma_wait3A_437] : memref<10240x128xf32, #tpu.memory_space<vmem_shared>> -> memref<10240x128xf32, #tpu.memory_space<vmem_shared>>
      tpu.wait_indirect_dma semaphore(%arg20 : memref<!tpu.dma_semaphore, #tpu.memory_space<semaphore_mem>>) src(%arg12 : memref<64x128xf32, #tpu.memory_space<vmem>>) dst(%dma_wait3A_438 : memref<10240x128xf32, #tpu.memory_space<vmem_shared>>)
      %dma_start3A_439 = arith.constant 6 : i32
      %dma_start3A_440 = arith.constant 0 : i32
      %dma_start3A_441 = tpu.memref_slice %arg10[%dma_start3A_439, %dma_start3A_440] : memref<10x64xi32, #tpu.memory_space<vmem>> -> memref<1x64xi32, #tpu.memory_space<vmem>>
      %dma_start3A_442 = tpu.memref_squeeze %dma_start3A_441 : memref<1x64xi32, #tpu.memory_space<vmem>> -> memref<64xi32, #tpu.memory_space<vmem>>
      %dma_start3A_443 = arith.constant 0 : i32
      %dma_start3A_444 = arith.constant 0 : i32
      %dma_start3A_445 = tpu.memref_slice %arg2[%dma_start3A_443, %dma_start3A_444] : memref<10000x128xf32, #tpu.memory_space<hbm>> -> memref<10000x128xf32, #tpu.memory_space<hbm>>
      tpu.enqueue_indirect_dma source(%dma_start3A_445 : memref<10000x128xf32, #tpu.memory_space<hbm>>) target(%arg12 : memref<64x128xf32, #tpu.memory_space<vmem>>) offsets(%dma_start3A_442 : memref<64xi32, #tpu.memory_space<vmem>>) semaphore(%arg16 : memref<!tpu.dma_semaphore, #tpu.memory_space<semaphore_mem>>)
      %dma_wait3A_446 = arith.constant 3 : i32
      %dma_wait3A_447 = arith.constant 0 : i32
      %dma_wait3A_448 = tpu.memref_slice %arg10[%dma_wait3A_446, %dma_wait3A_447] : memref<10x64xi32, #tpu.memory_space<vmem>> -> memref<1x64xi32, #tpu.memory_space<vmem>>
      %dma_wait3A_449 = tpu.memref_squeeze %dma_wait3A_448 : memref<1x64xi32, #tpu.memory_space<vmem>> -> memref<64xi32, #tpu.memory_space<vmem>>
      %dma_wait3A_450 = arith.constant 0 : i32
      %dma_wait3A_451 = arith.constant 0 : i32
      %dma_wait3A_452 = tpu.memref_slice %arg2[%dma_wait3A_450, %dma_wait3A_451] : memref<10000x128xf32, #tpu.memory_space<hbm>> -> memref<10000x128xf32, #tpu.memory_space<hbm>>
      tpu.wait_indirect_dma semaphore(%arg17 : memref<!tpu.dma_semaphore, #tpu.memory_space<semaphore_mem>>) src(%dma_wait3A_452 : memref<10000x128xf32, #tpu.memory_space<hbm>>) dst(%arg13 : memref<64x128xf32, #tpu.memory_space<vmem>>)
      %dma_start3A_453 = arith.constant 3 : i32
      %dma_start3A_454 = arith.constant 0 : i32
      %dma_start3A_455 = tpu.memref_slice %arg11[%dma_start3A_453, %dma_start3A_454] : memref<10x64xi32, #tpu.memory_space<vmem>> -> memref<1x64xi32, #tpu.memory_space<vmem>>
      %dma_start3A_456 = tpu.memref_squeeze %dma_start3A_455 : memref<1x64xi32, #tpu.memory_space<vmem>> -> memref<64xi32, #tpu.memory_space<vmem>>
      %dma_start3A_457 = arith.constant 0 : i32
      %dma_start3A_458 = arith.constant 0 : i32
      %dma_start3A_459 = tpu.memref_slice %arg7[%dma_start3A_457, %dma_start3A_458] : memref<10240x128xf32, #tpu.memory_space<vmem_shared>> -> memref<10240x128xf32, #tpu.memory_space<vmem_shared>>
      tpu.enqueue_indirect_dma source(%arg13 : memref<64x128xf32, #tpu.memory_space<vmem>>) target(%dma_start3A_459 : memref<10240x128xf32, #tpu.memory_space<vmem_shared>>) offsets(%dma_start3A_456 : memref<64xi32, #tpu.memory_space<vmem>>) semaphore(%arg21 : memref<!tpu.dma_semaphore, #tpu.memory_space<semaphore_mem>>) {add = true}
      %dma_wait3A_460 = arith.constant 3 : i32
      %dma_wait3A_461 = arith.constant 0 : i32
      %dma_wait3A_462 = tpu.memref_slice %arg11[%dma_wait3A_460, %dma_wait3A_461] : memref<10x64xi32, #tpu.memory_space<vmem>> -> memref<1x64xi32, #tpu.memory_space<vmem>>
      %dma_wait3A_463 = tpu.memref_squeeze %dma_wait3A_462 : memref<1x64xi32, #tpu.memory_space<vmem>> -> memref<64xi32, #tpu.memory_space<vmem>>
      %dma_wait3A_464 = arith.constant 0 : i32
      %dma_wait3A_465 = arith.constant 0 : i32
      %dma_wait3A_466 = tpu.memref_slice %arg7[%dma_wait3A_464, %dma_wait3A_465] : memref<10240x128xf32, #tpu.memory_space<vmem_shared>> -> memref<10240x128xf32, #tpu.memory_space<vmem_shared>>
      tpu.wait_indirect_dma semaphore(%arg21 : memref<!tpu.dma_semaphore, #tpu.memory_space<semaphore_mem>>) src(%arg13 : memref<64x128xf32, #tpu.memory_space<vmem>>) dst(%dma_wait3A_466 : memref<10240x128xf32, #tpu.memory_space<vmem_shared>>)
      %dma_start3A_467 = arith.constant 7 : i32
      %dma_start3A_468 = arith.constant 0 : i32
      %dma_start3A_469 = tpu.memref_slice %arg10[%dma_start3A_467, %dma_start3A_468] : memref<10x64xi32, #tpu.memory_space<vmem>> -> memref<1x64xi32, #tpu.memory_space<vmem>>
      %dma_start3A_470 = tpu.memref_squeeze %dma_start3A_469 : memref<1x64xi32, #tpu.memory_space<vmem>> -> memref<64xi32, #tpu.memory_space<vmem>>
      %dma_start3A_471 = arith.constant 0 : i32
      %dma_start3A_472 = arith.constant 0 : i32
      %dma_start3A_473 = tpu.memref_slice %arg2[%dma_start3A_471, %dma_start3A_472] : memref<10000x128xf32, #tpu.memory_space<hbm>> -> memref<10000x128xf32, #tpu.memory_space<hbm>>
      tpu.enqueue_indirect_dma source(%dma_start3A_473 : memref<10000x128xf32, #tpu.memory_space<hbm>>) target(%arg13 : memref<64x128xf32, #tpu.memory_space<vmem>>) offsets(%dma_start3A_470 : memref<64xi32, #tpu.memory_space<vmem>>) semaphore(%arg17 : memref<!tpu.dma_semaphore, #tpu.memory_space<semaphore_mem>>)
      %dma_wait3A_474 = arith.constant 4 : i32
      %dma_wait3A_475 = arith.constant 0 : i32
      %dma_wait3A_476 = tpu.memref_slice %arg10[%dma_wait3A_474, %dma_wait3A_475] : memref<10x64xi32, #tpu.memory_space<vmem>> -> memref<1x64xi32, #tpu.memory_space<vmem>>
      %dma_wait3A_477 = tpu.memref_squeeze %dma_wait3A_476 : memref<1x64xi32, #tpu.memory_space<vmem>> -> memref<64xi32, #tpu.memory_space<vmem>>
      %dma_wait3A_478 = arith.constant 0 : i32
      %dma_wait3A_479 = arith.constant 0 : i32
      %dma_wait3A_480 = tpu.memref_slice %arg2[%dma_wait3A_478, %dma_wait3A_479] : memref<10000x128xf32, #tpu.memory_space<hbm>> -> memref<10000x128xf32, #tpu.memory_space<hbm>>
      tpu.wait_indirect_dma semaphore(%arg18 : memref<!tpu.dma_semaphore, #tpu.memory_space<semaphore_mem>>) src(%dma_wait3A_480 : memref<10000x128xf32, #tpu.memory_space<hbm>>) dst(%arg14 : memref<64x128xf32, #tpu.memory_space<vmem>>)
      %dma_start3A_481 = arith.constant 4 : i32
      %dma_start3A_482 = arith.constant 0 : i32
      %dma_start3A_483 = tpu.memref_slice %arg11[%dma_start3A_481, %dma_start3A_482] : memref<10x64xi32, #tpu.memory_space<vmem>> -> memref<1x64xi32, #tpu.memory_space<vmem>>
      %dma_start3A_484 = tpu.memref_squeeze %dma_start3A_483 : memref<1x64xi32, #tpu.memory_space<vmem>> -> memref<64xi32, #tpu.memory_space<vmem>>
      %dma_start3A_485 = arith.constant 0 : i32
      %dma_start3A_486 = arith.constant 0 : i32
      %dma_start3A_487 = tpu.memref_slice %arg7[%dma_start3A_485, %dma_start3A_486] : memref<10240x128xf32, #tpu.memory_space<vmem_shared>> -> memref<10240x128xf32, #tpu.memory_space<vmem_shared>>
      tpu.enqueue_indirect_dma source(%arg14 : memref<64x128xf32, #tpu.memory_space<vmem>>) target(%dma_start3A_487 : memref<10240x128xf32, #tpu.memory_space<vmem_shared>>) offsets(%dma_start3A_484 : memref<64xi32, #tpu.memory_space<vmem>>) semaphore(%arg22 : memref<!tpu.dma_semaphore, #tpu.memory_space<semaphore_mem>>) {add = true}
      %dma_wait3A_488 = arith.constant 4 : i32
      %dma_wait3A_489 = arith.constant 0 : i32
      %dma_wait3A_490 = tpu.memref_slice %arg11[%dma_wait3A_488, %dma_wait3A_489] : memref<10x64xi32, #tpu.memory_space<vmem>> -> memref<1x64xi32, #tpu.memory_space<vmem>>
      %dma_wait3A_491 = tpu.memref_squeeze %dma_wait3A_490 : memref<1x64xi32, #tpu.memory_space<vmem>> -> memref<64xi32, #tpu.memory_space<vmem>>
      %dma_wait3A_492 = arith.constant 0 : i32
      %dma_wait3A_493 = arith.constant 0 : i32
      %dma_wait3A_494 = tpu.memref_slice %arg7[%dma_wait3A_492, %dma_wait3A_493] : memref<10240x128xf32, #tpu.memory_space<vmem_shared>> -> memref<10240x128xf32, #tpu.memory_space<vmem_shared>>
      tpu.wait_indirect_dma semaphore(%arg22 : memref<!tpu.dma_semaphore, #tpu.memory_space<semaphore_mem>>) src(%arg14 : memref<64x128xf32, #tpu.memory_space<vmem>>) dst(%dma_wait3A_494 : memref<10240x128xf32, #tpu.memory_space<vmem_shared>>)
      %dma_start3A_495 = arith.constant 8 : i32
      %dma_start3A_496 = arith.constant 0 : i32
      %dma_start3A_497 = tpu.memref_slice %arg10[%dma_start3A_495, %dma_start3A_496] : memref<10x64xi32, #tpu.memory_space<vmem>> -> memref<1x64xi32, #tpu.memory_space<vmem>>
      %dma_start3A_498 = tpu.memref_squeeze %dma_start3A_497 : memref<1x64xi32, #tpu.memory_space<vmem>> -> memref<64xi32, #tpu.memory_space<vmem>>
      %dma_start3A_499 = arith.constant 0 : i32
      %dma_start3A_500 = arith.constant 0 : i32
      %dma_start3A_501 = tpu.memref_slice %arg2[%dma_start3A_499, %dma_start3A_500] : memref<10000x128xf32, #tpu.memory_space<hbm>> -> memref<10000x128xf32, #tpu.memory_space<hbm>>
      tpu.enqueue_indirect_dma source(%dma_start3A_501 : memref<10000x128xf32, #tpu.memory_space<hbm>>) target(%arg14 : memref<64x128xf32, #tpu.memory_space<vmem>>) offsets(%dma_start3A_498 : memref<64xi32, #tpu.memory_space<vmem>>) semaphore(%arg18 : memref<!tpu.dma_semaphore, #tpu.memory_space<semaphore_mem>>)
      %dma_wait3A_502 = arith.constant 5 : i32
      %dma_wait3A_503 = arith.constant 0 : i32
      %dma_wait3A_504 = tpu.memref_slice %arg10[%dma_wait3A_502, %dma_wait3A_503] : memref<10x64xi32, #tpu.memory_space<vmem>> -> memref<1x64xi32, #tpu.memory_space<vmem>>
      %dma_wait3A_505 = tpu.memref_squeeze %dma_wait3A_504 : memref<1x64xi32, #tpu.memory_space<vmem>> -> memref<64xi32, #tpu.memory_space<vmem>>
      %dma_wait3A_506 = arith.constant 0 : i32
      %dma_wait3A_507 = arith.constant 0 : i32
      %dma_wait3A_508 = tpu.memref_slice %arg2[%dma_wait3A_506, %dma_wait3A_507] : memref<10000x128xf32, #tpu.memory_space<hbm>> -> memref<10000x128xf32, #tpu.memory_space<hbm>>
      tpu.wait_indirect_dma semaphore(%arg19 : memref<!tpu.dma_semaphore, #tpu.memory_space<semaphore_mem>>) src(%dma_wait3A_508 : memref<10000x128xf32, #tpu.memory_space<hbm>>) dst(%arg15 : memref<64x128xf32, #tpu.memory_space<vmem>>)
      %dma_start3A_509 = arith.constant 5 : i32
      %dma_start3A_510 = arith.constant 0 : i32
      %dma_start3A_511 = tpu.memref_slice %arg11[%dma_start3A_509, %dma_start3A_510] : memref<10x64xi32, #tpu.memory_space<vmem>> -> memref<1x64xi32, #tpu.memory_space<vmem>>
      %dma_start3A_512 = tpu.memref_squeeze %dma_start3A_511 : memref<1x64xi32, #tpu.memory_space<vmem>> -> memref<64xi32, #tpu.memory_space<vmem>>
      %dma_start3A_513 = arith.constant 0 : i32
      %dma_start3A_514 = arith.constant 0 : i32
      %dma_start3A_515 = tpu.memref_slice %arg7[%dma_start3A_513, %dma_start3A_514] : memref<10240x128xf32, #tpu.memory_space<vmem_shared>> -> memref<10240x128xf32, #tpu.memory_space<vmem_shared>>
      tpu.enqueue_indirect_dma source(%arg15 : memref<64x128xf32, #tpu.memory_space<vmem>>) target(%dma_start3A_515 : memref<10240x128xf32, #tpu.memory_space<vmem_shared>>) offsets(%dma_start3A_512 : memref<64xi32, #tpu.memory_space<vmem>>) semaphore(%arg23 : memref<!tpu.dma_semaphore, #tpu.memory_space<semaphore_mem>>) {add = true}
      %dma_wait3A_516 = arith.constant 5 : i32
      %dma_wait3A_517 = arith.constant 0 : i32
      %dma_wait3A_518 = tpu.memref_slice %arg11[%dma_wait3A_516, %dma_wait3A_517] : memref<10x64xi32, #tpu.memory_space<vmem>> -> memref<1x64xi32, #tpu.memory_space<vmem>>
      %dma_wait3A_519 = tpu.memref_squeeze %dma_wait3A_518 : memref<1x64xi32, #tpu.memory_space<vmem>> -> memref<64xi32, #tpu.memory_space<vmem>>
      %dma_wait3A_520 = arith.constant 0 : i32
      %dma_wait3A_521 = arith.constant 0 : i32
      %dma_wait3A_522 = tpu.memref_slice %arg7[%dma_wait3A_520, %dma_wait3A_521] : memref<10240x128xf32, #tpu.memory_space<vmem_shared>> -> memref<10240x128xf32, #tpu.memory_space<vmem_shared>>
      tpu.wait_indirect_dma semaphore(%arg23 : memref<!tpu.dma_semaphore, #tpu.memory_space<semaphore_mem>>) src(%arg15 : memref<64x128xf32, #tpu.memory_space<vmem>>) dst(%dma_wait3A_522 : memref<10240x128xf32, #tpu.memory_space<vmem_shared>>)
      %dma_start3A_523 = arith.constant 9 : i32
      %dma_start3A_524 = arith.constant 0 : i32
      %dma_start3A_525 = tpu.memref_slice %arg10[%dma_start3A_523, %dma_start3A_524] : memref<10x64xi32, #tpu.memory_space<vmem>> -> memref<1x64xi32, #tpu.memory_space<vmem>>
      %dma_start3A_526 = tpu.memref_squeeze %dma_start3A_525 : memref<1x64xi32, #tpu.memory_space<vmem>> -> memref<64xi32, #tpu.memory_space<vmem>>
      %dma_start3A_527 = arith.constant 0 : i32
      %dma_start3A_528 = arith.constant 0 : i32
      %dma_start3A_529 = tpu.memref_slice %arg2[%dma_start3A_527, %dma_start3A_528] : memref<10000x128xf32, #tpu.memory_space<hbm>> -> memref<10000x128xf32, #tpu.memory_space<hbm>>
      tpu.enqueue_indirect_dma source(%dma_start3A_529 : memref<10000x128xf32, #tpu.memory_space<hbm>>) target(%arg15 : memref<64x128xf32, #tpu.memory_space<vmem>>) offsets(%dma_start3A_526 : memref<64xi32, #tpu.memory_space<vmem>>) semaphore(%arg19 : memref<!tpu.dma_semaphore, #tpu.memory_space<semaphore_mem>>)
      %dma_wait3A_530 = arith.constant 6 : i32
      %dma_wait3A_531 = arith.constant 0 : i32
      %dma_wait3A_532 = tpu.memref_slice %arg10[%dma_wait3A_530, %dma_wait3A_531] : memref<10x64xi32, #tpu.memory_space<vmem>> -> memref<1x64xi32, #tpu.memory_space<vmem>>
      %dma_wait3A_533 = tpu.memref_squeeze %dma_wait3A_532 : memref<1x64xi32, #tpu.memory_space<vmem>> -> memref<64xi32, #tpu.memory_space<vmem>>
      %dma_wait3A_534 = arith.constant 0 : i32
      %dma_wait3A_535 = arith.constant 0 : i32
      %dma_wait3A_536 = tpu.memref_slice %arg2[%dma_wait3A_534, %dma_wait3A_535] : memref<10000x128xf32, #tpu.memory_space<hbm>> -> memref<10000x128xf32, #tpu.memory_space<hbm>>
      tpu.wait_indirect_dma semaphore(%arg16 : memref<!tpu.dma_semaphore, #tpu.memory_space<semaphore_mem>>) src(%dma_wait3A_536 : memref<10000x128xf32, #tpu.memory_space<hbm>>) dst(%arg12 : memref<64x128xf32, #tpu.memory_space<vmem>>)
      %dma_start3A_537 = arith.constant 6 : i32
      %dma_start3A_538 = arith.constant 0 : i32
      %dma_start3A_539 = tpu.memref_slice %arg11[%dma_start3A_537, %dma_start3A_538] : memref<10x64xi32, #tpu.memory_space<vmem>> -> memref<1x64xi32, #tpu.memory_space<vmem>>
      %dma_start3A_540 = tpu.memref_squeeze %dma_start3A_539 : memref<1x64xi32, #tpu.memory_space<vmem>> -> memref<64xi32, #tpu.memory_space<vmem>>
      %dma_start3A_541 = arith.constant 0 : i32
      %dma_start3A_542 = arith.constant 0 : i32
      %dma_start3A_543 = tpu.memref_slice %arg7[%dma_start3A_541, %dma_start3A_542] : memref<10240x128xf32, #tpu.memory_space<vmem_shared>> -> memref<10240x128xf32, #tpu.memory_space<vmem_shared>>
      tpu.enqueue_indirect_dma source(%arg12 : memref<64x128xf32, #tpu.memory_space<vmem>>) target(%dma_start3A_543 : memref<10240x128xf32, #tpu.memory_space<vmem_shared>>) offsets(%dma_start3A_540 : memref<64xi32, #tpu.memory_space<vmem>>) semaphore(%arg20 : memref<!tpu.dma_semaphore, #tpu.memory_space<semaphore_mem>>) {add = true}
      %dma_wait3A_544 = arith.constant 7 : i32
      %dma_wait3A_545 = arith.constant 0 : i32
      %dma_wait3A_546 = tpu.memref_slice %arg10[%dma_wait3A_544, %dma_wait3A_545] : memref<10x64xi32, #tpu.memory_space<vmem>> -> memref<1x64xi32, #tpu.memory_space<vmem>>
      %dma_wait3A_547 = tpu.memref_squeeze %dma_wait3A_546 : memref<1x64xi32, #tpu.memory_space<vmem>> -> memref<64xi32, #tpu.memory_space<vmem>>
      %dma_wait3A_548 = arith.constant 0 : i32
      %dma_wait3A_549 = arith.constant 0 : i32
      %dma_wait3A_550 = tpu.memref_slice %arg2[%dma_wait3A_548, %dma_wait3A_549] : memref<10000x128xf32, #tpu.memory_space<hbm>> -> memref<10000x128xf32, #tpu.memory_space<hbm>>
      tpu.wait_indirect_dma semaphore(%arg17 : memref<!tpu.dma_semaphore, #tpu.memory_space<semaphore_mem>>) src(%dma_wait3A_550 : memref<10000x128xf32, #tpu.memory_space<hbm>>) dst(%arg13 : memref<64x128xf32, #tpu.memory_space<vmem>>)
      %dma_start3A_551 = arith.constant 7 : i32
      %dma_start3A_552 = arith.constant 0 : i32
      %dma_start3A_553 = tpu.memref_slice %arg11[%dma_start3A_551, %dma_start3A_552] : memref<10x64xi32, #tpu.memory_space<vmem>> -> memref<1x64xi32, #tpu.memory_space<vmem>>
      %dma_start3A_554 = tpu.memref_squeeze %dma_start3A_553 : memref<1x64xi32, #tpu.memory_space<vmem>> -> memref<64xi32, #tpu.memory_space<vmem>>
      %dma_start3A_555 = arith.constant 0 : i32
      %dma_start3A_556 = arith.constant 0 : i32
      %dma_start3A_557 = tpu.memref_slice %arg7[%dma_start3A_555, %dma_start3A_556] : memref<10240x128xf32, #tpu.memory_space<vmem_shared>> -> memref<10240x128xf32, #tpu.memory_space<vmem_shared>>
      tpu.enqueue_indirect_dma source(%arg13 : memref<64x128xf32, #tpu.memory_space<vmem>>) target(%dma_start3A_557 : memref<10240x128xf32, #tpu.memory_space<vmem_shared>>) offsets(%dma_start3A_554 : memref<64xi32, #tpu.memory_space<vmem>>) semaphore(%arg21 : memref<!tpu.dma_semaphore, #tpu.memory_space<semaphore_mem>>) {add = true}
      %dma_wait3A_558 = arith.constant 8 : i32
      %dma_wait3A_559 = arith.constant 0 : i32
      %dma_wait3A_560 = tpu.memref_slice %arg10[%dma_wait3A_558, %dma_wait3A_559] : memref<10x64xi32, #tpu.memory_space<vmem>> -> memref<1x64xi32, #tpu.memory_space<vmem>>
      %dma_wait3A_561 = tpu.memref_squeeze %dma_wait3A_560 : memref<1x64xi32, #tpu.memory_space<vmem>> -> memref<64xi32, #tpu.memory_space<vmem>>
      %dma_wait3A_562 = arith.constant 0 : i32
      %dma_wait3A_563 = arith.constant 0 : i32
      %dma_wait3A_564 = tpu.memref_slice %arg2[%dma_wait3A_562, %dma_wait3A_563] : memref<10000x128xf32, #tpu.memory_space<hbm>> -> memref<10000x128xf32, #tpu.memory_space<hbm>>
      tpu.wait_indirect_dma semaphore(%arg18 : memref<!tpu.dma_semaphore, #tpu.memory_space<semaphore_mem>>) src(%dma_wait3A_564 : memref<10000x128xf32, #tpu.memory_space<hbm>>) dst(%arg14 : memref<64x128xf32, #tpu.memory_space<vmem>>)
      %dma_start3A_565 = arith.constant 8 : i32
      %dma_start3A_566 = arith.constant 0 : i32
      %dma_start3A_567 = tpu.memref_slice %arg11[%dma_start3A_565, %dma_start3A_566] : memref<10x64xi32, #tpu.memory_space<vmem>> -> memref<1x64xi32, #tpu.memory_space<vmem>>
      %dma_start3A_568 = tpu.memref_squeeze %dma_start3A_567 : memref<1x64xi32, #tpu.memory_space<vmem>> -> memref<64xi32, #tpu.memory_space<vmem>>
      %dma_start3A_569 = arith.constant 0 : i32
      %dma_start3A_570 = arith.constant 0 : i32
      %dma_start3A_571 = tpu.memref_slice %arg7[%dma_start3A_569, %dma_start3A_570] : memref<10240x128xf32, #tpu.memory_space<vmem_shared>> -> memref<10240x128xf32, #tpu.memory_space<vmem_shared>>
      tpu.enqueue_indirect_dma source(%arg14 : memref<64x128xf32, #tpu.memory_space<vmem>>) target(%dma_start3A_571 : memref<10240x128xf32, #tpu.memory_space<vmem_shared>>) offsets(%dma_start3A_568 : memref<64xi32, #tpu.memory_space<vmem>>) semaphore(%arg22 : memref<!tpu.dma_semaphore, #tpu.memory_space<semaphore_mem>>) {add = true}
      %dma_wait3A_572 = arith.constant 9 : i32
      %dma_wait3A_573 = arith.constant 0 : i32
      %dma_wait3A_574 = tpu.memref_slice %arg10[%dma_wait3A_572, %dma_wait3A_573] : memref<10x64xi32, #tpu.memory_space<vmem>> -> memref<1x64xi32, #tpu.memory_space<vmem>>
      %dma_wait3A_575 = tpu.memref_squeeze %dma_wait3A_574 : memref<1x64xi32, #tpu.memory_space<vmem>> -> memref<64xi32, #tpu.memory_space<vmem>>
      %dma_wait3A_576 = arith.constant 0 : i32
      %dma_wait3A_577 = arith.constant 0 : i32
      %dma_wait3A_578 = tpu.memref_slice %arg2[%dma_wait3A_576, %dma_wait3A_577] : memref<10000x128xf32, #tpu.memory_space<hbm>> -> memref<10000x128xf32, #tpu.memory_space<hbm>>
      tpu.wait_indirect_dma semaphore(%arg19 : memref<!tpu.dma_semaphore, #tpu.memory_space<semaphore_mem>>) src(%dma_wait3A_578 : memref<10000x128xf32, #tpu.memory_space<hbm>>) dst(%arg15 : memref<64x128xf32, #tpu.memory_space<vmem>>)
      %dma_start3A_579 = arith.constant 9 : i32
      %dma_start3A_580 = arith.constant 0 : i32
      %dma_start3A_581 = tpu.memref_slice %arg11[%dma_start3A_579, %dma_start3A_580] : memref<10x64xi32, #tpu.memory_space<vmem>> -> memref<1x64xi32, #tpu.memory_space<vmem>>
      %dma_start3A_582 = tpu.memref_squeeze %dma_start3A_581 : memref<1x64xi32, #tpu.memory_space<vmem>> -> memref<64xi32, #tpu.memory_space<vmem>>
      %dma_start3A_583 = arith.constant 0 : i32
      %dma_start3A_584 = arith.constant 0 : i32
      %dma_start3A_585 = tpu.memref_slice %arg7[%dma_start3A_583, %dma_start3A_584] : memref<10240x128xf32, #tpu.memory_space<vmem_shared>> -> memref<10240x128xf32, #tpu.memory_space<vmem_shared>>
      tpu.enqueue_indirect_dma source(%arg15 : memref<64x128xf32, #tpu.memory_space<vmem>>) target(%dma_start3A_585 : memref<10240x128xf32, #tpu.memory_space<vmem_shared>>) offsets(%dma_start3A_582 : memref<64xi32, #tpu.memory_space<vmem>>) semaphore(%arg23 : memref<!tpu.dma_semaphore, #tpu.memory_space<semaphore_mem>>) {add = true}
      %dma_wait3A_586 = arith.constant 6 : i32
      %dma_wait3A_587 = arith.constant 0 : i32
      %dma_wait3A_588 = tpu.memref_slice %arg11[%dma_wait3A_586, %dma_wait3A_587] : memref<10x64xi32, #tpu.memory_space<vmem>> -> memref<1x64xi32, #tpu.memory_space<vmem>>
      %dma_wait3A_589 = tpu.memref_squeeze %dma_wait3A_588 : memref<1x64xi32, #tpu.memory_space<vmem>> -> memref<64xi32, #tpu.memory_space<vmem>>
      %dma_wait3A_590 = arith.constant 0 : i32
      %dma_wait3A_591 = arith.constant 0 : i32
      %dma_wait3A_592 = tpu.memref_slice %arg7[%dma_wait3A_590, %dma_wait3A_591] : memref<10240x128xf32, #tpu.memory_space<vmem_shared>> -> memref<10240x128xf32, #tpu.memory_space<vmem_shared>>
      tpu.wait_indirect_dma semaphore(%arg20 : memref<!tpu.dma_semaphore, #tpu.memory_space<semaphore_mem>>) src(%arg12 : memref<64x128xf32, #tpu.memory_space<vmem>>) dst(%dma_wait3A_592 : memref<10240x128xf32, #tpu.memory_space<vmem_shared>>)
      %dma_wait3A_593 = arith.constant 7 : i32
      %dma_wait3A_594 = arith.constant 0 : i32
      %dma_wait3A_595 = tpu.memref_slice %arg11[%dma_wait3A_593, %dma_wait3A_594] : memref<10x64xi32, #tpu.memory_space<vmem>> -> memref<1x64xi32, #tpu.memory_space<vmem>>
      %dma_wait3A_596 = tpu.memref_squeeze %dma_wait3A_595 : memref<1x64xi32, #tpu.memory_space<vmem>> -> memref<64xi32, #tpu.memory_space<vmem>>
      %dma_wait3A_597 = arith.constant 0 : i32
      %dma_wait3A_598 = arith.constant 0 : i32
      %dma_wait3A_599 = tpu.memref_slice %arg7[%dma_wait3A_597, %dma_wait3A_598] : memref<10240x128xf32, #tpu.memory_space<vmem_shared>> -> memref<10240x128xf32, #tpu.memory_space<vmem_shared>>
      tpu.wait_indirect_dma semaphore(%arg21 : memref<!tpu.dma_semaphore, #tpu.memory_space<semaphore_mem>>) src(%arg13 : memref<64x128xf32, #tpu.memory_space<vmem>>) dst(%dma_wait3A_599 : memref<10240x128xf32, #tpu.memory_space<vmem_shared>>)
      %dma_wait3A_600 = arith.constant 8 : i32
      %dma_wait3A_601 = arith.constant 0 : i32
      %dma_wait3A_602 = tpu.memref_slice %arg11[%dma_wait3A_600, %dma_wait3A_601] : memref<10x64xi32, #tpu.memory_space<vmem>> -> memref<1x64xi32, #tpu.memory_space<vmem>>
      %dma_wait3A_603 = tpu.memref_squeeze %dma_wait3A_602 : memref<1x64xi32, #tpu.memory_space<vmem>> -> memref<64xi32, #tpu.memory_space<vmem>>
      %dma_wait3A_604 = arith.constant 0 : i32
      %dma_wait3A_605 = arith.constant 0 : i32
      %dma_wait3A_606 = tpu.memref_slice %arg7[%dma_wait3A_604, %dma_wait3A_605] : memref<10240x128xf32, #tpu.memory_space<vmem_shared>> -> memref<10240x128xf32, #tpu.memory_space<vmem_shared>>
      tpu.wait_indirect_dma semaphore(%arg22 : memref<!tpu.dma_semaphore, #tpu.memory_space<semaphore_mem>>) src(%arg14 : memref<64x128xf32, #tpu.memory_space<vmem>>) dst(%dma_wait3A_606 : memref<10240x128xf32, #tpu.memory_space<vmem_shared>>)
      %dma_wait3A_607 = arith.constant 9 : i32
      %dma_wait3A_608 = arith.constant 0 : i32
      %dma_wait3A_609 = tpu.memref_slice %arg11[%dma_wait3A_607, %dma_wait3A_608] : memref<10x64xi32, #tpu.memory_space<vmem>> -> memref<1x64xi32, #tpu.memory_space<vmem>>
      %dma_wait3A_610 = tpu.memref_squeeze %dma_wait3A_609 : memref<1x64xi32, #tpu.memory_space<vmem>> -> memref<64xi32, #tpu.memory_space<vmem>>
      %dma_wait3A_611 = arith.constant 0 : i32
      %dma_wait3A_612 = arith.constant 0 : i32
      %dma_wait3A_613 = tpu.memref_slice %arg7[%dma_wait3A_611, %dma_wait3A_612] : memref<10240x128xf32, #tpu.memory_space<vmem_shared>> -> memref<10240x128xf32, #tpu.memory_space<vmem_shared>>
      tpu.wait_indirect_dma semaphore(%arg23 : memref<!tpu.dma_semaphore, #tpu.memory_space<semaphore_mem>>) src(%arg15 : memref<64x128xf32, #tpu.memory_space<vmem>>) dst(%dma_wait3A_613 : memref<10240x128xf32, #tpu.memory_space<vmem_shared>>)
      %scan3A_614 = arith.constant 0 : i32
      scf.yield %scan3A_614 : i32
    }
    %scan3A_8 = arith.constant 8 : i32
    %barrier3A_9 = arith.constant 0 : index
    tpu.barrier barrier_id(%barrier3A_9)
    "tpu.region"() ({
      %run_scoped3A = tpu.sem_alloc : memref<!tpu.dma_semaphore, #tpu.memory_space<semaphore_mem>>
      %dma_start3A = arith.constant 0 : i32
      %dma_start3A_10 = tpu.memref_slice %arg6[%arg0, %multiple_of3A, %dma_start3A] : memref<2x10240x128xf32, #tpu.memory_space<hbm>> -> memref<1x640x128xf32, #tpu.memory_space<hbm>>
      %dma_start3A_11 = tpu.memref_squeeze %dma_start3A_10 : memref<1x640x128xf32, #tpu.memory_space<hbm>> -> memref<640x128xf32, #tpu.memory_space<hbm>>
      %dma_start3A_12 = arith.constant 0 : i32
      %dma_start3A_13 = tpu.memref_slice %arg7[%multiple_of3A, %dma_start3A_12] : memref<10240x128xf32, #tpu.memory_space<vmem_shared>> -> memref<640x128xf32, #tpu.memory_space<vmem_shared>>
      tpu.enqueue_dma source(%dma_start3A_13 : memref<640x128xf32, #tpu.memory_space<vmem_shared>>) target(%dma_start3A_11 : memref<640x128xf32, #tpu.memory_space<hbm>>) target_semaphore(%run_scoped3A : memref<!tpu.dma_semaphore, #tpu.memory_space<semaphore_mem>>)
      %dma_wait3A = arith.constant 0 : i32
      %dma_wait3A_14 = tpu.memref_slice %arg6[%arg0, %multiple_of3A, %dma_wait3A] : memref<2x10240x128xf32, #tpu.memory_space<hbm>> -> memref<1x640x128xf32, #tpu.memory_space<hbm>>
      %dma_wait3A_15 = tpu.memref_squeeze %dma_wait3A_14 : memref<1x640x128xf32, #tpu.memory_space<hbm>> -> memref<640x128xf32, #tpu.memory_space<hbm>>
      %dma_wait3A_16 = arith.constant 0 : i32
      %dma_wait3A_17 = tpu.memref_slice %arg7[%multiple_of3A, %dma_wait3A_16] : memref<10240x128xf32, #tpu.memory_space<vmem_shared>> -> memref<640x128xf32, #tpu.memory_space<vmem_shared>>
      tpu.wait_dma2 semaphore(%run_scoped3A : memref<!tpu.dma_semaphore, #tpu.memory_space<semaphore_mem>>) src(%dma_wait3A_17 : memref<640x128xf32, #tpu.memory_space<vmem_shared>>) dst(%dma_wait3A_15 : memref<640x128xf32, #tpu.memory_space<hbm>>)
      tpu.yield
    }) : () -> ()
    return
  }
}

#map = affine_map<(d0, d1) -> (0, 0)>
#map1 = affine_map<(d0, d1) -> (0, 0, 0, 0)>
#map2 = affine_map<(d0, d1) -> (0, 0, 0)>
module attributes {stable_mosaic.version = 14 : i64} {
  func.func @seg_sum(%arg0: i32, %arg1: i32, %arg2: memref<10000x128xf32, #tpu.memory_space<hbm>>, %arg3: memref<32x16x10x64xi32, #tpu.memory_space<hbm>>, %arg4: memref<32x16x10x64xi32, #tpu.memory_space<hbm>>, %arg5: memref<640x128xf32, #tpu.memory_space<hbm>>, %arg6: memref<2x10240x128xf32, #tpu.memory_space<hbm>>, %arg7: memref<10240x128xf32, #tpu.memory_space<vmem_shared>>, %arg8: memref<10x64xi32, #tpu.memory_space<vmem>>, %arg9: memref<10x64xi32, #tpu.memory_space<vmem>>, %arg10: memref<10x64xi32, #tpu.memory_space<vmem>>, %arg11: memref<10x64xi32, #tpu.memory_space<vmem>>, %arg12: memref<64x128xf32, #tpu.memory_space<vmem>>, %arg13: memref<64x128xf32, #tpu.memory_space<vmem>>, %arg14: memref<64x128xf32, #tpu.memory_space<vmem>>, %arg15: memref<64x128xf32, #tpu.memory_space<vmem>>, %arg16: memref<!tpu.dma_semaphore, #tpu.memory_space<semaphore_mem>>, %arg17: memref<!tpu.dma_semaphore, #tpu.memory_space<semaphore_mem>>, %arg18: memref<!tpu.dma_semaphore, #tpu.memory_space<semaphore_mem>>, %arg19: memref<!tpu.dma_semaphore, #tpu.memory_space<semaphore_mem>>, %arg20: memref<!tpu.dma_semaphore, #tpu.memory_space<semaphore_mem>>, %arg21: memref<!tpu.dma_semaphore, #tpu.memory_space<semaphore_mem>>, %arg22: memref<!tpu.dma_semaphore, #tpu.memory_space<semaphore_mem>>, %arg23: memref<!tpu.dma_semaphore, #tpu.memory_space<semaphore_mem>>, %arg24: memref<!tpu.dma_semaphore, #tpu.memory_space<semaphore_mem>>) attributes {dimension_semantics = [#tpu.dimension_semantics<core_parallel>, #tpu.dimension_semantics<subcore_parallel>], iteration_bounds = array<i64: 2, 16>, scalar_prefetch = 0 : i64, scratch_operands = 18 : i64, tpu.core_type = #tpu.core_type<sc_vector_subcore>, window_params = [{transform_indices = #map}, {transform_indices = #map1}, {transform_indices = #map1}, {transform_indices = #map}, {transform_indices = #map2}]} {
    %mul3A = arith.constant 16 : i32
    %mul3A_0 = arith.muli %arg0, %mul3A : i32
    %add3A = arith.addi %mul3A_0, %arg1 : i32
    %mul3A_1 = arith.constant 640 : i32
    %mul3A_2 = arith.muli %arg1, %mul3A_1 : i32
    %multiple_of3A = tpu.assume_multiple %mul3A_2, 8 : i32
    "tpu.region"() ({
      %run_scoped3A = tpu.sem_alloc : memref<!tpu.dma_semaphore, #tpu.memory_space<semaphore_mem>>
      %dma_start3A = arith.constant 0 : i32
      %dma_start3A_10 = tpu.memref_slice %arg7[%multiple_of3A, %dma_start3A] : memref<10240x128xf32, #tpu.memory_space<vmem_shared>> -> memref<640x128xf32, #tpu.memory_space<vmem_shared>>
      tpu.enqueue_dma source(%arg5 : memref<640x128xf32, #tpu.memory_space<hbm>>) target(%dma_start3A_10 : memref<640x128xf32, #tpu.memory_space<vmem_shared>>) target_semaphore(%run_scoped3A : memref<!tpu.dma_semaphore, #tpu.memory_space<semaphore_mem>>)
      %dma_wait3A = arith.constant 0 : i32
      %dma_wait3A_11 = tpu.memref_slice %arg7[%multiple_of3A, %dma_wait3A] : memref<10240x128xf32, #tpu.memory_space<vmem_shared>> -> memref<640x128xf32, #tpu.memory_space<vmem_shared>>
      tpu.wait_dma2 semaphore(%run_scoped3A : memref<!tpu.dma_semaphore, #tpu.memory_space<semaphore_mem>>) src(%arg5 : memref<640x128xf32, #tpu.memory_space<hbm>>) dst(%dma_wait3A_11 : memref<640x128xf32, #tpu.memory_space<vmem_shared>>)
      tpu.yield
    }) : () -> ()
    %barrier3A = arith.constant 0 : index
    tpu.barrier barrier_id(%barrier3A)
    %scan3A = arith.constant 0 : i32
    %scan3A_3 = arith.constant 0 : i32
    %scan3A_4 = arith.constant 8 : i32
    %scan3A_5 = arith.addi %scan3A_3, %scan3A_4 : i32
    %scan3A_6 = arith.constant 1 : i32
    %scan3A_7 = scf.for %scan3A_10 = %scan3A_3 to %scan3A_5 step %scan3A_6 iter_args(%scan3A_11 = %scan3A) -> (i32)  : i32 {
      %mul3A_12 = arith.constant 2 : i32
      %mul3A_13 = arith.muli %mul3A_12, %scan3A_10 : i32
      "tpu.region"() ({
        %run_scoped3A = tpu.sem_alloc : memref<!tpu.dma_semaphore, #tpu.memory_space<semaphore_mem>>
        %dma_start3A_615 = arith.constant 0 : i32
        %dma_start3A_616 = arith.constant 0 : i32
        %dma_start3A_617 = tpu.memref_slice %arg3[%add3A, %mul3A_13, %dma_start3A_615, %dma_start3A_616] : memref<32x16x10x64xi32, #tpu.memory_space<hbm>> -> memref<1x1x10x64xi32, #tpu.memory_space<hbm>>
        %dma_start3A_618 = tpu.memref_squeeze %dma_start3A_617 : memref<1x1x10x64xi32, #tpu.memory_space<hbm>> -> memref<10x64xi32, #tpu.memory_space<hbm>>
        %dma_start3A_619 = arith.constant 0 : i32
        %dma_start3A_620 = arith.constant 0 : i32
        %dma_start3A_621 = tpu.memref_slice %arg3[%add3A, %mul3A_13, %dma_start3A_619, %dma_start3A_620] : memref<32x16x10x64xi32, #tpu.memory_space<hbm>> -> memref<1x1x10x64xi32, #tpu.memory_space<hbm>>
        %dma_start3A_622 = tpu.memref_squeeze %dma_start3A_621 : memref<1x1x10x64xi32, #tpu.memory_space<hbm>> -> memref<10x64xi32, #tpu.memory_space<hbm>>
        tpu.enqueue_dma source(%dma_start3A_622 : memref<10x64xi32, #tpu.memory_space<hbm>>) target(%arg8 : memref<10x64xi32, #tpu.memory_space<vmem>>) target_semaphore(%run_scoped3A : memref<!tpu.dma_semaphore, #tpu.memory_space<semaphore_mem>>)
        %dma_wait3A_623 = arith.constant 0 : i32
        %dma_wait3A_624 = arith.constant 0 : i32
        %dma_wait3A_625 = tpu.memref_slice %arg3[%add3A, %mul3A_13, %dma_wait3A_623, %dma_wait3A_624] : memref<32x16x10x64xi32, #tpu.memory_space<hbm>> -> memref<1x1x10x64xi32, #tpu.memory_space<hbm>>
        %dma_wait3A_626 = tpu.memref_squeeze %dma_wait3A_625 : memref<1x1x10x64xi32, #tpu.memory_space<hbm>> -> memref<10x64xi32, #tpu.memory_space<hbm>>
        %dma_wait3A_627 = arith.constant 0 : i32
        %dma_wait3A_628 = arith.constant 0 : i32
        %dma_wait3A_629 = tpu.memref_slice %arg3[%add3A, %mul3A_13, %dma_wait3A_627, %dma_wait3A_628] : memref<32x16x10x64xi32, #tpu.memory_space<hbm>> -> memref<1x1x10x64xi32, #tpu.memory_space<hbm>>
        %dma_wait3A_630 = tpu.memref_squeeze %dma_wait3A_629 : memref<1x1x10x64xi32, #tpu.memory_space<hbm>> -> memref<10x64xi32, #tpu.memory_space<hbm>>
        tpu.wait_dma2 semaphore(%run_scoped3A : memref<!tpu.dma_semaphore, #tpu.memory_space<semaphore_mem>>) src(%dma_wait3A_630 : memref<10x64xi32, #tpu.memory_space<hbm>>) dst(%arg8 : memref<10x64xi32, #tpu.memory_space<vmem>>)
        tpu.yield
      }) : () -> ()
      %mul3A_14 = arith.constant 2 : i32
      %mul3A_15 = arith.muli %mul3A_14, %scan3A_10 : i32
      "tpu.region"() ({
        %run_scoped3A = tpu.sem_alloc : memref<!tpu.dma_semaphore, #tpu.memory_space<semaphore_mem>>
        %dma_start3A_615 = arith.constant 0 : i32
        %dma_start3A_616 = arith.constant 0 : i32
        %dma_start3A_617 = tpu.memref_slice %arg4[%add3A, %mul3A_15, %dma_start3A_615, %dma_start3A_616] : memref<32x16x10x64xi32, #tpu.memory_space<hbm>> -> memref<1x1x10x64xi32, #tpu.memory_space<hbm>>
        %dma_start3A_618 = tpu.memref_squeeze %dma_start3A_617 : memref<1x1x10x64xi32, #tpu.memory_space<hbm>> -> memref<10x64xi32, #tpu.memory_space<hbm>>
        %dma_start3A_619 = arith.constant 0 : i32
        %dma_start3A_620 = arith.constant 0 : i32
        %dma_start3A_621 = tpu.memref_slice %arg4[%add3A, %mul3A_15, %dma_start3A_619, %dma_start3A_620] : memref<32x16x10x64xi32, #tpu.memory_space<hbm>> -> memref<1x1x10x64xi32, #tpu.memory_space<hbm>>
        %dma_start3A_622 = tpu.memref_squeeze %dma_start3A_621 : memref<1x1x10x64xi32, #tpu.memory_space<hbm>> -> memref<10x64xi32, #tpu.memory_space<hbm>>
        tpu.enqueue_dma source(%dma_start3A_622 : memref<10x64xi32, #tpu.memory_space<hbm>>) target(%arg9 : memref<10x64xi32, #tpu.memory_space<vmem>>) target_semaphore(%run_scoped3A : memref<!tpu.dma_semaphore, #tpu.memory_space<semaphore_mem>>)
        %dma_wait3A_623 = arith.constant 0 : i32
        %dma_wait3A_624 = arith.constant 0 : i32
        %dma_wait3A_625 = tpu.memref_slice %arg4[%add3A, %mul3A_15, %dma_wait3A_623, %dma_wait3A_624] : memref<32x16x10x64xi32, #tpu.memory_space<hbm>> -> memref<1x1x10x64xi32, #tpu.memory_space<hbm>>
        %dma_wait3A_626 = tpu.memref_squeeze %dma_wait3A_625 : memref<1x1x10x64xi32, #tpu.memory_space<hbm>> -> memref<10x64xi32, #tpu.memory_space<hbm>>
        %dma_wait3A_627 = arith.constant 0 : i32
        %dma_wait3A_628 = arith.constant 0 : i32
        %dma_wait3A_629 = tpu.memref_slice %arg4[%add3A, %mul3A_15, %dma_wait3A_627, %dma_wait3A_628] : memref<32x16x10x64xi32, #tpu.memory_space<hbm>> -> memref<1x1x10x64xi32, #tpu.memory_space<hbm>>
        %dma_wait3A_630 = tpu.memref_squeeze %dma_wait3A_629 : memref<1x1x10x64xi32, #tpu.memory_space<hbm>> -> memref<10x64xi32, #tpu.memory_space<hbm>>
        tpu.wait_dma2 semaphore(%run_scoped3A : memref<!tpu.dma_semaphore, #tpu.memory_space<semaphore_mem>>) src(%dma_wait3A_630 : memref<10x64xi32, #tpu.memory_space<hbm>>) dst(%arg9 : memref<10x64xi32, #tpu.memory_space<vmem>>)
        tpu.yield
      }) : () -> ()
      %dma_start3A = arith.constant 0 : i32
      %dma_start3A_16 = arith.constant 0 : i32
      %dma_start3A_17 = tpu.memref_slice %arg8[%dma_start3A, %dma_start3A_16] : memref<10x64xi32, #tpu.memory_space<vmem>> -> memref<1x64xi32, #tpu.memory_space<vmem>>
      %dma_start3A_18 = tpu.memref_squeeze %dma_start3A_17 : memref<1x64xi32, #tpu.memory_space<vmem>> -> memref<64xi32, #tpu.memory_space<vmem>>
      %dma_start3A_19 = arith.constant 0 : i32
      %dma_start3A_20 = arith.constant 0 : i32
      %dma_start3A_21 = tpu.memref_slice %arg2[%dma_start3A_19, %dma_start3A_20] : memref<10000x128xf32, #tpu.memory_space<hbm>> -> memref<10000x128xf32, #tpu.memory_space<hbm>>
      tpu.enqueue_indirect_dma source(%dma_start3A_21 : memref<10000x128xf32, #tpu.memory_space<hbm>>) target(%arg12 : memref<64x128xf32, #tpu.memory_space<vmem>>) offsets(%dma_start3A_18 : memref<64xi32, #tpu.memory_space<vmem>>) semaphore(%arg16 : memref<!tpu.dma_semaphore, #tpu.memory_space<semaphore_mem>>)
      %mul3A_22 = arith.constant 2 : i32
      %mul3A_23 = arith.muli %mul3A_22, %scan3A_10 : i32
      %add3A_24 = arith.constant 1 : i32
      %add3A_25 = arith.addi %mul3A_23, %add3A_24 : i32
      %dma_start3A_26 = arith.constant 0 : i32
      %dma_start3A_27 = arith.constant 0 : i32
      %dma_start3A_28 = tpu.memref_slice %arg3[%add3A, %add3A_25, %dma_start3A_26, %dma_start3A_27] : memref<32x16x10x64xi32, #tpu.memory_space<hbm>> -> memref<1x1x10x64xi32, #tpu.memory_space<hbm>>
      %dma_start3A_29 = tpu.memref_squeeze %dma_start3A_28 : memref<1x1x10x64xi32, #tpu.memory_space<hbm>> -> memref<10x64xi32, #tpu.memory_space<hbm>>
      %dma_start3A_30 = arith.constant 0 : i32
      %dma_start3A_31 = arith.constant 0 : i32
      %dma_start3A_32 = tpu.memref_slice %arg3[%add3A, %add3A_25, %dma_start3A_30, %dma_start3A_31] : memref<32x16x10x64xi32, #tpu.memory_space<hbm>> -> memref<1x1x10x64xi32, #tpu.memory_space<hbm>>
      %dma_start3A_33 = tpu.memref_squeeze %dma_start3A_32 : memref<1x1x10x64xi32, #tpu.memory_space<hbm>> -> memref<10x64xi32, #tpu.memory_space<hbm>>
      tpu.enqueue_dma source(%dma_start3A_33 : memref<10x64xi32, #tpu.memory_space<hbm>>) target(%arg10 : memref<10x64xi32, #tpu.memory_space<vmem>>) target_semaphore(%arg24 : memref<!tpu.dma_semaphore, #tpu.memory_space<semaphore_mem>>)
      %mul3A_34 = arith.constant 2 : i32
      %mul3A_35 = arith.muli %mul3A_34, %scan3A_10 : i32
      %add3A_36 = arith.constant 1 : i32
      %add3A_37 = arith.addi %mul3A_35, %add3A_36 : i32
      %dma_start3A_38 = arith.constant 0 : i32
      %dma_start3A_39 = arith.constant 0 : i32
      %dma_start3A_40 = tpu.memref_slice %arg4[%add3A, %add3A_37, %dma_start3A_38, %dma_start3A_39] : memref<32x16x10x64xi32, #tpu.memory_space<hbm>> -> memref<1x1x10x64xi32, #tpu.memory_space<hbm>>
      %dma_start3A_41 = tpu.memref_squeeze %dma_start3A_40 : memref<1x1x10x64xi32, #tpu.memory_space<hbm>> -> memref<10x64xi32, #tpu.memory_space<hbm>>
      %dma_start3A_42 = arith.constant 0 : i32
      %dma_start3A_43 = arith.constant 0 : i32
      %dma_start3A_44 = tpu.memref_slice %arg4[%add3A, %add3A_37, %dma_start3A_42, %dma_start3A_43] : memref<32x16x10x64xi32, #tpu.memory_space<hbm>> -> memref<1x1x10x64xi32, #tpu.memory_space<hbm>>
      %dma_start3A_45 = tpu.memref_squeeze %dma_start3A_44 : memref<1x1x10x64xi32, #tpu.memory_space<hbm>> -> memref<10x64xi32, #tpu.memory_space<hbm>>
      tpu.enqueue_dma source(%dma_start3A_45 : memref<10x64xi32, #tpu.memory_space<hbm>>) target(%arg11 : memref<10x64xi32, #tpu.memory_space<vmem>>) target_semaphore(%arg24 : memref<!tpu.dma_semaphore, #tpu.memory_space<semaphore_mem>>)
      %dma_start3A_46 = arith.constant 1 : i32
      %dma_start3A_47 = arith.constant 0 : i32
      %dma_start3A_48 = tpu.memref_slice %arg8[%dma_start3A_46, %dma_start3A_47] : memref<10x64xi32, #tpu.memory_space<vmem>> -> memref<1x64xi32, #tpu.memory_space<vmem>>
      %dma_start3A_49 = tpu.memref_squeeze %dma_start3A_48 : memref<1x64xi32, #tpu.memory_space<vmem>> -> memref<64xi32, #tpu.memory_space<vmem>>
      %dma_start3A_50 = arith.constant 0 : i32
      %dma_start3A_51 = arith.constant 0 : i32
      %dma_start3A_52 = tpu.memref_slice %arg2[%dma_start3A_50, %dma_start3A_51] : memref<10000x128xf32, #tpu.memory_space<hbm>> -> memref<10000x128xf32, #tpu.memory_space<hbm>>
      tpu.enqueue_indirect_dma source(%dma_start3A_52 : memref<10000x128xf32, #tpu.memory_space<hbm>>) target(%arg13 : memref<64x128xf32, #tpu.memory_space<vmem>>) offsets(%dma_start3A_49 : memref<64xi32, #tpu.memory_space<vmem>>) semaphore(%arg17 : memref<!tpu.dma_semaphore, #tpu.memory_space<semaphore_mem>>)
      %dma_start3A_53 = arith.constant 2 : i32
      %dma_start3A_54 = arith.constant 0 : i32
      %dma_start3A_55 = tpu.memref_slice %arg8[%dma_start3A_53, %dma_start3A_54] : memref<10x64xi32, #tpu.memory_space<vmem>> -> memref<1x64xi32, #tpu.memory_space<vmem>>
      %dma_start3A_56 = tpu.memref_squeeze %dma_start3A_55 : memref<1x64xi32, #tpu.memory_space<vmem>> -> memref<64xi32, #tpu.memory_space<vmem>>
      %dma_start3A_57 = arith.constant 0 : i32
      %dma_start3A_58 = arith.constant 0 : i32
      %dma_start3A_59 = tpu.memref_slice %arg2[%dma_start3A_57, %dma_start3A_58] : memref<10000x128xf32, #tpu.memory_space<hbm>> -> memref<10000x128xf32, #tpu.memory_space<hbm>>
      tpu.enqueue_indirect_dma source(%dma_start3A_59 : memref<10000x128xf32, #tpu.memory_space<hbm>>) target(%arg14 : memref<64x128xf32, #tpu.memory_space<vmem>>) offsets(%dma_start3A_56 : memref<64xi32, #tpu.memory_space<vmem>>) semaphore(%arg18 : memref<!tpu.dma_semaphore, #tpu.memory_space<semaphore_mem>>)
      %dma_start3A_60 = arith.constant 3 : i32
      %dma_start3A_61 = arith.constant 0 : i32
      %dma_start3A_62 = tpu.memref_slice %arg8[%dma_start3A_60, %dma_start3A_61] : memref<10x64xi32, #tpu.memory_space<vmem>> -> memref<1x64xi32, #tpu.memory_space<vmem>>
      %dma_start3A_63 = tpu.memref_squeeze %dma_start3A_62 : memref<1x64xi32, #tpu.memory_space<vmem>> -> memref<64xi32, #tpu.memory_space<vmem>>
      %dma_start3A_64 = arith.constant 0 : i32
      %dma_start3A_65 = arith.constant 0 : i32
      %dma_start3A_66 = tpu.memref_slice %arg2[%dma_start3A_64, %dma_start3A_65] : memref<10000x128xf32, #tpu.memory_space<hbm>> -> memref<10000x128xf32, #tpu.memory_space<hbm>>
      tpu.enqueue_indirect_dma source(%dma_start3A_66 : memref<10000x128xf32, #tpu.memory_space<hbm>>) target(%arg15 : memref<64x128xf32, #tpu.memory_space<vmem>>) offsets(%dma_start3A_63 : memref<64xi32, #tpu.memory_space<vmem>>) semaphore(%arg19 : memref<!tpu.dma_semaphore, #tpu.memory_space<semaphore_mem>>)
      %dma_wait3A = arith.constant 0 : i32
      %dma_wait3A_67 = arith.constant 0 : i32
      %dma_wait3A_68 = tpu.memref_slice %arg8[%dma_wait3A, %dma_wait3A_67] : memref<10x64xi32, #tpu.memory_space<vmem>> -> memref<1x64xi32, #tpu.memory_space<vmem>>
      %dma_wait3A_69 = tpu.memref_squeeze %dma_wait3A_68 : memref<1x64xi32, #tpu.memory_space<vmem>> -> memref<64xi32, #tpu.memory_space<vmem>>
      %dma_wait3A_70 = arith.constant 0 : i32
      %dma_wait3A_71 = arith.constant 0 : i32
      %dma_wait3A_72 = tpu.memref_slice %arg2[%dma_wait3A_70, %dma_wait3A_71] : memref<10000x128xf32, #tpu.memory_space<hbm>> -> memref<10000x128xf32, #tpu.memory_space<hbm>>
      tpu.wait_indirect_dma semaphore(%arg16 : memref<!tpu.dma_semaphore, #tpu.memory_space<semaphore_mem>>) src(%dma_wait3A_72 : memref<10000x128xf32, #tpu.memory_space<hbm>>) dst(%arg12 : memref<64x128xf32, #tpu.memory_space<vmem>>)
      %dma_start3A_73 = arith.constant 0 : i32
      %dma_start3A_74 = arith.constant 0 : i32
      %dma_start3A_75 = tpu.memref_slice %arg9[%dma_start3A_73, %dma_start3A_74] : memref<10x64xi32, #tpu.memory_space<vmem>> -> memref<1x64xi32, #tpu.memory_space<vmem>>
      %dma_start3A_76 = tpu.memref_squeeze %dma_start3A_75 : memref<1x64xi32, #tpu.memory_space<vmem>> -> memref<64xi32, #tpu.memory_space<vmem>>
      %dma_start3A_77 = arith.constant 0 : i32
      %dma_start3A_78 = arith.constant 0 : i32
      %dma_start3A_79 = tpu.memref_slice %arg7[%dma_start3A_77, %dma_start3A_78] : memref<10240x128xf32, #tpu.memory_space<vmem_shared>> -> memref<10240x128xf32, #tpu.memory_space<vmem_shared>>
      tpu.enqueue_indirect_dma source(%arg12 : memref<64x128xf32, #tpu.memory_space<vmem>>) target(%dma_start3A_79 : memref<10240x128xf32, #tpu.memory_space<vmem_shared>>) offsets(%dma_start3A_76 : memref<64xi32, #tpu.memory_space<vmem>>) semaphore(%arg20 : memref<!tpu.dma_semaphore, #tpu.memory_space<semaphore_mem>>) {add = true}
      %dma_wait3A_80 = arith.constant 0 : i32
      %dma_wait3A_81 = arith.constant 0 : i32
      %dma_wait3A_82 = tpu.memref_slice %arg9[%dma_wait3A_80, %dma_wait3A_81] : memref<10x64xi32, #tpu.memory_space<vmem>> -> memref<1x64xi32, #tpu.memory_space<vmem>>
      %dma_wait3A_83 = tpu.memref_squeeze %dma_wait3A_82 : memref<1x64xi32, #tpu.memory_space<vmem>> -> memref<64xi32, #tpu.memory_space<vmem>>
      %dma_wait3A_84 = arith.constant 0 : i32
      %dma_wait3A_85 = arith.constant 0 : i32
      %dma_wait3A_86 = tpu.memref_slice %arg7[%dma_wait3A_84, %dma_wait3A_85] : memref<10240x128xf32, #tpu.memory_space<vmem_shared>> -> memref<10240x128xf32, #tpu.memory_space<vmem_shared>>
      tpu.wait_indirect_dma semaphore(%arg20 : memref<!tpu.dma_semaphore, #tpu.memory_space<semaphore_mem>>) src(%arg12 : memref<64x128xf32, #tpu.memory_space<vmem>>) dst(%dma_wait3A_86 : memref<10240x128xf32, #tpu.memory_space<vmem_shared>>)
      %dma_start3A_87 = arith.constant 4 : i32
      %dma_start3A_88 = arith.constant 0 : i32
      %dma_start3A_89 = tpu.memref_slice %arg8[%dma_start3A_87, %dma_start3A_88] : memref<10x64xi32, #tpu.memory_space<vmem>> -> memref<1x64xi32, #tpu.memory_space<vmem>>
      %dma_start3A_90 = tpu.memref_squeeze %dma_start3A_89 : memref<1x64xi32, #tpu.memory_space<vmem>> -> memref<64xi32, #tpu.memory_space<vmem>>
      %dma_start3A_91 = arith.constant 0 : i32
      %dma_start3A_92 = arith.constant 0 : i32
      %dma_start3A_93 = tpu.memref_slice %arg2[%dma_start3A_91, %dma_start3A_92] : memref<10000x128xf32, #tpu.memory_space<hbm>> -> memref<10000x128xf32, #tpu.memory_space<hbm>>
      tpu.enqueue_indirect_dma source(%dma_start3A_93 : memref<10000x128xf32, #tpu.memory_space<hbm>>) target(%arg12 : memref<64x128xf32, #tpu.memory_space<vmem>>) offsets(%dma_start3A_90 : memref<64xi32, #tpu.memory_space<vmem>>) semaphore(%arg16 : memref<!tpu.dma_semaphore, #tpu.memory_space<semaphore_mem>>)
      %dma_wait3A_94 = arith.constant 1 : i32
      %dma_wait3A_95 = arith.constant 0 : i32
      %dma_wait3A_96 = tpu.memref_slice %arg8[%dma_wait3A_94, %dma_wait3A_95] : memref<10x64xi32, #tpu.memory_space<vmem>> -> memref<1x64xi32, #tpu.memory_space<vmem>>
      %dma_wait3A_97 = tpu.memref_squeeze %dma_wait3A_96 : memref<1x64xi32, #tpu.memory_space<vmem>> -> memref<64xi32, #tpu.memory_space<vmem>>
      %dma_wait3A_98 = arith.constant 0 : i32
      %dma_wait3A_99 = arith.constant 0 : i32
      %dma_wait3A_100 = tpu.memref_slice %arg2[%dma_wait3A_98, %dma_wait3A_99] : memref<10000x128xf32, #tpu.memory_space<hbm>> -> memref<10000x128xf32, #tpu.memory_space<hbm>>
      tpu.wait_indirect_dma semaphore(%arg17 : memref<!tpu.dma_semaphore, #tpu.memory_space<semaphore_mem>>) src(%dma_wait3A_100 : memref<10000x128xf32, #tpu.memory_space<hbm>>) dst(%arg13 : memref<64x128xf32, #tpu.memory_space<vmem>>)
      %dma_start3A_101 = arith.constant 1 : i32
      %dma_start3A_102 = arith.constant 0 : i32
      %dma_start3A_103 = tpu.memref_slice %arg9[%dma_start3A_101, %dma_start3A_102] : memref<10x64xi32, #tpu.memory_space<vmem>> -> memref<1x64xi32, #tpu.memory_space<vmem>>
      %dma_start3A_104 = tpu.memref_squeeze %dma_start3A_103 : memref<1x64xi32, #tpu.memory_space<vmem>> -> memref<64xi32, #tpu.memory_space<vmem>>
      %dma_start3A_105 = arith.constant 0 : i32
      %dma_start3A_106 = arith.constant 0 : i32
      %dma_start3A_107 = tpu.memref_slice %arg7[%dma_start3A_105, %dma_start3A_106] : memref<10240x128xf32, #tpu.memory_space<vmem_shared>> -> memref<10240x128xf32, #tpu.memory_space<vmem_shared>>
      tpu.enqueue_indirect_dma source(%arg13 : memref<64x128xf32, #tpu.memory_space<vmem>>) target(%dma_start3A_107 : memref<10240x128xf32, #tpu.memory_space<vmem_shared>>) offsets(%dma_start3A_104 : memref<64xi32, #tpu.memory_space<vmem>>) semaphore(%arg21 : memref<!tpu.dma_semaphore, #tpu.memory_space<semaphore_mem>>) {add = true}
      %dma_wait3A_108 = arith.constant 1 : i32
      %dma_wait3A_109 = arith.constant 0 : i32
      %dma_wait3A_110 = tpu.memref_slice %arg9[%dma_wait3A_108, %dma_wait3A_109] : memref<10x64xi32, #tpu.memory_space<vmem>> -> memref<1x64xi32, #tpu.memory_space<vmem>>
      %dma_wait3A_111 = tpu.memref_squeeze %dma_wait3A_110 : memref<1x64xi32, #tpu.memory_space<vmem>> -> memref<64xi32, #tpu.memory_space<vmem>>
      %dma_wait3A_112 = arith.constant 0 : i32
      %dma_wait3A_113 = arith.constant 0 : i32
      %dma_wait3A_114 = tpu.memref_slice %arg7[%dma_wait3A_112, %dma_wait3A_113] : memref<10240x128xf32, #tpu.memory_space<vmem_shared>> -> memref<10240x128xf32, #tpu.memory_space<vmem_shared>>
      tpu.wait_indirect_dma semaphore(%arg21 : memref<!tpu.dma_semaphore, #tpu.memory_space<semaphore_mem>>) src(%arg13 : memref<64x128xf32, #tpu.memory_space<vmem>>) dst(%dma_wait3A_114 : memref<10240x128xf32, #tpu.memory_space<vmem_shared>>)
      %dma_start3A_115 = arith.constant 5 : i32
      %dma_start3A_116 = arith.constant 0 : i32
      %dma_start3A_117 = tpu.memref_slice %arg8[%dma_start3A_115, %dma_start3A_116] : memref<10x64xi32, #tpu.memory_space<vmem>> -> memref<1x64xi32, #tpu.memory_space<vmem>>
      %dma_start3A_118 = tpu.memref_squeeze %dma_start3A_117 : memref<1x64xi32, #tpu.memory_space<vmem>> -> memref<64xi32, #tpu.memory_space<vmem>>
      %dma_start3A_119 = arith.constant 0 : i32
      %dma_start3A_120 = arith.constant 0 : i32
      %dma_start3A_121 = tpu.memref_slice %arg2[%dma_start3A_119, %dma_start3A_120] : memref<10000x128xf32, #tpu.memory_space<hbm>> -> memref<10000x128xf32, #tpu.memory_space<hbm>>
      tpu.enqueue_indirect_dma source(%dma_start3A_121 : memref<10000x128xf32, #tpu.memory_space<hbm>>) target(%arg13 : memref<64x128xf32, #tpu.memory_space<vmem>>) offsets(%dma_start3A_118 : memref<64xi32, #tpu.memory_space<vmem>>) semaphore(%arg17 : memref<!tpu.dma_semaphore, #tpu.memory_space<semaphore_mem>>)
      %dma_wait3A_122 = arith.constant 2 : i32
      %dma_wait3A_123 = arith.constant 0 : i32
      %dma_wait3A_124 = tpu.memref_slice %arg8[%dma_wait3A_122, %dma_wait3A_123] : memref<10x64xi32, #tpu.memory_space<vmem>> -> memref<1x64xi32, #tpu.memory_space<vmem>>
      %dma_wait3A_125 = tpu.memref_squeeze %dma_wait3A_124 : memref<1x64xi32, #tpu.memory_space<vmem>> -> memref<64xi32, #tpu.memory_space<vmem>>
      %dma_wait3A_126 = arith.constant 0 : i32
      %dma_wait3A_127 = arith.constant 0 : i32
      %dma_wait3A_128 = tpu.memref_slice %arg2[%dma_wait3A_126, %dma_wait3A_127] : memref<10000x128xf32, #tpu.memory_space<hbm>> -> memref<10000x128xf32, #tpu.memory_space<hbm>>
      tpu.wait_indirect_dma semaphore(%arg18 : memref<!tpu.dma_semaphore, #tpu.memory_space<semaphore_mem>>) src(%dma_wait3A_128 : memref<10000x128xf32, #tpu.memory_space<hbm>>) dst(%arg14 : memref<64x128xf32, #tpu.memory_space<vmem>>)
      %dma_start3A_129 = arith.constant 2 : i32
      %dma_start3A_130 = arith.constant 0 : i32
      %dma_start3A_131 = tpu.memref_slice %arg9[%dma_start3A_129, %dma_start3A_130] : memref<10x64xi32, #tpu.memory_space<vmem>> -> memref<1x64xi32, #tpu.memory_space<vmem>>
      %dma_start3A_132 = tpu.memref_squeeze %dma_start3A_131 : memref<1x64xi32, #tpu.memory_space<vmem>> -> memref<64xi32, #tpu.memory_space<vmem>>
      %dma_start3A_133 = arith.constant 0 : i32
      %dma_start3A_134 = arith.constant 0 : i32
      %dma_start3A_135 = tpu.memref_slice %arg7[%dma_start3A_133, %dma_start3A_134] : memref<10240x128xf32, #tpu.memory_space<vmem_shared>> -> memref<10240x128xf32, #tpu.memory_space<vmem_shared>>
      tpu.enqueue_indirect_dma source(%arg14 : memref<64x128xf32, #tpu.memory_space<vmem>>) target(%dma_start3A_135 : memref<10240x128xf32, #tpu.memory_space<vmem_shared>>) offsets(%dma_start3A_132 : memref<64xi32, #tpu.memory_space<vmem>>) semaphore(%arg22 : memref<!tpu.dma_semaphore, #tpu.memory_space<semaphore_mem>>) {add = true}
      %dma_wait3A_136 = arith.constant 2 : i32
      %dma_wait3A_137 = arith.constant 0 : i32
      %dma_wait3A_138 = tpu.memref_slice %arg9[%dma_wait3A_136, %dma_wait3A_137] : memref<10x64xi32, #tpu.memory_space<vmem>> -> memref<1x64xi32, #tpu.memory_space<vmem>>
      %dma_wait3A_139 = tpu.memref_squeeze %dma_wait3A_138 : memref<1x64xi32, #tpu.memory_space<vmem>> -> memref<64xi32, #tpu.memory_space<vmem>>
      %dma_wait3A_140 = arith.constant 0 : i32
      %dma_wait3A_141 = arith.constant 0 : i32
      %dma_wait3A_142 = tpu.memref_slice %arg7[%dma_wait3A_140, %dma_wait3A_141] : memref<10240x128xf32, #tpu.memory_space<vmem_shared>> -> memref<10240x128xf32, #tpu.memory_space<vmem_shared>>
      tpu.wait_indirect_dma semaphore(%arg22 : memref<!tpu.dma_semaphore, #tpu.memory_space<semaphore_mem>>) src(%arg14 : memref<64x128xf32, #tpu.memory_space<vmem>>) dst(%dma_wait3A_142 : memref<10240x128xf32, #tpu.memory_space<vmem_shared>>)
      %dma_start3A_143 = arith.constant 6 : i32
      %dma_start3A_144 = arith.constant 0 : i32
      %dma_start3A_145 = tpu.memref_slice %arg8[%dma_start3A_143, %dma_start3A_144] : memref<10x64xi32, #tpu.memory_space<vmem>> -> memref<1x64xi32, #tpu.memory_space<vmem>>
      %dma_start3A_146 = tpu.memref_squeeze %dma_start3A_145 : memref<1x64xi32, #tpu.memory_space<vmem>> -> memref<64xi32, #tpu.memory_space<vmem>>
      %dma_start3A_147 = arith.constant 0 : i32
      %dma_start3A_148 = arith.constant 0 : i32
      %dma_start3A_149 = tpu.memref_slice %arg2[%dma_start3A_147, %dma_start3A_148] : memref<10000x128xf32, #tpu.memory_space<hbm>> -> memref<10000x128xf32, #tpu.memory_space<hbm>>
      tpu.enqueue_indirect_dma source(%dma_start3A_149 : memref<10000x128xf32, #tpu.memory_space<hbm>>) target(%arg14 : memref<64x128xf32, #tpu.memory_space<vmem>>) offsets(%dma_start3A_146 : memref<64xi32, #tpu.memory_space<vmem>>) semaphore(%arg18 : memref<!tpu.dma_semaphore, #tpu.memory_space<semaphore_mem>>)
      %dma_wait3A_150 = arith.constant 3 : i32
      %dma_wait3A_151 = arith.constant 0 : i32
      %dma_wait3A_152 = tpu.memref_slice %arg8[%dma_wait3A_150, %dma_wait3A_151] : memref<10x64xi32, #tpu.memory_space<vmem>> -> memref<1x64xi32, #tpu.memory_space<vmem>>
      %dma_wait3A_153 = tpu.memref_squeeze %dma_wait3A_152 : memref<1x64xi32, #tpu.memory_space<vmem>> -> memref<64xi32, #tpu.memory_space<vmem>>
      %dma_wait3A_154 = arith.constant 0 : i32
      %dma_wait3A_155 = arith.constant 0 : i32
      %dma_wait3A_156 = tpu.memref_slice %arg2[%dma_wait3A_154, %dma_wait3A_155] : memref<10000x128xf32, #tpu.memory_space<hbm>> -> memref<10000x128xf32, #tpu.memory_space<hbm>>
      tpu.wait_indirect_dma semaphore(%arg19 : memref<!tpu.dma_semaphore, #tpu.memory_space<semaphore_mem>>) src(%dma_wait3A_156 : memref<10000x128xf32, #tpu.memory_space<hbm>>) dst(%arg15 : memref<64x128xf32, #tpu.memory_space<vmem>>)
      %dma_start3A_157 = arith.constant 3 : i32
      %dma_start3A_158 = arith.constant 0 : i32
      %dma_start3A_159 = tpu.memref_slice %arg9[%dma_start3A_157, %dma_start3A_158] : memref<10x64xi32, #tpu.memory_space<vmem>> -> memref<1x64xi32, #tpu.memory_space<vmem>>
      %dma_start3A_160 = tpu.memref_squeeze %dma_start3A_159 : memref<1x64xi32, #tpu.memory_space<vmem>> -> memref<64xi32, #tpu.memory_space<vmem>>
      %dma_start3A_161 = arith.constant 0 : i32
      %dma_start3A_162 = arith.constant 0 : i32
      %dma_start3A_163 = tpu.memref_slice %arg7[%dma_start3A_161, %dma_start3A_162] : memref<10240x128xf32, #tpu.memory_space<vmem_shared>> -> memref<10240x128xf32, #tpu.memory_space<vmem_shared>>
      tpu.enqueue_indirect_dma source(%arg15 : memref<64x128xf32, #tpu.memory_space<vmem>>) target(%dma_start3A_163 : memref<10240x128xf32, #tpu.memory_space<vmem_shared>>) offsets(%dma_start3A_160 : memref<64xi32, #tpu.memory_space<vmem>>) semaphore(%arg23 : memref<!tpu.dma_semaphore, #tpu.memory_space<semaphore_mem>>) {add = true}
      %dma_wait3A_164 = arith.constant 3 : i32
      %dma_wait3A_165 = arith.constant 0 : i32
      %dma_wait3A_166 = tpu.memref_slice %arg9[%dma_wait3A_164, %dma_wait3A_165] : memref<10x64xi32, #tpu.memory_space<vmem>> -> memref<1x64xi32, #tpu.memory_space<vmem>>
      %dma_wait3A_167 = tpu.memref_squeeze %dma_wait3A_166 : memref<1x64xi32, #tpu.memory_space<vmem>> -> memref<64xi32, #tpu.memory_space<vmem>>
      %dma_wait3A_168 = arith.constant 0 : i32
      %dma_wait3A_169 = arith.constant 0 : i32
      %dma_wait3A_170 = tpu.memref_slice %arg7[%dma_wait3A_168, %dma_wait3A_169] : memref<10240x128xf32, #tpu.memory_space<vmem_shared>> -> memref<10240x128xf32, #tpu.memory_space<vmem_shared>>
      tpu.wait_indirect_dma semaphore(%arg23 : memref<!tpu.dma_semaphore, #tpu.memory_space<semaphore_mem>>) src(%arg15 : memref<64x128xf32, #tpu.memory_space<vmem>>) dst(%dma_wait3A_170 : memref<10240x128xf32, #tpu.memory_space<vmem_shared>>)
      %dma_start3A_171 = arith.constant 7 : i32
      %dma_start3A_172 = arith.constant 0 : i32
      %dma_start3A_173 = tpu.memref_slice %arg8[%dma_start3A_171, %dma_start3A_172] : memref<10x64xi32, #tpu.memory_space<vmem>> -> memref<1x64xi32, #tpu.memory_space<vmem>>
      %dma_start3A_174 = tpu.memref_squeeze %dma_start3A_173 : memref<1x64xi32, #tpu.memory_space<vmem>> -> memref<64xi32, #tpu.memory_space<vmem>>
      %dma_start3A_175 = arith.constant 0 : i32
      %dma_start3A_176 = arith.constant 0 : i32
      %dma_start3A_177 = tpu.memref_slice %arg2[%dma_start3A_175, %dma_start3A_176] : memref<10000x128xf32, #tpu.memory_space<hbm>> -> memref<10000x128xf32, #tpu.memory_space<hbm>>
      tpu.enqueue_indirect_dma source(%dma_start3A_177 : memref<10000x128xf32, #tpu.memory_space<hbm>>) target(%arg15 : memref<64x128xf32, #tpu.memory_space<vmem>>) offsets(%dma_start3A_174 : memref<64xi32, #tpu.memory_space<vmem>>) semaphore(%arg19 : memref<!tpu.dma_semaphore, #tpu.memory_space<semaphore_mem>>)
      %dma_wait3A_178 = arith.constant 4 : i32
      %dma_wait3A_179 = arith.constant 0 : i32
      %dma_wait3A_180 = tpu.memref_slice %arg8[%dma_wait3A_178, %dma_wait3A_179] : memref<10x64xi32, #tpu.memory_space<vmem>> -> memref<1x64xi32, #tpu.memory_space<vmem>>
      %dma_wait3A_181 = tpu.memref_squeeze %dma_wait3A_180 : memref<1x64xi32, #tpu.memory_space<vmem>> -> memref<64xi32, #tpu.memory_space<vmem>>
      %dma_wait3A_182 = arith.constant 0 : i32
      %dma_wait3A_183 = arith.constant 0 : i32
      %dma_wait3A_184 = tpu.memref_slice %arg2[%dma_wait3A_182, %dma_wait3A_183] : memref<10000x128xf32, #tpu.memory_space<hbm>> -> memref<10000x128xf32, #tpu.memory_space<hbm>>
      tpu.wait_indirect_dma semaphore(%arg16 : memref<!tpu.dma_semaphore, #tpu.memory_space<semaphore_mem>>) src(%dma_wait3A_184 : memref<10000x128xf32, #tpu.memory_space<hbm>>) dst(%arg12 : memref<64x128xf32, #tpu.memory_space<vmem>>)
      %dma_start3A_185 = arith.constant 4 : i32
      %dma_start3A_186 = arith.constant 0 : i32
      %dma_start3A_187 = tpu.memref_slice %arg9[%dma_start3A_185, %dma_start3A_186] : memref<10x64xi32, #tpu.memory_space<vmem>> -> memref<1x64xi32, #tpu.memory_space<vmem>>
      %dma_start3A_188 = tpu.memref_squeeze %dma_start3A_187 : memref<1x64xi32, #tpu.memory_space<vmem>> -> memref<64xi32, #tpu.memory_space<vmem>>
      %dma_start3A_189 = arith.constant 0 : i32
      %dma_start3A_190 = arith.constant 0 : i32
      %dma_start3A_191 = tpu.memref_slice %arg7[%dma_start3A_189, %dma_start3A_190] : memref<10240x128xf32, #tpu.memory_space<vmem_shared>> -> memref<10240x128xf32, #tpu.memory_space<vmem_shared>>
      tpu.enqueue_indirect_dma source(%arg12 : memref<64x128xf32, #tpu.memory_space<vmem>>) target(%dma_start3A_191 : memref<10240x128xf32, #tpu.memory_space<vmem_shared>>) offsets(%dma_start3A_188 : memref<64xi32, #tpu.memory_space<vmem>>) semaphore(%arg20 : memref<!tpu.dma_semaphore, #tpu.memory_space<semaphore_mem>>) {add = true}
      %dma_wait3A_192 = arith.constant 4 : i32
      %dma_wait3A_193 = arith.constant 0 : i32
      %dma_wait3A_194 = tpu.memref_slice %arg9[%dma_wait3A_192, %dma_wait3A_193] : memref<10x64xi32, #tpu.memory_space<vmem>> -> memref<1x64xi32, #tpu.memory_space<vmem>>
      %dma_wait3A_195 = tpu.memref_squeeze %dma_wait3A_194 : memref<1x64xi32, #tpu.memory_space<vmem>> -> memref<64xi32, #tpu.memory_space<vmem>>
      %dma_wait3A_196 = arith.constant 0 : i32
      %dma_wait3A_197 = arith.constant 0 : i32
      %dma_wait3A_198 = tpu.memref_slice %arg7[%dma_wait3A_196, %dma_wait3A_197] : memref<10240x128xf32, #tpu.memory_space<vmem_shared>> -> memref<10240x128xf32, #tpu.memory_space<vmem_shared>>
      tpu.wait_indirect_dma semaphore(%arg20 : memref<!tpu.dma_semaphore, #tpu.memory_space<semaphore_mem>>) src(%arg12 : memref<64x128xf32, #tpu.memory_space<vmem>>) dst(%dma_wait3A_198 : memref<10240x128xf32, #tpu.memory_space<vmem_shared>>)
      %dma_start3A_199 = arith.constant 8 : i32
      %dma_start3A_200 = arith.constant 0 : i32
      %dma_start3A_201 = tpu.memref_slice %arg8[%dma_start3A_199, %dma_start3A_200] : memref<10x64xi32, #tpu.memory_space<vmem>> -> memref<1x64xi32, #tpu.memory_space<vmem>>
      %dma_start3A_202 = tpu.memref_squeeze %dma_start3A_201 : memref<1x64xi32, #tpu.memory_space<vmem>> -> memref<64xi32, #tpu.memory_space<vmem>>
      %dma_start3A_203 = arith.constant 0 : i32
      %dma_start3A_204 = arith.constant 0 : i32
      %dma_start3A_205 = tpu.memref_slice %arg2[%dma_start3A_203, %dma_start3A_204] : memref<10000x128xf32, #tpu.memory_space<hbm>> -> memref<10000x128xf32, #tpu.memory_space<hbm>>
      tpu.enqueue_indirect_dma source(%dma_start3A_205 : memref<10000x128xf32, #tpu.memory_space<hbm>>) target(%arg12 : memref<64x128xf32, #tpu.memory_space<vmem>>) offsets(%dma_start3A_202 : memref<64xi32, #tpu.memory_space<vmem>>) semaphore(%arg16 : memref<!tpu.dma_semaphore, #tpu.memory_space<semaphore_mem>>)
      %dma_wait3A_206 = arith.constant 5 : i32
      %dma_wait3A_207 = arith.constant 0 : i32
      %dma_wait3A_208 = tpu.memref_slice %arg8[%dma_wait3A_206, %dma_wait3A_207] : memref<10x64xi32, #tpu.memory_space<vmem>> -> memref<1x64xi32, #tpu.memory_space<vmem>>
      %dma_wait3A_209 = tpu.memref_squeeze %dma_wait3A_208 : memref<1x64xi32, #tpu.memory_space<vmem>> -> memref<64xi32, #tpu.memory_space<vmem>>
      %dma_wait3A_210 = arith.constant 0 : i32
      %dma_wait3A_211 = arith.constant 0 : i32
      %dma_wait3A_212 = tpu.memref_slice %arg2[%dma_wait3A_210, %dma_wait3A_211] : memref<10000x128xf32, #tpu.memory_space<hbm>> -> memref<10000x128xf32, #tpu.memory_space<hbm>>
      tpu.wait_indirect_dma semaphore(%arg17 : memref<!tpu.dma_semaphore, #tpu.memory_space<semaphore_mem>>) src(%dma_wait3A_212 : memref<10000x128xf32, #tpu.memory_space<hbm>>) dst(%arg13 : memref<64x128xf32, #tpu.memory_space<vmem>>)
      %dma_start3A_213 = arith.constant 5 : i32
      %dma_start3A_214 = arith.constant 0 : i32
      %dma_start3A_215 = tpu.memref_slice %arg9[%dma_start3A_213, %dma_start3A_214] : memref<10x64xi32, #tpu.memory_space<vmem>> -> memref<1x64xi32, #tpu.memory_space<vmem>>
      %dma_start3A_216 = tpu.memref_squeeze %dma_start3A_215 : memref<1x64xi32, #tpu.memory_space<vmem>> -> memref<64xi32, #tpu.memory_space<vmem>>
      %dma_start3A_217 = arith.constant 0 : i32
      %dma_start3A_218 = arith.constant 0 : i32
      %dma_start3A_219 = tpu.memref_slice %arg7[%dma_start3A_217, %dma_start3A_218] : memref<10240x128xf32, #tpu.memory_space<vmem_shared>> -> memref<10240x128xf32, #tpu.memory_space<vmem_shared>>
      tpu.enqueue_indirect_dma source(%arg13 : memref<64x128xf32, #tpu.memory_space<vmem>>) target(%dma_start3A_219 : memref<10240x128xf32, #tpu.memory_space<vmem_shared>>) offsets(%dma_start3A_216 : memref<64xi32, #tpu.memory_space<vmem>>) semaphore(%arg21 : memref<!tpu.dma_semaphore, #tpu.memory_space<semaphore_mem>>) {add = true}
      %dma_wait3A_220 = arith.constant 5 : i32
      %dma_wait3A_221 = arith.constant 0 : i32
      %dma_wait3A_222 = tpu.memref_slice %arg9[%dma_wait3A_220, %dma_wait3A_221] : memref<10x64xi32, #tpu.memory_space<vmem>> -> memref<1x64xi32, #tpu.memory_space<vmem>>
      %dma_wait3A_223 = tpu.memref_squeeze %dma_wait3A_222 : memref<1x64xi32, #tpu.memory_space<vmem>> -> memref<64xi32, #tpu.memory_space<vmem>>
      %dma_wait3A_224 = arith.constant 0 : i32
      %dma_wait3A_225 = arith.constant 0 : i32
      %dma_wait3A_226 = tpu.memref_slice %arg7[%dma_wait3A_224, %dma_wait3A_225] : memref<10240x128xf32, #tpu.memory_space<vmem_shared>> -> memref<10240x128xf32, #tpu.memory_space<vmem_shared>>
      tpu.wait_indirect_dma semaphore(%arg21 : memref<!tpu.dma_semaphore, #tpu.memory_space<semaphore_mem>>) src(%arg13 : memref<64x128xf32, #tpu.memory_space<vmem>>) dst(%dma_wait3A_226 : memref<10240x128xf32, #tpu.memory_space<vmem_shared>>)
      %dma_start3A_227 = arith.constant 9 : i32
      %dma_start3A_228 = arith.constant 0 : i32
      %dma_start3A_229 = tpu.memref_slice %arg8[%dma_start3A_227, %dma_start3A_228] : memref<10x64xi32, #tpu.memory_space<vmem>> -> memref<1x64xi32, #tpu.memory_space<vmem>>
      %dma_start3A_230 = tpu.memref_squeeze %dma_start3A_229 : memref<1x64xi32, #tpu.memory_space<vmem>> -> memref<64xi32, #tpu.memory_space<vmem>>
      %dma_start3A_231 = arith.constant 0 : i32
      %dma_start3A_232 = arith.constant 0 : i32
      %dma_start3A_233 = tpu.memref_slice %arg2[%dma_start3A_231, %dma_start3A_232] : memref<10000x128xf32, #tpu.memory_space<hbm>> -> memref<10000x128xf32, #tpu.memory_space<hbm>>
      tpu.enqueue_indirect_dma source(%dma_start3A_233 : memref<10000x128xf32, #tpu.memory_space<hbm>>) target(%arg13 : memref<64x128xf32, #tpu.memory_space<vmem>>) offsets(%dma_start3A_230 : memref<64xi32, #tpu.memory_space<vmem>>) semaphore(%arg17 : memref<!tpu.dma_semaphore, #tpu.memory_space<semaphore_mem>>)
      %dma_wait3A_234 = arith.constant 6 : i32
      %dma_wait3A_235 = arith.constant 0 : i32
      %dma_wait3A_236 = tpu.memref_slice %arg8[%dma_wait3A_234, %dma_wait3A_235] : memref<10x64xi32, #tpu.memory_space<vmem>> -> memref<1x64xi32, #tpu.memory_space<vmem>>
      %dma_wait3A_237 = tpu.memref_squeeze %dma_wait3A_236 : memref<1x64xi32, #tpu.memory_space<vmem>> -> memref<64xi32, #tpu.memory_space<vmem>>
      %dma_wait3A_238 = arith.constant 0 : i32
      %dma_wait3A_239 = arith.constant 0 : i32
      %dma_wait3A_240 = tpu.memref_slice %arg2[%dma_wait3A_238, %dma_wait3A_239] : memref<10000x128xf32, #tpu.memory_space<hbm>> -> memref<10000x128xf32, #tpu.memory_space<hbm>>
      tpu.wait_indirect_dma semaphore(%arg18 : memref<!tpu.dma_semaphore, #tpu.memory_space<semaphore_mem>>) src(%dma_wait3A_240 : memref<10000x128xf32, #tpu.memory_space<hbm>>) dst(%arg14 : memref<64x128xf32, #tpu.memory_space<vmem>>)
      %dma_start3A_241 = arith.constant 6 : i32
      %dma_start3A_242 = arith.constant 0 : i32
      %dma_start3A_243 = tpu.memref_slice %arg9[%dma_start3A_241, %dma_start3A_242] : memref<10x64xi32, #tpu.memory_space<vmem>> -> memref<1x64xi32, #tpu.memory_space<vmem>>
      %dma_start3A_244 = tpu.memref_squeeze %dma_start3A_243 : memref<1x64xi32, #tpu.memory_space<vmem>> -> memref<64xi32, #tpu.memory_space<vmem>>
      %dma_start3A_245 = arith.constant 0 : i32
      %dma_start3A_246 = arith.constant 0 : i32
      %dma_start3A_247 = tpu.memref_slice %arg7[%dma_start3A_245, %dma_start3A_246] : memref<10240x128xf32, #tpu.memory_space<vmem_shared>> -> memref<10240x128xf32, #tpu.memory_space<vmem_shared>>
      tpu.enqueue_indirect_dma source(%arg14 : memref<64x128xf32, #tpu.memory_space<vmem>>) target(%dma_start3A_247 : memref<10240x128xf32, #tpu.memory_space<vmem_shared>>) offsets(%dma_start3A_244 : memref<64xi32, #tpu.memory_space<vmem>>) semaphore(%arg22 : memref<!tpu.dma_semaphore, #tpu.memory_space<semaphore_mem>>) {add = true}
      %dma_wait3A_248 = arith.constant 6 : i32
      %dma_wait3A_249 = arith.constant 0 : i32
      %dma_wait3A_250 = tpu.memref_slice %arg9[%dma_wait3A_248, %dma_wait3A_249] : memref<10x64xi32, #tpu.memory_space<vmem>> -> memref<1x64xi32, #tpu.memory_space<vmem>>
      %dma_wait3A_251 = tpu.memref_squeeze %dma_wait3A_250 : memref<1x64xi32, #tpu.memory_space<vmem>> -> memref<64xi32, #tpu.memory_space<vmem>>
      %dma_wait3A_252 = arith.constant 0 : i32
      %dma_wait3A_253 = arith.constant 0 : i32
      %dma_wait3A_254 = tpu.memref_slice %arg7[%dma_wait3A_252, %dma_wait3A_253] : memref<10240x128xf32, #tpu.memory_space<vmem_shared>> -> memref<10240x128xf32, #tpu.memory_space<vmem_shared>>
      tpu.wait_indirect_dma semaphore(%arg22 : memref<!tpu.dma_semaphore, #tpu.memory_space<semaphore_mem>>) src(%arg14 : memref<64x128xf32, #tpu.memory_space<vmem>>) dst(%dma_wait3A_254 : memref<10240x128xf32, #tpu.memory_space<vmem_shared>>)
      %dma_wait3A_255 = arith.constant 0 : i32
      %dma_wait3A_256 = arith.constant 0 : i32
      %dma_wait3A_257 = tpu.memref_slice %arg3[%add3A, %add3A_25, %dma_wait3A_255, %dma_wait3A_256] : memref<32x16x10x64xi32, #tpu.memory_space<hbm>> -> memref<1x1x10x64xi32, #tpu.memory_space<hbm>>
      %dma_wait3A_258 = tpu.memref_squeeze %dma_wait3A_257 : memref<1x1x10x64xi32, #tpu.memory_space<hbm>> -> memref<10x64xi32, #tpu.memory_space<hbm>>
      %dma_wait3A_259 = arith.constant 0 : i32
      %dma_wait3A_260 = arith.constant 0 : i32
      %dma_wait3A_261 = tpu.memref_slice %arg3[%add3A, %add3A_25, %dma_wait3A_259, %dma_wait3A_260] : memref<32x16x10x64xi32, #tpu.memory_space<hbm>> -> memref<1x1x10x64xi32, #tpu.memory_space<hbm>>
      %dma_wait3A_262 = tpu.memref_squeeze %dma_wait3A_261 : memref<1x1x10x64xi32, #tpu.memory_space<hbm>> -> memref<10x64xi32, #tpu.memory_space<hbm>>
      tpu.wait_dma2 semaphore(%arg24 : memref<!tpu.dma_semaphore, #tpu.memory_space<semaphore_mem>>) src(%dma_wait3A_262 : memref<10x64xi32, #tpu.memory_space<hbm>>) dst(%arg10 : memref<10x64xi32, #tpu.memory_space<vmem>>)
      %dma_wait3A_263 = arith.constant 0 : i32
      %dma_wait3A_264 = arith.constant 0 : i32
      %dma_wait3A_265 = tpu.memref_slice %arg4[%add3A, %add3A_37, %dma_wait3A_263, %dma_wait3A_264] : memref<32x16x10x64xi32, #tpu.memory_space<hbm>> -> memref<1x1x10x64xi32, #tpu.memory_space<hbm>>
      %dma_wait3A_266 = tpu.memref_squeeze %dma_wait3A_265 : memref<1x1x10x64xi32, #tpu.memory_space<hbm>> -> memref<10x64xi32, #tpu.memory_space<hbm>>
      %dma_wait3A_267 = arith.constant 0 : i32
      %dma_wait3A_268 = arith.constant 0 : i32
      %dma_wait3A_269 = tpu.memref_slice %arg4[%add3A, %add3A_37, %dma_wait3A_267, %dma_wait3A_268] : memref<32x16x10x64xi32, #tpu.memory_space<hbm>> -> memref<1x1x10x64xi32, #tpu.memory_space<hbm>>
      %dma_wait3A_270 = tpu.memref_squeeze %dma_wait3A_269 : memref<1x1x10x64xi32, #tpu.memory_space<hbm>> -> memref<10x64xi32, #tpu.memory_space<hbm>>
      tpu.wait_dma2 semaphore(%arg24 : memref<!tpu.dma_semaphore, #tpu.memory_space<semaphore_mem>>) src(%dma_wait3A_270 : memref<10x64xi32, #tpu.memory_space<hbm>>) dst(%arg11 : memref<10x64xi32, #tpu.memory_space<vmem>>)
      %dma_start3A_271 = arith.constant 0 : i32
      %dma_start3A_272 = arith.constant 0 : i32
      %dma_start3A_273 = tpu.memref_slice %arg10[%dma_start3A_271, %dma_start3A_272] : memref<10x64xi32, #tpu.memory_space<vmem>> -> memref<1x64xi32, #tpu.memory_space<vmem>>
      %dma_start3A_274 = tpu.memref_squeeze %dma_start3A_273 : memref<1x64xi32, #tpu.memory_space<vmem>> -> memref<64xi32, #tpu.memory_space<vmem>>
      %dma_start3A_275 = arith.constant 0 : i32
      %dma_start3A_276 = arith.constant 0 : i32
      %dma_start3A_277 = tpu.memref_slice %arg2[%dma_start3A_275, %dma_start3A_276] : memref<10000x128xf32, #tpu.memory_space<hbm>> -> memref<10000x128xf32, #tpu.memory_space<hbm>>
      tpu.enqueue_indirect_dma source(%dma_start3A_277 : memref<10000x128xf32, #tpu.memory_space<hbm>>) target(%arg14 : memref<64x128xf32, #tpu.memory_space<vmem>>) offsets(%dma_start3A_274 : memref<64xi32, #tpu.memory_space<vmem>>) semaphore(%arg18 : memref<!tpu.dma_semaphore, #tpu.memory_space<semaphore_mem>>)
      %dma_wait3A_278 = arith.constant 7 : i32
      %dma_wait3A_279 = arith.constant 0 : i32
      %dma_wait3A_280 = tpu.memref_slice %arg8[%dma_wait3A_278, %dma_wait3A_279] : memref<10x64xi32, #tpu.memory_space<vmem>> -> memref<1x64xi32, #tpu.memory_space<vmem>>
      %dma_wait3A_281 = tpu.memref_squeeze %dma_wait3A_280 : memref<1x64xi32, #tpu.memory_space<vmem>> -> memref<64xi32, #tpu.memory_space<vmem>>
      %dma_wait3A_282 = arith.constant 0 : i32
      %dma_wait3A_283 = arith.constant 0 : i32
      %dma_wait3A_284 = tpu.memref_slice %arg2[%dma_wait3A_282, %dma_wait3A_283] : memref<10000x128xf32, #tpu.memory_space<hbm>> -> memref<10000x128xf32, #tpu.memory_space<hbm>>
      tpu.wait_indirect_dma semaphore(%arg19 : memref<!tpu.dma_semaphore, #tpu.memory_space<semaphore_mem>>) src(%dma_wait3A_284 : memref<10000x128xf32, #tpu.memory_space<hbm>>) dst(%arg15 : memref<64x128xf32, #tpu.memory_space<vmem>>)
      %dma_start3A_285 = arith.constant 7 : i32
      %dma_start3A_286 = arith.constant 0 : i32
      %dma_start3A_287 = tpu.memref_slice %arg9[%dma_start3A_285, %dma_start3A_286] : memref<10x64xi32, #tpu.memory_space<vmem>> -> memref<1x64xi32, #tpu.memory_space<vmem>>
      %dma_start3A_288 = tpu.memref_squeeze %dma_start3A_287 : memref<1x64xi32, #tpu.memory_space<vmem>> -> memref<64xi32, #tpu.memory_space<vmem>>
      %dma_start3A_289 = arith.constant 0 : i32
      %dma_start3A_290 = arith.constant 0 : i32
      %dma_start3A_291 = tpu.memref_slice %arg7[%dma_start3A_289, %dma_start3A_290] : memref<10240x128xf32, #tpu.memory_space<vmem_shared>> -> memref<10240x128xf32, #tpu.memory_space<vmem_shared>>
      tpu.enqueue_indirect_dma source(%arg15 : memref<64x128xf32, #tpu.memory_space<vmem>>) target(%dma_start3A_291 : memref<10240x128xf32, #tpu.memory_space<vmem_shared>>) offsets(%dma_start3A_288 : memref<64xi32, #tpu.memory_space<vmem>>) semaphore(%arg23 : memref<!tpu.dma_semaphore, #tpu.memory_space<semaphore_mem>>) {add = true}
      %dma_wait3A_292 = arith.constant 7 : i32
      %dma_wait3A_293 = arith.constant 0 : i32
      %dma_wait3A_294 = tpu.memref_slice %arg9[%dma_wait3A_292, %dma_wait3A_293] : memref<10x64xi32, #tpu.memory_space<vmem>> -> memref<1x64xi32, #tpu.memory_space<vmem>>
      %dma_wait3A_295 = tpu.memref_squeeze %dma_wait3A_294 : memref<1x64xi32, #tpu.memory_space<vmem>> -> memref<64xi32, #tpu.memory_space<vmem>>
      %dma_wait3A_296 = arith.constant 0 : i32
      %dma_wait3A_297 = arith.constant 0 : i32
      %dma_wait3A_298 = tpu.memref_slice %arg7[%dma_wait3A_296, %dma_wait3A_297] : memref<10240x128xf32, #tpu.memory_space<vmem_shared>> -> memref<10240x128xf32, #tpu.memory_space<vmem_shared>>
      tpu.wait_indirect_dma semaphore(%arg23 : memref<!tpu.dma_semaphore, #tpu.memory_space<semaphore_mem>>) src(%arg15 : memref<64x128xf32, #tpu.memory_space<vmem>>) dst(%dma_wait3A_298 : memref<10240x128xf32, #tpu.memory_space<vmem_shared>>)
      %dma_start3A_299 = arith.constant 1 : i32
      %dma_start3A_300 = arith.constant 0 : i32
      %dma_start3A_301 = tpu.memref_slice %arg10[%dma_start3A_299, %dma_start3A_300] : memref<10x64xi32, #tpu.memory_space<vmem>> -> memref<1x64xi32, #tpu.memory_space<vmem>>
      %dma_start3A_302 = tpu.memref_squeeze %dma_start3A_301 : memref<1x64xi32, #tpu.memory_space<vmem>> -> memref<64xi32, #tpu.memory_space<vmem>>
      %dma_start3A_303 = arith.constant 0 : i32
      %dma_start3A_304 = arith.constant 0 : i32
      %dma_start3A_305 = tpu.memref_slice %arg2[%dma_start3A_303, %dma_start3A_304] : memref<10000x128xf32, #tpu.memory_space<hbm>> -> memref<10000x128xf32, #tpu.memory_space<hbm>>
      tpu.enqueue_indirect_dma source(%dma_start3A_305 : memref<10000x128xf32, #tpu.memory_space<hbm>>) target(%arg15 : memref<64x128xf32, #tpu.memory_space<vmem>>) offsets(%dma_start3A_302 : memref<64xi32, #tpu.memory_space<vmem>>) semaphore(%arg19 : memref<!tpu.dma_semaphore, #tpu.memory_space<semaphore_mem>>)
      %dma_wait3A_306 = arith.constant 8 : i32
      %dma_wait3A_307 = arith.constant 0 : i32
      %dma_wait3A_308 = tpu.memref_slice %arg8[%dma_wait3A_306, %dma_wait3A_307] : memref<10x64xi32, #tpu.memory_space<vmem>> -> memref<1x64xi32, #tpu.memory_space<vmem>>
      %dma_wait3A_309 = tpu.memref_squeeze %dma_wait3A_308 : memref<1x64xi32, #tpu.memory_space<vmem>> -> memref<64xi32, #tpu.memory_space<vmem>>
      %dma_wait3A_310 = arith.constant 0 : i32
      %dma_wait3A_311 = arith.constant 0 : i32
      %dma_wait3A_312 = tpu.memref_slice %arg2[%dma_wait3A_310, %dma_wait3A_311] : memref<10000x128xf32, #tpu.memory_space<hbm>> -> memref<10000x128xf32, #tpu.memory_space<hbm>>
      tpu.wait_indirect_dma semaphore(%arg16 : memref<!tpu.dma_semaphore, #tpu.memory_space<semaphore_mem>>) src(%dma_wait3A_312 : memref<10000x128xf32, #tpu.memory_space<hbm>>) dst(%arg12 : memref<64x128xf32, #tpu.memory_space<vmem>>)
      %dma_start3A_313 = arith.constant 8 : i32
      %dma_start3A_314 = arith.constant 0 : i32
      %dma_start3A_315 = tpu.memref_slice %arg9[%dma_start3A_313, %dma_start3A_314] : memref<10x64xi32, #tpu.memory_space<vmem>> -> memref<1x64xi32, #tpu.memory_space<vmem>>
      %dma_start3A_316 = tpu.memref_squeeze %dma_start3A_315 : memref<1x64xi32, #tpu.memory_space<vmem>> -> memref<64xi32, #tpu.memory_space<vmem>>
      %dma_start3A_317 = arith.constant 0 : i32
      %dma_start3A_318 = arith.constant 0 : i32
      %dma_start3A_319 = tpu.memref_slice %arg7[%dma_start3A_317, %dma_start3A_318] : memref<10240x128xf32, #tpu.memory_space<vmem_shared>> -> memref<10240x128xf32, #tpu.memory_space<vmem_shared>>
      tpu.enqueue_indirect_dma source(%arg12 : memref<64x128xf32, #tpu.memory_space<vmem>>) target(%dma_start3A_319 : memref<10240x128xf32, #tpu.memory_space<vmem_shared>>) offsets(%dma_start3A_316 : memref<64xi32, #tpu.memory_space<vmem>>) semaphore(%arg20 : memref<!tpu.dma_semaphore, #tpu.memory_space<semaphore_mem>>) {add = true}
      %dma_wait3A_320 = arith.constant 8 : i32
      %dma_wait3A_321 = arith.constant 0 : i32
      %dma_wait3A_322 = tpu.memref_slice %arg9[%dma_wait3A_320, %dma_wait3A_321] : memref<10x64xi32, #tpu.memory_space<vmem>> -> memref<1x64xi32, #tpu.memory_space<vmem>>
      %dma_wait3A_323 = tpu.memref_squeeze %dma_wait3A_322 : memref<1x64xi32, #tpu.memory_space<vmem>> -> memref<64xi32, #tpu.memory_space<vmem>>
      %dma_wait3A_324 = arith.constant 0 : i32
      %dma_wait3A_325 = arith.constant 0 : i32
      %dma_wait3A_326 = tpu.memref_slice %arg7[%dma_wait3A_324, %dma_wait3A_325] : memref<10240x128xf32, #tpu.memory_space<vmem_shared>> -> memref<10240x128xf32, #tpu.memory_space<vmem_shared>>
      tpu.wait_indirect_dma semaphore(%arg20 : memref<!tpu.dma_semaphore, #tpu.memory_space<semaphore_mem>>) src(%arg12 : memref<64x128xf32, #tpu.memory_space<vmem>>) dst(%dma_wait3A_326 : memref<10240x128xf32, #tpu.memory_space<vmem_shared>>)
      %dma_start3A_327 = arith.constant 2 : i32
      %dma_start3A_328 = arith.constant 0 : i32
      %dma_start3A_329 = tpu.memref_slice %arg10[%dma_start3A_327, %dma_start3A_328] : memref<10x64xi32, #tpu.memory_space<vmem>> -> memref<1x64xi32, #tpu.memory_space<vmem>>
      %dma_start3A_330 = tpu.memref_squeeze %dma_start3A_329 : memref<1x64xi32, #tpu.memory_space<vmem>> -> memref<64xi32, #tpu.memory_space<vmem>>
      %dma_start3A_331 = arith.constant 0 : i32
      %dma_start3A_332 = arith.constant 0 : i32
      %dma_start3A_333 = tpu.memref_slice %arg2[%dma_start3A_331, %dma_start3A_332] : memref<10000x128xf32, #tpu.memory_space<hbm>> -> memref<10000x128xf32, #tpu.memory_space<hbm>>
      tpu.enqueue_indirect_dma source(%dma_start3A_333 : memref<10000x128xf32, #tpu.memory_space<hbm>>) target(%arg12 : memref<64x128xf32, #tpu.memory_space<vmem>>) offsets(%dma_start3A_330 : memref<64xi32, #tpu.memory_space<vmem>>) semaphore(%arg16 : memref<!tpu.dma_semaphore, #tpu.memory_space<semaphore_mem>>)
      %dma_wait3A_334 = arith.constant 9 : i32
      %dma_wait3A_335 = arith.constant 0 : i32
      %dma_wait3A_336 = tpu.memref_slice %arg8[%dma_wait3A_334, %dma_wait3A_335] : memref<10x64xi32, #tpu.memory_space<vmem>> -> memref<1x64xi32, #tpu.memory_space<vmem>>
      %dma_wait3A_337 = tpu.memref_squeeze %dma_wait3A_336 : memref<1x64xi32, #tpu.memory_space<vmem>> -> memref<64xi32, #tpu.memory_space<vmem>>
      %dma_wait3A_338 = arith.constant 0 : i32
      %dma_wait3A_339 = arith.constant 0 : i32
      %dma_wait3A_340 = tpu.memref_slice %arg2[%dma_wait3A_338, %dma_wait3A_339] : memref<10000x128xf32, #tpu.memory_space<hbm>> -> memref<10000x128xf32, #tpu.memory_space<hbm>>
      tpu.wait_indirect_dma semaphore(%arg17 : memref<!tpu.dma_semaphore, #tpu.memory_space<semaphore_mem>>) src(%dma_wait3A_340 : memref<10000x128xf32, #tpu.memory_space<hbm>>) dst(%arg13 : memref<64x128xf32, #tpu.memory_space<vmem>>)
      %dma_start3A_341 = arith.constant 9 : i32
      %dma_start3A_342 = arith.constant 0 : i32
      %dma_start3A_343 = tpu.memref_slice %arg9[%dma_start3A_341, %dma_start3A_342] : memref<10x64xi32, #tpu.memory_space<vmem>> -> memref<1x64xi32, #tpu.memory_space<vmem>>
      %dma_start3A_344 = tpu.memref_squeeze %dma_start3A_343 : memref<1x64xi32, #tpu.memory_space<vmem>> -> memref<64xi32, #tpu.memory_space<vmem>>
      %dma_start3A_345 = arith.constant 0 : i32
      %dma_start3A_346 = arith.constant 0 : i32
      %dma_start3A_347 = tpu.memref_slice %arg7[%dma_start3A_345, %dma_start3A_346] : memref<10240x128xf32, #tpu.memory_space<vmem_shared>> -> memref<10240x128xf32, #tpu.memory_space<vmem_shared>>
      tpu.enqueue_indirect_dma source(%arg13 : memref<64x128xf32, #tpu.memory_space<vmem>>) target(%dma_start3A_347 : memref<10240x128xf32, #tpu.memory_space<vmem_shared>>) offsets(%dma_start3A_344 : memref<64xi32, #tpu.memory_space<vmem>>) semaphore(%arg21 : memref<!tpu.dma_semaphore, #tpu.memory_space<semaphore_mem>>) {add = true}
      %dma_wait3A_348 = arith.constant 9 : i32
      %dma_wait3A_349 = arith.constant 0 : i32
      %dma_wait3A_350 = tpu.memref_slice %arg9[%dma_wait3A_348, %dma_wait3A_349] : memref<10x64xi32, #tpu.memory_space<vmem>> -> memref<1x64xi32, #tpu.memory_space<vmem>>
      %dma_wait3A_351 = tpu.memref_squeeze %dma_wait3A_350 : memref<1x64xi32, #tpu.memory_space<vmem>> -> memref<64xi32, #tpu.memory_space<vmem>>
      %dma_wait3A_352 = arith.constant 0 : i32
      %dma_wait3A_353 = arith.constant 0 : i32
      %dma_wait3A_354 = tpu.memref_slice %arg7[%dma_wait3A_352, %dma_wait3A_353] : memref<10240x128xf32, #tpu.memory_space<vmem_shared>> -> memref<10240x128xf32, #tpu.memory_space<vmem_shared>>
      tpu.wait_indirect_dma semaphore(%arg21 : memref<!tpu.dma_semaphore, #tpu.memory_space<semaphore_mem>>) src(%arg13 : memref<64x128xf32, #tpu.memory_space<vmem>>) dst(%dma_wait3A_354 : memref<10240x128xf32, #tpu.memory_space<vmem_shared>>)
      %dma_start3A_355 = arith.constant 3 : i32
      %dma_start3A_356 = arith.constant 0 : i32
      %dma_start3A_357 = tpu.memref_slice %arg10[%dma_start3A_355, %dma_start3A_356] : memref<10x64xi32, #tpu.memory_space<vmem>> -> memref<1x64xi32, #tpu.memory_space<vmem>>
      %dma_start3A_358 = tpu.memref_squeeze %dma_start3A_357 : memref<1x64xi32, #tpu.memory_space<vmem>> -> memref<64xi32, #tpu.memory_space<vmem>>
      %dma_start3A_359 = arith.constant 0 : i32
      %dma_start3A_360 = arith.constant 0 : i32
      %dma_start3A_361 = tpu.memref_slice %arg2[%dma_start3A_359, %dma_start3A_360] : memref<10000x128xf32, #tpu.memory_space<hbm>> -> memref<10000x128xf32, #tpu.memory_space<hbm>>
      tpu.enqueue_indirect_dma source(%dma_start3A_361 : memref<10000x128xf32, #tpu.memory_space<hbm>>) target(%arg13 : memref<64x128xf32, #tpu.memory_space<vmem>>) offsets(%dma_start3A_358 : memref<64xi32, #tpu.memory_space<vmem>>) semaphore(%arg17 : memref<!tpu.dma_semaphore, #tpu.memory_space<semaphore_mem>>)
      %dma_wait3A_362 = arith.constant 0 : i32
      %dma_wait3A_363 = arith.constant 0 : i32
      %dma_wait3A_364 = tpu.memref_slice %arg10[%dma_wait3A_362, %dma_wait3A_363] : memref<10x64xi32, #tpu.memory_space<vmem>> -> memref<1x64xi32, #tpu.memory_space<vmem>>
      %dma_wait3A_365 = tpu.memref_squeeze %dma_wait3A_364 : memref<1x64xi32, #tpu.memory_space<vmem>> -> memref<64xi32, #tpu.memory_space<vmem>>
      %dma_wait3A_366 = arith.constant 0 : i32
      %dma_wait3A_367 = arith.constant 0 : i32
      %dma_wait3A_368 = tpu.memref_slice %arg2[%dma_wait3A_366, %dma_wait3A_367] : memref<10000x128xf32, #tpu.memory_space<hbm>> -> memref<10000x128xf32, #tpu.memory_space<hbm>>
      tpu.wait_indirect_dma semaphore(%arg18 : memref<!tpu.dma_semaphore, #tpu.memory_space<semaphore_mem>>) src(%dma_wait3A_368 : memref<10000x128xf32, #tpu.memory_space<hbm>>) dst(%arg14 : memref<64x128xf32, #tpu.memory_space<vmem>>)
      %dma_start3A_369 = arith.constant 0 : i32
      %dma_start3A_370 = arith.constant 0 : i32
      %dma_start3A_371 = tpu.memref_slice %arg11[%dma_start3A_369, %dma_start3A_370] : memref<10x64xi32, #tpu.memory_space<vmem>> -> memref<1x64xi32, #tpu.memory_space<vmem>>
      %dma_start3A_372 = tpu.memref_squeeze %dma_start3A_371 : memref<1x64xi32, #tpu.memory_space<vmem>> -> memref<64xi32, #tpu.memory_space<vmem>>
      %dma_start3A_373 = arith.constant 0 : i32
      %dma_start3A_374 = arith.constant 0 : i32
      %dma_start3A_375 = tpu.memref_slice %arg7[%dma_start3A_373, %dma_start3A_374] : memref<10240x128xf32, #tpu.memory_space<vmem_shared>> -> memref<10240x128xf32, #tpu.memory_space<vmem_shared>>
      tpu.enqueue_indirect_dma source(%arg14 : memref<64x128xf32, #tpu.memory_space<vmem>>) target(%dma_start3A_375 : memref<10240x128xf32, #tpu.memory_space<vmem_shared>>) offsets(%dma_start3A_372 : memref<64xi32, #tpu.memory_space<vmem>>) semaphore(%arg22 : memref<!tpu.dma_semaphore, #tpu.memory_space<semaphore_mem>>) {add = true}
      %dma_wait3A_376 = arith.constant 0 : i32
      %dma_wait3A_377 = arith.constant 0 : i32
      %dma_wait3A_378 = tpu.memref_slice %arg11[%dma_wait3A_376, %dma_wait3A_377] : memref<10x64xi32, #tpu.memory_space<vmem>> -> memref<1x64xi32, #tpu.memory_space<vmem>>
      %dma_wait3A_379 = tpu.memref_squeeze %dma_wait3A_378 : memref<1x64xi32, #tpu.memory_space<vmem>> -> memref<64xi32, #tpu.memory_space<vmem>>
      %dma_wait3A_380 = arith.constant 0 : i32
      %dma_wait3A_381 = arith.constant 0 : i32
      %dma_wait3A_382 = tpu.memref_slice %arg7[%dma_wait3A_380, %dma_wait3A_381] : memref<10240x128xf32, #tpu.memory_space<vmem_shared>> -> memref<10240x128xf32, #tpu.memory_space<vmem_shared>>
      tpu.wait_indirect_dma semaphore(%arg22 : memref<!tpu.dma_semaphore, #tpu.memory_space<semaphore_mem>>) src(%arg14 : memref<64x128xf32, #tpu.memory_space<vmem>>) dst(%dma_wait3A_382 : memref<10240x128xf32, #tpu.memory_space<vmem_shared>>)
      %dma_start3A_383 = arith.constant 4 : i32
      %dma_start3A_384 = arith.constant 0 : i32
      %dma_start3A_385 = tpu.memref_slice %arg10[%dma_start3A_383, %dma_start3A_384] : memref<10x64xi32, #tpu.memory_space<vmem>> -> memref<1x64xi32, #tpu.memory_space<vmem>>
      %dma_start3A_386 = tpu.memref_squeeze %dma_start3A_385 : memref<1x64xi32, #tpu.memory_space<vmem>> -> memref<64xi32, #tpu.memory_space<vmem>>
      %dma_start3A_387 = arith.constant 0 : i32
      %dma_start3A_388 = arith.constant 0 : i32
      %dma_start3A_389 = tpu.memref_slice %arg2[%dma_start3A_387, %dma_start3A_388] : memref<10000x128xf32, #tpu.memory_space<hbm>> -> memref<10000x128xf32, #tpu.memory_space<hbm>>
      tpu.enqueue_indirect_dma source(%dma_start3A_389 : memref<10000x128xf32, #tpu.memory_space<hbm>>) target(%arg14 : memref<64x128xf32, #tpu.memory_space<vmem>>) offsets(%dma_start3A_386 : memref<64xi32, #tpu.memory_space<vmem>>) semaphore(%arg18 : memref<!tpu.dma_semaphore, #tpu.memory_space<semaphore_mem>>)
      %dma_wait3A_390 = arith.constant 1 : i32
      %dma_wait3A_391 = arith.constant 0 : i32
      %dma_wait3A_392 = tpu.memref_slice %arg10[%dma_wait3A_390, %dma_wait3A_391] : memref<10x64xi32, #tpu.memory_space<vmem>> -> memref<1x64xi32, #tpu.memory_space<vmem>>
      %dma_wait3A_393 = tpu.memref_squeeze %dma_wait3A_392 : memref<1x64xi32, #tpu.memory_space<vmem>> -> memref<64xi32, #tpu.memory_space<vmem>>
      %dma_wait3A_394 = arith.constant 0 : i32
      %dma_wait3A_395 = arith.constant 0 : i32
      %dma_wait3A_396 = tpu.memref_slice %arg2[%dma_wait3A_394, %dma_wait3A_395] : memref<10000x128xf32, #tpu.memory_space<hbm>> -> memref<10000x128xf32, #tpu.memory_space<hbm>>
      tpu.wait_indirect_dma semaphore(%arg19 : memref<!tpu.dma_semaphore, #tpu.memory_space<semaphore_mem>>) src(%dma_wait3A_396 : memref<10000x128xf32, #tpu.memory_space<hbm>>) dst(%arg15 : memref<64x128xf32, #tpu.memory_space<vmem>>)
      %dma_start3A_397 = arith.constant 1 : i32
      %dma_start3A_398 = arith.constant 0 : i32
      %dma_start3A_399 = tpu.memref_slice %arg11[%dma_start3A_397, %dma_start3A_398] : memref<10x64xi32, #tpu.memory_space<vmem>> -> memref<1x64xi32, #tpu.memory_space<vmem>>
      %dma_start3A_400 = tpu.memref_squeeze %dma_start3A_399 : memref<1x64xi32, #tpu.memory_space<vmem>> -> memref<64xi32, #tpu.memory_space<vmem>>
      %dma_start3A_401 = arith.constant 0 : i32
      %dma_start3A_402 = arith.constant 0 : i32
      %dma_start3A_403 = tpu.memref_slice %arg7[%dma_start3A_401, %dma_start3A_402] : memref<10240x128xf32, #tpu.memory_space<vmem_shared>> -> memref<10240x128xf32, #tpu.memory_space<vmem_shared>>
      tpu.enqueue_indirect_dma source(%arg15 : memref<64x128xf32, #tpu.memory_space<vmem>>) target(%dma_start3A_403 : memref<10240x128xf32, #tpu.memory_space<vmem_shared>>) offsets(%dma_start3A_400 : memref<64xi32, #tpu.memory_space<vmem>>) semaphore(%arg23 : memref<!tpu.dma_semaphore, #tpu.memory_space<semaphore_mem>>) {add = true}
      %dma_wait3A_404 = arith.constant 1 : i32
      %dma_wait3A_405 = arith.constant 0 : i32
      %dma_wait3A_406 = tpu.memref_slice %arg11[%dma_wait3A_404, %dma_wait3A_405] : memref<10x64xi32, #tpu.memory_space<vmem>> -> memref<1x64xi32, #tpu.memory_space<vmem>>
      %dma_wait3A_407 = tpu.memref_squeeze %dma_wait3A_406 : memref<1x64xi32, #tpu.memory_space<vmem>> -> memref<64xi32, #tpu.memory_space<vmem>>
      %dma_wait3A_408 = arith.constant 0 : i32
      %dma_wait3A_409 = arith.constant 0 : i32
      %dma_wait3A_410 = tpu.memref_slice %arg7[%dma_wait3A_408, %dma_wait3A_409] : memref<10240x128xf32, #tpu.memory_space<vmem_shared>> -> memref<10240x128xf32, #tpu.memory_space<vmem_shared>>
      tpu.wait_indirect_dma semaphore(%arg23 : memref<!tpu.dma_semaphore, #tpu.memory_space<semaphore_mem>>) src(%arg15 : memref<64x128xf32, #tpu.memory_space<vmem>>) dst(%dma_wait3A_410 : memref<10240x128xf32, #tpu.memory_space<vmem_shared>>)
      %dma_start3A_411 = arith.constant 5 : i32
      %dma_start3A_412 = arith.constant 0 : i32
      %dma_start3A_413 = tpu.memref_slice %arg10[%dma_start3A_411, %dma_start3A_412] : memref<10x64xi32, #tpu.memory_space<vmem>> -> memref<1x64xi32, #tpu.memory_space<vmem>>
      %dma_start3A_414 = tpu.memref_squeeze %dma_start3A_413 : memref<1x64xi32, #tpu.memory_space<vmem>> -> memref<64xi32, #tpu.memory_space<vmem>>
      %dma_start3A_415 = arith.constant 0 : i32
      %dma_start3A_416 = arith.constant 0 : i32
      %dma_start3A_417 = tpu.memref_slice %arg2[%dma_start3A_415, %dma_start3A_416] : memref<10000x128xf32, #tpu.memory_space<hbm>> -> memref<10000x128xf32, #tpu.memory_space<hbm>>
      tpu.enqueue_indirect_dma source(%dma_start3A_417 : memref<10000x128xf32, #tpu.memory_space<hbm>>) target(%arg15 : memref<64x128xf32, #tpu.memory_space<vmem>>) offsets(%dma_start3A_414 : memref<64xi32, #tpu.memory_space<vmem>>) semaphore(%arg19 : memref<!tpu.dma_semaphore, #tpu.memory_space<semaphore_mem>>)
      %dma_wait3A_418 = arith.constant 2 : i32
      %dma_wait3A_419 = arith.constant 0 : i32
      %dma_wait3A_420 = tpu.memref_slice %arg10[%dma_wait3A_418, %dma_wait3A_419] : memref<10x64xi32, #tpu.memory_space<vmem>> -> memref<1x64xi32, #tpu.memory_space<vmem>>
      %dma_wait3A_421 = tpu.memref_squeeze %dma_wait3A_420 : memref<1x64xi32, #tpu.memory_space<vmem>> -> memref<64xi32, #tpu.memory_space<vmem>>
      %dma_wait3A_422 = arith.constant 0 : i32
      %dma_wait3A_423 = arith.constant 0 : i32
      %dma_wait3A_424 = tpu.memref_slice %arg2[%dma_wait3A_422, %dma_wait3A_423] : memref<10000x128xf32, #tpu.memory_space<hbm>> -> memref<10000x128xf32, #tpu.memory_space<hbm>>
      tpu.wait_indirect_dma semaphore(%arg16 : memref<!tpu.dma_semaphore, #tpu.memory_space<semaphore_mem>>) src(%dma_wait3A_424 : memref<10000x128xf32, #tpu.memory_space<hbm>>) dst(%arg12 : memref<64x128xf32, #tpu.memory_space<vmem>>)
      %dma_start3A_425 = arith.constant 2 : i32
      %dma_start3A_426 = arith.constant 0 : i32
      %dma_start3A_427 = tpu.memref_slice %arg11[%dma_start3A_425, %dma_start3A_426] : memref<10x64xi32, #tpu.memory_space<vmem>> -> memref<1x64xi32, #tpu.memory_space<vmem>>
      %dma_start3A_428 = tpu.memref_squeeze %dma_start3A_427 : memref<1x64xi32, #tpu.memory_space<vmem>> -> memref<64xi32, #tpu.memory_space<vmem>>
      %dma_start3A_429 = arith.constant 0 : i32
      %dma_start3A_430 = arith.constant 0 : i32
      %dma_start3A_431 = tpu.memref_slice %arg7[%dma_start3A_429, %dma_start3A_430] : memref<10240x128xf32, #tpu.memory_space<vmem_shared>> -> memref<10240x128xf32, #tpu.memory_space<vmem_shared>>
      tpu.enqueue_indirect_dma source(%arg12 : memref<64x128xf32, #tpu.memory_space<vmem>>) target(%dma_start3A_431 : memref<10240x128xf32, #tpu.memory_space<vmem_shared>>) offsets(%dma_start3A_428 : memref<64xi32, #tpu.memory_space<vmem>>) semaphore(%arg20 : memref<!tpu.dma_semaphore, #tpu.memory_space<semaphore_mem>>) {add = true}
      %dma_wait3A_432 = arith.constant 2 : i32
      %dma_wait3A_433 = arith.constant 0 : i32
      %dma_wait3A_434 = tpu.memref_slice %arg11[%dma_wait3A_432, %dma_wait3A_433] : memref<10x64xi32, #tpu.memory_space<vmem>> -> memref<1x64xi32, #tpu.memory_space<vmem>>
      %dma_wait3A_435 = tpu.memref_squeeze %dma_wait3A_434 : memref<1x64xi32, #tpu.memory_space<vmem>> -> memref<64xi32, #tpu.memory_space<vmem>>
      %dma_wait3A_436 = arith.constant 0 : i32
      %dma_wait3A_437 = arith.constant 0 : i32
      %dma_wait3A_438 = tpu.memref_slice %arg7[%dma_wait3A_436, %dma_wait3A_437] : memref<10240x128xf32, #tpu.memory_space<vmem_shared>> -> memref<10240x128xf32, #tpu.memory_space<vmem_shared>>
      tpu.wait_indirect_dma semaphore(%arg20 : memref<!tpu.dma_semaphore, #tpu.memory_space<semaphore_mem>>) src(%arg12 : memref<64x128xf32, #tpu.memory_space<vmem>>) dst(%dma_wait3A_438 : memref<10240x128xf32, #tpu.memory_space<vmem_shared>>)
      %dma_start3A_439 = arith.constant 6 : i32
      %dma_start3A_440 = arith.constant 0 : i32
      %dma_start3A_441 = tpu.memref_slice %arg10[%dma_start3A_439, %dma_start3A_440] : memref<10x64xi32, #tpu.memory_space<vmem>> -> memref<1x64xi32, #tpu.memory_space<vmem>>
      %dma_start3A_442 = tpu.memref_squeeze %dma_start3A_441 : memref<1x64xi32, #tpu.memory_space<vmem>> -> memref<64xi32, #tpu.memory_space<vmem>>
      %dma_start3A_443 = arith.constant 0 : i32
      %dma_start3A_444 = arith.constant 0 : i32
      %dma_start3A_445 = tpu.memref_slice %arg2[%dma_start3A_443, %dma_start3A_444] : memref<10000x128xf32, #tpu.memory_space<hbm>> -> memref<10000x128xf32, #tpu.memory_space<hbm>>
      tpu.enqueue_indirect_dma source(%dma_start3A_445 : memref<10000x128xf32, #tpu.memory_space<hbm>>) target(%arg12 : memref<64x128xf32, #tpu.memory_space<vmem>>) offsets(%dma_start3A_442 : memref<64xi32, #tpu.memory_space<vmem>>) semaphore(%arg16 : memref<!tpu.dma_semaphore, #tpu.memory_space<semaphore_mem>>)
      %dma_wait3A_446 = arith.constant 3 : i32
      %dma_wait3A_447 = arith.constant 0 : i32
      %dma_wait3A_448 = tpu.memref_slice %arg10[%dma_wait3A_446, %dma_wait3A_447] : memref<10x64xi32, #tpu.memory_space<vmem>> -> memref<1x64xi32, #tpu.memory_space<vmem>>
      %dma_wait3A_449 = tpu.memref_squeeze %dma_wait3A_448 : memref<1x64xi32, #tpu.memory_space<vmem>> -> memref<64xi32, #tpu.memory_space<vmem>>
      %dma_wait3A_450 = arith.constant 0 : i32
      %dma_wait3A_451 = arith.constant 0 : i32
      %dma_wait3A_452 = tpu.memref_slice %arg2[%dma_wait3A_450, %dma_wait3A_451] : memref<10000x128xf32, #tpu.memory_space<hbm>> -> memref<10000x128xf32, #tpu.memory_space<hbm>>
      tpu.wait_indirect_dma semaphore(%arg17 : memref<!tpu.dma_semaphore, #tpu.memory_space<semaphore_mem>>) src(%dma_wait3A_452 : memref<10000x128xf32, #tpu.memory_space<hbm>>) dst(%arg13 : memref<64x128xf32, #tpu.memory_space<vmem>>)
      %dma_start3A_453 = arith.constant 3 : i32
      %dma_start3A_454 = arith.constant 0 : i32
      %dma_start3A_455 = tpu.memref_slice %arg11[%dma_start3A_453, %dma_start3A_454] : memref<10x64xi32, #tpu.memory_space<vmem>> -> memref<1x64xi32, #tpu.memory_space<vmem>>
      %dma_start3A_456 = tpu.memref_squeeze %dma_start3A_455 : memref<1x64xi32, #tpu.memory_space<vmem>> -> memref<64xi32, #tpu.memory_space<vmem>>
      %dma_start3A_457 = arith.constant 0 : i32
      %dma_start3A_458 = arith.constant 0 : i32
      %dma_start3A_459 = tpu.memref_slice %arg7[%dma_start3A_457, %dma_start3A_458] : memref<10240x128xf32, #tpu.memory_space<vmem_shared>> -> memref<10240x128xf32, #tpu.memory_space<vmem_shared>>
      tpu.enqueue_indirect_dma source(%arg13 : memref<64x128xf32, #tpu.memory_space<vmem>>) target(%dma_start3A_459 : memref<10240x128xf32, #tpu.memory_space<vmem_shared>>) offsets(%dma_start3A_456 : memref<64xi32, #tpu.memory_space<vmem>>) semaphore(%arg21 : memref<!tpu.dma_semaphore, #tpu.memory_space<semaphore_mem>>) {add = true}
      %dma_wait3A_460 = arith.constant 3 : i32
      %dma_wait3A_461 = arith.constant 0 : i32
      %dma_wait3A_462 = tpu.memref_slice %arg11[%dma_wait3A_460, %dma_wait3A_461] : memref<10x64xi32, #tpu.memory_space<vmem>> -> memref<1x64xi32, #tpu.memory_space<vmem>>
      %dma_wait3A_463 = tpu.memref_squeeze %dma_wait3A_462 : memref<1x64xi32, #tpu.memory_space<vmem>> -> memref<64xi32, #tpu.memory_space<vmem>>
      %dma_wait3A_464 = arith.constant 0 : i32
      %dma_wait3A_465 = arith.constant 0 : i32
      %dma_wait3A_466 = tpu.memref_slice %arg7[%dma_wait3A_464, %dma_wait3A_465] : memref<10240x128xf32, #tpu.memory_space<vmem_shared>> -> memref<10240x128xf32, #tpu.memory_space<vmem_shared>>
      tpu.wait_indirect_dma semaphore(%arg21 : memref<!tpu.dma_semaphore, #tpu.memory_space<semaphore_mem>>) src(%arg13 : memref<64x128xf32, #tpu.memory_space<vmem>>) dst(%dma_wait3A_466 : memref<10240x128xf32, #tpu.memory_space<vmem_shared>>)
      %dma_start3A_467 = arith.constant 7 : i32
      %dma_start3A_468 = arith.constant 0 : i32
      %dma_start3A_469 = tpu.memref_slice %arg10[%dma_start3A_467, %dma_start3A_468] : memref<10x64xi32, #tpu.memory_space<vmem>> -> memref<1x64xi32, #tpu.memory_space<vmem>>
      %dma_start3A_470 = tpu.memref_squeeze %dma_start3A_469 : memref<1x64xi32, #tpu.memory_space<vmem>> -> memref<64xi32, #tpu.memory_space<vmem>>
      %dma_start3A_471 = arith.constant 0 : i32
      %dma_start3A_472 = arith.constant 0 : i32
      %dma_start3A_473 = tpu.memref_slice %arg2[%dma_start3A_471, %dma_start3A_472] : memref<10000x128xf32, #tpu.memory_space<hbm>> -> memref<10000x128xf32, #tpu.memory_space<hbm>>
      tpu.enqueue_indirect_dma source(%dma_start3A_473 : memref<10000x128xf32, #tpu.memory_space<hbm>>) target(%arg13 : memref<64x128xf32, #tpu.memory_space<vmem>>) offsets(%dma_start3A_470 : memref<64xi32, #tpu.memory_space<vmem>>) semaphore(%arg17 : memref<!tpu.dma_semaphore, #tpu.memory_space<semaphore_mem>>)
      %dma_wait3A_474 = arith.constant 4 : i32
      %dma_wait3A_475 = arith.constant 0 : i32
      %dma_wait3A_476 = tpu.memref_slice %arg10[%dma_wait3A_474, %dma_wait3A_475] : memref<10x64xi32, #tpu.memory_space<vmem>> -> memref<1x64xi32, #tpu.memory_space<vmem>>
      %dma_wait3A_477 = tpu.memref_squeeze %dma_wait3A_476 : memref<1x64xi32, #tpu.memory_space<vmem>> -> memref<64xi32, #tpu.memory_space<vmem>>
      %dma_wait3A_478 = arith.constant 0 : i32
      %dma_wait3A_479 = arith.constant 0 : i32
      %dma_wait3A_480 = tpu.memref_slice %arg2[%dma_wait3A_478, %dma_wait3A_479] : memref<10000x128xf32, #tpu.memory_space<hbm>> -> memref<10000x128xf32, #tpu.memory_space<hbm>>
      tpu.wait_indirect_dma semaphore(%arg18 : memref<!tpu.dma_semaphore, #tpu.memory_space<semaphore_mem>>) src(%dma_wait3A_480 : memref<10000x128xf32, #tpu.memory_space<hbm>>) dst(%arg14 : memref<64x128xf32, #tpu.memory_space<vmem>>)
      %dma_start3A_481 = arith.constant 4 : i32
      %dma_start3A_482 = arith.constant 0 : i32
      %dma_start3A_483 = tpu.memref_slice %arg11[%dma_start3A_481, %dma_start3A_482] : memref<10x64xi32, #tpu.memory_space<vmem>> -> memref<1x64xi32, #tpu.memory_space<vmem>>
      %dma_start3A_484 = tpu.memref_squeeze %dma_start3A_483 : memref<1x64xi32, #tpu.memory_space<vmem>> -> memref<64xi32, #tpu.memory_space<vmem>>
      %dma_start3A_485 = arith.constant 0 : i32
      %dma_start3A_486 = arith.constant 0 : i32
      %dma_start3A_487 = tpu.memref_slice %arg7[%dma_start3A_485, %dma_start3A_486] : memref<10240x128xf32, #tpu.memory_space<vmem_shared>> -> memref<10240x128xf32, #tpu.memory_space<vmem_shared>>
      tpu.enqueue_indirect_dma source(%arg14 : memref<64x128xf32, #tpu.memory_space<vmem>>) target(%dma_start3A_487 : memref<10240x128xf32, #tpu.memory_space<vmem_shared>>) offsets(%dma_start3A_484 : memref<64xi32, #tpu.memory_space<vmem>>) semaphore(%arg22 : memref<!tpu.dma_semaphore, #tpu.memory_space<semaphore_mem>>) {add = true}
      %dma_wait3A_488 = arith.constant 4 : i32
      %dma_wait3A_489 = arith.constant 0 : i32
      %dma_wait3A_490 = tpu.memref_slice %arg11[%dma_wait3A_488, %dma_wait3A_489] : memref<10x64xi32, #tpu.memory_space<vmem>> -> memref<1x64xi32, #tpu.memory_space<vmem>>
      %dma_wait3A_491 = tpu.memref_squeeze %dma_wait3A_490 : memref<1x64xi32, #tpu.memory_space<vmem>> -> memref<64xi32, #tpu.memory_space<vmem>>
      %dma_wait3A_492 = arith.constant 0 : i32
      %dma_wait3A_493 = arith.constant 0 : i32
      %dma_wait3A_494 = tpu.memref_slice %arg7[%dma_wait3A_492, %dma_wait3A_493] : memref<10240x128xf32, #tpu.memory_space<vmem_shared>> -> memref<10240x128xf32, #tpu.memory_space<vmem_shared>>
      tpu.wait_indirect_dma semaphore(%arg22 : memref<!tpu.dma_semaphore, #tpu.memory_space<semaphore_mem>>) src(%arg14 : memref<64x128xf32, #tpu.memory_space<vmem>>) dst(%dma_wait3A_494 : memref<10240x128xf32, #tpu.memory_space<vmem_shared>>)
      %dma_start3A_495 = arith.constant 8 : i32
      %dma_start3A_496 = arith.constant 0 : i32
      %dma_start3A_497 = tpu.memref_slice %arg10[%dma_start3A_495, %dma_start3A_496] : memref<10x64xi32, #tpu.memory_space<vmem>> -> memref<1x64xi32, #tpu.memory_space<vmem>>
      %dma_start3A_498 = tpu.memref_squeeze %dma_start3A_497 : memref<1x64xi32, #tpu.memory_space<vmem>> -> memref<64xi32, #tpu.memory_space<vmem>>
      %dma_start3A_499 = arith.constant 0 : i32
      %dma_start3A_500 = arith.constant 0 : i32
      %dma_start3A_501 = tpu.memref_slice %arg2[%dma_start3A_499, %dma_start3A_500] : memref<10000x128xf32, #tpu.memory_space<hbm>> -> memref<10000x128xf32, #tpu.memory_space<hbm>>
      tpu.enqueue_indirect_dma source(%dma_start3A_501 : memref<10000x128xf32, #tpu.memory_space<hbm>>) target(%arg14 : memref<64x128xf32, #tpu.memory_space<vmem>>) offsets(%dma_start3A_498 : memref<64xi32, #tpu.memory_space<vmem>>) semaphore(%arg18 : memref<!tpu.dma_semaphore, #tpu.memory_space<semaphore_mem>>)
      %dma_wait3A_502 = arith.constant 5 : i32
      %dma_wait3A_503 = arith.constant 0 : i32
      %dma_wait3A_504 = tpu.memref_slice %arg10[%dma_wait3A_502, %dma_wait3A_503] : memref<10x64xi32, #tpu.memory_space<vmem>> -> memref<1x64xi32, #tpu.memory_space<vmem>>
      %dma_wait3A_505 = tpu.memref_squeeze %dma_wait3A_504 : memref<1x64xi32, #tpu.memory_space<vmem>> -> memref<64xi32, #tpu.memory_space<vmem>>
      %dma_wait3A_506 = arith.constant 0 : i32
      %dma_wait3A_507 = arith.constant 0 : i32
      %dma_wait3A_508 = tpu.memref_slice %arg2[%dma_wait3A_506, %dma_wait3A_507] : memref<10000x128xf32, #tpu.memory_space<hbm>> -> memref<10000x128xf32, #tpu.memory_space<hbm>>
      tpu.wait_indirect_dma semaphore(%arg19 : memref<!tpu.dma_semaphore, #tpu.memory_space<semaphore_mem>>) src(%dma_wait3A_508 : memref<10000x128xf32, #tpu.memory_space<hbm>>) dst(%arg15 : memref<64x128xf32, #tpu.memory_space<vmem>>)
      %dma_start3A_509 = arith.constant 5 : i32
      %dma_start3A_510 = arith.constant 0 : i32
      %dma_start3A_511 = tpu.memref_slice %arg11[%dma_start3A_509, %dma_start3A_510] : memref<10x64xi32, #tpu.memory_space<vmem>> -> memref<1x64xi32, #tpu.memory_space<vmem>>
      %dma_start3A_512 = tpu.memref_squeeze %dma_start3A_511 : memref<1x64xi32, #tpu.memory_space<vmem>> -> memref<64xi32, #tpu.memory_space<vmem>>
      %dma_start3A_513 = arith.constant 0 : i32
      %dma_start3A_514 = arith.constant 0 : i32
      %dma_start3A_515 = tpu.memref_slice %arg7[%dma_start3A_513, %dma_start3A_514] : memref<10240x128xf32, #tpu.memory_space<vmem_shared>> -> memref<10240x128xf32, #tpu.memory_space<vmem_shared>>
      tpu.enqueue_indirect_dma source(%arg15 : memref<64x128xf32, #tpu.memory_space<vmem>>) target(%dma_start3A_515 : memref<10240x128xf32, #tpu.memory_space<vmem_shared>>) offsets(%dma_start3A_512 : memref<64xi32, #tpu.memory_space<vmem>>) semaphore(%arg23 : memref<!tpu.dma_semaphore, #tpu.memory_space<semaphore_mem>>) {add = true}
      %dma_wait3A_516 = arith.constant 5 : i32
      %dma_wait3A_517 = arith.constant 0 : i32
      %dma_wait3A_518 = tpu.memref_slice %arg11[%dma_wait3A_516, %dma_wait3A_517] : memref<10x64xi32, #tpu.memory_space<vmem>> -> memref<1x64xi32, #tpu.memory_space<vmem>>
      %dma_wait3A_519 = tpu.memref_squeeze %dma_wait3A_518 : memref<1x64xi32, #tpu.memory_space<vmem>> -> memref<64xi32, #tpu.memory_space<vmem>>
      %dma_wait3A_520 = arith.constant 0 : i32
      %dma_wait3A_521 = arith.constant 0 : i32
      %dma_wait3A_522 = tpu.memref_slice %arg7[%dma_wait3A_520, %dma_wait3A_521] : memref<10240x128xf32, #tpu.memory_space<vmem_shared>> -> memref<10240x128xf32, #tpu.memory_space<vmem_shared>>
      tpu.wait_indirect_dma semaphore(%arg23 : memref<!tpu.dma_semaphore, #tpu.memory_space<semaphore_mem>>) src(%arg15 : memref<64x128xf32, #tpu.memory_space<vmem>>) dst(%dma_wait3A_522 : memref<10240x128xf32, #tpu.memory_space<vmem_shared>>)
      %dma_start3A_523 = arith.constant 9 : i32
      %dma_start3A_524 = arith.constant 0 : i32
      %dma_start3A_525 = tpu.memref_slice %arg10[%dma_start3A_523, %dma_start3A_524] : memref<10x64xi32, #tpu.memory_space<vmem>> -> memref<1x64xi32, #tpu.memory_space<vmem>>
      %dma_start3A_526 = tpu.memref_squeeze %dma_start3A_525 : memref<1x64xi32, #tpu.memory_space<vmem>> -> memref<64xi32, #tpu.memory_space<vmem>>
      %dma_start3A_527 = arith.constant 0 : i32
      %dma_start3A_528 = arith.constant 0 : i32
      %dma_start3A_529 = tpu.memref_slice %arg2[%dma_start3A_527, %dma_start3A_528] : memref<10000x128xf32, #tpu.memory_space<hbm>> -> memref<10000x128xf32, #tpu.memory_space<hbm>>
      tpu.enqueue_indirect_dma source(%dma_start3A_529 : memref<10000x128xf32, #tpu.memory_space<hbm>>) target(%arg15 : memref<64x128xf32, #tpu.memory_space<vmem>>) offsets(%dma_start3A_526 : memref<64xi32, #tpu.memory_space<vmem>>) semaphore(%arg19 : memref<!tpu.dma_semaphore, #tpu.memory_space<semaphore_mem>>)
      %dma_wait3A_530 = arith.constant 6 : i32
      %dma_wait3A_531 = arith.constant 0 : i32
      %dma_wait3A_532 = tpu.memref_slice %arg10[%dma_wait3A_530, %dma_wait3A_531] : memref<10x64xi32, #tpu.memory_space<vmem>> -> memref<1x64xi32, #tpu.memory_space<vmem>>
      %dma_wait3A_533 = tpu.memref_squeeze %dma_wait3A_532 : memref<1x64xi32, #tpu.memory_space<vmem>> -> memref<64xi32, #tpu.memory_space<vmem>>
      %dma_wait3A_534 = arith.constant 0 : i32
      %dma_wait3A_535 = arith.constant 0 : i32
      %dma_wait3A_536 = tpu.memref_slice %arg2[%dma_wait3A_534, %dma_wait3A_535] : memref<10000x128xf32, #tpu.memory_space<hbm>> -> memref<10000x128xf32, #tpu.memory_space<hbm>>
      tpu.wait_indirect_dma semaphore(%arg16 : memref<!tpu.dma_semaphore, #tpu.memory_space<semaphore_mem>>) src(%dma_wait3A_536 : memref<10000x128xf32, #tpu.memory_space<hbm>>) dst(%arg12 : memref<64x128xf32, #tpu.memory_space<vmem>>)
      %dma_start3A_537 = arith.constant 6 : i32
      %dma_start3A_538 = arith.constant 0 : i32
      %dma_start3A_539 = tpu.memref_slice %arg11[%dma_start3A_537, %dma_start3A_538] : memref<10x64xi32, #tpu.memory_space<vmem>> -> memref<1x64xi32, #tpu.memory_space<vmem>>
      %dma_start3A_540 = tpu.memref_squeeze %dma_start3A_539 : memref<1x64xi32, #tpu.memory_space<vmem>> -> memref<64xi32, #tpu.memory_space<vmem>>
      %dma_start3A_541 = arith.constant 0 : i32
      %dma_start3A_542 = arith.constant 0 : i32
      %dma_start3A_543 = tpu.memref_slice %arg7[%dma_start3A_541, %dma_start3A_542] : memref<10240x128xf32, #tpu.memory_space<vmem_shared>> -> memref<10240x128xf32, #tpu.memory_space<vmem_shared>>
      tpu.enqueue_indirect_dma source(%arg12 : memref<64x128xf32, #tpu.memory_space<vmem>>) target(%dma_start3A_543 : memref<10240x128xf32, #tpu.memory_space<vmem_shared>>) offsets(%dma_start3A_540 : memref<64xi32, #tpu.memory_space<vmem>>) semaphore(%arg20 : memref<!tpu.dma_semaphore, #tpu.memory_space<semaphore_mem>>) {add = true}
      %dma_wait3A_544 = arith.constant 7 : i32
      %dma_wait3A_545 = arith.constant 0 : i32
      %dma_wait3A_546 = tpu.memref_slice %arg10[%dma_wait3A_544, %dma_wait3A_545] : memref<10x64xi32, #tpu.memory_space<vmem>> -> memref<1x64xi32, #tpu.memory_space<vmem>>
      %dma_wait3A_547 = tpu.memref_squeeze %dma_wait3A_546 : memref<1x64xi32, #tpu.memory_space<vmem>> -> memref<64xi32, #tpu.memory_space<vmem>>
      %dma_wait3A_548 = arith.constant 0 : i32
      %dma_wait3A_549 = arith.constant 0 : i32
      %dma_wait3A_550 = tpu.memref_slice %arg2[%dma_wait3A_548, %dma_wait3A_549] : memref<10000x128xf32, #tpu.memory_space<hbm>> -> memref<10000x128xf32, #tpu.memory_space<hbm>>
      tpu.wait_indirect_dma semaphore(%arg17 : memref<!tpu.dma_semaphore, #tpu.memory_space<semaphore_mem>>) src(%dma_wait3A_550 : memref<10000x128xf32, #tpu.memory_space<hbm>>) dst(%arg13 : memref<64x128xf32, #tpu.memory_space<vmem>>)
      %dma_start3A_551 = arith.constant 7 : i32
      %dma_start3A_552 = arith.constant 0 : i32
      %dma_start3A_553 = tpu.memref_slice %arg11[%dma_start3A_551, %dma_start3A_552] : memref<10x64xi32, #tpu.memory_space<vmem>> -> memref<1x64xi32, #tpu.memory_space<vmem>>
      %dma_start3A_554 = tpu.memref_squeeze %dma_start3A_553 : memref<1x64xi32, #tpu.memory_space<vmem>> -> memref<64xi32, #tpu.memory_space<vmem>>
      %dma_start3A_555 = arith.constant 0 : i32
      %dma_start3A_556 = arith.constant 0 : i32
      %dma_start3A_557 = tpu.memref_slice %arg7[%dma_start3A_555, %dma_start3A_556] : memref<10240x128xf32, #tpu.memory_space<vmem_shared>> -> memref<10240x128xf32, #tpu.memory_space<vmem_shared>>
      tpu.enqueue_indirect_dma source(%arg13 : memref<64x128xf32, #tpu.memory_space<vmem>>) target(%dma_start3A_557 : memref<10240x128xf32, #tpu.memory_space<vmem_shared>>) offsets(%dma_start3A_554 : memref<64xi32, #tpu.memory_space<vmem>>) semaphore(%arg21 : memref<!tpu.dma_semaphore, #tpu.memory_space<semaphore_mem>>) {add = true}
      %dma_wait3A_558 = arith.constant 8 : i32
      %dma_wait3A_559 = arith.constant 0 : i32
      %dma_wait3A_560 = tpu.memref_slice %arg10[%dma_wait3A_558, %dma_wait3A_559] : memref<10x64xi32, #tpu.memory_space<vmem>> -> memref<1x64xi32, #tpu.memory_space<vmem>>
      %dma_wait3A_561 = tpu.memref_squeeze %dma_wait3A_560 : memref<1x64xi32, #tpu.memory_space<vmem>> -> memref<64xi32, #tpu.memory_space<vmem>>
      %dma_wait3A_562 = arith.constant 0 : i32
      %dma_wait3A_563 = arith.constant 0 : i32
      %dma_wait3A_564 = tpu.memref_slice %arg2[%dma_wait3A_562, %dma_wait3A_563] : memref<10000x128xf32, #tpu.memory_space<hbm>> -> memref<10000x128xf32, #tpu.memory_space<hbm>>
      tpu.wait_indirect_dma semaphore(%arg18 : memref<!tpu.dma_semaphore, #tpu.memory_space<semaphore_mem>>) src(%dma_wait3A_564 : memref<10000x128xf32, #tpu.memory_space<hbm>>) dst(%arg14 : memref<64x128xf32, #tpu.memory_space<vmem>>)
      %dma_start3A_565 = arith.constant 8 : i32
      %dma_start3A_566 = arith.constant 0 : i32
      %dma_start3A_567 = tpu.memref_slice %arg11[%dma_start3A_565, %dma_start3A_566] : memref<10x64xi32, #tpu.memory_space<vmem>> -> memref<1x64xi32, #tpu.memory_space<vmem>>
      %dma_start3A_568 = tpu.memref_squeeze %dma_start3A_567 : memref<1x64xi32, #tpu.memory_space<vmem>> -> memref<64xi32, #tpu.memory_space<vmem>>
      %dma_start3A_569 = arith.constant 0 : i32
      %dma_start3A_570 = arith.constant 0 : i32
      %dma_start3A_571 = tpu.memref_slice %arg7[%dma_start3A_569, %dma_start3A_570] : memref<10240x128xf32, #tpu.memory_space<vmem_shared>> -> memref<10240x128xf32, #tpu.memory_space<vmem_shared>>
      tpu.enqueue_indirect_dma source(%arg14 : memref<64x128xf32, #tpu.memory_space<vmem>>) target(%dma_start3A_571 : memref<10240x128xf32, #tpu.memory_space<vmem_shared>>) offsets(%dma_start3A_568 : memref<64xi32, #tpu.memory_space<vmem>>) semaphore(%arg22 : memref<!tpu.dma_semaphore, #tpu.memory_space<semaphore_mem>>) {add = true}
      %dma_wait3A_572 = arith.constant 9 : i32
      %dma_wait3A_573 = arith.constant 0 : i32
      %dma_wait3A_574 = tpu.memref_slice %arg10[%dma_wait3A_572, %dma_wait3A_573] : memref<10x64xi32, #tpu.memory_space<vmem>> -> memref<1x64xi32, #tpu.memory_space<vmem>>
      %dma_wait3A_575 = tpu.memref_squeeze %dma_wait3A_574 : memref<1x64xi32, #tpu.memory_space<vmem>> -> memref<64xi32, #tpu.memory_space<vmem>>
      %dma_wait3A_576 = arith.constant 0 : i32
      %dma_wait3A_577 = arith.constant 0 : i32
      %dma_wait3A_578 = tpu.memref_slice %arg2[%dma_wait3A_576, %dma_wait3A_577] : memref<10000x128xf32, #tpu.memory_space<hbm>> -> memref<10000x128xf32, #tpu.memory_space<hbm>>
      tpu.wait_indirect_dma semaphore(%arg19 : memref<!tpu.dma_semaphore, #tpu.memory_space<semaphore_mem>>) src(%dma_wait3A_578 : memref<10000x128xf32, #tpu.memory_space<hbm>>) dst(%arg15 : memref<64x128xf32, #tpu.memory_space<vmem>>)
      %dma_start3A_579 = arith.constant 9 : i32
      %dma_start3A_580 = arith.constant 0 : i32
      %dma_start3A_581 = tpu.memref_slice %arg11[%dma_start3A_579, %dma_start3A_580] : memref<10x64xi32, #tpu.memory_space<vmem>> -> memref<1x64xi32, #tpu.memory_space<vmem>>
      %dma_start3A_582 = tpu.memref_squeeze %dma_start3A_581 : memref<1x64xi32, #tpu.memory_space<vmem>> -> memref<64xi32, #tpu.memory_space<vmem>>
      %dma_start3A_583 = arith.constant 0 : i32
      %dma_start3A_584 = arith.constant 0 : i32
      %dma_start3A_585 = tpu.memref_slice %arg7[%dma_start3A_583, %dma_start3A_584] : memref<10240x128xf32, #tpu.memory_space<vmem_shared>> -> memref<10240x128xf32, #tpu.memory_space<vmem_shared>>
      tpu.enqueue_indirect_dma source(%arg15 : memref<64x128xf32, #tpu.memory_space<vmem>>) target(%dma_start3A_585 : memref<10240x128xf32, #tpu.memory_space<vmem_shared>>) offsets(%dma_start3A_582 : memref<64xi32, #tpu.memory_space<vmem>>) semaphore(%arg23 : memref<!tpu.dma_semaphore, #tpu.memory_space<semaphore_mem>>) {add = true}
      %dma_wait3A_586 = arith.constant 6 : i32
      %dma_wait3A_587 = arith.constant 0 : i32
      %dma_wait3A_588 = tpu.memref_slice %arg11[%dma_wait3A_586, %dma_wait3A_587] : memref<10x64xi32, #tpu.memory_space<vmem>> -> memref<1x64xi32, #tpu.memory_space<vmem>>
      %dma_wait3A_589 = tpu.memref_squeeze %dma_wait3A_588 : memref<1x64xi32, #tpu.memory_space<vmem>> -> memref<64xi32, #tpu.memory_space<vmem>>
      %dma_wait3A_590 = arith.constant 0 : i32
      %dma_wait3A_591 = arith.constant 0 : i32
      %dma_wait3A_592 = tpu.memref_slice %arg7[%dma_wait3A_590, %dma_wait3A_591] : memref<10240x128xf32, #tpu.memory_space<vmem_shared>> -> memref<10240x128xf32, #tpu.memory_space<vmem_shared>>
      tpu.wait_indirect_dma semaphore(%arg20 : memref<!tpu.dma_semaphore, #tpu.memory_space<semaphore_mem>>) src(%arg12 : memref<64x128xf32, #tpu.memory_space<vmem>>) dst(%dma_wait3A_592 : memref<10240x128xf32, #tpu.memory_space<vmem_shared>>)
      %dma_wait3A_593 = arith.constant 7 : i32
      %dma_wait3A_594 = arith.constant 0 : i32
      %dma_wait3A_595 = tpu.memref_slice %arg11[%dma_wait3A_593, %dma_wait3A_594] : memref<10x64xi32, #tpu.memory_space<vmem>> -> memref<1x64xi32, #tpu.memory_space<vmem>>
      %dma_wait3A_596 = tpu.memref_squeeze %dma_wait3A_595 : memref<1x64xi32, #tpu.memory_space<vmem>> -> memref<64xi32, #tpu.memory_space<vmem>>
      %dma_wait3A_597 = arith.constant 0 : i32
      %dma_wait3A_598 = arith.constant 0 : i32
      %dma_wait3A_599 = tpu.memref_slice %arg7[%dma_wait3A_597, %dma_wait3A_598] : memref<10240x128xf32, #tpu.memory_space<vmem_shared>> -> memref<10240x128xf32, #tpu.memory_space<vmem_shared>>
      tpu.wait_indirect_dma semaphore(%arg21 : memref<!tpu.dma_semaphore, #tpu.memory_space<semaphore_mem>>) src(%arg13 : memref<64x128xf32, #tpu.memory_space<vmem>>) dst(%dma_wait3A_599 : memref<10240x128xf32, #tpu.memory_space<vmem_shared>>)
      %dma_wait3A_600 = arith.constant 8 : i32
      %dma_wait3A_601 = arith.constant 0 : i32
      %dma_wait3A_602 = tpu.memref_slice %arg11[%dma_wait3A_600, %dma_wait3A_601] : memref<10x64xi32, #tpu.memory_space<vmem>> -> memref<1x64xi32, #tpu.memory_space<vmem>>
      %dma_wait3A_603 = tpu.memref_squeeze %dma_wait3A_602 : memref<1x64xi32, #tpu.memory_space<vmem>> -> memref<64xi32, #tpu.memory_space<vmem>>
      %dma_wait3A_604 = arith.constant 0 : i32
      %dma_wait3A_605 = arith.constant 0 : i32
      %dma_wait3A_606 = tpu.memref_slice %arg7[%dma_wait3A_604, %dma_wait3A_605] : memref<10240x128xf32, #tpu.memory_space<vmem_shared>> -> memref<10240x128xf32, #tpu.memory_space<vmem_shared>>
      tpu.wait_indirect_dma semaphore(%arg22 : memref<!tpu.dma_semaphore, #tpu.memory_space<semaphore_mem>>) src(%arg14 : memref<64x128xf32, #tpu.memory_space<vmem>>) dst(%dma_wait3A_606 : memref<10240x128xf32, #tpu.memory_space<vmem_shared>>)
      %dma_wait3A_607 = arith.constant 9 : i32
      %dma_wait3A_608 = arith.constant 0 : i32
      %dma_wait3A_609 = tpu.memref_slice %arg11[%dma_wait3A_607, %dma_wait3A_608] : memref<10x64xi32, #tpu.memory_space<vmem>> -> memref<1x64xi32, #tpu.memory_space<vmem>>
      %dma_wait3A_610 = tpu.memref_squeeze %dma_wait3A_609 : memref<1x64xi32, #tpu.memory_space<vmem>> -> memref<64xi32, #tpu.memory_space<vmem>>
      %dma_wait3A_611 = arith.constant 0 : i32
      %dma_wait3A_612 = arith.constant 0 : i32
      %dma_wait3A_613 = tpu.memref_slice %arg7[%dma_wait3A_611, %dma_wait3A_612] : memref<10240x128xf32, #tpu.memory_space<vmem_shared>> -> memref<10240x128xf32, #tpu.memory_space<vmem_shared>>
      tpu.wait_indirect_dma semaphore(%arg23 : memref<!tpu.dma_semaphore, #tpu.memory_space<semaphore_mem>>) src(%arg15 : memref<64x128xf32, #tpu.memory_space<vmem>>) dst(%dma_wait3A_613 : memref<10240x128xf32, #tpu.memory_space<vmem_shared>>)
      %scan3A_614 = arith.constant 0 : i32
      scf.yield %scan3A_614 : i32
    }
    %scan3A_8 = arith.constant 8 : i32
    %barrier3A_9 = arith.constant 0 : index
    tpu.barrier barrier_id(%barrier3A_9)
    "tpu.region"() ({
      %run_scoped3A = tpu.sem_alloc : memref<!tpu.dma_semaphore, #tpu.memory_space<semaphore_mem>>
      %dma_start3A = arith.constant 0 : i32
      %dma_start3A_10 = tpu.memref_slice %arg6[%arg0, %multiple_of3A, %dma_start3A] : memref<2x10240x128xf32, #tpu.memory_space<hbm>> -> memref<1x640x128xf32, #tpu.memory_space<hbm>>
      %dma_start3A_11 = tpu.memref_squeeze %dma_start3A_10 : memref<1x640x128xf32, #tpu.memory_space<hbm>> -> memref<640x128xf32, #tpu.memory_space<hbm>>
      %dma_start3A_12 = arith.constant 0 : i32
      %dma_start3A_13 = tpu.memref_slice %arg7[%multiple_of3A, %dma_start3A_12] : memref<10240x128xf32, #tpu.memory_space<vmem_shared>> -> memref<640x128xf32, #tpu.memory_space<vmem_shared>>
      tpu.enqueue_dma source(%dma_start3A_13 : memref<640x128xf32, #tpu.memory_space<vmem_shared>>) target(%dma_start3A_11 : memref<640x128xf32, #tpu.memory_space<hbm>>) target_semaphore(%run_scoped3A : memref<!tpu.dma_semaphore, #tpu.memory_space<semaphore_mem>>)
      %dma_wait3A = arith.constant 0 : i32
      %dma_wait3A_14 = tpu.memref_slice %arg6[%arg0, %multiple_of3A, %dma_wait3A] : memref<2x10240x128xf32, #tpu.memory_space<hbm>> -> memref<1x640x128xf32, #tpu.memory_space<hbm>>
      %dma_wait3A_15 = tpu.memref_squeeze %dma_wait3A_14 : memref<1x640x128xf32, #tpu.memory_space<hbm>> -> memref<640x128xf32, #tpu.memory_space<hbm>>
      %dma_wait3A_16 = arith.constant 0 : i32
      %dma_wait3A_17 = tpu.memref_slice %arg7[%multiple_of3A, %dma_wait3A_16] : memref<10240x128xf32, #tpu.memory_space<vmem_shared>> -> memref<640x128xf32, #tpu.memory_space<vmem_shared>>
      tpu.wait_dma2 semaphore(%run_scoped3A : memref<!tpu.dma_semaphore, #tpu.memory_space<semaphore_mem>>) src(%dma_wait3A_17 : memref<640x128xf32, #tpu.memory_space<vmem_shared>>) dst(%dma_wait3A_15 : memref<640x128xf32, #tpu.memory_space<hbm>>)
      tpu.yield
    }) : () -> ()
    return
  }
}

module attributes {stable_mosaic.version = 14 : i64} {
  func.func @_proj1_body(%arg0: i32, %arg1: memref<1000x128xf32, #tpu.memory_space<vmem>>, %arg2: memref<128x64xf32, #tpu.memory_space<vmem>>, %arg3: memref<128x64xf32, #tpu.memory_space<vmem>>, %arg4: memref<1000x128xf32, #tpu.memory_space<vmem>>, %arg5: memref<1000x64xf32, #tpu.memory_space<vmem>>) attributes {dimension_semantics = [#tpu.dimension_semantics<arbitrary>], iteration_bounds = array<i64: 10>, scalar_prefetch = 0 : i64, scratch_operands = 0 : i64, tpu.core_type = #tpu.core_type<tc>, window_params = [{transform_indices = @transform_0, window_bounds = array<i64: 1000, 128>}, {pipeline_mode = #tpu.pipeline_mode<synchronous>, transform_indices = @transform_1, window_bounds = array<i64: 128, 64>}, {pipeline_mode = #tpu.pipeline_mode<synchronous>, transform_indices = @transform_2, window_bounds = array<i64: 128, 64>}, {transform_indices = @transform_3, window_bounds = array<i64: 1000, 128>}, {transform_indices = @transform_4, window_bounds = array<i64: 1000, 64>}]} {
    %get3A = arith.constant 0 : index
    %get3A_0 = arith.constant 0 : index
    %get3A_1 = vector.load %arg1[%get3A, %get3A_0] : memref<1000x128xf32, #tpu.memory_space<vmem>>, vector<1000x128xf32>
    %get3A_2 = arith.constant 0 : index
    %get3A_3 = arith.constant 0 : index
    %get3A_4 = vector.load %arg2[%get3A_2, %get3A_3] : memref<128x64xf32, #tpu.memory_space<vmem>>, vector<128x64xf32>
    %dot_general3A = arith.constant dense<0.000000e+00> : vector<1000x64xf32>
    %dot_general3A_5 = tpu.matmul %get3A_1, %get3A_4, %dot_general3A {dimension_numbers = #tpu.dot_dimension_numbers<[1], [0], [0], [1], [0, 0, 1, 1], [], []>, transpose_lhs_hint = false} : vector<1000x128xf32>, vector<128x64xf32>, vector<1000x64xf32> -> vector<1000x64xf32>
    %broadcast_in_dim3A = arith.constant 1.000000e+00 : f32
    %broadcast_in_dim3A_6 = vector.broadcast %broadcast_in_dim3A : f32 to vector<1000x64xf32>
    %concatenate3A = tpu.concatenate %dot_general3A_5, %broadcast_in_dim3A_6 in 1 : vector<1000x64xf32>, vector<1000x64xf32> -> vector<1000x128xf32>
    %swap3A = arith.constant 0 : index
    %swap3A_7 = arith.constant 0 : index
    %swap3A_8 = vector.load %arg4[%swap3A, %swap3A_7] : memref<1000x128xf32, #tpu.memory_space<vmem>>, vector<1000x128xf32>
    tpu.vector_store %arg4[%swap3A, %swap3A_7], %concatenate3A {strides = array<i32>} : memref<1000x128xf32, #tpu.memory_space<vmem>>, vector<1000x128xf32>,
    %get3A_9 = arith.constant 0 : index
    %get3A_10 = arith.constant 0 : index
    %get3A_11 = vector.load %arg3[%get3A_9, %get3A_10] : memref<128x64xf32, #tpu.memory_space<vmem>>, vector<128x64xf32>
    %dot_general3A_12 = arith.constant dense<0.000000e+00> : vector<1000x64xf32>
    %dot_general3A_13 = tpu.matmul %get3A_1, %get3A_11, %dot_general3A_12 {dimension_numbers = #tpu.dot_dimension_numbers<[1], [0], [0], [1], [0, 0, 1, 1], [], []>, transpose_lhs_hint = false} : vector<1000x128xf32>, vector<128x64xf32>, vector<1000x64xf32> -> vector<1000x64xf32>
    %swap3A_14 = arith.constant 0 : index
    %swap3A_15 = arith.constant 0 : index
    %swap3A_16 = vector.load %arg5[%swap3A_14, %swap3A_15] : memref<1000x64xf32, #tpu.memory_space<vmem>>, vector<1000x64xf32>
    tpu.vector_store %arg5[%swap3A_14, %swap3A_15], %dot_general3A_13 {strides = array<i32>} : memref<1000x64xf32, #tpu.memory_space<vmem>>, vector<1000x64xf32>,
    return
  }
  func.func @transform_0(%arg0: i32) -> (i32, i32) {
    %c0_i32 = arith.constant 0 : i32
    %c0_i32_0 = arith.constant 0 : i32
    return %arg0, %c0_i32 : i32, i32
  }
  func.func @transform_1(%arg0: i32) -> (i32, i32) {
    %c0_i32 = arith.constant 0 : i32
    %c0_i32_0 = arith.constant 0 : i32
    %c0_i32_1 = arith.constant 0 : i32
    return %c0_i32, %c0_i32_0 : i32, i32
  }
  func.func @transform_2(%arg0: i32) -> (i32, i32) {
    %c0_i32 = arith.constant 0 : i32
    %c0_i32_0 = arith.constant 0 : i32
    %c0_i32_1 = arith.constant 0 : i32
    return %c0_i32, %c0_i32_0 : i32, i32
  }
  func.func @transform_3(%arg0: i32) -> (i32, i32) {
    %c0_i32 = arith.constant 0 : i32
    %c0_i32_0 = arith.constant 0 : i32
    return %arg0, %c0_i32 : i32, i32
  }
  func.func @transform_4(%arg0: i32) -> (i32, i32) {
    %c0_i32 = arith.constant 0 : i32
    %c0_i32_0 = arith.constant 0 : i32
    return %arg0, %c0_i32 : i32, i32
  }
}

module attributes {stable_mosaic.version = 14 : i64} {
  func.func @_combine1_proj2_body(%arg0: i32, %arg1: memref<2x1000x128xf32, #tpu.memory_space<vmem>>, %arg2: memref<1000x64xf32, #tpu.memory_space<vmem>>, %arg3: memref<1x64xf32, #tpu.memory_space<vmem>>, %arg4: memref<64x64xf32, #tpu.memory_space<vmem>>, %arg5: memref<64x64xf32, #tpu.memory_space<vmem>>, %arg6: memref<1000x128xf32, #tpu.memory_space<vmem>>, %arg7: memref<1000x64xf32, #tpu.memory_space<vmem>>) attributes {dimension_semantics = [#tpu.dimension_semantics<arbitrary>], iteration_bounds = array<i64: 10>, scalar_prefetch = 0 : i64, scratch_operands = 0 : i64, tpu.core_type = #tpu.core_type<tc>, window_params = [{transform_indices = @transform_0, window_bounds = array<i64: 2, 1000, 128>}, {transform_indices = @transform_1, window_bounds = array<i64: 1000, 64>}, {pipeline_mode = #tpu.pipeline_mode<synchronous>, transform_indices = @transform_2, window_bounds = array<i64: 1, 64>}, {pipeline_mode = #tpu.pipeline_mode<synchronous>, transform_indices = @transform_3, window_bounds = array<i64: 64, 64>}, {pipeline_mode = #tpu.pipeline_mode<synchronous>, transform_indices = @transform_4, window_bounds = array<i64: 64, 64>}, {transform_indices = @transform_5, window_bounds = array<i64: 1000, 128>}, {transform_indices = @transform_6, window_bounds = array<i64: 1000, 64>}]} {
    %get3A = arith.constant 0 : index
    %get3A_0 = arith.constant 0 : index
    %get3A_1 = arith.constant 64 : index
    %get3A_2 = vector.load %arg1[%get3A, %get3A_0, %get3A_1] : memref<2x1000x128xf32, #tpu.memory_space<vmem>>, vector<1x1000x1xf32>
    %get3A_3 = vector.shape_cast %get3A_2 : vector<1x1000x1xf32> to vector<1000x1xf32>
    %get3A_4 = arith.constant 1 : index
    %get3A_5 = arith.constant 0 : index
    %get3A_6 = arith.constant 64 : index
    %get3A_7 = vector.load %arg1[%get3A_4, %get3A_5, %get3A_6] : memref<2x1000x128xf32, #tpu.memory_space<vmem>>, vector<1x1000x1xf32>
    %get3A_8 = vector.shape_cast %get3A_7 : vector<1x1000x1xf32> to vector<1000x1xf32>
    %add3A = arith.addf %get3A_3, %get3A_8 : vector<1000x1xf32>
    %max3A = arith.constant 1.000000e+00 : f32
    %max3A_9 = vector.broadcast %max3A : f32 to vector<1000x1xf32>
    %max3A_10 = arith.maximumf %add3A, %max3A_9 : vector<1000x1xf32>
    %div3A = arith.constant 1.000000e+00 : f32
    %div3A_11 = vector.broadcast %div3A : f32 to vector<1000x1xf32>
    %div3A_12 = arith.divf %div3A_11, %max3A_10 : vector<1000x1xf32>
    %get3A_13 = arith.constant 0 : index
    %get3A_14 = arith.constant 0 : index
    %get3A_15 = arith.constant 0 : index
    %get3A_16 = vector.load %arg1[%get3A_13, %get3A_14, %get3A_15] : memref<2x1000x128xf32, #tpu.memory_space<vmem>>, vector<1x1000x64xf32>
    %get3A_17 = vector.shape_cast %get3A_16 : vector<1x1000x64xf32> to vector<1000x64xf32>
    %get3A_18 = arith.constant 1 : index
    %get3A_19 = arith.constant 0 : index
    %get3A_20 = arith.constant 0 : index
    %get3A_21 = vector.load %arg1[%get3A_18, %get3A_19, %get3A_20] : memref<2x1000x128xf32, #tpu.memory_space<vmem>>, vector<1x1000x64xf32>
    %get3A_22 = vector.shape_cast %get3A_21 : vector<1x1000x64xf32> to vector<1000x64xf32>
    %add3A_23 = arith.addf %get3A_17, %get3A_22 : vector<1000x64xf32>
    %mul3A = vector.broadcast %div3A_12 : vector<1000x1xf32> to vector<1000x64xf32>
    %mul3A_24 = arith.mulf %add3A_23, %mul3A : vector<1000x64xf32>
    %get3A_25 = arith.constant 0 : index
    %get3A_26 = arith.constant 0 : index
    %get3A_27 = vector.load %arg3[%get3A_25, %get3A_26] : memref<1x64xf32, #tpu.memory_space<vmem>>, vector<1x64xf32>
    %add3A_28 = vector.broadcast %get3A_27 : vector<1x64xf32> to vector<1000x64xf32>
    %add3A_29 = arith.addf %mul3A_24, %add3A_28 : vector<1000x64xf32>
    %get3A_30 = arith.constant 0 : index
    %get3A_31 = arith.constant 0 : index
    %get3A_32 = vector.load %arg2[%get3A_30, %get3A_31] : memref<1000x64xf32, #tpu.memory_space<vmem>>, vector<1000x64xf32>
    %add3A_33 = arith.addf %add3A_29, %get3A_32 : vector<1000x64xf32>
    %max3A_34 = arith.constant 0.000000e+00 : f32
    %max3A_35 = vector.broadcast %max3A_34 : f32 to vector<1000x64xf32>
    %max3A_36 = arith.maximumf %add3A_33, %max3A_35 : vector<1000x64xf32>
    %get3A_37 = arith.constant 0 : index
    %get3A_38 = arith.constant 0 : index
    %get3A_39 = vector.load %arg4[%get3A_37, %get3A_38] : memref<64x64xf32, #tpu.memory_space<vmem>>, vector<64x64xf32>
    %dot_general3A = arith.constant dense<0.000000e+00> : vector<1000x64xf32>
    %dot_general3A_40 = tpu.matmul %max3A_36, %get3A_39, %dot_general3A {dimension_numbers = #tpu.dot_dimension_numbers<[1], [0], [0], [1], [0, 0, 1, 1], [], []>, transpose_lhs_hint = false} : vector<1000x64xf32>, vector<64x64xf32>, vector<1000x64xf32> -> vector<1000x64xf32>
    %broadcast_in_dim3A = arith.constant 1.000000e+00 : f32
    %broadcast_in_dim3A_41 = vector.broadcast %broadcast_in_dim3A : f32 to vector<1000x64xf32>
    %concatenate3A = tpu.concatenate %dot_general3A_40, %broadcast_in_dim3A_41 in 1 : vector<1000x64xf32>, vector<1000x64xf32> -> vector<1000x128xf32>
    %swap3A = arith.constant 0 : index
    %swap3A_42 = arith.constant 0 : index
    %swap3A_43 = vector.load %arg6[%swap3A, %swap3A_42] : memref<1000x128xf32, #tpu.memory_space<vmem>>, vector<1000x128xf32>
    tpu.vector_store %arg6[%swap3A, %swap3A_42], %concatenate3A {strides = array<i32>} : memref<1000x128xf32, #tpu.memory_space<vmem>>, vector<1000x128xf32>,
    %get3A_44 = arith.constant 0 : index
    %get3A_45 = arith.constant 0 : index
    %get3A_46 = vector.load %arg5[%get3A_44, %get3A_45] : memref<64x64xf32, #tpu.memory_space<vmem>>, vector<64x64xf32>
    %dot_general3A_47 = arith.constant dense<0.000000e+00> : vector<1000x64xf32>
    %dot_general3A_48 = tpu.matmul %max3A_36, %get3A_46, %dot_general3A_47 {dimension_numbers = #tpu.dot_dimension_numbers<[1], [0], [0], [1], [0, 0, 1, 1], [], []>, transpose_lhs_hint = false} : vector<1000x64xf32>, vector<64x64xf32>, vector<1000x64xf32> -> vector<1000x64xf32>
    %swap3A_49 = arith.constant 0 : index
    %swap3A_50 = arith.constant 0 : index
    %swap3A_51 = vector.load %arg7[%swap3A_49, %swap3A_50] : memref<1000x64xf32, #tpu.memory_space<vmem>>, vector<1000x64xf32>
    tpu.vector_store %arg7[%swap3A_49, %swap3A_50], %dot_general3A_48 {strides = array<i32>} : memref<1000x64xf32, #tpu.memory_space<vmem>>, vector<1000x64xf32>,
    return
  }
  func.func @transform_0(%arg0: i32) -> (i32, i32, i32) {
    %c0_i32 = arith.constant 0 : i32
    %c0_i32_0 = arith.constant 0 : i32
    %c0_i32_1 = arith.constant 0 : i32
    return %c0_i32, %arg0, %c0_i32_0 : i32, i32, i32
  }
  func.func @transform_1(%arg0: i32) -> (i32, i32) {
    %c0_i32 = arith.constant 0 : i32
    %c0_i32_0 = arith.constant 0 : i32
    return %arg0, %c0_i32 : i32, i32
  }
  func.func @transform_2(%arg0: i32) -> (i32, i32) {
    %c0_i32 = arith.constant 0 : i32
    %c0_i32_0 = arith.constant 0 : i32
    %c0_i32_1 = arith.constant 0 : i32
    return %c0_i32, %c0_i32_0 : i32, i32
  }
  func.func @transform_3(%arg0: i32) -> (i32, i32) {
    %c0_i32 = arith.constant 0 : i32
    %c0_i32_0 = arith.constant 0 : i32
    %c0_i32_1 = arith.constant 0 : i32
    return %c0_i32, %c0_i32_0 : i32, i32
  }
  func.func @transform_4(%arg0: i32) -> (i32, i32) {
    %c0_i32 = arith.constant 0 : i32
    %c0_i32_0 = arith.constant 0 : i32
    %c0_i32_1 = arith.constant 0 : i32
    return %c0_i32, %c0_i32_0 : i32, i32
  }
  func.func @transform_5(%arg0: i32) -> (i32, i32) {
    %c0_i32 = arith.constant 0 : i32
    %c0_i32_0 = arith.constant 0 : i32
    return %arg0, %c0_i32 : i32, i32
  }
  func.func @transform_6(%arg0: i32) -> (i32, i32) {
    %c0_i32 = arith.constant 0 : i32
    %c0_i32_0 = arith.constant 0 : i32
    return %arg0, %c0_i32 : i32, i32
  }
}

module attributes {stable_mosaic.version = 14 : i64} {
  func.func @_combine2_body(%arg0: i32, %arg1: memref<2x1000x128xf32, #tpu.memory_space<vmem>>, %arg2: memref<2x1000x128xf32, #tpu.memory_space<vmem>>, %arg3: memref<1000x64xf32, #tpu.memory_space<vmem>>, %arg4: memref<1x64xf32, #tpu.memory_space<vmem>>, %arg5: memref<1000x64xf32, #tpu.memory_space<vmem>>) attributes {dimension_semantics = [#tpu.dimension_semantics<arbitrary>], iteration_bounds = array<i64: 10>, scalar_prefetch = 0 : i64, scratch_operands = 0 : i64, tpu.core_type = #tpu.core_type<tc>, window_params = [{transform_indices = @transform_0, window_bounds = array<i64: 2, 1000, 128>}, {transform_indices = @transform_1, window_bounds = array<i64: 2, 1000, 128>}, {transform_indices = @transform_2, window_bounds = array<i64: 1000, 64>}, {pipeline_mode = #tpu.pipeline_mode<synchronous>, transform_indices = @transform_3, window_bounds = array<i64: 1, 64>}, {transform_indices = @transform_4, window_bounds = array<i64: 1000, 64>}]} {
    %get3A = arith.constant 0 : index
    %get3A_0 = arith.constant 0 : index
    %get3A_1 = arith.constant 64 : index
    %get3A_2 = vector.load %arg2[%get3A, %get3A_0, %get3A_1] : memref<2x1000x128xf32, #tpu.memory_space<vmem>>, vector<1x1000x1xf32>
    %get3A_3 = vector.shape_cast %get3A_2 : vector<1x1000x1xf32> to vector<1000x1xf32>
    %get3A_4 = arith.constant 1 : index
    %get3A_5 = arith.constant 0 : index
    %get3A_6 = arith.constant 64 : index
    %get3A_7 = vector.load %arg2[%get3A_4, %get3A_5, %get3A_6] : memref<2x1000x128xf32, #tpu.memory_space<vmem>>, vector<1x1000x1xf32>
    %get3A_8 = vector.shape_cast %get3A_7 : vector<1x1000x1xf32> to vector<1000x1xf32>
    %add3A = arith.addf %get3A_3, %get3A_8 : vector<1000x1xf32>
    %max3A = arith.constant 1.000000e+00 : f32
    %max3A_9 = vector.broadcast %max3A : f32 to vector<1000x1xf32>
    %max3A_10 = arith.maximumf %add3A, %max3A_9 : vector<1000x1xf32>
    %div3A = arith.constant 1.000000e+00 : f32
    %div3A_11 = vector.broadcast %div3A : f32 to vector<1000x1xf32>
    %div3A_12 = arith.divf %div3A_11, %max3A_10 : vector<1000x1xf32>
    %get3A_13 = arith.constant 0 : index
    %get3A_14 = arith.constant 0 : index
    %get3A_15 = arith.constant 0 : index
    %get3A_16 = vector.load %arg1[%get3A_13, %get3A_14, %get3A_15] : memref<2x1000x128xf32, #tpu.memory_space<vmem>>, vector<1x1000x64xf32>
    %get3A_17 = vector.shape_cast %get3A_16 : vector<1x1000x64xf32> to vector<1000x64xf32>
    %get3A_18 = arith.constant 1 : index
    %get3A_19 = arith.constant 0 : index
    %get3A_20 = arith.constant 0 : index
    %get3A_21 = vector.load %arg1[%get3A_18, %get3A_19, %get3A_20] : memref<2x1000x128xf32, #tpu.memory_space<vmem>>, vector<1x1000x64xf32>
    %get3A_22 = vector.shape_cast %get3A_21 : vector<1x1000x64xf32> to vector<1000x64xf32>
    %add3A_23 = arith.addf %get3A_17, %get3A_22 : vector<1000x64xf32>
    %mul3A = vector.broadcast %div3A_12 : vector<1000x1xf32> to vector<1000x64xf32>
    %mul3A_24 = arith.mulf %add3A_23, %mul3A : vector<1000x64xf32>
    %get3A_25 = arith.constant 0 : index
    %get3A_26 = arith.constant 0 : index
    %get3A_27 = vector.load %arg4[%get3A_25, %get3A_26] : memref<1x64xf32, #tpu.memory_space<vmem>>, vector<1x64xf32>
    %add3A_28 = vector.broadcast %get3A_27 : vector<1x64xf32> to vector<1000x64xf32>
    %add3A_29 = arith.addf %mul3A_24, %add3A_28 : vector<1000x64xf32>
    %get3A_30 = arith.constant 0 : index
    %get3A_31 = arith.constant 0 : index
    %get3A_32 = vector.load %arg3[%get3A_30, %get3A_31] : memref<1000x64xf32, #tpu.memory_space<vmem>>, vector<1000x64xf32>
    %add3A_33 = arith.addf %add3A_29, %get3A_32 : vector<1000x64xf32>
    %swap3A = arith.constant 0 : index
    %swap3A_34 = arith.constant 0 : index
    %swap3A_35 = vector.load %arg5[%swap3A, %swap3A_34] : memref<1000x64xf32, #tpu.memory_space<vmem>>, vector<1000x64xf32>
    tpu.vector_store %arg5[%swap3A, %swap3A_34], %add3A_33 {strides = array<i32>} : memref<1000x64xf32, #tpu.memory_space<vmem>>, vector<1000x64xf32>,
    return
  }
  func.func @transform_0(%arg0: i32) -> (i32, i32, i32) {
    %c0_i32 = arith.constant 0 : i32
    %c0_i32_0 = arith.constant 0 : i32
    %c0_i32_1 = arith.constant 0 : i32
    return %c0_i32, %arg0, %c0_i32_0 : i32, i32, i32
  }
  func.func @transform_1(%arg0: i32) -> (i32, i32, i32) {
    %c0_i32 = arith.constant 0 : i32
    %c0_i32_0 = arith.constant 0 : i32
    %c0_i32_1 = arith.constant 0 : i32
    return %c0_i32, %arg0, %c0_i32_0 : i32, i32, i32
  }
  func.func @transform_2(%arg0: i32) -> (i32, i32) {
    %c0_i32 = arith.constant 0 : i32
    %c0_i32_0 = arith.constant 0 : i32
    return %arg0, %c0_i32 : i32, i32
  }
  func.func @transform_3(%arg0: i32) -> (i32, i32) {
    %c0_i32 = arith.constant 0 : i32
    %c0_i32_0 = arith.constant 0 : i32
    %c0_i32_1 = arith.constant 0 : i32
    return %c0_i32, %c0_i32_0 : i32, i32
  }
  func.func @transform_4(%arg0: i32) -> (i32, i32) {
    %c0_i32 = arith.constant 0 : i32
    %c0_i32_0 = arith.constant 0 : i32
    return %arg0, %c0_i32 : i32, i32
  }
}

</mosaic_0001>

<sc_bundles>
// kernel: seg_sum.4.cloned.1.call-start
scs
__scs_entry_jumppad:
0x0: {  	(pc) =	sbr.rel $0x88, $3  }
0x1: {  	(tag) =	ssettag $0x0;
	lr =	simm.s32 $0x1  }
0x2: {  	[smem:$0x3F99] =	sst lr;
	_ =	strace $0xD0000000  }
0x3: {  	_ = 	snop  }
0x4: {  	_ = 	snop  }
0x5: {  	_ = 	snop  }
0x6: {  	_ = 	snop  }
0x7: {  	_ = 	snop  }
__scs_overlays_trampoline_lowered:
0x8: {  	[smem:$0x3FA8] =	sst s0  }
0x9: {  	[smem:$0x3FA9] =	sst s1  }
0xa: {  	[smem:$0x3FAA] =	sst s2  }
0xb: {  	[smem:$0x3FAB] =	sst s3  }
0xc: {  	[smem:$0x3FAC] =	sst s4  }
0xd: {  	[smem:$0x3FAD] =	sst s5  }
0xe: {  	[smem:$0x3FAE] =	sst s6  }
0xf: {  	[smem:$0x3FAF] =	sst s7  }
0x10: {  	[smem:$0x3FB0] =	sst s8  }
0x11: {  	[smem:$0x3FB1] =	sst s9;
	s0 =	simm.s32 @!p0 $0x0  }
0x12: {  	s1 =	sld [smem:$0x3F97];
	s0 =	simm.s32 @p0 $0x1  }
0x13: {  	[smem:$0x3FB2] =	sst s0;
	s0 =	simm.s32 @!p1 $0x0  }
0x14: {  	s2 =	sld [smem:$0x3F96];
	s0 =	simm.s32 @p1 $0x1  }
0x15: {  	[smem:$0x3FB3] =	sst s0;
	s0 =	simm.s32 @!p2 $0x0  }
0x16: {  	s3 =	sld [smem:$0x3FDB];
	s0 =	simm.s32 @p2 $0x1  }
0x17: {  	s4 =	simm.s32 $0x1BF5;
	[smem:$0x3FB5] =	sst s0  }
0x18: {  	s0 =	sld [smem:$0x3F98];
	_ =	swait.ge [sflag:s4], $0x0  }
0x19: {  	s7 =	sld [smem:$0x3F99]  }
0x1a: {  	s8 =	sadd.s32 $0xFFFFE003, lr  }
0x1b: {  	s9 =	sadd.s32 $0xFFFFFEF7, lr;
	s5 =	simm.s32 $0xFFFFFFFF;
	p2 =	slt.u32 s8, $0xFFFFF086  }
0x1c: {  	p1 =	slt.u32 s9, $0xF7A;
	s5 =	simm.s32 @!p2 $0x0  }
0x1d: {  	s5 =	simm.s32 @p1 $0x1;
	p0 =	seq.s32 s7, s2  }
0x1e: {  	s7 =	smul.u32 @!p0 $0xF7A, s2;
	p2 =	seq.s32 @!p0 s5, $0x0  }
0x1f: {  	s9 =	smul.u32 $0xF7A, s1;
	s8 =	simm.s32 @!p0 $0x1BF5;
	p2 =	por !p2, p0  }
0x20: {  	[sflag:s8] =	ssyncset.s32 @!p0 $0xFFFFF086;
	s6 =	sadd.s32 @!p0 s3, s7;
	s7 =	simm.s32 @!p0 $0x108  }
0x21: {  	s3 =	sadd.s32 s3, s9;
	s6 =	sadd.s32 @!p0 $0x88, s6;
	s7 =	simm.s32 @p2 $0x1082  }
0x22: {  	[simem:s7], [sflag:s8] =	dma.local @!p0 [hbm:s6], $0xF7A  }
0x23: {  	s9 =	sor.u32 $0xD0000000, s2;
	s6 =	simm.s32 $0x108;
	_ =	swait.ge @!p0 [sflag:s8], $0x0  }
0x24: {  	s3 =	sadd.s32 $0x88, s3;
	s6 =	simm.s32 @!p1 $0x1082;
	[sflag:s4] =	ssyncset.s32 $0xFFFFF086  }
0x25: {  	[simem:s6], [sflag:s4] =	dma.local [hbm:s3], $0xF7A  }
0x26: {  	[smem:$0x3F99] =	sst s1;
	(tag) =	ssettag s2;
	_ =	strace s9  }
0x27: {  	s1 =	sld [smem:$0x3FA9]  }
0x28: {  	s2 =	sld [smem:$0x3FAA]  }
0x29: {  	s4 =	sld [smem:$0x3FAC]  }
0x2a: {  	p0 =	seq.s32 s5, $0x0;
	s5 =	sld [smem:$0x3FAD]  }
0x2b: {  	s6 =	sld [smem:$0x3FAE]  }
0x2c: {  	s7 =	sld [smem:$0x3FAF]  }
0x2d: {  	s3 =	simm.s32 $0x108;
	s8 =	sld [smem:$0x3FB0]  }
0x2e: {  	s3 =	simm.s32 @!p0 $0x1082;
	s9 =	sld [smem:$0x3FB1]  }
0x2f: {  	lr =	sadd.s32 s0, s3;
	s0 =	sld [smem:$0x3FA8]  }
0x30: {  	s3 =	sld [smem:$0x3FAB]  }
0x31: {  	[smem:$0x3FB4] =	sst s10  }
0x32: {  	s10 =	sld [smem:$0x3FB2];
	_ =	sdelay $0x3  }
0x33: {  	p0 =	seq.s32 s10, $0x1;
	s10 =	sld [smem:$0x3FB4];
	_ =	sdelay $0x3  }
0x34: {  	[smem:$0x3FB4] =	sst s10  }
0x35: {  	s10 =	sld [smem:$0x3FB3];
	_ =	sdelay $0x3  }
0x36: {  	p1 =	seq.s32 s10, $0x1;
	s10 =	sld [smem:$0x3FB4];
	_ =	sdelay $0x3  }
0x37: {  	[smem:$0x3FB4] =	sst s10  }
0x38: {  	s10 =	sld [smem:$0x3FB5]  }
0x39: {  	_ = 	snop;
	(pc) =	sbr.ind lr, $3  }
0x3a: {  	_ = 	snop  }
0x3b: {  	_ = 	snop  }
0x3c: {  	p2 =	seq.s32 s10, $0x1;
	s10 =	sld [smem:$0x3FB4]  }
0x3d: {  	_ =	shalt  }
0x3e: {  	_ =	shalt  }
0x3f: {  	_ =	shalt  }
0x40: {  	_ =	shalt  }
0x41: {  	_ =	shalt  }
0x42: {  	_ =	shalt  }
0x43: {  	_ =	shalt  }
0x44: {  	_ =	shalt  }
0x45: {  	_ =	shalt  }
0x46: {  	_ =	shalt  }
0x47: {  	_ =	shalt  }
0x48: {  	_ =	shalt  }
0x49: {  	_ =	shalt  }
0x4a: {  	_ =	shalt  }
0x4b: {  	_ =	shalt  }
0x4c: {  	_ =	shalt  }
0x4d: {  	_ =	shalt  }
0x4e: {  	_ =	shalt  }
0x4f: {  	_ =	shalt  }
0x50: {  	_ =	shalt  }
0x51: {  	_ =	shalt  }
0x52: {  	_ =	shalt  }
0x53: {  	_ =	shalt  }
0x54: {  	_ =	shalt  }
0x55: {  	_ =	shalt  }
0x56: {  	_ =	shalt  }
0x57: {  	_ =	shalt  }
0x58: {  	_ =	shalt  }
0x59: {  	_ =	shalt  }
0x5a: {  	_ =	shalt  }
0x5b: {  	_ =	shalt  }
0x5c: {  	_ =	shalt  }
0x5d: {  	_ =	shalt  }
0x5e: {  	_ =	shalt  }
0x5f: {  	_ =	shalt  }
0x60: {  	_ =	shalt  }
0x61: {  	_ =	shalt  }
0x62: {  	_ =	shalt  }
0x63: {  	_ =	shalt  }
0x64: {  	_ =	shalt  }
0x65: {  	_ =	shalt  }
0x66: {  	_ =	shalt  }
0x67: {  	_ =	shalt  }
0x68: {  	_ =	shalt  }
0x69: {  	_ =	shalt  }
0x6a: {  	_ =	shalt  }
0x6b: {  	_ =	shalt  }
0x6c: {  	_ =	shalt  }
0x6d: {  	_ =	shalt  }
0x6e: {  	_ =	shalt  }
0x6f: {  	_ =	shalt  }
0x70: {  	_ =	shalt  }
0x71: {  	_ =	shalt  }
0x72: {  	_ =	shalt  }
0x73: {  	_ =	shalt  }
0x74: {  	_ =	shalt  }
0x75: {  	_ =	shalt  }
0x76: {  	_ =	shalt  }
0x77: {  	_ =	shalt  }
0x78: {  	_ =	shalt  }
0x79: {  	_ =	shalt  }
0x7a: {  	_ =	shalt  }
0x7b: {  	_ =	shalt  }
0x7c: {  	_ =	shalt  }
0x7d: {  	_ =	shalt  }
0x7e: {  	_ =	shalt  }
0x7f: {  	_ =	shalt  }
0x80: {  	_ =	shalt  }
0x81: {  	_ =	shalt  }
0x82: {  	_ =	shalt  }
0x83: {  	_ =	shalt  }
0x84: {  	_ =	shalt  }
0x85: {  	_ =	shalt  }
0x86: {  	_ =	shalt  }
0x87: {  	_ =	shalt  }
.Lfunc_end0:
.L_simem_size_0:
called_computation_lowered:
.L_overlay_start_0:
0x88: {  	s2 =	sld [smem:$0x3FD9]  }
0x89: {  	s3 =	sld [smem:$0x3FFE];
	_ =	sdelay $0x1  }
0x8a: {  	s1 =	srdreg.scid  }
0x8b: {  	s0 =	sand.u32 $0x1, s1  }
0x8c: {  	s17 =	sshll.u32 s0, $0xA;
	s2 =	sadd.s32 s3, s2  }
0x8d: {  	s2 =	sadd.s32 s2, s17  }
0x8e: {  	[smem:$0x3FC0] =	sst s2  }
0x8f: {  	_ = 	snop  }
0x90: {  	s2 =	sld [smem:$0x3FD0];
	(tm) =	ssettm $0x1  }
0x91: {  	s18 =	sld [smem:$0x3FFB];
	_ =	sdelay $0x3  }
0x92: {  	_ =	strace s18  }
0x93: {  	s3 =	sld [smem:$0x3FFC];
	_ =	sdelay $0x3  }
0x94: {  	_ =	strace s3  }
0x95: {  	s3 =	sld [smem:$0x3FFD];
	_ =	sdelay $0x3  }
0x96: {  	_ =	strace s3  }
0x97: {  	_ =	strace $0x8FFFFFFF  }
0x98: {  	s19 =	sld [smem:$0x3FDB];
	_ =	sdelay $0x1  }
0x99: {  	s4 =	simm.s32 $_scs_section_size  }
0x9a: {  	s5 =	simm.s32 $_size__tile_overlayer_lowered;
	s6 =	simm.s32 $_tile_overlayer_lowered  }
0x9b: {  	s22 =	simm.s32 $0x1BFF;
	s21 =	sshll.u32 s6, $0x1;
	s3 =	sadd.s32 s4, s19  }
0x9c: {  	s7 =	simm.s32 $0x0;
	s20 =	sshll.u32 s5, $0x1;
	s5 =	sadd.s32 s21, s3  }
0x9d: {  	[timem:s7], [sflag:s22] =	dma.local [hbm:s5], s20  }
0x9e: {  	_ =	swait.ge [sflag:s22], s20  }
0x9f: {  	s4 =	ssub.s32 $0x0, s20;
	[sflag:s22] =	ssyncset.done $0x0  }
0xa0: {  	[sflag:s22] =	ssyncadd.s32 s4;
	_ =	sdelay $0x1  }
0xa1: {  	s23 =	simm.s32 $0x1B8B  }
0xa2: {  	_ =	swait.ge [sflag:s23], $0x1  }
0xa3: {  	[sflag:s23] =	ssyncset.done $0x0  }
0xa4: {  	s25 =	simm.s32 $0x1B8E;
	s24 =	sld [smem:$0x3FFE];
	[sflag:s23] =	ssyncadd.s32 $0xFFFFFFFF  }
0xa5: {  	s26 =	simm.s32 $execute0_lowered;
	[smem:$0x3FD2] =	sst s25  }
0xa6: {  	s5 =	sshll.u32 s26, $0x1;
	_ =	strace $0x80000046;
	[dreg:$0x1] =	wrdreg $0xFFFFFFFF  }
0xa7: {  	s28 =	simm.s32 $_size_execute0_lowered;
	s3 =	sadd.s32 s3, s5;
	[dreg:$0x0] =	wrdreg $0x0  }
0xa8: {  	s5 =	sshll.u32 s28, $0x1;
	[dreg:$0x2] =	wrdreg s3  }
0xa9: {  	[dreg:$0x3] =	wrdreg s5  }
0xaa: {  	[dreg:$0x4] =	wrdreg $0xC0  }
0xab: {  	_ =	task [dreg:s7], $0x5FFFF  }
0xac: {  	[dreg:$0x1] =	wrdreg $0xFFFFFFFF  }
0xad: {  	[dreg:$0x0] =	wrdreg $0x60  }
0xae: {  	[dreg:$0x2] =	wrdreg s24  }
0xaf: {  	[dreg:$0x3] =	wrdreg s2  }
0xb0: {  	[dreg:$0x4] =	wrdreg $0x0  }
0xb1: {  	[dreg:$0x5] =	wrdreg $0x9  }
0xb2: {  	_ =	task.clear_ibuf [dreg:s7], $0x6FFFF;
	_ =	strace $0x90000046  }
0xb3: {  	s29 =	simm.s32 $0x9;
	_ =	strace $0x80000048  }
0xb4: {  	_ =	swait.ge [sflag:s29], $0x1  }
0xb5: {  	[sflag:s29] =	ssyncadd.s32 $0xFFFFFFFF  }
0xb6: {  	_ =	strace $0x90000048  }
0xb7: {  	_ =	sfence  }
0xb8: {  	s30 =	sld [smem:$0x0];
	_ =	sdelay $0x2  }
0xb9: {  	s31 =	sshll.u32 s1, $0xD;
	s1 =	sshrl.u32 s1, $0x2  }
0xba: {  	s3 =	sand.u32 $0x4000, s31;
	s1 =	sadd.s32 s1, s30  }
0xbb: {  	s0 =	sor.u32 s3, s0;
	s1 =	sshll.u32 s1, $0x11  }
0xbc: {  	s0 =	sor.u32 s1, s0  }
0xbd: {  	s0 =	sadd.s32 $0x8F2B, s0  }
0xbe: {  	[sflag:s0] =	ssyncadd.remote.s32 $0x1  }
0xbf: {  	_ =	sfence.sel $0xFFFF  }
0xc0: {  	[dreg:$0x0] =	wrdreg $0xFFFFFFFF;
	(pc) =	sbr.abs _section_cstart, $3  }
0xc1: {  	[dreg:$0x1] =	wrdreg $0xFFFFFFFF  }
0xc2: {  	_ =	task.clear_ibuf [dreg:s7], $0x2FFFF;
	_ =	strace $0x9FFFFFFF  }
0xc3: {  	(tm) =	ssettm $0x7FFFFFFF  }
tec
execute0_lowered:
.L_overlay_start_1:
0x0: {  	(tag) =	ssettag $0x1  }
0x1: {  	s0 =	srdreg.scid  }
0x2: {  	s8 =	stileid.u32;
	s0 =	sand.u32 $0x1, s0  }
0x3: {  	s1 =	rddreg [dreg:$0x0];
	s4 =	sshll.u32 s8, $0xF;
	s2 =	sshll.u32 s0, $0x13  }
0x4: {  	s3 =	rddreg [dreg:$0x2];
	s2 =	sor.u32 s4, s2;
	s4 =	simm.s32 $0x0  }
0x5: {  	s9 =	simm.s32 $0x14080;
	[smem:$0x7FF] =	sst s4  }
0x6: {  	s10 =	simm.s32 $0x14100;
	_ =	strace $0x80000047;
	[dreg:$0x6] =	wrdreg s9  }
0x7: {  	s11 =	simm.s32 $0x14180;
	[dreg:$0x7] =	wrdreg s10  }
0x8: {  	s12 =	simm.s32 $0x14200;
	[dreg:$0x8] =	wrdreg s11  }
0x9: {  	s13 =	simm.s32 $0x14880;
	[dreg:$0x9] =	wrdreg s12  }
0xa: {  	s14 =	simm.s32 $0x14280;
	[dreg:$0xa] =	wrdreg s13  }
0xb: {  	s15 =	simm.s32 $0x14900;
	s16 =	simm.s32 $0x14300;
	[dreg:$0xb] =	wrdreg s14  }
0xc: {  	s18 =	simm.s32 $0x14980;
	s20 =	simm.s32 $0x14380;
	[dreg:$0xc] =	wrdreg s15  }
0xd: {  	s21 =	simm.s32 $0x14A00;
	s23 =	simm.s32 $0x14400;
	[dreg:$0xd] =	wrdreg s16  }
0xe: {  	s24 =	simm.s32 $0x14A80;
	s26 =	simm.s32 $0x14480;
	[dreg:$0xe] =	wrdreg s18  }
0xf: {  	s28 =	simm.s32 $0x8;
	s7 =	smul.u32 $0x14000, s8;
	[dreg:$0xf] =	wrdreg s20  }
0x10: {  	s29 =	simm.s32 $0x9;
	s19 =	smul.u32 $0x50000, s8;
	[dreg:$0x10] =	wrdreg s21  }
0x11: {  	s25 =	sshll.u32 s8, $0x6;
	s8 =	simm.s32 $0x14B00;
	[dreg:$0x11] =	wrdreg s23  }
0x12: {  	s6 =	smul.u32 $0x140000, s0;
	s0 =	ssub.s32 $0x2, s0;
	[dreg:$0x12] =	wrdreg s24  }
0x13: {  	s17 =	sshrl.u32 s0, $0x1;
	s22 =	sshrl.u32 s19, $0x2;
	[dreg:$0x13] =	wrdreg s26  }
0x14: {  	s0 =	ssub.s32 s0, s17;
	s17 =	simm.s32 $0x15280;
	[dreg:$0x14] =	wrdreg s8  }
0x15: {  	s19 =	simm.s32 $0x15300;
	s6 =	sadd.s32 s7, s6;
	[dreg:$0x1d] =	wrdreg s17  }
0x16: {  	s7 =	sadd.s32 s22, s3;
	s22 =	simm.s32 $0x15A00;
	[dreg:$0x1f] =	wrdreg s19  }
0x17: {  	s30 =	simm.s32 $0x15B80;
	s0 =	smax.u32 s0, $0x1;
	[smem:$0x7F7] =	sst s22  }
0x18: {  	s31 =	simm.s32 $0x15C00;
	s9 =	simm.s32 $0x14B80;
	[smem:$0x7F4] =	sst s0  }
0x19: {  	s2 =	sshrl.u32 s2, $0x3;
	s10 =	simm.s32 $0x15080;
	[dreg:$0x15] =	wrdreg s9  }
0x1a: {  	s2 =	sadd.s32 s2, s1;
	s11 =	simm.s32 $0x14C00;
	[dreg:$0x16] =	wrdreg s10  }
0x1b: {  	s6 =	sshrl.u32 s6, $0x3;
	s12 =	simm.s32 $0x15100;
	[dreg:$0x17] =	wrdreg s11  }
0x1c: {  	s7 =	sshrl.u32 s7, $0x3;
	s13 =	simm.s32 $0x14C80;
	[dreg:$0x18] =	wrdreg s12  }
0x1d: {  	s14 =	simm.s32 $0x15180;
	s15 =	simm.s32 $0x15200;
	[dreg:$0x19] =	wrdreg s13  }
0x1e: {  	s16 =	simm.s32 $0x15880;
	s18 =	simm.s32 $0x15900;
	[dreg:$0x1a] =	wrdreg s14  }
0x1f: {  	s17 =	simm.s32 $0x18000;
	s20 =	simm.s32 $0x15980;
	[dreg:$0x1b] =	wrdreg s15  }
0x20: {  	s19 =	simm.s32 $0x1C000;
	s21 =	simm.s32 $0x15380;
	[dreg:$0x1c] =	wrdreg s16  }
0x21: {  	s23 =	simm.s32 $0x15400;
	s22 =	simm.s32 $0x2;
	[dreg:$0x1e] =	wrdreg s18  }
0x22: {  	s24 =	simm.s32 $0x15A80;
	s26 =	simm.s32 $0x15B00;
	[smem:$0x7F5] =	sst s20  }
0x23: {  	s5 =	sadd.s32 $0x1A00, s2;
	s2 =	sadd.s32 $0x21A00, s2;
	[smem:$0x7F6] =	sst s21  }
0x24: {  	s10 =	simm.s32 $0xA;
	s11 =	simm.s32 $0x14000;
	[smem:$0x7F8] =	sst s23  }
0x25: {  	s12 =	simm.s32 $0x14800;
	s13 =	simm.s32 $0x40;
	[smem:$0x7F9] =	sst s24  }
0x26: {  	s14 =	simm.s32 $0x16000;
	s15 =	simm.s32 $0x15000;
	[smem:$0x7FB] =	sst s26  }
0x27: {  	s16 =	simm.s32 $0x15800;
	s18 =	simm.s32 $0x1A000;
	[smem:$0x7FD] =	sst s7  }
0x28: {  	s20 =	simm.s32 $0x1;
	s21 =	simm.s32 $0x5;
	[dreg:$0x4] =	wrdreg s5  }
0x29: {  	s23 =	simm.s32 $0x6;
	[dreg:$0x5] =	wrdreg s2;
	s5 =	sadd.s32 $0x41A00, s1  }
0x2a: {  	s1 =	sadd.s32 s6, s1;
	s6 =	sor.u32 $0x1C0A, s25;
	s25 =	simm.s32 $0x15480  }
0x2b: {  	s24 =	simm.s32 $0x3;
	s26 =	simm.s32 $0x4;
	[smem:$0x7FA] =	sst s25  }
0x2c: {  	s0 =	simm.s32 $0x0;
	s1 =	sadd.s32 $0x68C00, s1;
	[smem:$0x7FC] =	sst s6  }
0x2d: {  	s25 =	simm.s32 $0x7;
	[smem:$0x7F3] =	sst s1;
	s1 =	simm.s32 $0x15C80  }
.LBB2_1:
0x2e: {  	s2 =	rddreg [dreg:$0x1]  }
0x2f: {  	[spmem:s7], [sflag:s6] =	dma.local [hbm:s2], $0x2800  }
0x30: {  	_ =	swait.ge [sflag:s10], $0x2800  }
0x31: {  	[sflag:s10] =	ssyncset.done $0x0  }
0x32: {  	[sflag:s10] =	ssyncadd.s32 $0xFFFFD800  }
0x33: {  	[bflag:$0x0] =	sbarrier.arrive $0xFFFF  }
0x34: {  	s9 =	rddreg [dreg:$0x4]  }
0x35: {  	s2 =	sadd.s32 $0x0, s9  }
0x36: {  	[tilespmem:s11], [sflag:$0xA] =	stream.linear.gather [hbm4b:s2+s4], $0x500, $0x38;
	[tilespmem:$0x1E000] =	vst v63  }
0x37: {  	_ =	swait.ge [sflag:s10], $0x500  }
0x38: {  	s6 =	rddreg [dreg:$0x5];
	[sflag:s10] =	ssyncset.done $0x0  }
0x39: {  	[sflag:s10] =	ssyncadd.s32 $0xFFFFFB00;
	s7 =	sadd.s32 $0x0, s6  }
0x3a: {  	[tilespmem:s12], [sflag:$0xA] =	stream.linear.gather [hbm4b:s7+s4], $0x500, $0x38;
	[tilespmem:$0x1E000] =	vst v63  }
0x3b: {  	_ =	swait.ge [sflag:s10], $0x500  }
0x3c: {  	[sflag:s10] =	ssyncset.done $0x0  }
0x3d: {  	[sflag:s10] =	ssyncadd.s32 $0xFFFFFB00  }
0x3e: {  	[tilespmem:s14], [sflag:$0x1] =	stream.indirect.gather [hbm4b:s5+s13], $0x80, s11, s13, $0xb8;
	[tilespmem:$0x1E000] =	vst v63  }
0x3f: {  	s2 =	sadd.s32 $0x100, s2  }
0x40: {  	[tilespmem:s15], [sflag:$0x9] =	stream.linear.gather [hbm4b:s2+s4], $0x500, $0x38;
	[tilespmem:$0x1E000] =	vst v63  }
0x41: {  	s7 =	sadd.s32 $0x100, s7  }
0x42: {  	[tilespmem:s16], [sflag:$0x9] =	stream.linear.gather [hbm4b:s7+s4], $0x500, $0x38;
	[tilespmem:$0x1E000] =	vst v63  }
0x43: {  	s8 =	rddreg [dreg:$0x6]  }
0x44: {  	[tilespmem:s17], [sflag:$0x2] =	stream.indirect.gather [hbm4b:s5+s13], $0x80, s8, s13, $0xb8;
	[tilespmem:$0x1E000] =	vst v63  }
0x45: {  	s9 =	rddreg [dreg:$0x7]  }
0x46: {  	[tilespmem:s18], [sflag:$0x3] =	stream.indirect.gather [hbm4b:s5+s13], $0x80, s9, s13, $0xb8;
	[tilespmem:$0x1E000] =	vst v63  }
0x47: {  	s6 =	rddreg [dreg:$0x8]  }
0x48: {  	[tilespmem:s19], [sflag:$0x4] =	stream.indirect.gather [hbm4b:s5+s13], $0x80, s6, s13, $0xb8;
	[tilespmem:$0x1E000] =	vst v63  }
0x49: {  	_ =	swait.ge [sflag:s20], $0x2000  }
0x4a: {  	[sflag:s20] =	ssyncset.done $0x0  }
0x4b: {  	[sflag:s20] =	ssyncadd.s32 $0xFFFFE000  }
0x4c: {  	[spmem:s3] =	stream.indirect.scatter.add.f32 [tilespmem:s14], [sflag:$0x5], $0x80, s12, s13, $0xb8;
	[tilespmem:$0x1E000] =	vst v63  }
0x4d: {  	_ =	swait.ge [sflag:s21], $0x2000  }
0x4e: {  	[sflag:s21] =	ssyncset.done $0x0  }
0x4f: {  	s8 =	rddreg [dreg:$0x9];
	[sflag:s21] =	ssyncadd.s32 $0xFFFFE000  }
0x50: {  	[tilespmem:s14], [sflag:$0x1] =	stream.indirect.gather [hbm4b:s5+s13], $0x80, s8, s13, $0xb8;
	[tilespmem:$0x1E000] =	vst v63  }
0x51: {  	_ =	swait.ge [sflag:s22], $0x2000  }
0x52: {  	[sflag:s22] =	ssyncset.done $0x0  }
0x53: {  	s9 =	rddreg [dreg:$0xa];
	[sflag:s22] =	ssyncadd.s32 $0xFFFFE000  }
0x54: {  	[spmem:s3] =	stream.indirect.scatter.add.f32 [tilespmem:s17], [sflag:$0x6], $0x80, s9, s13, $0xb8;
	[tilespmem:$0x1E000] =	vst v63  }
0x55: {  	_ =	swait.ge [sflag:s23], $0x2000  }
0x56: {  	[sflag:s23] =	ssyncset.done $0x0  }
0x57: {  	s6 =	rddreg [dreg:$0xb];
	[sflag:s23] =	ssyncadd.s32 $0xFFFFE000  }
0x58: {  	[tilespmem:s17], [sflag:$0x2] =	stream.indirect.gather [hbm4b:s5+s13], $0x80, s6, s13, $0xb8;
	[tilespmem:$0x1E000] =	vst v63  }
0x59: {  	_ =	swait.ge [sflag:s24], $0x2000  }
0x5a: {  	[sflag:s24] =	ssyncset.done $0x0  }
0x5b: {  	s7 =	rddreg [dreg:$0xc];
	[sflag:s24] =	ssyncadd.s32 $0xFFFFE000  }
0x5c: {  	[spmem:s3] =	stream.indirect.scatter.add.f32 [tilespmem:s18], [sflag:$0x7], $0x80, s7, s13, $0xb8;
	[tilespmem:$0x1E000] =	vst v63  }
0x5d: {  	_ =	swait.ge [sflag:s25], $0x2000  }
0x5e: {  	[sflag:s25] =	ssyncset.done $0x0  }
0x5f: {  	s8 =	rddreg [dreg:$0xd];
	[sflag:s25] =	ssyncadd.s32 $0xFFFFE000  }
0x60: {  	[tilespmem:s18], [sflag:$0x3] =	stream.indirect.gather [hbm4b:s5+s13], $0x80, s8, s13, $0xb8;
	[tilespmem:$0x1E000] =	vst v63  }
0x61: {  	_ =	swait.ge [sflag:s26], $0x2000  }
0x62: {  	[sflag:s26] =	ssyncset.done $0x0  }
0x63: {  	s9 =	rddreg [dreg:$0xe];
	[sflag:s26] =	ssyncadd.s32 $0xFFFFE000  }
0x64: {  	[spmem:s3] =	stream.indirect.scatter.add.f32 [tilespmem:s19], [sflag:$0x8], $0x80, s9, s13, $0xb8;
	[tilespmem:$0x1E000] =	vst v63  }
0x65: {  	_ =	swait.ge [sflag:s28], $0x2000  }
0x66: {  	[sflag:s28] =	ssyncset.done $0x0  }
0x67: {  	s6 =	rddreg [dreg:$0xf];
	[sflag:s28] =	ssyncadd.s32 $0xFFFFE000  }
0x68: {  	[tilespmem:s19], [sflag:$0x4] =	stream.indirect.gather [hbm4b:s5+s13], $0x80, s6, s13, $0xb8;
	[tilespmem:$0x1E000] =	vst v63  }
0x69: {  	_ =	swait.ge [sflag:s20], $0x2000  }
0x6a: {  	[sflag:s20] =	ssyncset.done $0x0  }
0x6b: {  	s7 =	rddreg [dreg:$0x10];
	[sflag:s20] =	ssyncadd.s32 $0xFFFFE000  }
0x6c: {  	[spmem:s3] =	stream.indirect.scatter.add.f32 [tilespmem:s14], [sflag:$0x5], $0x80, s7, s13, $0xb8;
	[tilespmem:$0x1E000] =	vst v63  }
0x6d: {  	_ =	swait.ge [sflag:s21], $0x2000  }
0x6e: {  	[sflag:s21] =	ssyncset.done $0x0  }
0x6f: {  	s8 =	rddreg [dreg:$0x11];
	[sflag:s21] =	ssyncadd.s32 $0xFFFFE000  }
0x70: {  	[tilespmem:s14], [sflag:$0x1] =	stream.indirect.gather [hbm4b:s5+s13], $0x80, s8, s13, $0xb8;
	[tilespmem:$0x1E000] =	vst v63  }
0x71: {  	_ =	swait.ge [sflag:s22], $0x2000  }
0x72: {  	[sflag:s22] =	ssyncset.done $0x0  }
0x73: {  	s9 =	rddreg [dreg:$0x12];
	[sflag:s22] =	ssyncadd.s32 $0xFFFFE000  }
0x74: {  	[spmem:s3] =	stream.indirect.scatter.add.f32 [tilespmem:s17], [sflag:$0x6], $0x80, s9, s13, $0xb8;
	[tilespmem:$0x1E000] =	vst v63  }
0x75: {  	_ =	swait.ge [sflag:s23], $0x2000  }
0x76: {  	[sflag:s23] =	ssyncset.done $0x0  }
0x77: {  	s6 =	rddreg [dreg:$0x13];
	[sflag:s23] =	ssyncadd.s32 $0xFFFFE000  }
0x78: {  	[tilespmem:s17], [sflag:$0x2] =	stream.indirect.gather [hbm4b:s5+s13], $0x80, s6, s13, $0xb8;
	[tilespmem:$0x1E000] =	vst v63  }
0x79: {  	_ =	swait.ge [sflag:s24], $0x2000  }
0x7a: {  	[sflag:s24] =	ssyncset.done $0x0  }
0x7b: {  	s7 =	rddreg [dreg:$0x14];
	[sflag:s24] =	ssyncadd.s32 $0xFFFFE000  }
0x7c: {  	[spmem:s3] =	stream.indirect.scatter.add.f32 [tilespmem:s18], [sflag:$0x7], $0x80, s7, s13, $0xb8;
	[tilespmem:$0x1E000] =	vst v63  }
0x7d: {  	_ =	swait.ge [sflag:s25], $0x2000  }
0x7e: {  	[sflag:s25] =	ssyncset.done $0x0  }
0x7f: {  	[sflag:s25] =	ssyncadd.s32 $0xFFFFE000  }
0x80: {  	_ =	swait.ge [sflag:s29], $0x500  }
0x81: {  	[sflag:s29] =	ssyncset.done $0x0  }
0x82: {  	[sflag:s29] =	ssyncadd.s32 $0xFFFFFB00  }
0x83: {  	_ =	swait.ge [sflag:s29], $0x500  }
0x84: {  	[sflag:s29] =	ssyncset.done $0x0  }
0x85: {  	[sflag:s29] =	ssyncadd.s32 $0xFFFFFB00  }
0x86: {  	[tilespmem:s18], [sflag:$0x3] =	stream.indirect.gather [hbm4b:s5+s13], $0x80, s15, s13, $0xb8;
	[tilespmem:$0x1E000] =	vst v63  }
0x87: {  	_ =	swait.ge [sflag:s26], $0x2000  }
0x88: {  	[sflag:s26] =	ssyncset.done $0x0  }
0x89: {  	s8 =	rddreg [dreg:$0x15];
	[sflag:s26] =	ssyncadd.s32 $0xFFFFE000  }
0x8a: {  	[spmem:s3] =	stream.indirect.scatter.add.f32 [tilespmem:s19], [sflag:$0x8], $0x80, s8, s13, $0xb8;
	[tilespmem:$0x1E000] =	vst v63  }
0x8b: {  	_ =	swait.ge [sflag:s28], $0x2000  }
0x8c: {  	[sflag:s28] =	ssyncset.done $0x0  }
0x8d: {  	s9 =	rddreg [dreg:$0x16];
	[sflag:s28] =	ssyncadd.s32 $0xFFFFE000  }
0x8e: {  	[tilespmem:s19], [sflag:$0x4] =	stream.indirect.gather [hbm4b:s5+s13], $0x80, s9, s13, $0xb8;
	[tilespmem:$0x1E000] =	vst v63  }
0x8f: {  	_ =	swait.ge [sflag:s20], $0x2000  }
0x90: {  	[sflag:s20] =	ssyncset.done $0x0  }
0x91: {  	s6 =	rddreg [dreg:$0x17];
	[sflag:s20] =	ssyncadd.s32 $0xFFFFE000  }
0x92: {  	[spmem:s3] =	stream.indirect.scatter.add.f32 [tilespmem:s14], [sflag:$0x5], $0x80, s6, s13, $0xb8;
	[tilespmem:$0x1E000] =	vst v63  }
0x93: {  	_ =	swait.ge [sflag:s21], $0x2000  }
0x94: {  	[sflag:s21] =	ssyncset.done $0x0  }
0x95: {  	s7 =	rddreg [dreg:$0x18];
	[sflag:s21] =	ssyncadd.s32 $0xFFFFE000  }
0x96: {  	[tilespmem:s14], [sflag:$0x1] =	stream.indirect.gather [hbm4b:s5+s13], $0x80, s7, s13, $0xb8;
	[tilespmem:$0x1E000] =	vst v63  }
0x97: {  	_ =	swait.ge [sflag:s22], $0x2000  }
0x98: {  	[sflag:s22] =	ssyncset.done $0x0  }
0x99: {  	s8 =	rddreg [dreg:$0x19];
	[sflag:s22] =	ssyncadd.s32 $0xFFFFE000  }
0x9a: {  	[spmem:s3] =	stream.indirect.scatter.add.f32 [tilespmem:s17], [sflag:$0x6], $0x80, s8, s13, $0xb8;
	[tilespmem:$0x1E000] =	vst v63  }
0x9b: {  	_ =	swait.ge [sflag:s23], $0x2000  }
0x9c: {  	[sflag:s23] =	ssyncset.done $0x0  }
0x9d: {  	s9 =	rddreg [dreg:$0x1a];
	[sflag:s23] =	ssyncadd.s32 $0xFFFFE000  }
0x9e: {  	[tilespmem:s17], [sflag:$0x2] =	stream.indirect.gather [hbm4b:s5+s13], $0x80, s9, s13, $0xb8;
	[tilespmem:$0x1E000] =	vst v63  }
0x9f: {  	_ =	swait.ge [sflag:s24], $0x2000  }
0xa0: {  	[sflag:s24] =	ssyncset.done $0x0  }
0xa1: {  	[sflag:s24] =	ssyncadd.s32 $0xFFFFE000  }
0xa2: {  	[spmem:s3] =	stream.indirect.scatter.add.f32 [tilespmem:s18], [sflag:$0x7], $0x80, s16, s13, $0xb8;
	[tilespmem:$0x1E000] =	vst v63  }
0xa3: {  	_ =	swait.ge [sflag:s25], $0x2000  }
0xa4: {  	[sflag:s25] =	ssyncset.done $0x0  }
0xa5: {  	s6 =	rddreg [dreg:$0x1b];
	[sflag:s25] =	ssyncadd.s32 $0xFFFFE000  }
0xa6: {  	[tilespmem:s18], [sflag:$0x3] =	stream.indirect.gather [hbm4b:s5+s13], $0x80, s6, s13, $0xb8;
	[tilespmem:$0x1E000] =	vst v63  }
0xa7: {  	_ =	swait.ge [sflag:s26], $0x2000  }
0xa8: {  	[sflag:s26] =	ssyncset.done $0x0  }
0xa9: {  	s7 =	rddreg [dreg:$0x1c];
	[sflag:s26] =	ssyncadd.s32 $0xFFFFE000  }
0xaa: {  	[spmem:s3] =	stream.indirect.scatter.add.f32 [tilespmem:s19], [sflag:$0x8], $0x80, s7, s13, $0xb8;
	[tilespmem:$0x1E000] =	vst v63  }
0xab: {  	_ =	swait.ge [sflag:s28], $0x2000  }
0xac: {  	[sflag:s28] =	ssyncset.done $0x0  }
0xad: {  	s8 =	rddreg [dreg:$0x1d];
	[sflag:s28] =	ssyncadd.s32 $0xFFFFE000  }
0xae: {  	[tilespmem:s19], [sflag:$0x4] =	stream.indirect.gather [hbm4b:s5+s13], $0x80, s8, s13, $0xb8;
	[tilespmem:$0x1E000] =	vst v63  }
0xaf: {  	_ =	swait.ge [sflag:s20], $0x2000  }
0xb0: {  	[sflag:s20] =	ssyncset.done $0x0  }
0xb1: {  	s9 =	rddreg [dreg:$0x1e];
	[sflag:s20] =	ssyncadd.s32 $0xFFFFE000  }
0xb2: {  	[spmem:s3] =	stream.indirect.scatter.add.f32 [tilespmem:s14], [sflag:$0x5], $0x80, s9, s13, $0xb8;
	[tilespmem:$0x1E000] =	vst v63  }
0xb3: {  	_ =	swait.ge [sflag:s21], $0x2000  }
0xb4: {  	[sflag:s21] =	ssyncset.done $0x0  }
0xb5: {  	s6 =	rddreg [dreg:$0x1f];
	[sflag:s21] =	ssyncadd.s32 $0xFFFFE000  }
0xb6: {  	[tilespmem:s14], [sflag:$0x1] =	stream.indirect.gather [hbm4b:s5+s13], $0x80, s6, s13, $0xb8;
	[tilespmem:$0x1E000] =	vst v63  }
0xb7: {  	_ =	swait.ge [sflag:s22], $0x2000  }
0xb8: {  	s7 =	sld [smem:$0x7F5]  }
0xb9: {  	[sflag:s22] =	ssyncset.done $0x0  }
0xba: {  	[sflag:s22] =	ssyncadd.s32 $0xFFFFE000  }
0xbb: {  	[spmem:s3] =	stream.indirect.scatter.add.f32 [tilespmem:s17], [sflag:$0x6], $0x80, s7, s13, $0xb8;
	[tilespmem:$0x1E000] =	vst v63  }
0xbc: {  	_ =	swait.ge [sflag:s23], $0x2000  }
0xbd: {  	s8 =	sld [smem:$0x7F6]  }
0xbe: {  	[sflag:s23] =	ssyncset.done $0x0  }
0xbf: {  	[sflag:s23] =	ssyncadd.s32 $0xFFFFE000  }
0xc0: {  	[tilespmem:s17], [sflag:$0x2] =	stream.indirect.gather [hbm4b:s5+s13], $0x80, s8, s13, $0xb8;
	[tilespmem:$0x1E000] =	vst v63  }
0xc1: {  	_ =	swait.ge [sflag:s24], $0x2000  }
0xc2: {  	s9 =	sld [smem:$0x7F7]  }
0xc3: {  	[sflag:s24] =	ssyncset.done $0x0  }
0xc4: {  	[sflag:s24] =	ssyncadd.s32 $0xFFFFE000  }
0xc5: {  	[spmem:s3] =	stream.indirect.scatter.add.f32 [tilespmem:s18], [sflag:$0x7], $0x80, s9, s13, $0xb8;
	[tilespmem:$0x1E000] =	vst v63  }
0xc6: {  	_ =	swait.ge [sflag:s25], $0x2000  }
0xc7: {  	s6 =	sld [smem:$0x7F8]  }
0xc8: {  	[sflag:s25] =	ssyncset.done $0x0  }
0xc9: {  	[sflag:s25] =	ssyncadd.s32 $0xFFFFE000  }
0xca: {  	[tilespmem:s18], [sflag:$0x3] =	stream.indirect.gather [hbm4b:s5+s13], $0x80, s6, s13, $0xb8;
	[tilespmem:$0x1E000] =	vst v63  }
0xcb: {  	_ =	swait.ge [sflag:s26], $0x2000  }
0xcc: {  	s7 =	sld [smem:$0x7F9]  }
0xcd: {  	[sflag:s26] =	ssyncset.done $0x0  }
0xce: {  	[sflag:s26] =	ssyncadd.s32 $0xFFFFE000  }
0xcf: {  	[spmem:s3] =	stream.indirect.scatter.add.f32 [tilespmem:s19], [sflag:$0x8], $0x80, s7, s13, $0xb8;
	[tilespmem:$0x1E000] =	vst v63  }
0xd0: {  	_ =	swait.ge [sflag:s28], $0x2000  }
0xd1: {  	s8 =	sld [smem:$0x7FA]  }
0xd2: {  	[sflag:s28] =	ssyncset.done $0x0  }
0xd3: {  	[sflag:s28] =	ssyncadd.s32 $0xFFFFE000  }
0xd4: {  	[tilespmem:s19], [sflag:$0x4] =	stream.indirect.gather [hbm4b:s5+s13], $0x80, s8, s13, $0xb8;
	[tilespmem:$0x1E000] =	vst v63  }
0xd5: {  	_ =	swait.ge [sflag:s20], $0x2000  }
0xd6: {  	s9 =	sld [smem:$0x7FB]  }
0xd7: {  	[sflag:s20] =	ssyncset.done $0x0  }
0xd8: {  	[sflag:s20] =	ssyncadd.s32 $0xFFFFE000  }
0xd9: {  	[spmem:s3] =	stream.indirect.scatter.add.f32 [tilespmem:s14], [sflag:$0x5], $0x80, s9, s13, $0xb8;
	[tilespmem:$0x1E000] =	vst v63  }
0xda: {  	_ =	swait.ge [sflag:s22], $0x2000  }
0xdb: {  	[sflag:s22] =	ssyncset.done $0x0  }
0xdc: {  	[sflag:s22] =	ssyncadd.s32 $0xFFFFE000  }
0xdd: {  	[spmem:s3] =	stream.indirect.scatter.add.f32 [tilespmem:s17], [sflag:$0x6], $0x80, s30, s13, $0xb8;
	[tilespmem:$0x1E000] =	vst v63  }
0xde: {  	_ =	swait.ge [sflag:s24], $0x2000  }
0xdf: {  	[sflag:s24] =	ssyncset.done $0x0  }
0xe0: {  	[sflag:s24] =	ssyncadd.s32 $0xFFFFE000  }
0xe1: {  	[spmem:s3] =	stream.indirect.scatter.add.f32 [tilespmem:s18], [sflag:$0x7], $0x80, s31, s13, $0xb8;
	[tilespmem:$0x1E000] =	vst v63  }
0xe2: {  	_ =	swait.ge [sflag:s26], $0x2000  }
0xe3: {  	[sflag:s26] =	ssyncset.done $0x0  }
0xe4: {  	[sflag:s26] =	ssyncadd.s32 $0xFFFFE000  }
0xe5: {  	[spmem:s3] =	stream.indirect.scatter.add.f32 [tilespmem:s19], [sflag:$0x8], $0x80, s1, s13, $0xb8;
	[tilespmem:$0x1E000] =	vst v63  }
0xe6: {  	_ =	swait.ge [sflag:s21], $0x2000  }
0xe7: {  	[sflag:s21] =	ssyncset.done $0x0  }
0xe8: {  	[sflag:s21] =	ssyncadd.s32 $0xFFFFE000  }
0xe9: {  	_ =	swait.ge [sflag:s23], $0x2000  }
0xea: {  	[sflag:s23] =	ssyncset.done $0x0  }
0xeb: {  	[sflag:s23] =	ssyncadd.s32 $0xFFFFE000  }
0xec: {  	_ =	swait.ge [sflag:s25], $0x2000  }
0xed: {  	[sflag:s25] =	ssyncset.done $0x0  }
0xee: {  	[sflag:s25] =	ssyncadd.s32 $0xFFFFE000  }
0xef: {  	s2 =	simm.s32 $0x200;
	_ =	swait.ge [sflag:s28], $0x2000  }
0xf0: {  	s7 =	simm.s32 $0x400;
	s8 =	rddreg [dreg:$0x4];
	[sflag:s28] =	ssyncset.done $0x0  }
.LBB2_2:
0xf1: {  	[sflag:s28] =	ssyncadd.s32 $0xFFFFE000;
	s8 =	sadd.s32 s2, s8  }
0xf2: {  	[tilespmem:s11], [sflag:$0xA] =	stream.linear.gather [hbm4b:s8+s4], $0x500, $0x38;
	[tilespmem:$0x1E000] =	vst v63  }
0xf3: {  	_ =	swait.ge [sflag:s10], $0x500  }
0xf4: {  	s9 =	rddreg [dreg:$0x5];
	[sflag:s10] =	ssyncset.done $0x0  }
0xf5: {  	[sflag:s10] =	ssyncadd.s32 $0xFFFFFB00;
	s9 =	sadd.s32 s2, s9  }
0xf6: {  	[tilespmem:s12], [sflag:$0xA] =	stream.linear.gather [hbm4b:s9+s4], $0x500, $0x38;
	[tilespmem:$0x1E000] =	vst v63  }
0xf7: {  	_ =	swait.ge [sflag:s10], $0x500  }
0xf8: {  	[sflag:s10] =	ssyncset.done $0x0  }
0xf9: {  	[sflag:s10] =	ssyncadd.s32 $0xFFFFFB00  }
0xfa: {  	[tilespmem:s14], [sflag:$0x1] =	stream.indirect.gather [hbm4b:s5+s13], $0x80, s11, s13, $0xb8;
	[tilespmem:$0x1E000] =	vst v63  }
0xfb: {  	s8 =	sadd.s32 $0x100, s8  }
0xfc: {  	[tilespmem:s15], [sflag:$0x9] =	stream.linear.gather [hbm4b:s8+s4], $0x500, $0x38;
	[tilespmem:$0x1E000] =	vst v63  }
0xfd: {  	s8 =	sadd.s32 $0x100, s9  }
0xfe: {  	[tilespmem:s16], [sflag:$0x9] =	stream.linear.gather [hbm4b:s8+s4], $0x500, $0x38;
	[tilespmem:$0x1E000] =	vst v63  }
0xff: {  	s6 =	smov.u32 s7;
	s9 =	rddreg [dreg:$0x6]  }
0x100: {  	[tilespmem:s17], [sflag:$0x2] =	stream.indirect.gather [hbm4b:s5+s13], $0x80, s9, s13, $0xb8;
	[tilespmem:$0x1E000] =	vst v63  }
0x101: {  	s2 =	smov.u32 s6;
	s6 =	rddreg [dreg:$0x7]  }
0x102: {  	[tilespmem:s18], [sflag:$0x3] =	stream.indirect.gather [hbm4b:s5+s13], $0x80, s6, s13, $0xb8;
	[tilespmem:$0x1E000] =	vst v63  }
0x103: {  	s9 =	rddreg [dreg:$0x8]  }
0x104: {  	[tilespmem:s19], [sflag:$0x4] =	stream.indirect.gather [hbm4b:s5+s13], $0x80, s9, s13, $0xb8;
	[tilespmem:$0x1E000] =	vst v63  }
0x105: {  	_ =	swait.ge [sflag:s20], $0x2000  }
0x106: {  	[sflag:s20] =	ssyncset.done $0x0  }
0x107: {  	[sflag:s20] =	ssyncadd.s32 $0xFFFFE000  }
0x108: {  	[spmem:s3] =	stream.indirect.scatter.add.f32 [tilespmem:s14], [sflag:$0x5], $0x80, s12, s13, $0xb8;
	[tilespmem:$0x1E000] =	vst v63  }
0x109: {  	_ =	swait.ge [sflag:s21], $0x2000  }
0x10a: {  	[sflag:s21] =	ssyncset.done $0x0  }
0x10b: {  	s8 =	rddreg [dreg:$0x9];
	[sflag:s21] =	ssyncadd.s32 $0xFFFFE000  }
0x10c: {  	[tilespmem:s14], [sflag:$0x1] =	stream.indirect.gather [hbm4b:s5+s13], $0x80, s8, s13, $0xb8;
	[tilespmem:$0x1E000] =	vst v63  }
0x10d: {  	_ =	swait.ge [sflag:s22], $0x2000  }
0x10e: {  	[sflag:s22] =	ssyncset.done $0x0  }
0x10f: {  	s9 =	rddreg [dreg:$0xa];
	[sflag:s22] =	ssyncadd.s32 $0xFFFFE000  }
0x110: {  	[spmem:s3] =	stream.indirect.scatter.add.f32 [tilespmem:s17], [sflag:$0x6], $0x80, s9, s13, $0xb8;
	[tilespmem:$0x1E000] =	vst v63  }
0x111: {  	_ =	swait.ge [sflag:s23], $0x2000  }
0x112: {  	[sflag:s23] =	ssyncset.done $0x0  }
0x113: {  	s8 =	rddreg [dreg:$0xb];
	[sflag:s23] =	ssyncadd.s32 $0xFFFFE000  }
0x114: {  	[tilespmem:s17], [sflag:$0x2] =	stream.indirect.gather [hbm4b:s5+s13], $0x80, s8, s13, $0xb8;
	[tilespmem:$0x1E000] =	vst v63  }
0x115: {  	_ =	swait.ge [sflag:s24], $0x2000  }
0x116: {  	[sflag:s24] =	ssyncset.done $0x0  }
0x117: {  	s9 =	rddreg [dreg:$0xc];
	[sflag:s24] =	ssyncadd.s32 $0xFFFFE000  }
0x118: {  	[spmem:s3] =	stream.indirect.scatter.add.f32 [tilespmem:s18], [sflag:$0x7], $0x80, s9, s13, $0xb8;
	[tilespmem:$0x1E000] =	vst v63  }
0x119: {  	_ =	swait.ge [sflag:s25], $0x2000  }
0x11a: {  	[sflag:s25] =	ssyncset.done $0x0  }
0x11b: {  	s8 =	rddreg [dreg:$0xd];
	[sflag:s25] =	ssyncadd.s32 $0xFFFFE000  }
0x11c: {  	[tilespmem:s18], [sflag:$0x3] =	stream.indirect.gather [hbm4b:s5+s13], $0x80, s8, s13, $0xb8;
	[tilespmem:$0x1E000] =	vst v63  }
0x11d: {  	_ =	swait.ge [sflag:s26], $0x2000  }
0x11e: {  	[sflag:s26] =	ssyncset.done $0x0  }
0x11f: {  	s9 =	rddreg [dreg:$0xe];
	[sflag:s26] =	ssyncadd.s32 $0xFFFFE000  }
0x120: {  	[spmem:s3] =	stream.indirect.scatter.add.f32 [tilespmem:s19], [sflag:$0x8], $0x80, s9, s13, $0xb8;
	[tilespmem:$0x1E000] =	vst v63  }
0x121: {  	_ =	swait.ge [sflag:s28], $0x2000  }
0x122: {  	[sflag:s28] =	ssyncset.done $0x0  }
0x123: {  	s8 =	rddreg [dreg:$0xf];
	[sflag:s28] =	ssyncadd.s32 $0xFFFFE000  }
0x124: {  	[tilespmem:s19], [sflag:$0x4] =	stream.indirect.gather [hbm4b:s5+s13], $0x80, s8, s13, $0xb8;
	[tilespmem:$0x1E000] =	vst v63  }
0x125: {  	_ =	swait.ge [sflag:s20], $0x2000  }
0x126: {  	[sflag:s20] =	ssyncset.done $0x0  }
0x127: {  	s9 =	rddreg [dreg:$0x10];
	[sflag:s20] =	ssyncadd.s32 $0xFFFFE000  }
0x128: {  	[spmem:s3] =	stream.indirect.scatter.add.f32 [tilespmem:s14], [sflag:$0x5], $0x80, s9, s13, $0xb8;
	[tilespmem:$0x1E000] =	vst v63  }
0x129: {  	_ =	swait.ge [sflag:s21], $0x2000  }
0x12a: {  	[sflag:s21] =	ssyncset.done $0x0  }
0x12b: {  	s8 =	rddreg [dreg:$0x11];
	[sflag:s21] =	ssyncadd.s32 $0xFFFFE000  }
0x12c: {  	[tilespmem:s14], [sflag:$0x1] =	stream.indirect.gather [hbm4b:s5+s13], $0x80, s8, s13, $0xb8;
	[tilespmem:$0x1E000] =	vst v63  }
0x12d: {  	_ =	swait.ge [sflag:s22], $0x2000  }
0x12e: {  	[sflag:s22] =	ssyncset.done $0x0  }
0x12f: {  	s9 =	rddreg [dreg:$0x12];
	[sflag:s22] =	ssyncadd.s32 $0xFFFFE000  }
0x130: {  	[spmem:s3] =	stream.indirect.scatter.add.f32 [tilespmem:s17], [sflag:$0x6], $0x80, s9, s13, $0xb8;
	[tilespmem:$0x1E000] =	vst v63  }
0x131: {  	_ =	swait.ge [sflag:s23], $0x2000  }
0x132: {  	[sflag:s23] =	ssyncset.done $0x0  }
0x133: {  	s8 =	rddreg [dreg:$0x13];
	[sflag:s23] =	ssyncadd.s32 $0xFFFFE000  }
0x134: {  	[tilespmem:s17], [sflag:$0x2] =	stream.indirect.gather [hbm4b:s5+s13], $0x80, s8, s13, $0xb8;
	[tilespmem:$0x1E000] =	vst v63  }
0x135: {  	_ =	swait.ge [sflag:s24], $0x2000  }
0x136: {  	[sflag:s24] =	ssyncset.done $0x0  }
0x137: {  	s9 =	rddreg [dreg:$0x14];
	[sflag:s24] =	ssyncadd.s32 $0xFFFFE000  }
0x138: {  	[spmem:s3] =	stream.indirect.scatter.add.f32 [tilespmem:s18], [sflag:$0x7], $0x80, s9, s13, $0xb8;
	[tilespmem:$0x1E000] =	vst v63  }
0x139: {  	_ =	swait.ge [sflag:s25], $0x2000  }
0x13a: {  	[sflag:s25] =	ssyncset.done $0x0  }
0x13b: {  	[sflag:s25] =	ssyncadd.s32 $0xFFFFE000  }
0x13c: {  	_ =	swait.ge [sflag:s29], $0x500  }
0x13d: {  	[sflag:s29] =	ssyncset.done $0x0  }
0x13e: {  	[sflag:s29] =	ssyncadd.s32 $0xFFFFFB00  }
0x13f: {  	_ =	swait.ge [sflag:s29], $0x500  }
0x140: {  	[sflag:s29] =	ssyncset.done $0x0  }
0x141: {  	[sflag:s29] =	ssyncadd.s32 $0xFFFFFB00  }
0x142: {  	[tilespmem:s18], [sflag:$0x3] =	stream.indirect.gather [hbm4b:s5+s13], $0x80, s15, s13, $0xb8;
	[tilespmem:$0x1E000] =	vst v63  }
0x143: {  	_ =	swait.ge [sflag:s26], $0x2000  }
0x144: {  	[sflag:s26] =	ssyncset.done $0x0  }
0x145: {  	s8 =	rddreg [dreg:$0x15];
	[sflag:s26] =	ssyncadd.s32 $0xFFFFE000  }
0x146: {  	[spmem:s3] =	stream.indirect.scatter.add.f32 [tilespmem:s19], [sflag:$0x8], $0x80, s8, s13, $0xb8;
	[tilespmem:$0x1E000] =	vst v63  }
0x147: {  	_ =	swait.ge [sflag:s28], $0x2000  }
0x148: {  	[sflag:s28] =	ssyncset.done $0x0  }
0x149: {  	s9 =	rddreg [dreg:$0x16];
	[sflag:s28] =	ssyncadd.s32 $0xFFFFE000  }
0x14a: {  	[tilespmem:s19], [sflag:$0x4] =	stream.indirect.gather [hbm4b:s5+s13], $0x80, s9, s13, $0xb8;
	[tilespmem:$0x1E000] =	vst v63  }
0x14b: {  	_ =	swait.ge [sflag:s20], $0x2000  }
0x14c: {  	[sflag:s20] =	ssyncset.done $0x0  }
0x14d: {  	s8 =	rddreg [dreg:$0x17];
	[sflag:s20] =	ssyncadd.s32 $0xFFFFE000  }
0x14e: {  	[spmem:s3] =	stream.indirect.scatter.add.f32 [tilespmem:s14], [sflag:$0x5], $0x80, s8, s13, $0xb8;
	[tilespmem:$0x1E000] =	vst v63  }
0x14f: {  	_ =	swait.ge [sflag:s21], $0x2000  }
0x150: {  	[sflag:s21] =	ssyncset.done $0x0  }
0x151: {  	s9 =	rddreg [dreg:$0x18];
	[sflag:s21] =	ssyncadd.s32 $0xFFFFE000  }
0x152: {  	[tilespmem:s14], [sflag:$0x1] =	stream.indirect.gather [hbm4b:s5+s13], $0x80, s9, s13, $0xb8;
	[tilespmem:$0x1E000] =	vst v63  }
0x153: {  	_ =	swait.ge [sflag:s22], $0x2000  }
0x154: {  	[sflag:s22] =	ssyncset.done $0x0  }
0x155: {  	s8 =	rddreg [dreg:$0x19];
	[sflag:s22] =	ssyncadd.s32 $0xFFFFE000  }
0x156: {  	[spmem:s3] =	stream.indirect.scatter.add.f32 [tilespmem:s17], [sflag:$0x6], $0x80, s8, s13, $0xb8;
	[tilespmem:$0x1E000] =	vst v63  }
0x157: {  	_ =	swait.ge [sflag:s23], $0x2000  }
0x158: {  	[sflag:s23] =	ssyncset.done $0x0  }
0x159: {  	s9 =	rddreg [dreg:$0x1a];
	[sflag:s23] =	ssyncadd.s32 $0xFFFFE000  }
0x15a: {  	[tilespmem:s17], [sflag:$0x2] =	stream.indirect.gather [hbm4b:s5+s13], $0x80, s9, s13, $0xb8;
	[tilespmem:$0x1E000] =	vst v63  }
0x15b: {  	_ =	swait.ge [sflag:s24], $0x2000  }
0x15c: {  	[sflag:s24] =	ssyncset.done $0x0  }
0x15d: {  	[sflag:s24] =	ssyncadd.s32 $0xFFFFE000  }
0x15e: {  	[spmem:s3] =	stream.indirect.scatter.add.f32 [tilespmem:s18], [sflag:$0x7], $0x80, s16, s13, $0xb8;
	[tilespmem:$0x1E000] =	vst v63  }
0x15f: {  	_ =	swait.ge [sflag:s25], $0x2000  }
0x160: {  	[sflag:s25] =	ssyncset.done $0x0  }
0x161: {  	s8 =	rddreg [dreg:$0x1b];
	[sflag:s25] =	ssyncadd.s32 $0xFFFFE000  }
0x162: {  	[tilespmem:s18], [sflag:$0x3] =	stream.indirect.gather [hbm4b:s5+s13], $0x80, s8, s13, $0xb8;
	[tilespmem:$0x1E000] =	vst v63  }
0x163: {  	_ =	swait.ge [sflag:s26], $0x2000  }
0x164: {  	[sflag:s26] =	ssyncset.done $0x0  }
0x165: {  	s9 =	rddreg [dreg:$0x1c];
	[sflag:s26] =	ssyncadd.s32 $0xFFFFE000  }
0x166: {  	[spmem:s3] =	stream.indirect.scatter.add.f32 [tilespmem:s19], [sflag:$0x8], $0x80, s9, s13, $0xb8;
	[tilespmem:$0x1E000] =	vst v63  }
0x167: {  	_ =	swait.ge [sflag:s28], $0x2000  }
0x168: {  	[sflag:s28] =	ssyncset.done $0x0  }
0x169: {  	s8 =	rddreg [dreg:$0x1d];
	[sflag:s28] =	ssyncadd.s32 $0xFFFFE000  }
0x16a: {  	[tilespmem:s19], [sflag:$0x4] =	stream.indirect.gather [hbm4b:s5+s13], $0x80, s8, s13, $0xb8;
	[tilespmem:$0x1E000] =	vst v63  }
0x16b: {  	_ =	swait.ge [sflag:s20], $0x2000  }
0x16c: {  	[sflag:s20] =	ssyncset.done $0x0  }
0x16d: {  	s9 =	rddreg [dreg:$0x1e];
	[sflag:s20] =	ssyncadd.s32 $0xFFFFE000  }
0x16e: {  	[spmem:s3] =	stream.indirect.scatter.add.f32 [tilespmem:s14], [sflag:$0x5], $0x80, s9, s13, $0xb8;
	[tilespmem:$0x1E000] =	vst v63  }
0x16f: {  	_ =	swait.ge [sflag:s21], $0x2000  }
0x170: {  	[sflag:s21] =	ssyncset.done $0x0  }
0x171: {  	s8 =	rddreg [dreg:$0x1f];
	[sflag:s21] =	ssyncadd.s32 $0xFFFFE000  }
0x172: {  	[tilespmem:s14], [sflag:$0x1] =	stream.indirect.gather [hbm4b:s5+s13], $0x80, s8, s13, $0xb8;
	[tilespmem:$0x1E000] =	vst v63  }
0x173: {  	_ =	swait.ge [sflag:s22], $0x2000  }
0x174: {  	s9 =	sld [smem:$0x7F5]  }
0x175: {  	[sflag:s22] =	ssyncset.done $0x0  }
0x176: {  	[sflag:s22] =	ssyncadd.s32 $0xFFFFE000  }
0x177: {  	[spmem:s3] =	stream.indirect.scatter.add.f32 [tilespmem:s17], [sflag:$0x6], $0x80, s9, s13, $0xb8;
	[tilespmem:$0x1E000] =	vst v63  }
0x178: {  	_ =	swait.ge [sflag:s23], $0x2000  }
0x179: {  	s8 =	sld [smem:$0x7F6]  }
0x17a: {  	[sflag:s23] =	ssyncset.done $0x0  }
0x17b: {  	[sflag:s23] =	ssyncadd.s32 $0xFFFFE000  }
0x17c: {  	[tilespmem:s17], [sflag:$0x2] =	stream.indirect.gather [hbm4b:s5+s13], $0x80, s8, s13, $0xb8;
	[tilespmem:$0x1E000] =	vst v63  }
0x17d: {  	_ =	swait.ge [sflag:s24], $0x2000  }
0x17e: {  	s9 =	sld [smem:$0x7F7]  }
0x17f: {  	[sflag:s24] =	ssyncset.done $0x0  }
0x180: {  	[sflag:s24] =	ssyncadd.s32 $0xFFFFE000  }
0x181: {  	[spmem:s3] =	stream.indirect.scatter.add.f32 [tilespmem:s18], [sflag:$0x7], $0x80, s9, s13, $0xb8;
	[tilespmem:$0x1E000] =	vst v63  }
0x182: {  	_ =	swait.ge [sflag:s25], $0x2000  }
0x183: {  	s8 =	sld [smem:$0x7F8]  }
0x184: {  	[sflag:s25] =	ssyncset.done $0x0  }
0x185: {  	[sflag:s25] =	ssyncadd.s32 $0xFFFFE000  }
0x186: {  	[tilespmem:s18], [sflag:$0x3] =	stream.indirect.gather [hbm4b:s5+s13], $0x80, s8, s13, $0xb8;
	[tilespmem:$0x1E000] =	vst v63  }
0x187: {  	_ =	swait.ge [sflag:s26], $0x2000  }
0x188: {  	s9 =	sld [smem:$0x7F9]  }
0x189: {  	[sflag:s26] =	ssyncset.done $0x0  }
0x18a: {  	[sflag:s26] =	ssyncadd.s32 $0xFFFFE000  }
0x18b: {  	[spmem:s3] =	stream.indirect.scatter.add.f32 [tilespmem:s19], [sflag:$0x8], $0x80, s9, s13, $0xb8;
	[tilespmem:$0x1E000] =	vst v63  }
0x18c: {  	_ =	swait.ge [sflag:s28], $0x2000  }
0x18d: {  	s8 =	sld [smem:$0x7FA]  }
0x18e: {  	[sflag:s28] =	ssyncset.done $0x0  }
0x18f: {  	[sflag:s28] =	ssyncadd.s32 $0xFFFFE000  }
0x190: {  	[tilespmem:s19], [sflag:$0x4] =	stream.indirect.gather [hbm4b:s5+s13], $0x80, s8, s13, $0xb8;
	[tilespmem:$0x1E000] =	vst v63  }
0x191: {  	_ =	swait.ge [sflag:s20], $0x2000  }
0x192: {  	s9 =	sld [smem:$0x7FB]  }
0x193: {  	[sflag:s20] =	ssyncset.done $0x0  }
0x194: {  	[sflag:s20] =	ssyncadd.s32 $0xFFFFE000  }
0x195: {  	[spmem:s3] =	stream.indirect.scatter.add.f32 [tilespmem:s14], [sflag:$0x5], $0x80, s9, s13, $0xb8;
	[tilespmem:$0x1E000] =	vst v63  }
0x196: {  	_ =	swait.ge [sflag:s22], $0x2000  }
0x197: {  	[sflag:s22] =	ssyncset.done $0x0  }
0x198: {  	[sflag:s22] =	ssyncadd.s32 $0xFFFFE000  }
0x199: {  	[spmem:s3] =	stream.indirect.scatter.add.f32 [tilespmem:s17], [sflag:$0x6], $0x80, s30, s13, $0xb8;
	[tilespmem:$0x1E000] =	vst v63  }
0x19a: {  	_ =	swait.ge [sflag:s24], $0x2000  }
0x19b: {  	[sflag:s24] =	ssyncset.done $0x0  }
0x19c: {  	[sflag:s24] =	ssyncadd.s32 $0xFFFFE000  }
0x19d: {  	[spmem:s3] =	stream.indirect.scatter.add.f32 [tilespmem:s18], [sflag:$0x7], $0x80, s31, s13, $0xb8;
	[tilespmem:$0x1E000] =	vst v63  }
0x19e: {  	_ =	swait.ge [sflag:s26], $0x2000  }
0x19f: {  	[sflag:s26] =	ssyncset.done $0x0  }
0x1a0: {  	[sflag:s26] =	ssyncadd.s32 $0xFFFFE000  }
0x1a1: {  	[spmem:s3] =	stream.indirect.scatter.add.f32 [tilespmem:s19], [sflag:$0x8], $0x80, s1, s13, $0xb8;
	[tilespmem:$0x1E000] =	vst v63  }
0x1a2: {  	_ =	swait.ge [sflag:s21], $0x2000  }
0x1a3: {  	[sflag:s21] =	ssyncset.done $0x0  }
0x1a4: {  	[sflag:s21] =	ssyncadd.s32 $0xFFFFE000  }
0x1a5: {  	_ =	swait.ge [sflag:s23], $0x2000  }
0x1a6: {  	[sflag:s23] =	ssyncset.done $0x0  }
0x1a7: {  	p0 =	sne.s32 s7, $0xE00;
	[sflag:s23] =	ssyncadd.s32 $0xFFFFE000  }
.Ltmp0:
0x1a8: {  	_ =	swait.ge [sflag:s25], $0x2000;
	(pc) =	sbr.rel @p0 .LBB2_2-.Ltmp0, $4  }
0x1a9: {  	[sflag:s25] =	ssyncset.done $0x0  }
0x1aa: {  	[sflag:s25] =	ssyncadd.s32 $0xFFFFE000  }
0x1ab: {  	_ =	swait.ge [sflag:s28], $0x2000  }
0x1ac: {  	s7 =	sadd.s32 $0x200, s7;
	s8 =	rddreg [dreg:$0x4];
	[sflag:s28] =	ssyncset.done $0x0  }
0x1ad: {  	[sflag:s28] =	ssyncadd.s32 $0xFFFFE000;
	s6 =	sadd.s32 s2, s8  }
0x1ae: {  	[tilespmem:s11], [sflag:$0xA] =	stream.linear.gather [hbm4b:s6+s4], $0x500, $0x38;
	[tilespmem:$0x1E000] =	vst v63  }
0x1af: {  	_ =	swait.ge [sflag:s10], $0x500  }
0x1b0: {  	s7 =	rddreg [dreg:$0x5];
	[sflag:s10] =	ssyncset.done $0x0  }
0x1b1: {  	s9 =	sadd.s32 s2, s7;
	[sflag:s10] =	ssyncadd.s32 $0xFFFFFB00  }
0x1b2: {  	[tilespmem:s12], [sflag:$0xA] =	stream.linear.gather [hbm4b:s9+s4], $0x500, $0x38;
	[tilespmem:$0x1E000] =	vst v63  }
0x1b3: {  	_ =	swait.ge [sflag:s10], $0x500  }
0x1b4: {  	[sflag:s10] =	ssyncset.done $0x0  }
0x1b5: {  	[sflag:s10] =	ssyncadd.s32 $0xFFFFFB00  }
0x1b6: {  	[tilespmem:s14], [sflag:$0x1] =	stream.indirect.gather [hbm4b:s5+s13], $0x80, s11, s13, $0xb8;
	[tilespmem:$0x1E000] =	vst v63  }
0x1b7: {  	s6 =	sadd.s32 $0x100, s6  }
0x1b8: {  	[tilespmem:s15], [sflag:$0x9] =	stream.linear.gather [hbm4b:s6+s4], $0x500, $0x38;
	[tilespmem:$0x1E000] =	vst v63  }
0x1b9: {  	s2 =	sadd.s32 $0x100, s9  }
0x1ba: {  	[tilespmem:s16], [sflag:$0x9] =	stream.linear.gather [hbm4b:s2+s4], $0x500, $0x38;
	[tilespmem:$0x1E000] =	vst v63  }
0x1bb: {  	s7 =	rddreg [dreg:$0x6]  }
0x1bc: {  	[tilespmem:s17], [sflag:$0x2] =	stream.indirect.gather [hbm4b:s5+s13], $0x80, s7, s13, $0xb8;
	[tilespmem:$0x1E000] =	vst v63  }
0x1bd: {  	s8 =	rddreg [dreg:$0x7]  }
0x1be: {  	[tilespmem:s18], [sflag:$0x3] =	stream.indirect.gather [hbm4b:s5+s13], $0x80, s8, s13, $0xb8;
	[tilespmem:$0x1E000] =	vst v63  }
0x1bf: {  	s9 =	rddreg [dreg:$0x8]  }
0x1c0: {  	[tilespmem:s19], [sflag:$0x4] =	stream.indirect.gather [hbm4b:s5+s13], $0x80, s9, s13, $0xb8;
	[tilespmem:$0x1E000] =	vst v63  }
0x1c1: {  	_ =	swait.ge [sflag:s20], $0x2000  }
0x1c2: {  	[sflag:s20] =	ssyncset.done $0x0  }
0x1c3: {  	[sflag:s20] =	ssyncadd.s32 $0xFFFFE000  }
0x1c4: {  	[spmem:s3] =	stream.indirect.scatter.add.f32 [tilespmem:s14], [sflag:$0x5], $0x80, s12, s13, $0xb8;
	[tilespmem:$0x1E000] =	vst v63  }
0x1c5: {  	_ =	swait.ge [sflag:s21], $0x2000  }
0x1c6: {  	[sflag:s21] =	ssyncset.done $0x0  }
0x1c7: {  	s6 =	rddreg [dreg:$0x9];
	[sflag:s21] =	ssyncadd.s32 $0xFFFFE000  }
0x1c8: {  	[tilespmem:s14], [sflag:$0x1] =	stream.indirect.gather [hbm4b:s5+s13], $0x80, s6, s13, $0xb8;
	[tilespmem:$0x1E000] =	vst v63  }
0x1c9: {  	_ =	swait.ge [sflag:s22], $0x2000  }
0x1ca: {  	[sflag:s22] =	ssyncset.done $0x0  }
0x1cb: {  	s7 =	rddreg [dreg:$0xa];
	[sflag:s22] =	ssyncadd.s32 $0xFFFFE000  }
0x1cc: {  	[spmem:s3] =	stream.indirect.scatter.add.f32 [tilespmem:s17], [sflag:$0x6], $0x80, s7, s13, $0xb8;
	[tilespmem:$0x1E000] =	vst v63  }
0x1cd: {  	_ =	swait.ge [sflag:s23], $0x2000  }
0x1ce: {  	[sflag:s23] =	ssyncset.done $0x0  }
0x1cf: {  	s8 =	rddreg [dreg:$0xb];
	[sflag:s23] =	ssyncadd.s32 $0xFFFFE000  }
0x1d0: {  	[tilespmem:s17], [sflag:$0x2] =	stream.indirect.gather [hbm4b:s5+s13], $0x80, s8, s13, $0xb8;
	[tilespmem:$0x1E000] =	vst v63  }
0x1d1: {  	_ =	swait.ge [sflag:s24], $0x2000  }
0x1d2: {  	[sflag:s24] =	ssyncset.done $0x0  }
0x1d3: {  	s9 =	rddreg [dreg:$0xc];
	[sflag:s24] =	ssyncadd.s32 $0xFFFFE000  }
0x1d4: {  	[spmem:s3] =	stream.indirect.scatter.add.f32 [tilespmem:s18], [sflag:$0x7], $0x80, s9, s13, $0xb8;
	[tilespmem:$0x1E000] =	vst v63  }
0x1d5: {  	_ =	swait.ge [sflag:s25], $0x2000  }
0x1d6: {  	[sflag:s25] =	ssyncset.done $0x0  }
0x1d7: {  	s6 =	rddreg [dreg:$0xd];
	[sflag:s25] =	ssyncadd.s32 $0xFFFFE000  }
0x1d8: {  	[tilespmem:s18], [sflag:$0x3] =	stream.indirect.gather [hbm4b:s5+s13], $0x80, s6, s13, $0xb8;
	[tilespmem:$0x1E000] =	vst v63  }
0x1d9: {  	_ =	swait.ge [sflag:s26], $0x2000  }
0x1da: {  	[sflag:s26] =	ssyncset.done $0x0  }
0x1db: {  	s7 =	rddreg [dreg:$0xe];
	[sflag:s26] =	ssyncadd.s32 $0xFFFFE000  }
0x1dc: {  	[spmem:s3] =	stream.indirect.scatter.add.f32 [tilespmem:s19], [sflag:$0x8], $0x80, s7, s13, $0xb8;
	[tilespmem:$0x1E000] =	vst v63  }
0x1dd: {  	_ =	swait.ge [sflag:s28], $0x2000  }
0x1de: {  	[sflag:s28] =	ssyncset.done $0x0  }
0x1df: {  	s8 =	rddreg [dreg:$0xf];
	[sflag:s28] =	ssyncadd.s32 $0xFFFFE000  }
0x1e0: {  	[tilespmem:s19], [sflag:$0x4] =	stream.indirect.gather [hbm4b:s5+s13], $0x80, s8, s13, $0xb8;
	[tilespmem:$0x1E000] =	vst v63  }
0x1e1: {  	_ =	swait.ge [sflag:s20], $0x2000  }
0x1e2: {  	[sflag:s20] =	ssyncset.done $0x0  }
0x1e3: {  	s9 =	rddreg [dreg:$0x10];
	[sflag:s20] =	ssyncadd.s32 $0xFFFFE000  }
0x1e4: {  	[spmem:s3] =	stream.indirect.scatter.add.f32 [tilespmem:s14], [sflag:$0x5], $0x80, s9, s13, $0xb8;
	[tilespmem:$0x1E000] =	vst v63  }
0x1e5: {  	_ =	swait.ge [sflag:s21], $0x2000  }
0x1e6: {  	[sflag:s21] =	ssyncset.done $0x0  }
0x1e7: {  	s6 =	rddreg [dreg:$0x11];
	[sflag:s21] =	ssyncadd.s32 $0xFFFFE000  }
0x1e8: {  	[tilespmem:s14], [sflag:$0x1] =	stream.indirect.gather [hbm4b:s5+s13], $0x80, s6, s13, $0xb8;
	[tilespmem:$0x1E000] =	vst v63  }
0x1e9: {  	_ =	swait.ge [sflag:s22], $0x2000  }
0x1ea: {  	[sflag:s22] =	ssyncset.done $0x0  }
0x1eb: {  	s7 =	rddreg [dreg:$0x12];
	[sflag:s22] =	ssyncadd.s32 $0xFFFFE000  }
0x1ec: {  	[spmem:s3] =	stream.indirect.scatter.add.f32 [tilespmem:s17], [sflag:$0x6], $0x80, s7, s13, $0xb8;
	[tilespmem:$0x1E000] =	vst v63  }
0x1ed: {  	_ =	swait.ge [sflag:s23], $0x2000  }
0x1ee: {  	[sflag:s23] =	ssyncset.done $0x0  }
0x1ef: {  	s8 =	rddreg [dreg:$0x13];
	[sflag:s23] =	ssyncadd.s32 $0xFFFFE000  }
0x1f0: {  	[tilespmem:s17], [sflag:$0x2] =	stream.indirect.gather [hbm4b:s5+s13], $0x80, s8, s13, $0xb8;
	[tilespmem:$0x1E000] =	vst v63  }
0x1f1: {  	_ =	swait.ge [sflag:s24], $0x2000  }
0x1f2: {  	[sflag:s24] =	ssyncset.done $0x0  }
0x1f3: {  	s9 =	rddreg [dreg:$0x14];
	[sflag:s24] =	ssyncadd.s32 $0xFFFFE000  }
0x1f4: {  	[spmem:s3] =	stream.indirect.scatter.add.f32 [tilespmem:s18], [sflag:$0x7], $0x80, s9, s13, $0xb8;
	[tilespmem:$0x1E000] =	vst v63  }
0x1f5: {  	_ =	swait.ge [sflag:s25], $0x2000  }
0x1f6: {  	[sflag:s25] =	ssyncset.done $0x0  }
0x1f7: {  	[sflag:s25] =	ssyncadd.s32 $0xFFFFE000  }
0x1f8: {  	_ =	swait.ge [sflag:s29], $0x500  }
0x1f9: {  	[sflag:s29] =	ssyncset.done $0x0  }
0x1fa: {  	[sflag:s29] =	ssyncadd.s32 $0xFFFFFB00  }
0x1fb: {  	_ =	swait.ge [sflag:s29], $0x500  }
0x1fc: {  	[sflag:s29] =	ssyncset.done $0x0  }
0x1fd: {  	[sflag:s29] =	ssyncadd.s32 $0xFFFFFB00  }
0x1fe: {  	[tilespmem:s18], [sflag:$0x3] =	stream.indirect.gather [hbm4b:s5+s13], $0x80, s15, s13, $0xb8;
	[tilespmem:$0x1E000] =	vst v63  }
0x1ff: {  	_ =	swait.ge [sflag:s26], $0x2000  }
0x200: {  	[sflag:s26] =	ssyncset.done $0x0  }
0x201: {  	s6 =	rddreg [dreg:$0x15];
	[sflag:s26] =	ssyncadd.s32 $0xFFFFE000  }
0x202: {  	[spmem:s3] =	stream.indirect.scatter.add.f32 [tilespmem:s19], [sflag:$0x8], $0x80, s6, s13, $0xb8;
	[tilespmem:$0x1E000] =	vst v63  }
0x203: {  	_ =	swait.ge [sflag:s28], $0x2000  }
0x204: {  	[sflag:s28] =	ssyncset.done $0x0  }
0x205: {  	s7 =	rddreg [dreg:$0x16];
	[sflag:s28] =	ssyncadd.s32 $0xFFFFE000  }
0x206: {  	[tilespmem:s19], [sflag:$0x4] =	stream.indirect.gather [hbm4b:s5+s13], $0x80, s7, s13, $0xb8;
	[tilespmem:$0x1E000] =	vst v63  }
0x207: {  	_ =	swait.ge [sflag:s20], $0x2000  }
0x208: {  	[sflag:s20] =	ssyncset.done $0x0  }
0x209: {  	s8 =	rddreg [dreg:$0x17];
	[sflag:s20] =	ssyncadd.s32 $0xFFFFE000  }
0x20a: {  	[spmem:s3] =	stream.indirect.scatter.add.f32 [tilespmem:s14], [sflag:$0x5], $0x80, s8, s13, $0xb8;
	[tilespmem:$0x1E000] =	vst v63  }
0x20b: {  	_ =	swait.ge [sflag:s21], $0x2000  }
0x20c: {  	[sflag:s21] =	ssyncset.done $0x0  }
0x20d: {  	s9 =	rddreg [dreg:$0x18];
	[sflag:s21] =	ssyncadd.s32 $0xFFFFE000  }
0x20e: {  	[tilespmem:s14], [sflag:$0x1] =	stream.indirect.gather [hbm4b:s5+s13], $0x80, s9, s13, $0xb8;
	[tilespmem:$0x1E000] =	vst v63  }
0x20f: {  	_ =	swait.ge [sflag:s22], $0x2000  }
0x210: {  	[sflag:s22] =	ssyncset.done $0x0  }
0x211: {  	s6 =	rddreg [dreg:$0x19];
	[sflag:s22] =	ssyncadd.s32 $0xFFFFE000  }
0x212: {  	[spmem:s3] =	stream.indirect.scatter.add.f32 [tilespmem:s17], [sflag:$0x6], $0x80, s6, s13, $0xb8;
	[tilespmem:$0x1E000] =	vst v63  }
0x213: {  	_ =	swait.ge [sflag:s23], $0x2000  }
0x214: {  	[sflag:s23] =	ssyncset.done $0x0  }
0x215: {  	s7 =	rddreg [dreg:$0x1a];
	[sflag:s23] =	ssyncadd.s32 $0xFFFFE000  }
0x216: {  	[tilespmem:s17], [sflag:$0x2] =	stream.indirect.gather [hbm4b:s5+s13], $0x80, s7, s13, $0xb8;
	[tilespmem:$0x1E000] =	vst v63  }
0x217: {  	_ =	swait.ge [sflag:s24], $0x2000  }
0x218: {  	[sflag:s24] =	ssyncset.done $0x0  }
0x219: {  	[sflag:s24] =	ssyncadd.s32 $0xFFFFE000  }
0x21a: {  	[spmem:s3] =	stream.indirect.scatter.add.f32 [tilespmem:s18], [sflag:$0x7], $0x80, s16, s13, $0xb8;
	[tilespmem:$0x1E000] =	vst v63  }
0x21b: {  	_ =	swait.ge [sflag:s25], $0x2000  }
0x21c: {  	[sflag:s25] =	ssyncset.done $0x0  }
0x21d: {  	s8 =	rddreg [dreg:$0x1b];
	[sflag:s25] =	ssyncadd.s32 $0xFFFFE000  }
0x21e: {  	[tilespmem:s18], [sflag:$0x3] =	stream.indirect.gather [hbm4b:s5+s13], $0x80, s8, s13, $0xb8;
	[tilespmem:$0x1E000] =	vst v63  }
0x21f: {  	_ =	swait.ge [sflag:s26], $0x2000  }
0x220: {  	[sflag:s26] =	ssyncset.done $0x0  }
0x221: {  	s9 =	rddreg [dreg:$0x1c];
	[sflag:s26] =	ssyncadd.s32 $0xFFFFE000  }
0x222: {  	[spmem:s3] =	stream.indirect.scatter.add.f32 [tilespmem:s19], [sflag:$0x8], $0x80, s9, s13, $0xb8;
	[tilespmem:$0x1E000] =	vst v63  }
0x223: {  	_ =	swait.ge [sflag:s28], $0x2000  }
0x224: {  	[sflag:s28] =	ssyncset.done $0x0  }
0x225: {  	s6 =	rddreg [dreg:$0x1d];
	[sflag:s28] =	ssyncadd.s32 $0xFFFFE000  }
0x226: {  	[tilespmem:s19], [sflag:$0x4] =	stream.indirect.gather [hbm4b:s5+s13], $0x80, s6, s13, $0xb8;
	[tilespmem:$0x1E000] =	vst v63  }
0x227: {  	_ =	swait.ge [sflag:s20], $0x2000  }
0x228: {  	[sflag:s20] =	ssyncset.done $0x0  }
0x229: {  	s7 =	rddreg [dreg:$0x1e];
	[sflag:s20] =	ssyncadd.s32 $0xFFFFE000  }
0x22a: {  	[spmem:s3] =	stream.indirect.scatter.add.f32 [tilespmem:s14], [sflag:$0x5], $0x80, s7, s13, $0xb8;
	[tilespmem:$0x1E000] =	vst v63  }
0x22b: {  	_ =	swait.ge [sflag:s21], $0x2000  }
0x22c: {  	[sflag:s21] =	ssyncset.done $0x0  }
0x22d: {  	s8 =	rddreg [dreg:$0x1f];
	[sflag:s21] =	ssyncadd.s32 $0xFFFFE000  }
0x22e: {  	[tilespmem:s14], [sflag:$0x1] =	stream.indirect.gather [hbm4b:s5+s13], $0x80, s8, s13, $0xb8;
	[tilespmem:$0x1E000] =	vst v63  }
0x22f: {  	_ =	swait.ge [sflag:s22], $0x2000  }
0x230: {  	s9 =	sld [smem:$0x7F5]  }
0x231: {  	[sflag:s22] =	ssyncset.done $0x0  }
0x232: {  	[sflag:s22] =	ssyncadd.s32 $0xFFFFE000  }
0x233: {  	[spmem:s3] =	stream.indirect.scatter.add.f32 [tilespmem:s17], [sflag:$0x6], $0x80, s9, s13, $0xb8;
	[tilespmem:$0x1E000] =	vst v63  }
0x234: {  	_ =	swait.ge [sflag:s23], $0x2000  }
0x235: {  	s6 =	sld [smem:$0x7F6]  }
0x236: {  	[sflag:s23] =	ssyncset.done $0x0  }
0x237: {  	[sflag:s23] =	ssyncadd.s32 $0xFFFFE000  }
0x238: {  	[tilespmem:s17], [sflag:$0x2] =	stream.indirect.gather [hbm4b:s5+s13], $0x80, s6, s13, $0xb8;
	[tilespmem:$0x1E000] =	vst v63  }
0x239: {  	_ =	swait.ge [sflag:s24], $0x2000  }
0x23a: {  	s7 =	sld [smem:$0x7F7]  }
0x23b: {  	[sflag:s24] =	ssyncset.done $0x0  }
0x23c: {  	[sflag:s24] =	ssyncadd.s32 $0xFFFFE000  }
0x23d: {  	[spmem:s3] =	stream.indirect.scatter.add.f32 [tilespmem:s18], [sflag:$0x7], $0x80, s7, s13, $0xb8;
	[tilespmem:$0x1E000] =	vst v63  }
0x23e: {  	_ =	swait.ge [sflag:s25], $0x2000  }
0x23f: {  	s8 =	sld [smem:$0x7F8]  }
0x240: {  	[sflag:s25] =	ssyncset.done $0x0  }
0x241: {  	[sflag:s25] =	ssyncadd.s32 $0xFFFFE000  }
0x242: {  	[tilespmem:s18], [sflag:$0x3] =	stream.indirect.gather [hbm4b:s5+s13], $0x80, s8, s13, $0xb8;
	[tilespmem:$0x1E000] =	vst v63  }
0x243: {  	_ =	swait.ge [sflag:s26], $0x2000  }
0x244: {  	s9 =	sld [smem:$0x7F9]  }
0x245: {  	[sflag:s26] =	ssyncset.done $0x0  }
0x246: {  	[sflag:s26] =	ssyncadd.s32 $0xFFFFE000  }
0x247: {  	[spmem:s3] =	stream.indirect.scatter.add.f32 [tilespmem:s19], [sflag:$0x8], $0x80, s9, s13, $0xb8;
	[tilespmem:$0x1E000] =	vst v63  }
0x248: {  	_ =	swait.ge [sflag:s28], $0x2000  }
0x249: {  	s6 =	sld [smem:$0x7FA]  }
0x24a: {  	[sflag:s28] =	ssyncset.done $0x0  }
0x24b: {  	[sflag:s28] =	ssyncadd.s32 $0xFFFFE000  }
0x24c: {  	[tilespmem:s19], [sflag:$0x4] =	stream.indirect.gather [hbm4b:s5+s13], $0x80, s6, s13, $0xb8;
	[tilespmem:$0x1E000] =	vst v63  }
0x24d: {  	_ =	swait.ge [sflag:s20], $0x2000  }
0x24e: {  	s7 =	sld [smem:$0x7FB]  }
0x24f: {  	[sflag:s20] =	ssyncset.done $0x0  }
0x250: {  	[sflag:s20] =	ssyncadd.s32 $0xFFFFE000  }
0x251: {  	[spmem:s3] =	stream.indirect.scatter.add.f32 [tilespmem:s14], [sflag:$0x5], $0x80, s7, s13, $0xb8;
	[tilespmem:$0x1E000] =	vst v63  }
0x252: {  	_ =	swait.ge [sflag:s22], $0x2000  }
0x253: {  	[sflag:s22] =	ssyncset.done $0x0  }
0x254: {  	[sflag:s22] =	ssyncadd.s32 $0xFFFFE000  }
0x255: {  	[spmem:s3] =	stream.indirect.scatter.add.f32 [tilespmem:s17], [sflag:$0x6], $0x80, s30, s13, $0xb8;
	[tilespmem:$0x1E000] =	vst v63  }
0x256: {  	_ =	swait.ge [sflag:s24], $0x2000  }
0x257: {  	[sflag:s24] =	ssyncset.done $0x0  }
0x258: {  	[sflag:s24] =	ssyncadd.s32 $0xFFFFE000  }
0x259: {  	[spmem:s3] =	stream.indirect.scatter.add.f32 [tilespmem:s18], [sflag:$0x7], $0x80, s31, s13, $0xb8;
	[tilespmem:$0x1E000] =	vst v63  }
0x25a: {  	_ =	swait.ge [sflag:s26], $0x2000  }
0x25b: {  	[sflag:s26] =	ssyncset.done $0x0  }
0x25c: {  	[sflag:s26] =	ssyncadd.s32 $0xFFFFE000  }
0x25d: {  	[spmem:s3] =	stream.indirect.scatter.add.f32 [tilespmem:s19], [sflag:$0x8], $0x80, s1, s13, $0xb8;
	[tilespmem:$0x1E000] =	vst v63  }
0x25e: {  	_ =	swait.ge [sflag:s21], $0x2000  }
0x25f: {  	[sflag:s21] =	ssyncset.done $0x0  }
0x260: {  	[sflag:s21] =	ssyncadd.s32 $0xFFFFE000  }
0x261: {  	_ =	swait.ge [sflag:s23], $0x2000  }
0x262: {  	[sflag:s23] =	ssyncset.done $0x0  }
0x263: {  	[sflag:s23] =	ssyncadd.s32 $0xFFFFE000  }
0x264: {  	_ =	swait.ge [sflag:s25], $0x2000  }
0x265: {  	[sflag:s25] =	ssyncset.done $0x0  }
0x266: {  	[sflag:s25] =	ssyncadd.s32 $0xFFFFE000  }
0x267: {  	_ =	swait.ge [sflag:s28], $0x2000  }
0x268: {  	[sflag:s28] =	ssyncset.done $0x0  }
0x269: {  	[sflag:s28] =	ssyncadd.s32 $0xFFFFE000  }
0x26a: {  	[bflag:$0x0] =	sbarrier.arrive $0xFFFF  }
0x26b: {  	s6 =	sld [smem:$0x7FC]  }
0x26c: {  	s8 =	sld [smem:$0x7F3]  }
0x26d: {  	s7 =	sld [smem:$0x7FD];
	_ =	sdelay $0x2  }
0x26e: {  	[hbm:s8], [sflag:s6] =	dma.local [spmem:s7], $0x2800  }
0x26f: {  	_ =	swait.ge [sflag:s10], $0x2800  }
0x270: {  	s9 =	sld [smem:$0x7F4];
	_ =	sdelay $0x1  }
0x271: {  	s0 =	sadd.s32 $0x1, s0  }
0x272: {  	p0 =	sne.s32 s0, s9  }
.Ltmp1:
0x273: {  	_ = 	snop;
	(pc) =	sbr.rel @p0 .LBB2_1-.Ltmp1, $3  }
0x274: {  	_ =	sdelay $0x1  }
0x275: {  	[sflag:s10] =	ssyncset.done $0x0  }
0x276: {  	[sflag:s10] =	ssyncadd.s32 $0xFFFFD800  }
0x277: {  	_ =	sfence.sel $0x180000  }
0x278: {  	[bflag:$0x0] =	sbarrier.arrive $0xFFFF  }
0x279: {  	_ =	strace $0x90000047  }
0x27a: {  	s0 =	stileid.u32;
	[bflag:$0x2] =	sbarrier.arrive $0xFFFF  }
0x27b: {  	p0 =	sne.s32 s0, $0x0;
	s0 =	rddreg [dreg:$0x3]  }
0x27c: {  	s0 =	sadd.s32 @!p0 $0x100000, s0  }
0x27d: {  	[sflag:s0] =	ssyncadd.tile.s32 @!p0 $0x1;
	_ =	shalt  }
.Lfunc_end2:
_tile_overlayer_lowered:
.L_overlay_start_2:
0x27e: {  	(tag) =	ssettag $0x2  }
0x27f: {  	s0 =	rddreg [dreg:$0x0];
	s2 =	stileid.u32  }
0x280: {  	s1 =	rddreg [dreg:$0x1];
	p0 =	sne.s32 s2, $0x0  }
0x281: {  	s3 =	rddreg [dreg:$0x2];
	[bflag:$0x3] =	sbarrier.arrive $0xFFFF;
	s2 =	simm.s32 @!p0 $0x1C0A  }
0x282: {  	[timem:s3], [sflag:s2] =	dma.local @!p0 [hbm:s0], s1  }
0x283: {  	s0 =	simm.s32 @!p0 $0xA  }
0x284: {  	_ =	swait.ge @!p0 [sflag:s0], s1  }
0x285: {  	s1 =	ssub.s32 @!p0 $0x0, s1;
	[sflag:s0] =	ssyncset.done @!p0 $0x0  }
0x286: {  	[sflag:s0] =	ssyncadd.s32 @!p0 s1  }
0x287: {  	[bflag:$0x3] =	sbarrier.arrive $0xFFFF  }
0x288: {  	_ =	shalt  }

// kernel: seg_sum.7.cloned.1.call-start
scs
__scs_entry_jumppad:
0x0: {  	(pc) =	sbr.rel $0x88, $3  }
0x1: {  	(tag) =	ssettag $0x0;
	lr =	simm.s32 $0x1  }
0x2: {  	[smem:$0x3F99] =	sst lr;
	_ =	strace $0xD0000000  }
0x3: {  	_ = 	snop  }
0x4: {  	_ = 	snop  }
0x5: {  	_ = 	snop  }
0x6: {  	_ = 	snop  }
0x7: {  	_ = 	snop  }
__scs_overlays_trampoline_lowered:
0x8: {  	[smem:$0x3FA8] =	sst s0  }
0x9: {  	[smem:$0x3FA9] =	sst s1  }
0xa: {  	[smem:$0x3FAA] =	sst s2  }
0xb: {  	[smem:$0x3FAB] =	sst s3  }
0xc: {  	[smem:$0x3FAC] =	sst s4  }
0xd: {  	[smem:$0x3FAD] =	sst s5  }
0xe: {  	[smem:$0x3FAE] =	sst s6  }
0xf: {  	[smem:$0x3FAF] =	sst s7  }
0x10: {  	[smem:$0x3FB0] =	sst s8  }
0x11: {  	[smem:$0x3FB1] =	sst s9;
	s0 =	simm.s32 @!p0 $0x0  }
0x12: {  	s1 =	sld [smem:$0x3F97];
	s0 =	simm.s32 @p0 $0x1  }
0x13: {  	[smem:$0x3FB2] =	sst s0;
	s0 =	simm.s32 @!p1 $0x0  }
0x14: {  	s2 =	sld [smem:$0x3F96];
	s0 =	simm.s32 @p1 $0x1  }
0x15: {  	[smem:$0x3FB3] =	sst s0;
	s0 =	simm.s32 @!p2 $0x0  }
0x16: {  	s3 =	sld [smem:$0x3FDB];
	s0 =	simm.s32 @p2 $0x1  }
0x17: {  	s4 =	simm.s32 $0x1BF5;
	[smem:$0x3FB5] =	sst s0  }
0x18: {  	s0 =	sld [smem:$0x3F98];
	_ =	swait.ge [sflag:s4], $0x0  }
0x19: {  	s7 =	sld [smem:$0x3F99]  }
0x1a: {  	s8 =	sadd.s32 $0xFFFFE003, lr  }
0x1b: {  	s9 =	sadd.s32 $0xFFFFFEF7, lr;
	s5 =	simm.s32 $0xFFFFFFFF;
	p2 =	slt.u32 s8, $0xFFFFF086  }
0x1c: {  	p1 =	slt.u32 s9, $0xF7A;
	s5 =	simm.s32 @!p2 $0x0  }
0x1d: {  	s5 =	simm.s32 @p1 $0x1;
	p0 =	seq.s32 s7, s2  }
0x1e: {  	s7 =	smul.u32 @!p0 $0xF7A, s2;
	p2 =	seq.s32 @!p0 s5, $0x0  }
0x1f: {  	s9 =	smul.u32 $0xF7A, s1;
	s8 =	simm.s32 @!p0 $0x1BF5;
	p2 =	por !p2, p0  }
0x20: {  	[sflag:s8] =	ssyncset.s32 @!p0 $0xFFFFF086;
	s6 =	sadd.s32 @!p0 s3, s7;
	s7 =	simm.s32 @!p0 $0x108  }
0x21: {  	s3 =	sadd.s32 s3, s9;
	s6 =	sadd.s32 @!p0 $0x88, s6;
	s7 =	simm.s32 @p2 $0x1082  }
0x22: {  	[simem:s7], [sflag:s8] =	dma.local @!p0 [hbm:s6], $0xF7A  }
0x23: {  	s9 =	sor.u32 $0xD0000000, s2;
	s6 =	simm.s32 $0x108;
	_ =	swait.ge @!p0 [sflag:s8], $0x0  }
0x24: {  	s3 =	sadd.s32 $0x88, s3;
	s6 =	simm.s32 @!p1 $0x1082;
	[sflag:s4] =	ssyncset.s32 $0xFFFFF086  }
0x25: {  	[simem:s6], [sflag:s4] =	dma.local [hbm:s3], $0xF7A  }
0x26: {  	[smem:$0x3F99] =	sst s1;
	(tag) =	ssettag s2;
	_ =	strace s9  }
0x27: {  	s1 =	sld [smem:$0x3FA9]  }
0x28: {  	s2 =	sld [smem:$0x3FAA]  }
0x29: {  	s4 =	sld [smem:$0x3FAC]  }
0x2a: {  	p0 =	seq.s32 s5, $0x0;
	s5 =	sld [smem:$0x3FAD]  }
0x2b: {  	s6 =	sld [smem:$0x3FAE]  }
0x2c: {  	s7 =	sld [smem:$0x3FAF]  }
0x2d: {  	s3 =	simm.s32 $0x108;
	s8 =	sld [smem:$0x3FB0]  }
0x2e: {  	s3 =	simm.s32 @!p0 $0x1082;
	s9 =	sld [smem:$0x3FB1]  }
0x2f: {  	lr =	sadd.s32 s0, s3;
	s0 =	sld [smem:$0x3FA8]  }
0x30: {  	s3 =	sld [smem:$0x3FAB]  }
0x31: {  	[smem:$0x3FB4] =	sst s10  }
0x32: {  	s10 =	sld [smem:$0x3FB2];
	_ =	sdelay $0x3  }
0x33: {  	p0 =	seq.s32 s10, $0x1;
	s10 =	sld [smem:$0x3FB4];
	_ =	sdelay $0x3  }
0x34: {  	[smem:$0x3FB4] =	sst s10  }
0x35: {  	s10 =	sld [smem:$0x3FB3];
	_ =	sdelay $0x3  }
0x36: {  	p1 =	seq.s32 s10, $0x1;
	s10 =	sld [smem:$0x3FB4];
	_ =	sdelay $0x3  }
0x37: {  	[smem:$0x3FB4] =	sst s10  }
0x38: {  	s10 =	sld [smem:$0x3FB5]  }
0x39: {  	_ = 	snop;
	(pc) =	sbr.ind lr, $3  }
0x3a: {  	_ = 	snop  }
0x3b: {  	_ = 	snop  }
0x3c: {  	p2 =	seq.s32 s10, $0x1;
	s10 =	sld [smem:$0x3FB4]  }
0x3d: {  	_ =	shalt  }
0x3e: {  	_ =	shalt  }
0x3f: {  	_ =	shalt  }
0x40: {  	_ =	shalt  }
0x41: {  	_ =	shalt  }
0x42: {  	_ =	shalt  }
0x43: {  	_ =	shalt  }
0x44: {  	_ =	shalt  }
0x45: {  	_ =	shalt  }
0x46: {  	_ =	shalt  }
0x47: {  	_ =	shalt  }
0x48: {  	_ =	shalt  }
0x49: {  	_ =	shalt  }
0x4a: {  	_ =	shalt  }
0x4b: {  	_ =	shalt  }
0x4c: {  	_ =	shalt  }
0x4d: {  	_ =	shalt  }
0x4e: {  	_ =	shalt  }
0x4f: {  	_ =	shalt  }
0x50: {  	_ =	shalt  }
0x51: {  	_ =	shalt  }
0x52: {  	_ =	shalt  }
0x53: {  	_ =	shalt  }
0x54: {  	_ =	shalt  }
0x55: {  	_ =	shalt  }
0x56: {  	_ =	shalt  }
0x57: {  	_ =	shalt  }
0x58: {  	_ =	shalt  }
0x59: {  	_ =	shalt  }
0x5a: {  	_ =	shalt  }
0x5b: {  	_ =	shalt  }
0x5c: {  	_ =	shalt  }
0x5d: {  	_ =	shalt  }
0x5e: {  	_ =	shalt  }
0x5f: {  	_ =	shalt  }
0x60: {  	_ =	shalt  }
0x61: {  	_ =	shalt  }
0x62: {  	_ =	shalt  }
0x63: {  	_ =	shalt  }
0x64: {  	_ =	shalt  }
0x65: {  	_ =	shalt  }
0x66: {  	_ =	shalt  }
0x67: {  	_ =	shalt  }
0x68: {  	_ =	shalt  }
0x69: {  	_ =	shalt  }
0x6a: {  	_ =	shalt  }
0x6b: {  	_ =	shalt  }
0x6c: {  	_ =	shalt  }
0x6d: {  	_ =	shalt  }
0x6e: {  	_ =	shalt  }
0x6f: {  	_ =	shalt  }
0x70: {  	_ =	shalt  }
0x71: {  	_ =	shalt  }
0x72: {  	_ =	shalt  }
0x73: {  	_ =	shalt  }
0x74: {  	_ =	shalt  }
0x75: {  	_ =	shalt  }
0x76: {  	_ =	shalt  }
0x77: {  	_ =	shalt  }
0x78: {  	_ =	shalt  }
0x79: {  	_ =	shalt  }
0x7a: {  	_ =	shalt  }
0x7b: {  	_ =	shalt  }
0x7c: {  	_ =	shalt  }
0x7d: {  	_ =	shalt  }
0x7e: {  	_ =	shalt  }
0x7f: {  	_ =	shalt  }
0x80: {  	_ =	shalt  }
0x81: {  	_ =	shalt  }
0x82: {  	_ =	shalt  }
0x83: {  	_ =	shalt  }
0x84: {  	_ =	shalt  }
0x85: {  	_ =	shalt  }
0x86: {  	_ =	shalt  }
0x87: {  	_ =	shalt  }
.Lfunc_end0:
.L_simem_size_0:
called_computation.1_lowered:
.L_overlay_start_0:
0x88: {  	s2 =	sld [smem:$0x3FD9]  }
0x89: {  	s3 =	sld [smem:$0x3FFE];
	_ =	sdelay $0x1  }
0x8a: {  	s1 =	srdreg.scid  }
0x8b: {  	s0 =	sand.u32 $0x1, s1  }
0x8c: {  	s17 =	sshll.u32 s0, $0xA;
	s2 =	sadd.s32 s3, s2  }
0x8d: {  	s2 =	sadd.s32 s2, s17  }
0x8e: {  	[smem:$0x3FC0] =	sst s2  }
0x8f: {  	_ = 	snop  }
0x90: {  	s2 =	sld [smem:$0x3FD0];
	(tm) =	ssettm $0x1  }
0x91: {  	s18 =	sld [smem:$0x3FFB];
	_ =	sdelay $0x3  }
0x92: {  	_ =	strace s18  }
0x93: {  	s3 =	sld [smem:$0x3FFC];
	_ =	sdelay $0x3  }
0x94: {  	_ =	strace s3  }
0x95: {  	s3 =	sld [smem:$0x3FFD];
	_ =	sdelay $0x3  }
0x96: {  	_ =	strace s3  }
0x97: {  	_ =	strace $0x8FFFFFFF  }
0x98: {  	s19 =	sld [smem:$0x3FDB];
	_ =	sdelay $0x1  }
0x99: {  	s4 =	simm.s32 $_scs_section_size  }
0x9a: {  	s5 =	simm.s32 $_size__tile_overlayer_lowered;
	s6 =	simm.s32 $_tile_overlayer_lowered  }
0x9b: {  	s22 =	simm.s32 $0x1BFF;
	s21 =	sshll.u32 s6, $0x1;
	s3 =	sadd.s32 s4, s19  }
0x9c: {  	s7 =	simm.s32 $0x0;
	s20 =	sshll.u32 s5, $0x1;
	s5 =	sadd.s32 s21, s3  }
0x9d: {  	[timem:s7], [sflag:s22] =	dma.local [hbm:s5], s20  }
0x9e: {  	_ =	swait.ge [sflag:s22], s20  }
0x9f: {  	s4 =	ssub.s32 $0x0, s20;
	[sflag:s22] =	ssyncset.done $0x0  }
0xa0: {  	[sflag:s22] =	ssyncadd.s32 s4;
	_ =	sdelay $0x1  }
0xa1: {  	s23 =	simm.s32 $0x1B8B  }
0xa2: {  	_ =	swait.ge [sflag:s23], $0x1  }
0xa3: {  	[sflag:s23] =	ssyncset.done $0x0  }
0xa4: {  	s25 =	simm.s32 $0x1B8E;
	s24 =	sld [smem:$0x3FFE];
	[sflag:s23] =	ssyncadd.s32 $0xFFFFFFFF  }
0xa5: {  	s26 =	simm.s32 $execute0_lowered;
	[smem:$0x3FD2] =	sst s25  }
0xa6: {  	s5 =	sshll.u32 s26, $0x1;
	_ =	strace $0x80000049;
	[dreg:$0x1] =	wrdreg $0xFFFFFFFF  }
0xa7: {  	s28 =	simm.s32 $_size_execute0_lowered;
	s3 =	sadd.s32 s3, s5;
	[dreg:$0x0] =	wrdreg $0x0  }
0xa8: {  	s5 =	sshll.u32 s28, $0x1;
	[dreg:$0x2] =	wrdreg s3  }
0xa9: {  	[dreg:$0x3] =	wrdreg s5  }
0xaa: {  	[dreg:$0x4] =	wrdreg $0xC0  }
0xab: {  	_ =	task [dreg:s7], $0x5FFFF  }
0xac: {  	[dreg:$0x1] =	wrdreg $0xFFFFFFFF  }
0xad: {  	[dreg:$0x0] =	wrdreg $0x60  }
0xae: {  	[dreg:$0x2] =	wrdreg s24  }
0xaf: {  	[dreg:$0x3] =	wrdreg s2  }
0xb0: {  	[dreg:$0x4] =	wrdreg $0x0  }
0xb1: {  	[dreg:$0x5] =	wrdreg $0x9  }
0xb2: {  	_ =	task.clear_ibuf [dreg:s7], $0x6FFFF;
	_ =	strace $0x90000049  }
0xb3: {  	s29 =	simm.s32 $0x9;
	_ =	strace $0x8000004B  }
0xb4: {  	_ =	swait.ge [sflag:s29], $0x1  }
0xb5: {  	[sflag:s29] =	ssyncadd.s32 $0xFFFFFFFF  }
0xb6: {  	_ =	strace $0x9000004B  }
0xb7: {  	_ =	sfence  }
0xb8: {  	s30 =	sld [smem:$0x0];
	_ =	sdelay $0x2  }
0xb9: {  	s31 =	sshll.u32 s1, $0xD;
	s1 =	sshrl.u32 s1, $0x2  }
0xba: {  	s3 =	sand.u32 $0x4000, s31;
	s1 =	sadd.s32 s1, s30  }
0xbb: {  	s0 =	sor.u32 s3, s0;
	s1 =	sshll.u32 s1, $0x11  }
0xbc: {  	s0 =	sor.u32 s1, s0  }
0xbd: {  	s0 =	sadd.s32 $0x8F2B, s0  }
0xbe: {  	[sflag:s0] =	ssyncadd.remote.s32 $0x1  }
0xbf: {  	_ =	sfence.sel $0xFFFF  }
0xc0: {  	[dreg:$0x0] =	wrdreg $0xFFFFFFFF;
	(pc) =	sbr.abs _section_cstart, $3  }
0xc1: {  	[dreg:$0x1] =	wrdreg $0xFFFFFFFF  }
0xc2: {  	_ =	task.clear_ibuf [dreg:s7], $0x2FFFF;
	_ =	strace $0x9FFFFFFF  }
0xc3: {  	(tm) =	ssettm $0x7FFFFFFF  }
tec
execute0_lowered:
.L_overlay_start_1:
0x0: {  	(tag) =	ssettag $0x1  }
0x1: {  	s0 =	srdreg.scid  }
0x2: {  	s8 =	stileid.u32;
	s0 =	sand.u32 $0x1, s0  }
0x3: {  	s1 =	rddreg [dreg:$0x0];
	s4 =	sshll.u32 s8, $0xF;
	s2 =	sshll.u32 s0, $0x13  }
0x4: {  	s3 =	rddreg [dreg:$0x2];
	s2 =	sor.u32 s4, s2;
	s4 =	simm.s32 $0x0  }
0x5: {  	s9 =	simm.s32 $0x14080;
	[smem:$0x7FF] =	sst s4  }
0x6: {  	s10 =	simm.s32 $0x14100;
	_ =	strace $0x8000004A;
	[dreg:$0x6] =	wrdreg s9  }
0x7: {  	s11 =	simm.s32 $0x14180;
	[dreg:$0x7] =	wrdreg s10  }
0x8: {  	s12 =	simm.s32 $0x14200;
	[dreg:$0x8] =	wrdreg s11  }
0x9: {  	s13 =	simm.s32 $0x14880;
	[dreg:$0x9] =	wrdreg s12  }
0xa: {  	s14 =	simm.s32 $0x14280;
	[dreg:$0xa] =	wrdreg s13  }
0xb: {  	s15 =	simm.s32 $0x14900;
	s16 =	simm.s32 $0x14300;
	[dreg:$0xb] =	wrdreg s14  }
0xc: {  	s18 =	simm.s32 $0x14980;
	s20 =	simm.s32 $0x14380;
	[dreg:$0xc] =	wrdreg s15  }
0xd: {  	s21 =	simm.s32 $0x14A00;
	s23 =	simm.s32 $0x14400;
	[dreg:$0xd] =	wrdreg s16  }
0xe: {  	s24 =	simm.s32 $0x14A80;
	s26 =	simm.s32 $0x14480;
	[dreg:$0xe] =	wrdreg s18  }
0xf: {  	s28 =	simm.s32 $0x8;
	s7 =	smul.u32 $0x14000, s8;
	[dreg:$0xf] =	wrdreg s20  }
0x10: {  	s29 =	simm.s32 $0x9;
	s19 =	smul.u32 $0x50000, s8;
	[dreg:$0x10] =	wrdreg s21  }
0x11: {  	s25 =	sshll.u32 s8, $0x6;
	s8 =	simm.s32 $0x14B00;
	[dreg:$0x11] =	wrdreg s23  }
0x12: {  	s6 =	smul.u32 $0x140000, s0;
	s0 =	ssub.s32 $0x2, s0;
	[dreg:$0x12] =	wrdreg s24  }
0x13: {  	s17 =	sshrl.u32 s0, $0x1;
	s22 =	sshrl.u32 s19, $0x2;
	[dreg:$0x13] =	wrdreg s26  }
0x14: {  	s0 =	ssub.s32 s0, s17;
	s17 =	simm.s32 $0x15280;
	[dreg:$0x14] =	wrdreg s8  }
0x15: {  	s19 =	simm.s32 $0x15300;
	s6 =	sadd.s32 s7, s6;
	[dreg:$0x1d] =	wrdreg s17  }
0x16: {  	s7 =	sadd.s32 s22, s3;
	s22 =	simm.s32 $0x15A00;
	[dreg:$0x1f] =	wrdreg s19  }
0x17: {  	s30 =	simm.s32 $0x15B80;
	s0 =	smax.u32 s0, $0x1;
	[smem:$0x7F7] =	sst s22  }
0x18: {  	s31 =	simm.s32 $0x15C00;
	s9 =	simm.s32 $0x14B80;
	[smem:$0x7F4] =	sst s0  }
0x19: {  	s2 =	sshrl.u32 s2, $0x3;
	s10 =	simm.s32 $0x15080;
	[dreg:$0x15] =	wrdreg s9  }
0x1a: {  	s2 =	sadd.s32 s2, s1;
	s11 =	simm.s32 $0x14C00;
	[dreg:$0x16] =	wrdreg s10  }
0x1b: {  	s6 =	sshrl.u32 s6, $0x3;
	s12 =	simm.s32 $0x15100;
	[dreg:$0x17] =	wrdreg s11  }
0x1c: {  	s7 =	sshrl.u32 s7, $0x3;
	s13 =	simm.s32 $0x14C80;
	[dreg:$0x18] =	wrdreg s12  }
0x1d: {  	s14 =	simm.s32 $0x15180;
	s15 =	simm.s32 $0x15200;
	[dreg:$0x19] =	wrdreg s13  }
0x1e: {  	s16 =	simm.s32 $0x15880;
	s18 =	simm.s32 $0x15900;
	[dreg:$0x1a] =	wrdreg s14  }
0x1f: {  	s17 =	simm.s32 $0x18000;
	s20 =	simm.s32 $0x15980;
	[dreg:$0x1b] =	wrdreg s15  }
0x20: {  	s19 =	simm.s32 $0x1C000;
	s21 =	simm.s32 $0x15380;
	[dreg:$0x1c] =	wrdreg s16  }
0x21: {  	s23 =	simm.s32 $0x15400;
	s22 =	simm.s32 $0x2;
	[dreg:$0x1e] =	wrdreg s18  }
0x22: {  	s24 =	simm.s32 $0x15A80;
	s26 =	simm.s32 $0x15B00;
	[smem:$0x7F5] =	sst s20  }
0x23: {  	s5 =	sadd.s32 $0x1A00, s2;
	s2 =	sadd.s32 $0x21A00, s2;
	[smem:$0x7F6] =	sst s21  }
0x24: {  	s10 =	simm.s32 $0xA;
	s11 =	simm.s32 $0x14000;
	[smem:$0x7F8] =	sst s23  }
0x25: {  	s12 =	simm.s32 $0x14800;
	s13 =	simm.s32 $0x40;
	[smem:$0x7F9] =	sst s24  }
0x26: {  	s14 =	simm.s32 $0x16000;
	s15 =	simm.s32 $0x15000;
	[smem:$0x7FB] =	sst s26  }
0x27: {  	s16 =	simm.s32 $0x15800;
	s18 =	simm.s32 $0x1A000;
	[smem:$0x7FD] =	sst s7  }
0x28: {  	s20 =	simm.s32 $0x1;
	s21 =	simm.s32 $0x5;
	[dreg:$0x4] =	wrdreg s5  }
0x29: {  	s23 =	simm.s32 $0x6;
	[dreg:$0x5] =	wrdreg s2;
	s5 =	sadd.s32 $0x41A00, s1  }
0x2a: {  	s1 =	sadd.s32 s6, s1;
	s6 =	sor.u32 $0x1C0A, s25;
	s25 =	simm.s32 $0x15480  }
0x2b: {  	s24 =	simm.s32 $0x3;
	s26 =	simm.s32 $0x4;
	[smem:$0x7FA] =	sst s25  }
0x2c: {  	s0 =	simm.s32 $0x0;
	s1 =	sadd.s32 $0xB8C00, s1;
	[smem:$0x7FC] =	sst s6  }
0x2d: {  	s25 =	simm.s32 $0x7;
	[smem:$0x7F3] =	sst s1;
	s1 =	simm.s32 $0x15C80  }
.LBB2_1:
0x2e: {  	s2 =	rddreg [dreg:$0x1]  }
0x2f: {  	[spmem:s7], [sflag:s6] =	dma.local [hbm:s2], $0x2800  }
0x30: {  	_ =	swait.ge [sflag:s10], $0x2800  }
0x31: {  	[sflag:s10] =	ssyncset.done $0x0  }
0x32: {  	[sflag:s10] =	ssyncadd.s32 $0xFFFFD800  }
0x33: {  	[bflag:$0x0] =	sbarrier.arrive $0xFFFF  }
0x34: {  	s9 =	rddreg [dreg:$0x4]  }
0x35: {  	s2 =	sadd.s32 $0x0, s9  }
0x36: {  	[tilespmem:s11], [sflag:$0xA] =	stream.linear.gather [hbm4b:s2+s4], $0x500, $0x38;
	[tilespmem:$0x1E000] =	vst v63  }
0x37: {  	_ =	swait.ge [sflag:s10], $0x500  }
0x38: {  	s6 =	rddreg [dreg:$0x5];
	[sflag:s10] =	ssyncset.done $0x0  }
0x39: {  	[sflag:s10] =	ssyncadd.s32 $0xFFFFFB00;
	s7 =	sadd.s32 $0x0, s6  }
0x3a: {  	[tilespmem:s12], [sflag:$0xA] =	stream.linear.gather [hbm4b:s7+s4], $0x500, $0x38;
	[tilespmem:$0x1E000] =	vst v63  }
0x3b: {  	_ =	swait.ge [sflag:s10], $0x500  }
0x3c: {  	[sflag:s10] =	ssyncset.done $0x0  }
0x3d: {  	[sflag:s10] =	ssyncadd.s32 $0xFFFFFB00  }
0x3e: {  	[tilespmem:s14], [sflag:$0x1] =	stream.indirect.gather [hbm4b:s5+s13], $0x80, s11, s13, $0xb8;
	[tilespmem:$0x1E000] =	vst v63  }
0x3f: {  	s2 =	sadd.s32 $0x100, s2  }
0x40: {  	[tilespmem:s15], [sflag:$0x9] =	stream.linear.gather [hbm4b:s2+s4], $0x500, $0x38;
	[tilespmem:$0x1E000] =	vst v63  }
0x41: {  	s7 =	sadd.s32 $0x100, s7  }
0x42: {  	[tilespmem:s16], [sflag:$0x9] =	stream.linear.gather [hbm4b:s7+s4], $0x500, $0x38;
	[tilespmem:$0x1E000] =	vst v63  }
0x43: {  	s8 =	rddreg [dreg:$0x6]  }
0x44: {  	[tilespmem:s17], [sflag:$0x2] =	stream.indirect.gather [hbm4b:s5+s13], $0x80, s8, s13, $0xb8;
	[tilespmem:$0x1E000] =	vst v63  }
0x45: {  	s9 =	rddreg [dreg:$0x7]  }
0x46: {  	[tilespmem:s18], [sflag:$0x3] =	stream.indirect.gather [hbm4b:s5+s13], $0x80, s9, s13, $0xb8;
	[tilespmem:$0x1E000] =	vst v63  }
0x47: {  	s6 =	rddreg [dreg:$0x8]  }
0x48: {  	[tilespmem:s19], [sflag:$0x4] =	stream.indirect.gather [hbm4b:s5+s13], $0x80, s6, s13, $0xb8;
	[tilespmem:$0x1E000] =	vst v63  }
0x49: {  	_ =	swait.ge [sflag:s20], $0x2000  }
0x4a: {  	[sflag:s20] =	ssyncset.done $0x0  }
0x4b: {  	[sflag:s20] =	ssyncadd.s32 $0xFFFFE000  }
0x4c: {  	[spmem:s3] =	stream.indirect.scatter.add.f32 [tilespmem:s14], [sflag:$0x5], $0x80, s12, s13, $0xb8;
	[tilespmem:$0x1E000] =	vst v63  }
0x4d: {  	_ =	swait.ge [sflag:s21], $0x2000  }
0x4e: {  	[sflag:s21] =	ssyncset.done $0x0  }
0x4f: {  	s8 =	rddreg [dreg:$0x9];
	[sflag:s21] =	ssyncadd.s32 $0xFFFFE000  }
0x50: {  	[tilespmem:s14], [sflag:$0x1] =	stream.indirect.gather [hbm4b:s5+s13], $0x80, s8, s13, $0xb8;
	[tilespmem:$0x1E000] =	vst v63  }
0x51: {  	_ =	swait.ge [sflag:s22], $0x2000  }
0x52: {  	[sflag:s22] =	ssyncset.done $0x0  }
0x53: {  	s9 =	rddreg [dreg:$0xa];
	[sflag:s22] =	ssyncadd.s32 $0xFFFFE000  }
0x54: {  	[spmem:s3] =	stream.indirect.scatter.add.f32 [tilespmem:s17], [sflag:$0x6], $0x80, s9, s13, $0xb8;
	[tilespmem:$0x1E000] =	vst v63  }
0x55: {  	_ =	swait.ge [sflag:s23], $0x2000  }
0x56: {  	[sflag:s23] =	ssyncset.done $0x0  }
0x57: {  	s6 =	rddreg [dreg:$0xb];
	[sflag:s23] =	ssyncadd.s32 $0xFFFFE000  }
0x58: {  	[tilespmem:s17], [sflag:$0x2] =	stream.indirect.gather [hbm4b:s5+s13], $0x80, s6, s13, $0xb8;
	[tilespmem:$0x1E000] =	vst v63  }
0x59: {  	_ =	swait.ge [sflag:s24], $0x2000  }
0x5a: {  	[sflag:s24] =	ssyncset.done $0x0  }
0x5b: {  	s7 =	rddreg [dreg:$0xc];
	[sflag:s24] =	ssyncadd.s32 $0xFFFFE000  }
0x5c: {  	[spmem:s3] =	stream.indirect.scatter.add.f32 [tilespmem:s18], [sflag:$0x7], $0x80, s7, s13, $0xb8;
	[tilespmem:$0x1E000] =	vst v63  }
0x5d: {  	_ =	swait.ge [sflag:s25], $0x2000  }
0x5e: {  	[sflag:s25] =	ssyncset.done $0x0  }
0x5f: {  	s8 =	rddreg [dreg:$0xd];
	[sflag:s25] =	ssyncadd.s32 $0xFFFFE000  }
0x60: {  	[tilespmem:s18], [sflag:$0x3] =	stream.indirect.gather [hbm4b:s5+s13], $0x80, s8, s13, $0xb8;
	[tilespmem:$0x1E000] =	vst v63  }
0x61: {  	_ =	swait.ge [sflag:s26], $0x2000  }
0x62: {  	[sflag:s26] =	ssyncset.done $0x0  }
0x63: {  	s9 =	rddreg [dreg:$0xe];
	[sflag:s26] =	ssyncadd.s32 $0xFFFFE000  }
0x64: {  	[spmem:s3] =	stream.indirect.scatter.add.f32 [tilespmem:s19], [sflag:$0x8], $0x80, s9, s13, $0xb8;
	[tilespmem:$0x1E000] =	vst v63  }
0x65: {  	_ =	swait.ge [sflag:s28], $0x2000  }
0x66: {  	[sflag:s28] =	ssyncset.done $0x0  }
0x67: {  	s6 =	rddreg [dreg:$0xf];
	[sflag:s28] =	ssyncadd.s32 $0xFFFFE000  }
0x68: {  	[tilespmem:s19], [sflag:$0x4] =	stream.indirect.gather [hbm4b:s5+s13], $0x80, s6, s13, $0xb8;
	[tilespmem:$0x1E000] =	vst v63  }
0x69: {  	_ =	swait.ge [sflag:s20], $0x2000  }
0x6a: {  	[sflag:s20] =	ssyncset.done $0x0  }
0x6b: {  	s7 =	rddreg [dreg:$0x10];
	[sflag:s20] =	ssyncadd.s32 $0xFFFFE000  }
0x6c: {  	[spmem:s3] =	stream.indirect.scatter.add.f32 [tilespmem:s14], [sflag:$0x5], $0x80, s7, s13, $0xb8;
	[tilespmem:$0x1E000] =	vst v63  }
0x6d: {  	_ =	swait.ge [sflag:s21], $0x2000  }
0x6e: {  	[sflag:s21] =	ssyncset.done $0x0  }
0x6f: {  	s8 =	rddreg [dreg:$0x11];
	[sflag:s21] =	ssyncadd.s32 $0xFFFFE000  }
0x70: {  	[tilespmem:s14], [sflag:$0x1] =	stream.indirect.gather [hbm4b:s5+s13], $0x80, s8, s13, $0xb8;
	[tilespmem:$0x1E000] =	vst v63  }
0x71: {  	_ =	swait.ge [sflag:s22], $0x2000  }
0x72: {  	[sflag:s22] =	ssyncset.done $0x0  }
0x73: {  	s9 =	rddreg [dreg:$0x12];
	[sflag:s22] =	ssyncadd.s32 $0xFFFFE000  }
0x74: {  	[spmem:s3] =	stream.indirect.scatter.add.f32 [tilespmem:s17], [sflag:$0x6], $0x80, s9, s13, $0xb8;
	[tilespmem:$0x1E000] =	vst v63  }
0x75: {  	_ =	swait.ge [sflag:s23], $0x2000  }
0x76: {  	[sflag:s23] =	ssyncset.done $0x0  }
0x77: {  	s6 =	rddreg [dreg:$0x13];
	[sflag:s23] =	ssyncadd.s32 $0xFFFFE000  }
0x78: {  	[tilespmem:s17], [sflag:$0x2] =	stream.indirect.gather [hbm4b:s5+s13], $0x80, s6, s13, $0xb8;
	[tilespmem:$0x1E000] =	vst v63  }
0x79: {  	_ =	swait.ge [sflag:s24], $0x2000  }
0x7a: {  	[sflag:s24] =	ssyncset.done $0x0  }
0x7b: {  	s7 =	rddreg [dreg:$0x14];
	[sflag:s24] =	ssyncadd.s32 $0xFFFFE000  }
0x7c: {  	[spmem:s3] =	stream.indirect.scatter.add.f32 [tilespmem:s18], [sflag:$0x7], $0x80, s7, s13, $0xb8;
	[tilespmem:$0x1E000] =	vst v63  }
0x7d: {  	_ =	swait.ge [sflag:s25], $0x2000  }
0x7e: {  	[sflag:s25] =	ssyncset.done $0x0  }
0x7f: {  	[sflag:s25] =	ssyncadd.s32 $0xFFFFE000  }
0x80: {  	_ =	swait.ge [sflag:s29], $0x500  }
0x81: {  	[sflag:s29] =	ssyncset.done $0x0  }
0x82: {  	[sflag:s29] =	ssyncadd.s32 $0xFFFFFB00  }
0x83: {  	_ =	swait.ge [sflag:s29], $0x500  }
0x84: {  	[sflag:s29] =	ssyncset.done $0x0  }
0x85: {  	[sflag:s29] =	ssyncadd.s32 $0xFFFFFB00  }
0x86: {  	[tilespmem:s18], [sflag:$0x3] =	stream.indirect.gather [hbm4b:s5+s13], $0x80, s15, s13, $0xb8;
	[tilespmem:$0x1E000] =	vst v63  }
0x87: {  	_ =	swait.ge [sflag:s26], $0x2000  }
0x88: {  	[sflag:s26] =	ssyncset.done $0x0  }
0x89: {  	s8 =	rddreg [dreg:$0x15];
	[sflag:s26] =	ssyncadd.s32 $0xFFFFE000  }
0x8a: {  	[spmem:s3] =	stream.indirect.scatter.add.f32 [tilespmem:s19], [sflag:$0x8], $0x80, s8, s13, $0xb8;
	[tilespmem:$0x1E000] =	vst v63  }
0x8b: {  	_ =	swait.ge [sflag:s28], $0x2000  }
0x8c: {  	[sflag:s28] =	ssyncset.done $0x0  }
0x8d: {  	s9 =	rddreg [dreg:$0x16];
	[sflag:s28] =	ssyncadd.s32 $0xFFFFE000  }
0x8e: {  	[tilespmem:s19], [sflag:$0x4] =	stream.indirect.gather [hbm4b:s5+s13], $0x80, s9, s13, $0xb8;
	[tilespmem:$0x1E000] =	vst v63  }
0x8f: {  	_ =	swait.ge [sflag:s20], $0x2000  }
0x90: {  	[sflag:s20] =	ssyncset.done $0x0  }
0x91: {  	s6 =	rddreg [dreg:$0x17];
	[sflag:s20] =	ssyncadd.s32 $0xFFFFE000  }
0x92: {  	[spmem:s3] =	stream.indirect.scatter.add.f32 [tilespmem:s14], [sflag:$0x5], $0x80, s6, s13, $0xb8;
	[tilespmem:$0x1E000] =	vst v63  }
0x93: {  	_ =	swait.ge [sflag:s21], $0x2000  }
0x94: {  	[sflag:s21] =	ssyncset.done $0x0  }
0x95: {  	s7 =	rddreg [dreg:$0x18];
	[sflag:s21] =	ssyncadd.s32 $0xFFFFE000  }
0x96: {  	[tilespmem:s14], [sflag:$0x1] =	stream.indirect.gather [hbm4b:s5+s13], $0x80, s7, s13, $0xb8;
	[tilespmem:$0x1E000] =	vst v63  }
0x97: {  	_ =	swait.ge [sflag:s22], $0x2000  }
0x98: {  	[sflag:s22] =	ssyncset.done $0x0  }
0x99: {  	s8 =	rddreg [dreg:$0x19];
	[sflag:s22] =	ssyncadd.s32 $0xFFFFE000  }
0x9a: {  	[spmem:s3] =	stream.indirect.scatter.add.f32 [tilespmem:s17], [sflag:$0x6], $0x80, s8, s13, $0xb8;
	[tilespmem:$0x1E000] =	vst v63  }
0x9b: {  	_ =	swait.ge [sflag:s23], $0x2000  }
0x9c: {  	[sflag:s23] =	ssyncset.done $0x0  }
0x9d: {  	s9 =	rddreg [dreg:$0x1a];
	[sflag:s23] =	ssyncadd.s32 $0xFFFFE000  }
0x9e: {  	[tilespmem:s17], [sflag:$0x2] =	stream.indirect.gather [hbm4b:s5+s13], $0x80, s9, s13, $0xb8;
	[tilespmem:$0x1E000] =	vst v63  }
0x9f: {  	_ =	swait.ge [sflag:s24], $0x2000  }
0xa0: {  	[sflag:s24] =	ssyncset.done $0x0  }
0xa1: {  	[sflag:s24] =	ssyncadd.s32 $0xFFFFE000  }
0xa2: {  	[spmem:s3] =	stream.indirect.scatter.add.f32 [tilespmem:s18], [sflag:$0x7], $0x80, s16, s13, $0xb8;
	[tilespmem:$0x1E000] =	vst v63  }
0xa3: {  	_ =	swait.ge [sflag:s25], $0x2000  }
0xa4: {  	[sflag:s25] =	ssyncset.done $0x0  }
0xa5: {  	s6 =	rddreg [dreg:$0x1b];
	[sflag:s25] =	ssyncadd.s32 $0xFFFFE000  }
0xa6: {  	[tilespmem:s18], [sflag:$0x3] =	stream.indirect.gather [hbm4b:s5+s13], $0x80, s6, s13, $0xb8;
	[tilespmem:$0x1E000] =	vst v63  }
0xa7: {  	_ =	swait.ge [sflag:s26], $0x2000  }
0xa8: {  	[sflag:s26] =	ssyncset.done $0x0  }
0xa9: {  	s7 =	rddreg [dreg:$0x1c];
	[sflag:s26] =	ssyncadd.s32 $0xFFFFE000  }
0xaa: {  	[spmem:s3] =	stream.indirect.scatter.add.f32 [tilespmem:s19], [sflag:$0x8], $0x80, s7, s13, $0xb8;
	[tilespmem:$0x1E000] =	vst v63  }
0xab: {  	_ =	swait.ge [sflag:s28], $0x2000  }
0xac: {  	[sflag:s28] =	ssyncset.done $0x0  }
0xad: {  	s8 =	rddreg [dreg:$0x1d];
	[sflag:s28] =	ssyncadd.s32 $0xFFFFE000  }
0xae: {  	[tilespmem:s19], [sflag:$0x4] =	stream.indirect.gather [hbm4b:s5+s13], $0x80, s8, s13, $0xb8;
	[tilespmem:$0x1E000] =	vst v63  }
0xaf: {  	_ =	swait.ge [sflag:s20], $0x2000  }
0xb0: {  	[sflag:s20] =	ssyncset.done $0x0  }
0xb1: {  	s9 =	rddreg [dreg:$0x1e];
	[sflag:s20] =	ssyncadd.s32 $0xFFFFE000  }
0xb2: {  	[spmem:s3] =	stream.indirect.scatter.add.f32 [tilespmem:s14], [sflag:$0x5], $0x80, s9, s13, $0xb8;
	[tilespmem:$0x1E000] =	vst v63  }
0xb3: {  	_ =	swait.ge [sflag:s21], $0x2000  }
0xb4: {  	[sflag:s21] =	ssyncset.done $0x0  }
0xb5: {  	s6 =	rddreg [dreg:$0x1f];
	[sflag:s21] =	ssyncadd.s32 $0xFFFFE000  }
0xb6: {  	[tilespmem:s14], [sflag:$0x1] =	stream.indirect.gather [hbm4b:s5+s13], $0x80, s6, s13, $0xb8;
	[tilespmem:$0x1E000] =	vst v63  }
0xb7: {  	_ =	swait.ge [sflag:s22], $0x2000  }
0xb8: {  	s7 =	sld [smem:$0x7F5]  }
0xb9: {  	[sflag:s22] =	ssyncset.done $0x0  }
0xba: {  	[sflag:s22] =	ssyncadd.s32 $0xFFFFE000  }
0xbb: {  	[spmem:s3] =	stream.indirect.scatter.add.f32 [tilespmem:s17], [sflag:$0x6], $0x80, s7, s13, $0xb8;
	[tilespmem:$0x1E000] =	vst v63  }
0xbc: {  	_ =	swait.ge [sflag:s23], $0x2000  }
0xbd: {  	s8 =	sld [smem:$0x7F6]  }
0xbe: {  	[sflag:s23] =	ssyncset.done $0x0  }
0xbf: {  	[sflag:s23] =	ssyncadd.s32 $0xFFFFE000  }
0xc0: {  	[tilespmem:s17], [sflag:$0x2] =	stream.indirect.gather [hbm4b:s5+s13], $0x80, s8, s13, $0xb8;
	[tilespmem:$0x1E000] =	vst v63  }
0xc1: {  	_ =	swait.ge [sflag:s24], $0x2000  }
0xc2: {  	s9 =	sld [smem:$0x7F7]  }
0xc3: {  	[sflag:s24] =	ssyncset.done $0x0  }
0xc4: {  	[sflag:s24] =	ssyncadd.s32 $0xFFFFE000  }
0xc5: {  	[spmem:s3] =	stream.indirect.scatter.add.f32 [tilespmem:s18], [sflag:$0x7], $0x80, s9, s13, $0xb8;
	[tilespmem:$0x1E000] =	vst v63  }
0xc6: {  	_ =	swait.ge [sflag:s25], $0x2000  }
0xc7: {  	s6 =	sld [smem:$0x7F8]  }
0xc8: {  	[sflag:s25] =	ssyncset.done $0x0  }
0xc9: {  	[sflag:s25] =	ssyncadd.s32 $0xFFFFE000  }
0xca: {  	[tilespmem:s18], [sflag:$0x3] =	stream.indirect.gather [hbm4b:s5+s13], $0x80, s6, s13, $0xb8;
	[tilespmem:$0x1E000] =	vst v63  }
0xcb: {  	_ =	swait.ge [sflag:s26], $0x2000  }
0xcc: {  	s7 =	sld [smem:$0x7F9]  }
0xcd: {  	[sflag:s26] =	ssyncset.done $0x0  }
0xce: {  	[sflag:s26] =	ssyncadd.s32 $0xFFFFE000  }
0xcf: {  	[spmem:s3] =	stream.indirect.scatter.add.f32 [tilespmem:s19], [sflag:$0x8], $0x80, s7, s13, $0xb8;
	[tilespmem:$0x1E000] =	vst v63  }
0xd0: {  	_ =	swait.ge [sflag:s28], $0x2000  }
0xd1: {  	s8 =	sld [smem:$0x7FA]  }
0xd2: {  	[sflag:s28] =	ssyncset.done $0x0  }
0xd3: {  	[sflag:s28] =	ssyncadd.s32 $0xFFFFE000  }
0xd4: {  	[tilespmem:s19], [sflag:$0x4] =	stream.indirect.gather [hbm4b:s5+s13], $0x80, s8, s13, $0xb8;
	[tilespmem:$0x1E000] =	vst v63  }
0xd5: {  	_ =	swait.ge [sflag:s20], $0x2000  }
0xd6: {  	s9 =	sld [smem:$0x7FB]  }
0xd7: {  	[sflag:s20] =	ssyncset.done $0x0  }
0xd8: {  	[sflag:s20] =	ssyncadd.s32 $0xFFFFE000  }
0xd9: {  	[spmem:s3] =	stream.indirect.scatter.add.f32 [tilespmem:s14], [sflag:$0x5], $0x80, s9, s13, $0xb8;
	[tilespmem:$0x1E000] =	vst v63  }
0xda: {  	_ =	swait.ge [sflag:s22], $0x2000  }
0xdb: {  	[sflag:s22] =	ssyncset.done $0x0  }
0xdc: {  	[sflag:s22] =	ssyncadd.s32 $0xFFFFE000  }
0xdd: {  	[spmem:s3] =	stream.indirect.scatter.add.f32 [tilespmem:s17], [sflag:$0x6], $0x80, s30, s13, $0xb8;
	[tilespmem:$0x1E000] =	vst v63  }
0xde: {  	_ =	swait.ge [sflag:s24], $0x2000  }
0xdf: {  	[sflag:s24] =	ssyncset.done $0x0  }
0xe0: {  	[sflag:s24] =	ssyncadd.s32 $0xFFFFE000  }
0xe1: {  	[spmem:s3] =	stream.indirect.scatter.add.f32 [tilespmem:s18], [sflag:$0x7], $0x80, s31, s13, $0xb8;
	[tilespmem:$0x1E000] =	vst v63  }
0xe2: {  	_ =	swait.ge [sflag:s26], $0x2000  }
0xe3: {  	[sflag:s26] =	ssyncset.done $0x0  }
0xe4: {  	[sflag:s26] =	ssyncadd.s32 $0xFFFFE000  }
0xe5: {  	[spmem:s3] =	stream.indirect.scatter.add.f32 [tilespmem:s19], [sflag:$0x8], $0x80, s1, s13, $0xb8;
	[tilespmem:$0x1E000] =	vst v63  }
0xe6: {  	_ =	swait.ge [sflag:s21], $0x2000  }
0xe7: {  	[sflag:s21] =	ssyncset.done $0x0  }
0xe8: {  	[sflag:s21] =	ssyncadd.s32 $0xFFFFE000  }
0xe9: {  	_ =	swait.ge [sflag:s23], $0x2000  }
0xea: {  	[sflag:s23] =	ssyncset.done $0x0  }
0xeb: {  	[sflag:s23] =	ssyncadd.s32 $0xFFFFE000  }
0xec: {  	_ =	swait.ge [sflag:s25], $0x2000  }
0xed: {  	[sflag:s25] =	ssyncset.done $0x0  }
0xee: {  	[sflag:s25] =	ssyncadd.s32 $0xFFFFE000  }
0xef: {  	s2 =	simm.s32 $0x200;
	_ =	swait.ge [sflag:s28], $0x2000  }
0xf0: {  	s7 =	simm.s32 $0x400;
	s8 =	rddreg [dreg:$0x4];
	[sflag:s28] =	ssyncset.done $0x0  }
.LBB2_2:
0xf1: {  	[sflag:s28] =	ssyncadd.s32 $0xFFFFE000;
	s8 =	sadd.s32 s2, s8  }
0xf2: {  	[tilespmem:s11], [sflag:$0xA] =	stream.linear.gather [hbm4b:s8+s4], $0x500, $0x38;
	[tilespmem:$0x1E000] =	vst v63  }
0xf3: {  	_ =	swait.ge [sflag:s10], $0x500  }
0xf4: {  	s9 =	rddreg [dreg:$0x5];
	[sflag:s10] =	ssyncset.done $0x0  }
0xf5: {  	[sflag:s10] =	ssyncadd.s32 $0xFFFFFB00;
	s9 =	sadd.s32 s2, s9  }
0xf6: {  	[tilespmem:s12], [sflag:$0xA] =	stream.linear.gather [hbm4b:s9+s4], $0x500, $0x38;
	[tilespmem:$0x1E000] =	vst v63  }
0xf7: {  	_ =	swait.ge [sflag:s10], $0x500  }
0xf8: {  	[sflag:s10] =	ssyncset.done $0x0  }
0xf9: {  	[sflag:s10] =	ssyncadd.s32 $0xFFFFFB00  }
0xfa: {  	[tilespmem:s14], [sflag:$0x1] =	stream.indirect.gather [hbm4b:s5+s13], $0x80, s11, s13, $0xb8;
	[tilespmem:$0x1E000] =	vst v63  }
0xfb: {  	s8 =	sadd.s32 $0x100, s8  }
0xfc: {  	[tilespmem:s15], [sflag:$0x9] =	stream.linear.gather [hbm4b:s8+s4], $0x500, $0x38;
	[tilespmem:$0x1E000] =	vst v63  }
0xfd: {  	s8 =	sadd.s32 $0x100, s9  }
0xfe: {  	[tilespmem:s16], [sflag:$0x9] =	stream.linear.gather [hbm4b:s8+s4], $0x500, $0x38;
	[tilespmem:$0x1E000] =	vst v63  }
0xff: {  	s6 =	smov.u32 s7;
	s9 =	rddreg [dreg:$0x6]  }
0x100: {  	[tilespmem:s17], [sflag:$0x2] =	stream.indirect.gather [hbm4b:s5+s13], $0x80, s9, s13, $0xb8;
	[tilespmem:$0x1E000] =	vst v63  }
0x101: {  	s2 =	smov.u32 s6;
	s6 =	rddreg [dreg:$0x7]  }
0x102: {  	[tilespmem:s18], [sflag:$0x3] =	stream.indirect.gather [hbm4b:s5+s13], $0x80, s6, s13, $0xb8;
	[tilespmem:$0x1E000] =	vst v63  }
0x103: {  	s9 =	rddreg [dreg:$0x8]  }
0x104: {  	[tilespmem:s19], [sflag:$0x4] =	stream.indirect.gather [hbm4b:s5+s13], $0x80, s9, s13, $0xb8;
	[tilespmem:$0x1E000] =	vst v63  }
0x105: {  	_ =	swait.ge [sflag:s20], $0x2000  }
0x106: {  	[sflag:s20] =	ssyncset.done $0x0  }
0x107: {  	[sflag:s20] =	ssyncadd.s32 $0xFFFFE000  }
0x108: {  	[spmem:s3] =	stream.indirect.scatter.add.f32 [tilespmem:s14], [sflag:$0x5], $0x80, s12, s13, $0xb8;
	[tilespmem:$0x1E000] =	vst v63  }
0x109: {  	_ =	swait.ge [sflag:s21], $0x2000  }
0x10a: {  	[sflag:s21] =	ssyncset.done $0x0  }
0x10b: {  	s8 =	rddreg [dreg:$0x9];
	[sflag:s21] =	ssyncadd.s32 $0xFFFFE000  }
0x10c: {  	[tilespmem:s14], [sflag:$0x1] =	stream.indirect.gather [hbm4b:s5+s13], $0x80, s8, s13, $0xb8;
	[tilespmem:$0x1E000] =	vst v63  }
0x10d: {  	_ =	swait.ge [sflag:s22], $0x2000  }
0x10e: {  	[sflag:s22] =	ssyncset.done $0x0  }
0x10f: {  	s9 =	rddreg [dreg:$0xa];
	[sflag:s22] =	ssyncadd.s32 $0xFFFFE000  }
0x110: {  	[spmem:s3] =	stream.indirect.scatter.add.f32 [tilespmem:s17], [sflag:$0x6], $0x80, s9, s13, $0xb8;
	[tilespmem:$0x1E000] =	vst v63  }
0x111: {  	_ =	swait.ge [sflag:s23], $0x2000  }
0x112: {  	[sflag:s23] =	ssyncset.done $0x0  }
0x113: {  	s8 =	rddreg [dreg:$0xb];
	[sflag:s23] =	ssyncadd.s32 $0xFFFFE000  }
0x114: {  	[tilespmem:s17], [sflag:$0x2] =	stream.indirect.gather [hbm4b:s5+s13], $0x80, s8, s13, $0xb8;
	[tilespmem:$0x1E000] =	vst v63  }
0x115: {  	_ =	swait.ge [sflag:s24], $0x2000  }
0x116: {  	[sflag:s24] =	ssyncset.done $0x0  }
0x117: {  	s9 =	rddreg [dreg:$0xc];
	[sflag:s24] =	ssyncadd.s32 $0xFFFFE000  }
0x118: {  	[spmem:s3] =	stream.indirect.scatter.add.f32 [tilespmem:s18], [sflag:$0x7], $0x80, s9, s13, $0xb8;
	[tilespmem:$0x1E000] =	vst v63  }
0x119: {  	_ =	swait.ge [sflag:s25], $0x2000  }
0x11a: {  	[sflag:s25] =	ssyncset.done $0x0  }
0x11b: {  	s8 =	rddreg [dreg:$0xd];
	[sflag:s25] =	ssyncadd.s32 $0xFFFFE000  }
0x11c: {  	[tilespmem:s18], [sflag:$0x3] =	stream.indirect.gather [hbm4b:s5+s13], $0x80, s8, s13, $0xb8;
	[tilespmem:$0x1E000] =	vst v63  }
0x11d: {  	_ =	swait.ge [sflag:s26], $0x2000  }
0x11e: {  	[sflag:s26] =	ssyncset.done $0x0  }
0x11f: {  	s9 =	rddreg [dreg:$0xe];
	[sflag:s26] =	ssyncadd.s32 $0xFFFFE000  }
0x120: {  	[spmem:s3] =	stream.indirect.scatter.add.f32 [tilespmem:s19], [sflag:$0x8], $0x80, s9, s13, $0xb8;
	[tilespmem:$0x1E000] =	vst v63  }
0x121: {  	_ =	swait.ge [sflag:s28], $0x2000  }
0x122: {  	[sflag:s28] =	ssyncset.done $0x0  }
0x123: {  	s8 =	rddreg [dreg:$0xf];
	[sflag:s28] =	ssyncadd.s32 $0xFFFFE000  }
0x124: {  	[tilespmem:s19], [sflag:$0x4] =	stream.indirect.gather [hbm4b:s5+s13], $0x80, s8, s13, $0xb8;
	[tilespmem:$0x1E000] =	vst v63  }
0x125: {  	_ =	swait.ge [sflag:s20], $0x2000  }
0x126: {  	[sflag:s20] =	ssyncset.done $0x0  }
0x127: {  	s9 =	rddreg [dreg:$0x10];
	[sflag:s20] =	ssyncadd.s32 $0xFFFFE000  }
0x128: {  	[spmem:s3] =	stream.indirect.scatter.add.f32 [tilespmem:s14], [sflag:$0x5], $0x80, s9, s13, $0xb8;
	[tilespmem:$0x1E000] =	vst v63  }
0x129: {  	_ =	swait.ge [sflag:s21], $0x2000  }
0x12a: {  	[sflag:s21] =	ssyncset.done $0x0  }
0x12b: {  	s8 =	rddreg [dreg:$0x11];
	[sflag:s21] =	ssyncadd.s32 $0xFFFFE000  }
0x12c: {  	[tilespmem:s14], [sflag:$0x1] =	stream.indirect.gather [hbm4b:s5+s13], $0x80, s8, s13, $0xb8;
	[tilespmem:$0x1E000] =	vst v63  }
0x12d: {  	_ =	swait.ge [sflag:s22], $0x2000  }
0x12e: {  	[sflag:s22] =	ssyncset.done $0x0  }
0x12f: {  	s9 =	rddreg [dreg:$0x12];
	[sflag:s22] =	ssyncadd.s32 $0xFFFFE000  }
0x130: {  	[spmem:s3] =	stream.indirect.scatter.add.f32 [tilespmem:s17], [sflag:$0x6], $0x80, s9, s13, $0xb8;
	[tilespmem:$0x1E000] =	vst v63  }
0x131: {  	_ =	swait.ge [sflag:s23], $0x2000  }
0x132: {  	[sflag:s23] =	ssyncset.done $0x0  }
0x133: {  	s8 =	rddreg [dreg:$0x13];
	[sflag:s23] =	ssyncadd.s32 $0xFFFFE000  }
0x134: {  	[tilespmem:s17], [sflag:$0x2] =	stream.indirect.gather [hbm4b:s5+s13], $0x80, s8, s13, $0xb8;
	[tilespmem:$0x1E000] =	vst v63  }
0x135: {  	_ =	swait.ge [sflag:s24], $0x2000  }
0x136: {  	[sflag:s24] =	ssyncset.done $0x0  }
0x137: {  	s9 =	rddreg [dreg:$0x14];
	[sflag:s24] =	ssyncadd.s32 $0xFFFFE000  }
0x138: {  	[spmem:s3] =	stream.indirect.scatter.add.f32 [tilespmem:s18], [sflag:$0x7], $0x80, s9, s13, $0xb8;
	[tilespmem:$0x1E000] =	vst v63  }
0x139: {  	_ =	swait.ge [sflag:s25], $0x2000  }
0x13a: {  	[sflag:s25] =	ssyncset.done $0x0  }
0x13b: {  	[sflag:s25] =	ssyncadd.s32 $0xFFFFE000  }
0x13c: {  	_ =	swait.ge [sflag:s29], $0x500  }
0x13d: {  	[sflag:s29] =	ssyncset.done $0x0  }
0x13e: {  	[sflag:s29] =	ssyncadd.s32 $0xFFFFFB00  }
0x13f: {  	_ =	swait.ge [sflag:s29], $0x500  }
0x140: {  	[sflag:s29] =	ssyncset.done $0x0  }
0x141: {  	[sflag:s29] =	ssyncadd.s32 $0xFFFFFB00  }
0x142: {  	[tilespmem:s18], [sflag:$0x3] =	stream.indirect.gather [hbm4b:s5+s13], $0x80, s15, s13, $0xb8;
	[tilespmem:$0x1E000] =	vst v63  }
0x143: {  	_ =	swait.ge [sflag:s26], $0x2000  }
0x144: {  	[sflag:s26] =	ssyncset.done $0x0  }
0x145: {  	s8 =	rddreg [dreg:$0x15];
	[sflag:s26] =	ssyncadd.s32 $0xFFFFE000  }
0x146: {  	[spmem:s3] =	stream.indirect.scatter.add.f32 [tilespmem:s19], [sflag:$0x8], $0x80, s8, s13, $0xb8;
	[tilespmem:$0x1E000] =	vst v63  }
0x147: {  	_ =	swait.ge [sflag:s28], $0x2000  }
0x148: {  	[sflag:s28] =	ssyncset.done $0x0  }
0x149: {  	s9 =	rddreg [dreg:$0x16];
	[sflag:s28] =	ssyncadd.s32 $0xFFFFE000  }
0x14a: {  	[tilespmem:s19], [sflag:$0x4] =	stream.indirect.gather [hbm4b:s5+s13], $0x80, s9, s13, $0xb8;
	[tilespmem:$0x1E000] =	vst v63  }
0x14b: {  	_ =	swait.ge [sflag:s20], $0x2000  }
0x14c: {  	[sflag:s20] =	ssyncset.done $0x0  }
0x14d: {  	s8 =	rddreg [dreg:$0x17];
	[sflag:s20] =	ssyncadd.s32 $0xFFFFE000  }
0x14e: {  	[spmem:s3] =	stream.indirect.scatter.add.f32 [tilespmem:s14], [sflag:$0x5], $0x80, s8, s13, $0xb8;
	[tilespmem:$0x1E000] =	vst v63  }
0x14f: {  	_ =	swait.ge [sflag:s21], $0x2000  }
0x150: {  	[sflag:s21] =	ssyncset.done $0x0  }
0x151: {  	s9 =	rddreg [dreg:$0x18];
	[sflag:s21] =	ssyncadd.s32 $0xFFFFE000  }
0x152: {  	[tilespmem:s14], [sflag:$0x1] =	stream.indirect.gather [hbm4b:s5+s13], $0x80, s9, s13, $0xb8;
	[tilespmem:$0x1E000] =	vst v63  }
0x153: {  	_ =	swait.ge [sflag:s22], $0x2000  }
0x154: {  	[sflag:s22] =	ssyncset.done $0x0  }
0x155: {  	s8 =	rddreg [dreg:$0x19];
	[sflag:s22] =	ssyncadd.s32 $0xFFFFE000  }
0x156: {  	[spmem:s3] =	stream.indirect.scatter.add.f32 [tilespmem:s17], [sflag:$0x6], $0x80, s8, s13, $0xb8;
	[tilespmem:$0x1E000] =	vst v63  }
0x157: {  	_ =	swait.ge [sflag:s23], $0x2000  }
0x158: {  	[sflag:s23] =	ssyncset.done $0x0  }
0x159: {  	s9 =	rddreg [dreg:$0x1a];
	[sflag:s23] =	ssyncadd.s32 $0xFFFFE000  }
0x15a: {  	[tilespmem:s17], [sflag:$0x2] =	stream.indirect.gather [hbm4b:s5+s13], $0x80, s9, s13, $0xb8;
	[tilespmem:$0x1E000] =	vst v63  }
0x15b: {  	_ =	swait.ge [sflag:s24], $0x2000  }
0x15c: {  	[sflag:s24] =	ssyncset.done $0x0  }
0x15d: {  	[sflag:s24] =	ssyncadd.s32 $0xFFFFE000  }
0x15e: {  	[spmem:s3] =	stream.indirect.scatter.add.f32 [tilespmem:s18], [sflag:$0x7], $0x80, s16, s13, $0xb8;
	[tilespmem:$0x1E000] =	vst v63  }
0x15f: {  	_ =	swait.ge [sflag:s25], $0x2000  }
0x160: {  	[sflag:s25] =	ssyncset.done $0x0  }
0x161: {  	s8 =	rddreg [dreg:$0x1b];
	[sflag:s25] =	ssyncadd.s32 $0xFFFFE000  }
0x162: {  	[tilespmem:s18], [sflag:$0x3] =	stream.indirect.gather [hbm4b:s5+s13], $0x80, s8, s13, $0xb8;
	[tilespmem:$0x1E000] =	vst v63  }
0x163: {  	_ =	swait.ge [sflag:s26], $0x2000  }
0x164: {  	[sflag:s26] =	ssyncset.done $0x0  }
0x165: {  	s9 =	rddreg [dreg:$0x1c];
	[sflag:s26] =	ssyncadd.s32 $0xFFFFE000  }
0x166: {  	[spmem:s3] =	stream.indirect.scatter.add.f32 [tilespmem:s19], [sflag:$0x8], $0x80, s9, s13, $0xb8;
	[tilespmem:$0x1E000] =	vst v63  }
0x167: {  	_ =	swait.ge [sflag:s28], $0x2000  }
0x168: {  	[sflag:s28] =	ssyncset.done $0x0  }
0x169: {  	s8 =	rddreg [dreg:$0x1d];
	[sflag:s28] =	ssyncadd.s32 $0xFFFFE000  }
0x16a: {  	[tilespmem:s19], [sflag:$0x4] =	stream.indirect.gather [hbm4b:s5+s13], $0x80, s8, s13, $0xb8;
	[tilespmem:$0x1E000] =	vst v63  }
0x16b: {  	_ =	swait.ge [sflag:s20], $0x2000  }
0x16c: {  	[sflag:s20] =	ssyncset.done $0x0  }
0x16d: {  	s9 =	rddreg [dreg:$0x1e];
	[sflag:s20] =	ssyncadd.s32 $0xFFFFE000  }
0x16e: {  	[spmem:s3] =	stream.indirect.scatter.add.f32 [tilespmem:s14], [sflag:$0x5], $0x80, s9, s13, $0xb8;
	[tilespmem:$0x1E000] =	vst v63  }
0x16f: {  	_ =	swait.ge [sflag:s21], $0x2000  }
0x170: {  	[sflag:s21] =	ssyncset.done $0x0  }
0x171: {  	s8 =	rddreg [dreg:$0x1f];
	[sflag:s21] =	ssyncadd.s32 $0xFFFFE000  }
0x172: {  	[tilespmem:s14], [sflag:$0x1] =	stream.indirect.gather [hbm4b:s5+s13], $0x80, s8, s13, $0xb8;
	[tilespmem:$0x1E000] =	vst v63  }
0x173: {  	_ =	swait.ge [sflag:s22], $0x2000  }
0x174: {  	s9 =	sld [smem:$0x7F5]  }
0x175: {  	[sflag:s22] =	ssyncset.done $0x0  }
0x176: {  	[sflag:s22] =	ssyncadd.s32 $0xFFFFE000  }
0x177: {  	[spmem:s3] =	stream.indirect.scatter.add.f32 [tilespmem:s17], [sflag:$0x6], $0x80, s9, s13, $0xb8;
	[tilespmem:$0x1E000] =	vst v63  }
0x178: {  	_ =	swait.ge [sflag:s23], $0x2000  }
0x179: {  	s8 =	sld [smem:$0x7F6]  }
0x17a: {  	[sflag:s23] =	ssyncset.done $0x0  }
0x17b: {  	[sflag:s23] =	ssyncadd.s32 $0xFFFFE000  }
0x17c: {  	[tilespmem:s17], [sflag:$0x2] =	stream.indirect.gather [hbm4b:s5+s13], $0x80, s8, s13, $0xb8;
	[tilespmem:$0x1E000] =	vst v63  }
0x17d: {  	_ =	swait.ge [sflag:s24], $0x2000  }
0x17e: {  	s9 =	sld [smem:$0x7F7]  }
0x17f: {  	[sflag:s24] =	ssyncset.done $0x0  }
0x180: {  	[sflag:s24] =	ssyncadd.s32 $0xFFFFE000  }
0x181: {  	[spmem:s3] =	stream.indirect.scatter.add.f32 [tilespmem:s18], [sflag:$0x7], $0x80, s9, s13, $0xb8;
	[tilespmem:$0x1E000] =	vst v63  }
0x182: {  	_ =	swait.ge [sflag:s25], $0x2000  }
0x183: {  	s8 =	sld [smem:$0x7F8]  }
0x184: {  	[sflag:s25] =	ssyncset.done $0x0  }
0x185: {  	[sflag:s25] =	ssyncadd.s32 $0xFFFFE000  }
0x186: {  	[tilespmem:s18], [sflag:$0x3] =	stream.indirect.gather [hbm4b:s5+s13], $0x80, s8, s13, $0xb8;
	[tilespmem:$0x1E000] =	vst v63  }
0x187: {  	_ =	swait.ge [sflag:s26], $0x2000  }
0x188: {  	s9 =	sld [smem:$0x7F9]  }
0x189: {  	[sflag:s26] =	ssyncset.done $0x0  }
0x18a: {  	[sflag:s26] =	ssyncadd.s32 $0xFFFFE000  }
0x18b: {  	[spmem:s3] =	stream.indirect.scatter.add.f32 [tilespmem:s19], [sflag:$0x8], $0x80, s9, s13, $0xb8;
	[tilespmem:$0x1E000] =	vst v63  }
0x18c: {  	_ =	swait.ge [sflag:s28], $0x2000  }
0x18d: {  	s8 =	sld [smem:$0x7FA]  }
0x18e: {  	[sflag:s28] =	ssyncset.done $0x0  }
0x18f: {  	[sflag:s28] =	ssyncadd.s32 $0xFFFFE000  }
0x190: {  	[tilespmem:s19], [sflag:$0x4] =	stream.indirect.gather [hbm4b:s5+s13], $0x80, s8, s13, $0xb8;
	[tilespmem:$0x1E000] =	vst v63  }
0x191: {  	_ =	swait.ge [sflag:s20], $0x2000  }
0x192: {  	s9 =	sld [smem:$0x7FB]  }
0x193: {  	[sflag:s20] =	ssyncset.done $0x0  }
0x194: {  	[sflag:s20] =	ssyncadd.s32 $0xFFFFE000  }
0x195: {  	[spmem:s3] =	stream.indirect.scatter.add.f32 [tilespmem:s14], [sflag:$0x5], $0x80, s9, s13, $0xb8;
	[tilespmem:$0x1E000] =	vst v63  }
0x196: {  	_ =	swait.ge [sflag:s22], $0x2000  }
0x197: {  	[sflag:s22] =	ssyncset.done $0x0  }
0x198: {  	[sflag:s22] =	ssyncadd.s32 $0xFFFFE000  }
0x199: {  	[spmem:s3] =	stream.indirect.scatter.add.f32 [tilespmem:s17], [sflag:$0x6], $0x80, s30, s13, $0xb8;
	[tilespmem:$0x1E000] =	vst v63  }
0x19a: {  	_ =	swait.ge [sflag:s24], $0x2000  }
0x19b: {  	[sflag:s24] =	ssyncset.done $0x0  }
0x19c: {  	[sflag:s24] =	ssyncadd.s32 $0xFFFFE000  }
0x19d: {  	[spmem:s3] =	stream.indirect.scatter.add.f32 [tilespmem:s18], [sflag:$0x7], $0x80, s31, s13, $0xb8;
	[tilespmem:$0x1E000] =	vst v63  }
0x19e: {  	_ =	swait.ge [sflag:s26], $0x2000  }
0x19f: {  	[sflag:s26] =	ssyncset.done $0x0  }
0x1a0: {  	[sflag:s26] =	ssyncadd.s32 $0xFFFFE000  }
0x1a1: {  	[spmem:s3] =	stream.indirect.scatter.add.f32 [tilespmem:s19], [sflag:$0x8], $0x80, s1, s13, $0xb8;
	[tilespmem:$0x1E000] =	vst v63  }
0x1a2: {  	_ =	swait.ge [sflag:s21], $0x2000  }
0x1a3: {  	[sflag:s21] =	ssyncset.done $0x0  }
0x1a4: {  	[sflag:s21] =	ssyncadd.s32 $0xFFFFE000  }
0x1a5: {  	_ =	swait.ge [sflag:s23], $0x2000  }
0x1a6: {  	[sflag:s23] =	ssyncset.done $0x0  }
0x1a7: {  	p0 =	sne.s32 s7, $0xE00;
	[sflag:s23] =	ssyncadd.s32 $0xFFFFE000  }
.Ltmp0:
0x1a8: {  	_ =	swait.ge [sflag:s25], $0x2000;
	(pc) =	sbr.rel @p0 .LBB2_2-.Ltmp0, $4  }
0x1a9: {  	[sflag:s25] =	ssyncset.done $0x0  }
0x1aa: {  	[sflag:s25] =	ssyncadd.s32 $0xFFFFE000  }
0x1ab: {  	_ =	swait.ge [sflag:s28], $0x2000  }
0x1ac: {  	s7 =	sadd.s32 $0x200, s7;
	s8 =	rddreg [dreg:$0x4];
	[sflag:s28] =	ssyncset.done $0x0  }
0x1ad: {  	[sflag:s28] =	ssyncadd.s32 $0xFFFFE000;
	s6 =	sadd.s32 s2, s8  }
0x1ae: {  	[tilespmem:s11], [sflag:$0xA] =	stream.linear.gather [hbm4b:s6+s4], $0x500, $0x38;
	[tilespmem:$0x1E000] =	vst v63  }
0x1af: {  	_ =	swait.ge [sflag:s10], $0x500  }
0x1b0: {  	s7 =	rddreg [dreg:$0x5];
	[sflag:s10] =	ssyncset.done $0x0  }
0x1b1: {  	s9 =	sadd.s32 s2, s7;
	[sflag:s10] =	ssyncadd.s32 $0xFFFFFB00  }
0x1b2: {  	[tilespmem:s12], [sflag:$0xA] =	stream.linear.gather [hbm4b:s9+s4], $0x500, $0x38;
	[tilespmem:$0x1E000] =	vst v63  }
0x1b3: {  	_ =	swait.ge [sflag:s10], $0x500  }
0x1b4: {  	[sflag:s10] =	ssyncset.done $0x0  }
0x1b5: {  	[sflag:s10] =	ssyncadd.s32 $0xFFFFFB00  }
0x1b6: {  	[tilespmem:s14], [sflag:$0x1] =	stream.indirect.gather [hbm4b:s5+s13], $0x80, s11, s13, $0xb8;
	[tilespmem:$0x1E000] =	vst v63  }
0x1b7: {  	s6 =	sadd.s32 $0x100, s6  }
0x1b8: {  	[tilespmem:s15], [sflag:$0x9] =	stream.linear.gather [hbm4b:s6+s4], $0x500, $0x38;
	[tilespmem:$0x1E000] =	vst v63  }
0x1b9: {  	s2 =	sadd.s32 $0x100, s9  }
0x1ba: {  	[tilespmem:s16], [sflag:$0x9] =	stream.linear.gather [hbm4b:s2+s4], $0x500, $0x38;
	[tilespmem:$0x1E000] =	vst v63  }
0x1bb: {  	s7 =	rddreg [dreg:$0x6]  }
0x1bc: {  	[tilespmem:s17], [sflag:$0x2] =	stream.indirect.gather [hbm4b:s5+s13], $0x80, s7, s13, $0xb8;
	[tilespmem:$0x1E000] =	vst v63  }
0x1bd: {  	s8 =	rddreg [dreg:$0x7]  }
0x1be: {  	[tilespmem:s18], [sflag:$0x3] =	stream.indirect.gather [hbm4b:s5+s13], $0x80, s8, s13, $0xb8;
	[tilespmem:$0x1E000] =	vst v63  }
0x1bf: {  	s9 =	rddreg [dreg:$0x8]  }
0x1c0: {  	[tilespmem:s19], [sflag:$0x4] =	stream.indirect.gather [hbm4b:s5+s13], $0x80, s9, s13, $0xb8;
	[tilespmem:$0x1E000] =	vst v63  }
0x1c1: {  	_ =	swait.ge [sflag:s20], $0x2000  }
0x1c2: {  	[sflag:s20] =	ssyncset.done $0x0  }
0x1c3: {  	[sflag:s20] =	ssyncadd.s32 $0xFFFFE000  }
0x1c4: {  	[spmem:s3] =	stream.indirect.scatter.add.f32 [tilespmem:s14], [sflag:$0x5], $0x80, s12, s13, $0xb8;
	[tilespmem:$0x1E000] =	vst v63  }
0x1c5: {  	_ =	swait.ge [sflag:s21], $0x2000  }
0x1c6: {  	[sflag:s21] =	ssyncset.done $0x0  }
0x1c7: {  	s6 =	rddreg [dreg:$0x9];
	[sflag:s21] =	ssyncadd.s32 $0xFFFFE000  }
0x1c8: {  	[tilespmem:s14], [sflag:$0x1] =	stream.indirect.gather [hbm4b:s5+s13], $0x80, s6, s13, $0xb8;
	[tilespmem:$0x1E000] =	vst v63  }
0x1c9: {  	_ =	swait.ge [sflag:s22], $0x2000  }
0x1ca: {  	[sflag:s22] =	ssyncset.done $0x0  }
0x1cb: {  	s7 =	rddreg [dreg:$0xa];
	[sflag:s22] =	ssyncadd.s32 $0xFFFFE000  }
0x1cc: {  	[spmem:s3] =	stream.indirect.scatter.add.f32 [tilespmem:s17], [sflag:$0x6], $0x80, s7, s13, $0xb8;
	[tilespmem:$0x1E000] =	vst v63  }
0x1cd: {  	_ =	swait.ge [sflag:s23], $0x2000  }
0x1ce: {  	[sflag:s23] =	ssyncset.done $0x0  }
0x1cf: {  	s8 =	rddreg [dreg:$0xb];
	[sflag:s23] =	ssyncadd.s32 $0xFFFFE000  }
0x1d0: {  	[tilespmem:s17], [sflag:$0x2] =	stream.indirect.gather [hbm4b:s5+s13], $0x80, s8, s13, $0xb8;
	[tilespmem:$0x1E000] =	vst v63  }
0x1d1: {  	_ =	swait.ge [sflag:s24], $0x2000  }
0x1d2: {  	[sflag:s24] =	ssyncset.done $0x0  }
0x1d3: {  	s9 =	rddreg [dreg:$0xc];
	[sflag:s24] =	ssyncadd.s32 $0xFFFFE000  }
0x1d4: {  	[spmem:s3] =	stream.indirect.scatter.add.f32 [tilespmem:s18], [sflag:$0x7], $0x80, s9, s13, $0xb8;
	[tilespmem:$0x1E000] =	vst v63  }
0x1d5: {  	_ =	swait.ge [sflag:s25], $0x2000  }
0x1d6: {  	[sflag:s25] =	ssyncset.done $0x0  }
0x1d7: {  	s6 =	rddreg [dreg:$0xd];
	[sflag:s25] =	ssyncadd.s32 $0xFFFFE000  }
0x1d8: {  	[tilespmem:s18], [sflag:$0x3] =	stream.indirect.gather [hbm4b:s5+s13], $0x80, s6, s13, $0xb8;
	[tilespmem:$0x1E000] =	vst v63  }
0x1d9: {  	_ =	swait.ge [sflag:s26], $0x2000  }
0x1da: {  	[sflag:s26] =	ssyncset.done $0x0  }
0x1db: {  	s7 =	rddreg [dreg:$0xe];
	[sflag:s26] =	ssyncadd.s32 $0xFFFFE000  }
0x1dc: {  	[spmem:s3] =	stream.indirect.scatter.add.f32 [tilespmem:s19], [sflag:$0x8], $0x80, s7, s13, $0xb8;
	[tilespmem:$0x1E000] =	vst v63  }
0x1dd: {  	_ =	swait.ge [sflag:s28], $0x2000  }
0x1de: {  	[sflag:s28] =	ssyncset.done $0x0  }
0x1df: {  	s8 =	rddreg [dreg:$0xf];
	[sflag:s28] =	ssyncadd.s32 $0xFFFFE000  }
0x1e0: {  	[tilespmem:s19], [sflag:$0x4] =	stream.indirect.gather [hbm4b:s5+s13], $0x80, s8, s13, $0xb8;
	[tilespmem:$0x1E000] =	vst v63  }
0x1e1: {  	_ =	swait.ge [sflag:s20], $0x2000  }
0x1e2: {  	[sflag:s20] =	ssyncset.done $0x0  }
0x1e3: {  	s9 =	rddreg [dreg:$0x10];
	[sflag:s20] =	ssyncadd.s32 $0xFFFFE000  }
0x1e4: {  	[spmem:s3] =	stream.indirect.scatter.add.f32 [tilespmem:s14], [sflag:$0x5], $0x80, s9, s13, $0xb8;
	[tilespmem:$0x1E000] =	vst v63  }
0x1e5: {  	_ =	swait.ge [sflag:s21], $0x2000  }
0x1e6: {  	[sflag:s21] =	ssyncset.done $0x0  }
0x1e7: {  	s6 =	rddreg [dreg:$0x11];
	[sflag:s21] =	ssyncadd.s32 $0xFFFFE000  }
0x1e8: {  	[tilespmem:s14], [sflag:$0x1] =	stream.indirect.gather [hbm4b:s5+s13], $0x80, s6, s13, $0xb8;
	[tilespmem:$0x1E000] =	vst v63  }
0x1e9: {  	_ =	swait.ge [sflag:s22], $0x2000  }
0x1ea: {  	[sflag:s22] =	ssyncset.done $0x0  }
0x1eb: {  	s7 =	rddreg [dreg:$0x12];
	[sflag:s22] =	ssyncadd.s32 $0xFFFFE000  }
0x1ec: {  	[spmem:s3] =	stream.indirect.scatter.add.f32 [tilespmem:s17], [sflag:$0x6], $0x80, s7, s13, $0xb8;
	[tilespmem:$0x1E000] =	vst v63  }
0x1ed: {  	_ =	swait.ge [sflag:s23], $0x2000  }
0x1ee: {  	[sflag:s23] =	ssyncset.done $0x0  }
0x1ef: {  	s8 =	rddreg [dreg:$0x13];
	[sflag:s23] =	ssyncadd.s32 $0xFFFFE000  }
0x1f0: {  	[tilespmem:s17], [sflag:$0x2] =	stream.indirect.gather [hbm4b:s5+s13], $0x80, s8, s13, $0xb8;
	[tilespmem:$0x1E000] =	vst v63  }
0x1f1: {  	_ =	swait.ge [sflag:s24], $0x2000  }
0x1f2: {  	[sflag:s24] =	ssyncset.done $0x0  }
0x1f3: {  	s9 =	rddreg [dreg:$0x14];
	[sflag:s24] =	ssyncadd.s32 $0xFFFFE000  }
0x1f4: {  	[spmem:s3] =	stream.indirect.scatter.add.f32 [tilespmem:s18], [sflag:$0x7], $0x80, s9, s13, $0xb8;
	[tilespmem:$0x1E000] =	vst v63  }
0x1f5: {  	_ =	swait.ge [sflag:s25], $0x2000  }
0x1f6: {  	[sflag:s25] =	ssyncset.done $0x0  }
0x1f7: {  	[sflag:s25] =	ssyncadd.s32 $0xFFFFE000  }
0x1f8: {  	_ =	swait.ge [sflag:s29], $0x500  }
0x1f9: {  	[sflag:s29] =	ssyncset.done $0x0  }
0x1fa: {  	[sflag:s29] =	ssyncadd.s32 $0xFFFFFB00  }
0x1fb: {  	_ =	swait.ge [sflag:s29], $0x500  }
0x1fc: {  	[sflag:s29] =	ssyncset.done $0x0  }
0x1fd: {  	[sflag:s29] =	ssyncadd.s32 $0xFFFFFB00  }
0x1fe: {  	[tilespmem:s18], [sflag:$0x3] =	stream.indirect.gather [hbm4b:s5+s13], $0x80, s15, s13, $0xb8;
	[tilespmem:$0x1E000] =	vst v63  }
0x1ff: {  	_ =	swait.ge [sflag:s26], $0x2000  }
0x200: {  	[sflag:s26] =	ssyncset.done $0x0  }
0x201: {  	s6 =	rddreg [dreg:$0x15];
	[sflag:s26] =	ssyncadd.s32 $0xFFFFE000  }
0x202: {  	[spmem:s3] =	stream.indirect.scatter.add.f32 [tilespmem:s19], [sflag:$0x8], $0x80, s6, s13, $0xb8;
	[tilespmem:$0x1E000] =	vst v63  }
0x203: {  	_ =	swait.ge [sflag:s28], $0x2000  }
0x204: {  	[sflag:s28] =	ssyncset.done $0x0  }
0x205: {  	s7 =	rddreg [dreg:$0x16];
	[sflag:s28] =	ssyncadd.s32 $0xFFFFE000  }
0x206: {  	[tilespmem:s19], [sflag:$0x4] =	stream.indirect.gather [hbm4b:s5+s13], $0x80, s7, s13, $0xb8;
	[tilespmem:$0x1E000] =	vst v63  }
0x207: {  	_ =	swait.ge [sflag:s20], $0x2000  }
0x208: {  	[sflag:s20] =	ssyncset.done $0x0  }
0x209: {  	s8 =	rddreg [dreg:$0x17];
	[sflag:s20] =	ssyncadd.s32 $0xFFFFE000  }
0x20a: {  	[spmem:s3] =	stream.indirect.scatter.add.f32 [tilespmem:s14], [sflag:$0x5], $0x80, s8, s13, $0xb8;
	[tilespmem:$0x1E000] =	vst v63  }
0x20b: {  	_ =	swait.ge [sflag:s21], $0x2000  }
0x20c: {  	[sflag:s21] =	ssyncset.done $0x0  }
0x20d: {  	s9 =	rddreg [dreg:$0x18];
	[sflag:s21] =	ssyncadd.s32 $0xFFFFE000  }
0x20e: {  	[tilespmem:s14], [sflag:$0x1] =	stream.indirect.gather [hbm4b:s5+s13], $0x80, s9, s13, $0xb8;
	[tilespmem:$0x1E000] =	vst v63  }
0x20f: {  	_ =	swait.ge [sflag:s22], $0x2000  }
0x210: {  	[sflag:s22] =	ssyncset.done $0x0  }
0x211: {  	s6 =	rddreg [dreg:$0x19];
	[sflag:s22] =	ssyncadd.s32 $0xFFFFE000  }
0x212: {  	[spmem:s3] =	stream.indirect.scatter.add.f32 [tilespmem:s17], [sflag:$0x6], $0x80, s6, s13, $0xb8;
	[tilespmem:$0x1E000] =	vst v63  }
0x213: {  	_ =	swait.ge [sflag:s23], $0x2000  }
0x214: {  	[sflag:s23] =	ssyncset.done $0x0  }
0x215: {  	s7 =	rddreg [dreg:$0x1a];
	[sflag:s23] =	ssyncadd.s32 $0xFFFFE000  }
0x216: {  	[tilespmem:s17], [sflag:$0x2] =	stream.indirect.gather [hbm4b:s5+s13], $0x80, s7, s13, $0xb8;
	[tilespmem:$0x1E000] =	vst v63  }
0x217: {  	_ =	swait.ge [sflag:s24], $0x2000  }
0x218: {  	[sflag:s24] =	ssyncset.done $0x0  }
0x219: {  	[sflag:s24] =	ssyncadd.s32 $0xFFFFE000  }
0x21a: {  	[spmem:s3] =	stream.indirect.scatter.add.f32 [tilespmem:s18], [sflag:$0x7], $0x80, s16, s13, $0xb8;
	[tilespmem:$0x1E000] =	vst v63  }
0x21b: {  	_ =	swait.ge [sflag:s25], $0x2000  }
0x21c: {  	[sflag:s25] =	ssyncset.done $0x0  }
0x21d: {  	s8 =	rddreg [dreg:$0x1b];
	[sflag:s25] =	ssyncadd.s32 $0xFFFFE000  }
0x21e: {  	[tilespmem:s18], [sflag:$0x3] =	stream.indirect.gather [hbm4b:s5+s13], $0x80, s8, s13, $0xb8;
	[tilespmem:$0x1E000] =	vst v63  }
0x21f: {  	_ =	swait.ge [sflag:s26], $0x2000  }
0x220: {  	[sflag:s26] =	ssyncset.done $0x0  }
0x221: {  	s9 =	rddreg [dreg:$0x1c];
	[sflag:s26] =	ssyncadd.s32 $0xFFFFE000  }
0x222: {  	[spmem:s3] =	stream.indirect.scatter.add.f32 [tilespmem:s19], [sflag:$0x8], $0x80, s9, s13, $0xb8;
	[tilespmem:$0x1E000] =	vst v63  }
0x223: {  	_ =	swait.ge [sflag:s28], $0x2000  }
0x224: {  	[sflag:s28] =	ssyncset.done $0x0  }
0x225: {  	s6 =	rddreg [dreg:$0x1d];
	[sflag:s28] =	ssyncadd.s32 $0xFFFFE000  }
0x226: {  	[tilespmem:s19], [sflag:$0x4] =	stream.indirect.gather [hbm4b:s5+s13], $0x80, s6, s13, $0xb8;
	[tilespmem:$0x1E000] =	vst v63  }
0x227: {  	_ =	swait.ge [sflag:s20], $0x2000  }
0x228: {  	[sflag:s20] =	ssyncset.done $0x0  }
0x229: {  	s7 =	rddreg [dreg:$0x1e];
	[sflag:s20] =	ssyncadd.s32 $0xFFFFE000  }
0x22a: {  	[spmem:s3] =	stream.indirect.scatter.add.f32 [tilespmem:s14], [sflag:$0x5], $0x80, s7, s13, $0xb8;
	[tilespmem:$0x1E000] =	vst v63  }
0x22b: {  	_ =	swait.ge [sflag:s21], $0x2000  }
0x22c: {  	[sflag:s21] =	ssyncset.done $0x0  }
0x22d: {  	s8 =	rddreg [dreg:$0x1f];
	[sflag:s21] =	ssyncadd.s32 $0xFFFFE000  }
0x22e: {  	[tilespmem:s14], [sflag:$0x1] =	stream.indirect.gather [hbm4b:s5+s13], $0x80, s8, s13, $0xb8;
	[tilespmem:$0x1E000] =	vst v63  }
0x22f: {  	_ =	swait.ge [sflag:s22], $0x2000  }
0x230: {  	s9 =	sld [smem:$0x7F5]  }
0x231: {  	[sflag:s22] =	ssyncset.done $0x0  }
0x232: {  	[sflag:s22] =	ssyncadd.s32 $0xFFFFE000  }
0x233: {  	[spmem:s3] =	stream.indirect.scatter.add.f32 [tilespmem:s17], [sflag:$0x6], $0x80, s9, s13, $0xb8;
	[tilespmem:$0x1E000] =	vst v63  }
0x234: {  	_ =	swait.ge [sflag:s23], $0x2000  }
0x235: {  	s6 =	sld [smem:$0x7F6]  }
0x236: {  	[sflag:s23] =	ssyncset.done $0x0  }
0x237: {  	[sflag:s23] =	ssyncadd.s32 $0xFFFFE000  }
0x238: {  	[tilespmem:s17], [sflag:$0x2] =	stream.indirect.gather [hbm4b:s5+s13], $0x80, s6, s13, $0xb8;
	[tilespmem:$0x1E000] =	vst v63  }
0x239: {  	_ =	swait.ge [sflag:s24], $0x2000  }
0x23a: {  	s7 =	sld [smem:$0x7F7]  }
0x23b: {  	[sflag:s24] =	ssyncset.done $0x0  }
0x23c: {  	[sflag:s24] =	ssyncadd.s32 $0xFFFFE000  }
0x23d: {  	[spmem:s3] =	stream.indirect.scatter.add.f32 [tilespmem:s18], [sflag:$0x7], $0x80, s7, s13, $0xb8;
	[tilespmem:$0x1E000] =	vst v63  }
0x23e: {  	_ =	swait.ge [sflag:s25], $0x2000  }
0x23f: {  	s8 =	sld [smem:$0x7F8]  }
0x240: {  	[sflag:s25] =	ssyncset.done $0x0  }
0x241: {  	[sflag:s25] =	ssyncadd.s32 $0xFFFFE000  }
0x242: {  	[tilespmem:s18], [sflag:$0x3] =	stream.indirect.gather [hbm4b:s5+s13], $0x80, s8, s13, $0xb8;
	[tilespmem:$0x1E000] =	vst v63  }
0x243: {  	_ =	swait.ge [sflag:s26], $0x2000  }
0x244: {  	s9 =	sld [smem:$0x7F9]  }
0x245: {  	[sflag:s26] =	ssyncset.done $0x0  }
0x246: {  	[sflag:s26] =	ssyncadd.s32 $0xFFFFE000  }
0x247: {  	[spmem:s3] =	stream.indirect.scatter.add.f32 [tilespmem:s19], [sflag:$0x8], $0x80, s9, s13, $0xb8;
	[tilespmem:$0x1E000] =	vst v63  }
0x248: {  	_ =	swait.ge [sflag:s28], $0x2000  }
0x249: {  	s6 =	sld [smem:$0x7FA]  }
0x24a: {  	[sflag:s28] =	ssyncset.done $0x0  }
0x24b: {  	[sflag:s28] =	ssyncadd.s32 $0xFFFFE000  }
0x24c: {  	[tilespmem:s19], [sflag:$0x4] =	stream.indirect.gather [hbm4b:s5+s13], $0x80, s6, s13, $0xb8;
	[tilespmem:$0x1E000] =	vst v63  }
0x24d: {  	_ =	swait.ge [sflag:s20], $0x2000  }
0x24e: {  	s7 =	sld [smem:$0x7FB]  }
0x24f: {  	[sflag:s20] =	ssyncset.done $0x0  }
0x250: {  	[sflag:s20] =	ssyncadd.s32 $0xFFFFE000  }
0x251: {  	[spmem:s3] =	stream.indirect.scatter.add.f32 [tilespmem:s14], [sflag:$0x5], $0x80, s7, s13, $0xb8;
	[tilespmem:$0x1E000] =	vst v63  }
0x252: {  	_ =	swait.ge [sflag:s22], $0x2000  }
0x253: {  	[sflag:s22] =	ssyncset.done $0x0  }
0x254: {  	[sflag:s22] =	ssyncadd.s32 $0xFFFFE000  }
0x255: {  	[spmem:s3] =	stream.indirect.scatter.add.f32 [tilespmem:s17], [sflag:$0x6], $0x80, s30, s13, $0xb8;
	[tilespmem:$0x1E000] =	vst v63  }
0x256: {  	_ =	swait.ge [sflag:s24], $0x2000  }
0x257: {  	[sflag:s24] =	ssyncset.done $0x0  }
0x258: {  	[sflag:s24] =	ssyncadd.s32 $0xFFFFE000  }
0x259: {  	[spmem:s3] =	stream.indirect.scatter.add.f32 [tilespmem:s18], [sflag:$0x7], $0x80, s31, s13, $0xb8;
	[tilespmem:$0x1E000] =	vst v63  }
0x25a: {  	_ =	swait.ge [sflag:s26], $0x2000  }
0x25b: {  	[sflag:s26] =	ssyncset.done $0x0  }
0x25c: {  	[sflag:s26] =	ssyncadd.s32 $0xFFFFE000  }
0x25d: {  	[spmem:s3] =	stream.indirect.scatter.add.f32 [tilespmem:s19], [sflag:$0x8], $0x80, s1, s13, $0xb8;
	[tilespmem:$0x1E000] =	vst v63  }
0x25e: {  	_ =	swait.ge [sflag:s21], $0x2000  }
0x25f: {  	[sflag:s21] =	ssyncset.done $0x0  }
0x260: {  	[sflag:s21] =	ssyncadd.s32 $0xFFFFE000  }
0x261: {  	_ =	swait.ge [sflag:s23], $0x2000  }
0x262: {  	[sflag:s23] =	ssyncset.done $0x0  }
0x263: {  	[sflag:s23] =	ssyncadd.s32 $0xFFFFE000  }
0x264: {  	_ =	swait.ge [sflag:s25], $0x2000  }
0x265: {  	[sflag:s25] =	ssyncset.done $0x0  }
0x266: {  	[sflag:s25] =	ssyncadd.s32 $0xFFFFE000  }
0x267: {  	_ =	swait.ge [sflag:s28], $0x2000  }
0x268: {  	[sflag:s28] =	ssyncset.done $0x0  }
0x269: {  	[sflag:s28] =	ssyncadd.s32 $0xFFFFE000  }
0x26a: {  	[bflag:$0x0] =	sbarrier.arrive $0xFFFF  }
0x26b: {  	s6 =	sld [smem:$0x7FC]  }
0x26c: {  	s8 =	sld [smem:$0x7F3]  }
0x26d: {  	s7 =	sld [smem:$0x7FD];
	_ =	sdelay $0x2  }
0x26e: {  	[hbm:s8], [sflag:s6] =	dma.local [spmem:s7], $0x2800  }
0x26f: {  	_ =	swait.ge [sflag:s10], $0x2800  }
0x270: {  	s9 =	sld [smem:$0x7F4];
	_ =	sdelay $0x1  }
0x271: {  	s0 =	sadd.s32 $0x1, s0  }
0x272: {  	p0 =	sne.s32 s0, s9  }
.Ltmp1:
0x273: {  	_ = 	snop;
	(pc) =	sbr.rel @p0 .LBB2_1-.Ltmp1, $3  }
0x274: {  	_ =	sdelay $0x1  }
0x275: {  	[sflag:s10] =	ssyncset.done $0x0  }
0x276: {  	[sflag:s10] =	ssyncadd.s32 $0xFFFFD800  }
0x277: {  	_ =	sfence.sel $0x180000  }
0x278: {  	[bflag:$0x0] =	sbarrier.arrive $0xFFFF  }
0x279: {  	_ =	strace $0x9000004A  }
0x27a: {  	s0 =	stileid.u32;
	[bflag:$0x2] =	sbarrier.arrive $0xFFFF  }
0x27b: {  	p0 =	sne.s32 s0, $0x0;
	s0 =	rddreg [dreg:$0x3]  }
0x27c: {  	s0 =	sadd.s32 @!p0 $0x100000, s0  }
0x27d: {  	[sflag:s0] =	ssyncadd.tile.s32 @!p0 $0x1;
	_ =	shalt  }
.Lfunc_end2:
_tile_overlayer_lowered:
.L_overlay_start_2:
0x27e: {  	(tag) =	ssettag $0x2  }
0x27f: {  	s0 =	rddreg [dreg:$0x0];
	s2 =	stileid.u32  }
0x280: {  	s1 =	rddreg [dreg:$0x1];
	p0 =	sne.s32 s2, $0x0  }
0x281: {  	s3 =	rddreg [dreg:$0x2];
	[bflag:$0x3] =	sbarrier.arrive $0xFFFF;
	s2 =	simm.s32 @!p0 $0x1C0A  }
0x282: {  	[timem:s3], [sflag:s2] =	dma.local @!p0 [hbm:s0], s1  }
0x283: {  	s0 =	simm.s32 @!p0 $0xA  }
0x284: {  	_ =	swait.ge @!p0 [sflag:s0], s1  }
0x285: {  	s1 =	ssub.s32 @!p0 $0x0, s1;
	[sflag:s0] =	ssyncset.done @!p0 $0x0  }
0x286: {  	[sflag:s0] =	ssyncadd.s32 @!p0 s1  }
0x287: {  	[bflag:$0x3] =	sbarrier.arrive $0xFFFF  }
0x288: {  	_ =	shalt  }

</sc_bundles>
